<compile_context>
chip_gen: v7x
topology: tpu7x:2x2x1
jax: 0.10.2.dev20260603
libtpu: 0.0.44.dev20260713+nightly
codegen_flags: <defaults>
</compile_context>

<pallas_src>
import functools

import jax
import jax.numpy as jnp
from jax import lax
from jax.experimental import pallas as pl
from jax.experimental.pallas import tpu as pltpu
from jax.experimental.pallas import tpu_sc as plsc

_N = 65536
_D = 128
_C = 1000
_MARGIN = 1.0

_NC = 2
_NS = 16
_NW = _NC * _NS
_ROWS_PER_W = _N // _NW
_CHUNK = 128
_NCHUNK = _ROWS_PER_W // _CHUNK
_CPAD = _NS * 64
_L = 16
_NBUF = 4


def _sc_body(out_hbm, lab_hbm, sums_hbm, cnts_hbm,
             idx_v0, idx_v1, idx_v2, idx_v3,
             i8_0, i8_1, i8_2, i8_3,
             rows_v0, rows_v1, rows_v2, rows_v3,
             cnt_v, acc_sh, load_sem, scat_sem):
    idx_b = (idx_v0, idx_v1, idx_v2, idx_v3)
    i8_b = (i8_0, i8_1, i8_2, i8_3)
    rows_b = (rows_v0, rows_v1, rows_v2, rows_v3)
    c = lax.axis_index("c")
    s = lax.axis_index("s")
    wid = c * _NS + s
    base_row = wid * _ROWS_PER_W

    zeros = jnp.zeros((_L,), jnp.float32)
    ones = jnp.ones((_L,), jnp.float32)

    for k in range(_CPAD // _L):
        cnt_v[pl.ds(k * _L, _L)] = zeros
    for r in range(64):
        for k in range(_D // _L):
            rows_v0[r, pl.ds(k * _L, _L)] = zeros
    pltpu.sync_copy(rows_v0.at[pl.ds(0, 64)], acc_sh.at[pl.ds(s * 64, 64)])
    plsc.subcore_barrier()

    loads = [None] * _NCHUNK
    scats = [None] * _NCHUNK

    def start_load(j):
        b = j % _NBUF
        r0 = base_row + j * _CHUNK
        di = pltpu.async_copy(lab_hbm.at[pl.ds(r0, _CHUNK)], idx_b[b], load_sem)
        d8 = pltpu.async_copy(lab_hbm.at[pl.ds(r0, 8)], i8_b[b], load_sem)
        dr = pltpu.async_copy(out_hbm.at[pl.ds(r0, _CHUNK)], rows_b[b], load_sem)
        loads[j] = (di, d8, dr)

    for j in range(_NBUF - 1):
        start_load(j)
    for j in range(_NCHUNK):
        b = j % _NBUF
        if j + _NBUF - 1 < _NCHUNK:
            if j >= 1:
                scats[j - 1].wait()
            start_load(j + _NBUF - 1)
        di, d8, dr = loads[j]
        di.wait()
        d8.wait()
        dr.wait()
        scats[j] = pltpu.async_copy(rows_b[b].at[pl.ds(0, 8)],
                                    acc_sh.at[i8_b[b]], scat_sem, add=True)
        for k in range(_CHUNK // _L):
            lbl = idx_b[b][pl.ds(k * _L, _L)]
            plsc.addupdate_scatter(cnt_v, [lbl], ones)
    for j in range(_NCHUNK - _NBUF, _NCHUNK):
        scats[j].wait()

    plsc.subcore_barrier()
    out_base = c * _CPAD + s * 64
    pltpu.sync_copy(acc_sh.at[pl.ds(s * 64, 64)], sums_hbm.at[pl.ds(out_base, 64)])
    pltpu.sync_copy(cnt_v, cnts_hbm.at[wid])


_sc_segsum = functools.partial(
    pl.kernel,
    out_type=(
        jax.ShapeDtypeStruct((_NC * _CPAD, _D), jnp.float32),
        jax.ShapeDtypeStruct((_NW, _CPAD), jnp.float32),
    ),
    mesh=plsc.VectorSubcoreMesh(core_axis_name="c", subcore_axis_name="s"),
    compiler_params=pltpu.CompilerParams(needs_layout_passes=False),
    scratch_types=[
        pltpu.VMEM((_CHUNK,), jnp.int32),
        pltpu.VMEM((_CHUNK,), jnp.int32),
        pltpu.VMEM((_CHUNK,), jnp.int32),
        pltpu.VMEM((_CHUNK,), jnp.int32),
        pltpu.VMEM((8,), jnp.int32),
        pltpu.VMEM((8,), jnp.int32),
        pltpu.VMEM((8,), jnp.int32),
        pltpu.VMEM((8,), jnp.int32),
        pltpu.VMEM((_CHUNK, _D), jnp.float32),
        pltpu.VMEM((_CHUNK, _D), jnp.float32),
        pltpu.VMEM((_CHUNK, _D), jnp.float32),
        pltpu.VMEM((_CHUNK, _D), jnp.float32),
        pltpu.VMEM((_CPAD,), jnp.float32),
        pltpu.VMEM_SHARED((_CPAD, _D), jnp.float32),
        pltpu.SemaphoreType.DMA,
        pltpu.SemaphoreType.DMA,
    ],
)(_sc_body)


def _tc_body(sums_ref, cnts_ref, out_ref):
    sums = sums_ref[...]
    seg = sums[:_CPAD] + sums[_CPAD:]
    cnt = jnp.sum(cnts_ref[...], axis=0)[:, None]
    total = jnp.sum(seg, axis=0, keepdims=True)
    n = jnp.float32(_N)
    csafe = jnp.where(cnt > 0, cnt, 1.0)
    diff = seg / csafe - (total - seg) / (n - csafe) + 1e-6
    dist = jnp.sqrt(jnp.sum(diff * diff, axis=1, keepdims=True))
    term = jnp.square(jnp.maximum(_MARGIN - dist, 0.0))
    loss = jnp.sum(jnp.where(cnt > 0, cnt * term, 0.0)) / n
    out_ref[...] = jnp.reshape(loss, (1, 1))


def kernel(output, label_id):
    sums, cnts = _sc_segsum(output, label_id)
    loss = pl.pallas_call(
        _tc_body,
        out_shape=jax.ShapeDtypeStruct((1, 1), jnp.float32),
    )(sums, cnts)
    return loss.reshape(())

# --- scband reference (transcript-rebuilt; emitter-appended) ---
"""Pipeline reference for scband-scatter-loss-69217692942358 (READ-ONLY COPY).

The authoritative reference and input builder live on the scoring server;
editing this copy changes nothing except your own understanding.
"""

import jax, jax.numpy as jnp
import numpy as np

N = 65536
D = 128
NUM_CLASSES = 1000
MARGIN = 1.0


def setup_inputs(seed: int = 0) -> dict:
    key = jax.random.key(seed)
    k1, k2 = jax.random.split(key)
    output = jax.random.normal(k1, (N, D), dtype=jnp.float32)
    label_id = jnp.sort(jax.random.randint(k2, (N,), 0, NUM_CLASSES, dtype=jnp.int32))
    return {"output": output, "label_id": label_id}


def reference(output, label_id):
    # Faithful translation of ScatterLoss.forward.
    # NOTE: in the original torch code, pre_class is initialized to -1 and never
    # updated inside the loop, so the branch `current_class != pre_class` is True
    # for every i (labels are >= 0). Hence for EVERY sample i we append:
    #   output2[i]     = mean of rows with label == label[i]  (positive-class mean)
    #   output2_neg[i] = mean of rows with label != label[i]  (negative mean)
    n = output.shape[0]
    seg_sum = jax.ops.segment_sum(output, label_id, num_segments=NUM_CLASSES)
    counts = jnp.bincount(label_id, length=NUM_CLASSES).astype(output.dtype)
    total = jnp.sum(output, axis=0)
    cnt_i = counts[label_id]  # [N], count of samples sharing label[i] (>=1)
    sum_i = seg_sum[label_id]  # [N, D]
    mean_same = sum_i / cnt_i[:, None]
    mean_other = (total[None, :] - sum_i) / (n - cnt_i)[:, None]
    # torch F.pairwise_distance(x1, x2, p=2, eps=1e-6) = ||x1 - x2 + eps||_2
    diff = mean_same - mean_other + 1e-6
    dist = jnp.sqrt(jnp.sum(diff * diff, axis=1, keepdims=True))  # [N, 1]
    loss = jnp.mean(jnp.square(jnp.maximum(MARGIN - dist, 0.0)))
    return loss

if __name__ == "__main__":
    import jax
    _d = setup_inputs()
    print(jax.jit(kernel)(*tuple(_d.values())))

</pallas_src>

<mosaic_0001>
#map = affine_map<(d0, d1) -> (0, 0)>
#map1 = affine_map<(d0, d1) -> (0)>
module attributes {stable_mosaic.version = 14 : i64} {
  func.func @_sc_body(%arg0: i32, %arg1: i32, %arg2: memref<65536x128xf32, #tpu.memory_space<hbm>>, %arg3: memref<65536xi32, #tpu.memory_space<hbm>>, %arg4: memref<2048x128xf32, #tpu.memory_space<hbm>>, %arg5: memref<32x1024xf32, #tpu.memory_space<hbm>>, %arg6: memref<128xi32, #tpu.memory_space<vmem>>, %arg7: memref<128xi32, #tpu.memory_space<vmem>>, %arg8: memref<128xi32, #tpu.memory_space<vmem>>, %arg9: memref<128xi32, #tpu.memory_space<vmem>>, %arg10: memref<8xi32, #tpu.memory_space<vmem>>, %arg11: memref<8xi32, #tpu.memory_space<vmem>>, %arg12: memref<8xi32, #tpu.memory_space<vmem>>, %arg13: memref<8xi32, #tpu.memory_space<vmem>>, %arg14: memref<128x128xf32, #tpu.memory_space<vmem>>, %arg15: memref<128x128xf32, #tpu.memory_space<vmem>>, %arg16: memref<128x128xf32, #tpu.memory_space<vmem>>, %arg17: memref<128x128xf32, #tpu.memory_space<vmem>>, %arg18: memref<1024xf32, #tpu.memory_space<vmem>>, %arg19: memref<1024x128xf32, #tpu.memory_space<vmem_shared>>, %arg20: memref<!tpu.dma_semaphore, #tpu.memory_space<semaphore_mem>>, %arg21: memref<!tpu.dma_semaphore, #tpu.memory_space<semaphore_mem>>) attributes {dimension_semantics = [#tpu.dimension_semantics<core_parallel>, #tpu.dimension_semantics<subcore_parallel>], iteration_bounds = array<i64: 2, 16>, scalar_prefetch = 0 : i64, scratch_operands = 16 : i64, tpu.core_type = #tpu.core_type<sc_vector_subcore>, window_params = [{transform_indices = #map}, {transform_indices = #map1}, {transform_indices = #map}, {transform_indices = #map}]} {
    %mul3A = arith.constant 16 : i32
    %mul3A_0 = arith.muli %arg0, %mul3A : i32
    %add3A = arith.addi %mul3A_0, %arg1 : i32
    %mul3A_1 = arith.constant 2048 : i32
    %mul3A_2 = arith.muli %add3A, %mul3A_1 : i32
    %broadcast_in_dim3A = arith.constant 0.000000e+00 : f32
    %broadcast_in_dim3A_3 = vector.broadcast %broadcast_in_dim3A : f32 to vector<16xf32>
    %broadcast_in_dim3A_4 = arith.constant 1.000000e+00 : f32
    %broadcast_in_dim3A_5 = vector.broadcast %broadcast_in_dim3A_4 : f32 to vector<16xf32>
    %swap3A = arith.constant 0 : index
    %swap3A_6 = tpu.vector_load %arg18[%swap3A] {strides = array<i32>} : memref<1024xf32, #tpu.memory_space<vmem>>, vector<16xf32>,
    tpu.vector_store %arg18[%swap3A], %broadcast_in_dim3A_3 {strides = array<i32>} : memref<1024xf32, #tpu.memory_space<vmem>>, vector<16xf32>,
    %swap3A_7 = arith.constant 16 : index
    %swap3A_8 = tpu.vector_load %arg18[%swap3A_7] {strides = array<i32>} : memref<1024xf32, #tpu.memory_space<vmem>>, vector<16xf32>,
    tpu.vector_store %arg18[%swap3A_7], %broadcast_in_dim3A_3 {strides = array<i32>} : memref<1024xf32, #tpu.memory_space<vmem>>, vector<16xf32>,
    %swap3A_9 = arith.constant 32 : index
    %swap3A_10 = tpu.vector_load %arg18[%swap3A_9] {strides = array<i32>} : memref<1024xf32, #tpu.memory_space<vmem>>, vector<16xf32>,
    tpu.vector_store %arg18[%swap3A_9], %broadcast_in_dim3A_3 {strides = array<i32>} : memref<1024xf32, #tpu.memory_space<vmem>>, vector<16xf32>,
    %swap3A_11 = arith.constant 48 : index
    %swap3A_12 = tpu.vector_load %arg18[%swap3A_11] {strides = array<i32>} : memref<1024xf32, #tpu.memory_space<vmem>>, vector<16xf32>,
    tpu.vector_store %arg18[%swap3A_11], %broadcast_in_dim3A_3 {strides = array<i32>} : memref<1024xf32, #tpu.memory_space<vmem>>, vector<16xf32>,
    %swap3A_13 = arith.constant 64 : index
    %swap3A_14 = tpu.vector_load %arg18[%swap3A_13] {strides = array<i32>} : memref<1024xf32, #tpu.memory_space<vmem>>, vector<16xf32>,
    tpu.vector_store %arg18[%swap3A_13], %broadcast_in_dim3A_3 {strides = array<i32>} : memref<1024xf32, #tpu.memory_space<vmem>>, vector<16xf32>,
    %swap3A_15 = arith.constant 80 : index
    %swap3A_16 = tpu.vector_load %arg18[%swap3A_15] {strides = array<i32>} : memref<1024xf32, #tpu.memory_space<vmem>>, vector<16xf32>,
    tpu.vector_store %arg18[%swap3A_15], %broadcast_in_dim3A_3 {strides = array<i32>} : memref<1024xf32, #tpu.memory_space<vmem>>, vector<16xf32>,
    %swap3A_17 = arith.constant 96 : index
    %swap3A_18 = tpu.vector_load %arg18[%swap3A_17] {strides = array<i32>} : memref<1024xf32, #tpu.memory_space<vmem>>, vector<16xf32>,
    tpu.vector_store %arg18[%swap3A_17], %broadcast_in_dim3A_3 {strides = array<i32>} : memref<1024xf32, #tpu.memory_space<vmem>>, vector<16xf32>,
    %swap3A_19 = arith.constant 112 : index
    %swap3A_20 = tpu.vector_load %arg18[%swap3A_19] {strides = array<i32>} : memref<1024xf32, #tpu.memory_space<vmem>>, vector<16xf32>,
    tpu.vector_store %arg18[%swap3A_19], %broadcast_in_dim3A_3 {strides = array<i32>} : memref<1024xf32, #tpu.memory_space<vmem>>, vector<16xf32>,
    %swap3A_21 = arith.constant 128 : index
    %swap3A_22 = tpu.vector_load %arg18[%swap3A_21] {strides = array<i32>} : memref<1024xf32, #tpu.memory_space<vmem>>, vector<16xf32>,
    tpu.vector_store %arg18[%swap3A_21], %broadcast_in_dim3A_3 {strides = array<i32>} : memref<1024xf32, #tpu.memory_space<vmem>>, vector<16xf32>,
    %swap3A_23 = arith.constant 144 : index
    %swap3A_24 = tpu.vector_load %arg18[%swap3A_23] {strides = array<i32>} : memref<1024xf32, #tpu.memory_space<vmem>>, vector<16xf32>,
    tpu.vector_store %arg18[%swap3A_23], %broadcast_in_dim3A_3 {strides = array<i32>} : memref<1024xf32, #tpu.memory_space<vmem>>, vector<16xf32>,
    %swap3A_25 = arith.constant 160 : index
    %swap3A_26 = tpu.vector_load %arg18[%swap3A_25] {strides = array<i32>} : memref<1024xf32, #tpu.memory_space<vmem>>, vector<16xf32>,
    tpu.vector_store %arg18[%swap3A_25], %broadcast_in_dim3A_3 {strides = array<i32>} : memref<1024xf32, #tpu.memory_space<vmem>>, vector<16xf32>,
    %swap3A_27 = arith.constant 176 : index
    %swap3A_28 = tpu.vector_load %arg18[%swap3A_27] {strides = array<i32>} : memref<1024xf32, #tpu.memory_space<vmem>>, vector<16xf32>,
    tpu.vector_store %arg18[%swap3A_27], %broadcast_in_dim3A_3 {strides = array<i32>} : memref<1024xf32, #tpu.memory_space<vmem>>, vector<16xf32>,
    %swap3A_29 = arith.constant 192 : index
    %swap3A_30 = tpu.vector_load %arg18[%swap3A_29] {strides = array<i32>} : memref<1024xf32, #tpu.memory_space<vmem>>, vector<16xf32>,
    tpu.vector_store %arg18[%swap3A_29], %broadcast_in_dim3A_3 {strides = array<i32>} : memref<1024xf32, #tpu.memory_space<vmem>>, vector<16xf32>,
    %swap3A_31 = arith.constant 208 : index
    %swap3A_32 = tpu.vector_load %arg18[%swap3A_31] {strides = array<i32>} : memref<1024xf32, #tpu.memory_space<vmem>>, vector<16xf32>,
    tpu.vector_store %arg18[%swap3A_31], %broadcast_in_dim3A_3 {strides = array<i32>} : memref<1024xf32, #tpu.memory_space<vmem>>, vector<16xf32>,
    %swap3A_33 = arith.constant 224 : index
    %swap3A_34 = tpu.vector_load %arg18[%swap3A_33] {strides = array<i32>} : memref<1024xf32, #tpu.memory_space<vmem>>, vector<16xf32>,
    tpu.vector_store %arg18[%swap3A_33], %broadcast_in_dim3A_3 {strides = array<i32>} : memref<1024xf32, #tpu.memory_space<vmem>>, vector<16xf32>,
    %swap3A_35 = arith.constant 240 : index
    %swap3A_36 = tpu.vector_load %arg18[%swap3A_35] {strides = array<i32>} : memref<1024xf32, #tpu.memory_space<vmem>>, vector<16xf32>,
    tpu.vector_store %arg18[%swap3A_35], %broadcast_in_dim3A_3 {strides = array<i32>} : memref<1024xf32, #tpu.memory_space<vmem>>, vector<16xf32>,
    %swap3A_37 = arith.constant 256 : index
    %swap3A_38 = tpu.vector_load %arg18[%swap3A_37] {strides = array<i32>} : memref<1024xf32, #tpu.memory_space<vmem>>, vector<16xf32>,
    tpu.vector_store %arg18[%swap3A_37], %broadcast_in_dim3A_3 {strides = array<i32>} : memref<1024xf32, #tpu.memory_space<vmem>>, vector<16xf32>,
    %swap3A_39 = arith.constant 272 : index
    %swap3A_40 = tpu.vector_load %arg18[%swap3A_39] {strides = array<i32>} : memref<1024xf32, #tpu.memory_space<vmem>>, vector<16xf32>,
    tpu.vector_store %arg18[%swap3A_39], %broadcast_in_dim3A_3 {strides = array<i32>} : memref<1024xf32, #tpu.memory_space<vmem>>, vector<16xf32>,
    %swap3A_41 = arith.constant 288 : index
    %swap3A_42 = tpu.vector_load %arg18[%swap3A_41] {strides = array<i32>} : memref<1024xf32, #tpu.memory_space<vmem>>, vector<16xf32>,
    tpu.vector_store %arg18[%swap3A_41], %broadcast_in_dim3A_3 {strides = array<i32>} : memref<1024xf32, #tpu.memory_space<vmem>>, vector<16xf32>,
    %swap3A_43 = arith.constant 304 : index
    %swap3A_44 = tpu.vector_load %arg18[%swap3A_43] {strides = array<i32>} : memref<1024xf32, #tpu.memory_space<vmem>>, vector<16xf32>,
    tpu.vector_store %arg18[%swap3A_43], %broadcast_in_dim3A_3 {strides = array<i32>} : memref<1024xf32, #tpu.memory_space<vmem>>, vector<16xf32>,
    %swap3A_45 = arith.constant 320 : index
    %swap3A_46 = tpu.vector_load %arg18[%swap3A_45] {strides = array<i32>} : memref<1024xf32, #tpu.memory_space<vmem>>, vector<16xf32>,
    tpu.vector_store %arg18[%swap3A_45], %broadcast_in_dim3A_3 {strides = array<i32>} : memref<1024xf32, #tpu.memory_space<vmem>>, vector<16xf32>,
    %swap3A_47 = arith.constant 336 : index
    %swap3A_48 = tpu.vector_load %arg18[%swap3A_47] {strides = array<i32>} : memref<1024xf32, #tpu.memory_space<vmem>>, vector<16xf32>,
    tpu.vector_store %arg18[%swap3A_47], %broadcast_in_dim3A_3 {strides = array<i32>} : memref<1024xf32, #tpu.memory_space<vmem>>, vector<16xf32>,
    %swap3A_49 = arith.constant 352 : index
    %swap3A_50 = tpu.vector_load %arg18[%swap3A_49] {strides = array<i32>} : memref<1024xf32, #tpu.memory_space<vmem>>, vector<16xf32>,
    tpu.vector_store %arg18[%swap3A_49], %broadcast_in_dim3A_3 {strides = array<i32>} : memref<1024xf32, #tpu.memory_space<vmem>>, vector<16xf32>,
    %swap3A_51 = arith.constant 368 : index
    %swap3A_52 = tpu.vector_load %arg18[%swap3A_51] {strides = array<i32>} : memref<1024xf32, #tpu.memory_space<vmem>>, vector<16xf32>,
    tpu.vector_store %arg18[%swap3A_51], %broadcast_in_dim3A_3 {strides = array<i32>} : memref<1024xf32, #tpu.memory_space<vmem>>, vector<16xf32>,
    %swap3A_53 = arith.constant 384 : index
    %swap3A_54 = tpu.vector_load %arg18[%swap3A_53] {strides = array<i32>} : memref<1024xf32, #tpu.memory_space<vmem>>, vector<16xf32>,
    tpu.vector_store %arg18[%swap3A_53], %broadcast_in_dim3A_3 {strides = array<i32>} : memref<1024xf32, #tpu.memory_space<vmem>>, vector<16xf32>,
    %swap3A_55 = arith.constant 400 : index
    %swap3A_56 = tpu.vector_load %arg18[%swap3A_55] {strides = array<i32>} : memref<1024xf32, #tpu.memory_space<vmem>>, vector<16xf32>,
    tpu.vector_store %arg18[%swap3A_55], %broadcast_in_dim3A_3 {strides = array<i32>} : memref<1024xf32, #tpu.memory_space<vmem>>, vector<16xf32>,
    %swap3A_57 = arith.constant 416 : index
    %swap3A_58 = tpu.vector_load %arg18[%swap3A_57] {strides = array<i32>} : memref<1024xf32, #tpu.memory_space<vmem>>, vector<16xf32>,
    tpu.vector_store %arg18[%swap3A_57], %broadcast_in_dim3A_3 {strides = array<i32>} : memref<1024xf32, #tpu.memory_space<vmem>>, vector<16xf32>,
    %swap3A_59 = arith.constant 432 : index
    %swap3A_60 = tpu.vector_load %arg18[%swap3A_59] {strides = array<i32>} : memref<1024xf32, #tpu.memory_space<vmem>>, vector<16xf32>,
    tpu.vector_store %arg18[%swap3A_59], %broadcast_in_dim3A_3 {strides = array<i32>} : memref<1024xf32, #tpu.memory_space<vmem>>, vector<16xf32>,
    %swap3A_61 = arith.constant 448 : index
    %swap3A_62 = tpu.vector_load %arg18[%swap3A_61] {strides = array<i32>} : memref<1024xf32, #tpu.memory_space<vmem>>, vector<16xf32>,
    tpu.vector_store %arg18[%swap3A_61], %broadcast_in_dim3A_3 {strides = array<i32>} : memref<1024xf32, #tpu.memory_space<vmem>>, vector<16xf32>,
    %swap3A_63 = arith.constant 464 : index
    %swap3A_64 = tpu.vector_load %arg18[%swap3A_63] {strides = array<i32>} : memref<1024xf32, #tpu.memory_space<vmem>>, vector<16xf32>,
    tpu.vector_store %arg18[%swap3A_63], %broadcast_in_dim3A_3 {strides = array<i32>} : memref<1024xf32, #tpu.memory_space<vmem>>, vector<16xf32>,
    %swap3A_65 = arith.constant 480 : index
    %swap3A_66 = tpu.vector_load %arg18[%swap3A_65] {strides = array<i32>} : memref<1024xf32, #tpu.memory_space<vmem>>, vector<16xf32>,
    tpu.vector_store %arg18[%swap3A_65], %broadcast_in_dim3A_3 {strides = array<i32>} : memref<1024xf32, #tpu.memory_space<vmem>>, vector<16xf32>,
    %swap3A_67 = arith.constant 496 : index
    %swap3A_68 = tpu.vector_load %arg18[%swap3A_67] {strides = array<i32>} : memref<1024xf32, #tpu.memory_space<vmem>>, vector<16xf32>,
    tpu.vector_store %arg18[%swap3A_67], %broadcast_in_dim3A_3 {strides = array<i32>} : memref<1024xf32, #tpu.memory_space<vmem>>, vector<16xf32>,
    %swap3A_69 = arith.constant 512 : index
    %swap3A_70 = tpu.vector_load %arg18[%swap3A_69] {strides = array<i32>} : memref<1024xf32, #tpu.memory_space<vmem>>, vector<16xf32>,
    tpu.vector_store %arg18[%swap3A_69], %broadcast_in_dim3A_3 {strides = array<i32>} : memref<1024xf32, #tpu.memory_space<vmem>>, vector<16xf32>,
    %swap3A_71 = arith.constant 528 : index
    %swap3A_72 = tpu.vector_load %arg18[%swap3A_71] {strides = array<i32>} : memref<1024xf32, #tpu.memory_space<vmem>>, vector<16xf32>,
    tpu.vector_store %arg18[%swap3A_71], %broadcast_in_dim3A_3 {strides = array<i32>} : memref<1024xf32, #tpu.memory_space<vmem>>, vector<16xf32>,
    %swap3A_73 = arith.constant 544 : index
    %swap3A_74 = tpu.vector_load %arg18[%swap3A_73] {strides = array<i32>} : memref<1024xf32, #tpu.memory_space<vmem>>, vector<16xf32>,
    tpu.vector_store %arg18[%swap3A_73], %broadcast_in_dim3A_3 {strides = array<i32>} : memref<1024xf32, #tpu.memory_space<vmem>>, vector<16xf32>,
    %swap3A_75 = arith.constant 560 : index
    %swap3A_76 = tpu.vector_load %arg18[%swap3A_75] {strides = array<i32>} : memref<1024xf32, #tpu.memory_space<vmem>>, vector<16xf32>,
    tpu.vector_store %arg18[%swap3A_75], %broadcast_in_dim3A_3 {strides = array<i32>} : memref<1024xf32, #tpu.memory_space<vmem>>, vector<16xf32>,
    %swap3A_77 = arith.constant 576 : index
    %swap3A_78 = tpu.vector_load %arg18[%swap3A_77] {strides = array<i32>} : memref<1024xf32, #tpu.memory_space<vmem>>, vector<16xf32>,
    tpu.vector_store %arg18[%swap3A_77], %broadcast_in_dim3A_3 {strides = array<i32>} : memref<1024xf32, #tpu.memory_space<vmem>>, vector<16xf32>,
    %swap3A_79 = arith.constant 592 : index
    %swap3A_80 = tpu.vector_load %arg18[%swap3A_79] {strides = array<i32>} : memref<1024xf32, #tpu.memory_space<vmem>>, vector<16xf32>,
    tpu.vector_store %arg18[%swap3A_79], %broadcast_in_dim3A_3 {strides = array<i32>} : memref<1024xf32, #tpu.memory_space<vmem>>, vector<16xf32>,
    %swap3A_81 = arith.constant 608 : index
    %swap3A_82 = tpu.vector_load %arg18[%swap3A_81] {strides = array<i32>} : memref<1024xf32, #tpu.memory_space<vmem>>, vector<16xf32>,
    tpu.vector_store %arg18[%swap3A_81], %broadcast_in_dim3A_3 {strides = array<i32>} : memref<1024xf32, #tpu.memory_space<vmem>>, vector<16xf32>,
    %swap3A_83 = arith.constant 624 : index
    %swap3A_84 = tpu.vector_load %arg18[%swap3A_83] {strides = array<i32>} : memref<1024xf32, #tpu.memory_space<vmem>>, vector<16xf32>,
    tpu.vector_store %arg18[%swap3A_83], %broadcast_in_dim3A_3 {strides = array<i32>} : memref<1024xf32, #tpu.memory_space<vmem>>, vector<16xf32>,
    %swap3A_85 = arith.constant 640 : index
    %swap3A_86 = tpu.vector_load %arg18[%swap3A_85] {strides = array<i32>} : memref<1024xf32, #tpu.memory_space<vmem>>, vector<16xf32>,
    tpu.vector_store %arg18[%swap3A_85], %broadcast_in_dim3A_3 {strides = array<i32>} : memref<1024xf32, #tpu.memory_space<vmem>>, vector<16xf32>,
    %swap3A_87 = arith.constant 656 : index
    %swap3A_88 = tpu.vector_load %arg18[%swap3A_87] {strides = array<i32>} : memref<1024xf32, #tpu.memory_space<vmem>>, vector<16xf32>,
    tpu.vector_store %arg18[%swap3A_87], %broadcast_in_dim3A_3 {strides = array<i32>} : memref<1024xf32, #tpu.memory_space<vmem>>, vector<16xf32>,
    %swap3A_89 = arith.constant 672 : index
    %swap3A_90 = tpu.vector_load %arg18[%swap3A_89] {strides = array<i32>} : memref<1024xf32, #tpu.memory_space<vmem>>, vector<16xf32>,
    tpu.vector_store %arg18[%swap3A_89], %broadcast_in_dim3A_3 {strides = array<i32>} : memref<1024xf32, #tpu.memory_space<vmem>>, vector<16xf32>,
    %swap3A_91 = arith.constant 688 : index
    %swap3A_92 = tpu.vector_load %arg18[%swap3A_91] {strides = array<i32>} : memref<1024xf32, #tpu.memory_space<vmem>>, vector<16xf32>,
    tpu.vector_store %arg18[%swap3A_91], %broadcast_in_dim3A_3 {strides = array<i32>} : memref<1024xf32, #tpu.memory_space<vmem>>, vector<16xf32>,
    %swap3A_93 = arith.constant 704 : index
    %swap3A_94 = tpu.vector_load %arg18[%swap3A_93] {strides = array<i32>} : memref<1024xf32, #tpu.memory_space<vmem>>, vector<16xf32>,
    tpu.vector_store %arg18[%swap3A_93], %broadcast_in_dim3A_3 {strides = array<i32>} : memref<1024xf32, #tpu.memory_space<vmem>>, vector<16xf32>,
    %swap3A_95 = arith.constant 720 : index
    %swap3A_96 = tpu.vector_load %arg18[%swap3A_95] {strides = array<i32>} : memref<1024xf32, #tpu.memory_space<vmem>>, vector<16xf32>,
    tpu.vector_store %arg18[%swap3A_95], %broadcast_in_dim3A_3 {strides = array<i32>} : memref<1024xf32, #tpu.memory_space<vmem>>, vector<16xf32>,
    %swap3A_97 = arith.constant 736 : index
    %swap3A_98 = tpu.vector_load %arg18[%swap3A_97] {strides = array<i32>} : memref<1024xf32, #tpu.memory_space<vmem>>, vector<16xf32>,
    tpu.vector_store %arg18[%swap3A_97], %broadcast_in_dim3A_3 {strides = array<i32>} : memref<1024xf32, #tpu.memory_space<vmem>>, vector<16xf32>,
    %swap3A_99 = arith.constant 752 : index
    %swap3A_100 = tpu.vector_load %arg18[%swap3A_99] {strides = array<i32>} : memref<1024xf32, #tpu.memory_space<vmem>>, vector<16xf32>,
    tpu.vector_store %arg18[%swap3A_99], %broadcast_in_dim3A_3 {strides = array<i32>} : memref<1024xf32, #tpu.memory_space<vmem>>, vector<16xf32>,
    %swap3A_101 = arith.constant 768 : index
    %swap3A_102 = tpu.vector_load %arg18[%swap3A_101] {strides = array<i32>} : memref<1024xf32, #tpu.memory_space<vmem>>, vector<16xf32>,
    tpu.vector_store %arg18[%swap3A_101], %broadcast_in_dim3A_3 {strides = array<i32>} : memref<1024xf32, #tpu.memory_space<vmem>>, vector<16xf32>,
    %swap3A_103 = arith.constant 784 : index
    %swap3A_104 = tpu.vector_load %arg18[%swap3A_103] {strides = array<i32>} : memref<1024xf32, #tpu.memory_space<vmem>>, vector<16xf32>,
    tpu.vector_store %arg18[%swap3A_103], %broadcast_in_dim3A_3 {strides = array<i32>} : memref<1024xf32, #tpu.memory_space<vmem>>, vector<16xf32>,
    %swap3A_105 = arith.constant 800 : index
    %swap3A_106 = tpu.vector_load %arg18[%swap3A_105] {strides = array<i32>} : memref<1024xf32, #tpu.memory_space<vmem>>, vector<16xf32>,
    tpu.vector_store %arg18[%swap3A_105], %broadcast_in_dim3A_3 {strides = array<i32>} : memref<1024xf32, #tpu.memory_space<vmem>>, vector<16xf32>,
    %swap3A_107 = arith.constant 816 : index
    %swap3A_108 = tpu.vector_load %arg18[%swap3A_107] {strides = array<i32>} : memref<1024xf32, #tpu.memory_space<vmem>>, vector<16xf32>,
    tpu.vector_store %arg18[%swap3A_107], %broadcast_in_dim3A_3 {strides = array<i32>} : memref<1024xf32, #tpu.memory_space<vmem>>, vector<16xf32>,
    %swap3A_109 = arith.constant 832 : index
    %swap3A_110 = tpu.vector_load %arg18[%swap3A_109] {strides = array<i32>} : memref<1024xf32, #tpu.memory_space<vmem>>, vector<16xf32>,
    tpu.vector_store %arg18[%swap3A_109], %broadcast_in_dim3A_3 {strides = array<i32>} : memref<1024xf32, #tpu.memory_space<vmem>>, vector<16xf32>,
    %swap3A_111 = arith.constant 848 : index
    %swap3A_112 = tpu.vector_load %arg18[%swap3A_111] {strides = array<i32>} : memref<1024xf32, #tpu.memory_space<vmem>>, vector<16xf32>,
    tpu.vector_store %arg18[%swap3A_111], %broadcast_in_dim3A_3 {strides = array<i32>} : memref<1024xf32, #tpu.memory_space<vmem>>, vector<16xf32>,
    %swap3A_113 = arith.constant 864 : index
    %swap3A_114 = tpu.vector_load %arg18[%swap3A_113] {strides = array<i32>} : memref<1024xf32, #tpu.memory_space<vmem>>, vector<16xf32>,
    tpu.vector_store %arg18[%swap3A_113], %broadcast_in_dim3A_3 {strides = array<i32>} : memref<1024xf32, #tpu.memory_space<vmem>>, vector<16xf32>,
    %swap3A_115 = arith.constant 880 : index
    %swap3A_116 = tpu.vector_load %arg18[%swap3A_115] {strides = array<i32>} : memref<1024xf32, #tpu.memory_space<vmem>>, vector<16xf32>,
    tpu.vector_store %arg18[%swap3A_115], %broadcast_in_dim3A_3 {strides = array<i32>} : memref<1024xf32, #tpu.memory_space<vmem>>, vector<16xf32>,
    %swap3A_117 = arith.constant 896 : index
    %swap3A_118 = tpu.vector_load %arg18[%swap3A_117] {strides = array<i32>} : memref<1024xf32, #tpu.memory_space<vmem>>, vector<16xf32>,
    tpu.vector_store %arg18[%swap3A_117], %broadcast_in_dim3A_3 {strides = array<i32>} : memref<1024xf32, #tpu.memory_space<vmem>>, vector<16xf32>,
    %swap3A_119 = arith.constant 912 : index
    %swap3A_120 = tpu.vector_load %arg18[%swap3A_119] {strides = array<i32>} : memref<1024xf32, #tpu.memory_space<vmem>>, vector<16xf32>,
    tpu.vector_store %arg18[%swap3A_119], %broadcast_in_dim3A_3 {strides = array<i32>} : memref<1024xf32, #tpu.memory_space<vmem>>, vector<16xf32>,
    %swap3A_121 = arith.constant 928 : index
    %swap3A_122 = tpu.vector_load %arg18[%swap3A_121] {strides = array<i32>} : memref<1024xf32, #tpu.memory_space<vmem>>, vector<16xf32>,
    tpu.vector_store %arg18[%swap3A_121], %broadcast_in_dim3A_3 {strides = array<i32>} : memref<1024xf32, #tpu.memory_space<vmem>>, vector<16xf32>,
    %swap3A_123 = arith.constant 944 : index
    %swap3A_124 = tpu.vector_load %arg18[%swap3A_123] {strides = array<i32>} : memref<1024xf32, #tpu.memory_space<vmem>>, vector<16xf32>,
    tpu.vector_store %arg18[%swap3A_123], %broadcast_in_dim3A_3 {strides = array<i32>} : memref<1024xf32, #tpu.memory_space<vmem>>, vector<16xf32>,
    %swap3A_125 = arith.constant 960 : index
    %swap3A_126 = tpu.vector_load %arg18[%swap3A_125] {strides = array<i32>} : memref<1024xf32, #tpu.memory_space<vmem>>, vector<16xf32>,
    tpu.vector_store %arg18[%swap3A_125], %broadcast_in_dim3A_3 {strides = array<i32>} : memref<1024xf32, #tpu.memory_space<vmem>>, vector<16xf32>,
    %swap3A_127 = arith.constant 976 : index
    %swap3A_128 = tpu.vector_load %arg18[%swap3A_127] {strides = array<i32>} : memref<1024xf32, #tpu.memory_space<vmem>>, vector<16xf32>,
    tpu.vector_store %arg18[%swap3A_127], %broadcast_in_dim3A_3 {strides = array<i32>} : memref<1024xf32, #tpu.memory_space<vmem>>, vector<16xf32>,
    %swap3A_129 = arith.constant 992 : index
    %swap3A_130 = tpu.vector_load %arg18[%swap3A_129] {strides = array<i32>} : memref<1024xf32, #tpu.memory_space<vmem>>, vector<16xf32>,
    tpu.vector_store %arg18[%swap3A_129], %broadcast_in_dim3A_3 {strides = array<i32>} : memref<1024xf32, #tpu.memory_space<vmem>>, vector<16xf32>,
    %swap3A_131 = arith.constant 1008 : index
    %swap3A_132 = tpu.vector_load %arg18[%swap3A_131] {strides = array<i32>} : memref<1024xf32, #tpu.memory_space<vmem>>, vector<16xf32>,
    tpu.vector_store %arg18[%swap3A_131], %broadcast_in_dim3A_3 {strides = array<i32>} : memref<1024xf32, #tpu.memory_space<vmem>>, vector<16xf32>,
    %swap3A_133 = arith.constant 0 : i32
    %swap3A_134 = arith.index_cast %swap3A_133 : i32 to index
    %swap3A_135 = arith.constant 0 : index
    %swap3A_136 = tpu.vector_load %arg14[%swap3A_134, %swap3A_135] {strides = array<i32>} : memref<128x128xf32, #tpu.memory_space<vmem>>, vector<16xf32>,
    tpu.vector_store %arg14[%swap3A_134, %swap3A_135], %broadcast_in_dim3A_3 {strides = array<i32>} : memref<128x128xf32, #tpu.memory_space<vmem>>, vector<16xf32>,
    %swap3A_137 = arith.constant 0 : i32
    %swap3A_138 = arith.index_cast %swap3A_137 : i32 to index
    %swap3A_139 = arith.constant 16 : index
    %swap3A_140 = tpu.vector_load %arg14[%swap3A_138, %swap3A_139] {strides = array<i32>} : memref<128x128xf32, #tpu.memory_space<vmem>>, vector<16xf32>,
    tpu.vector_store %arg14[%swap3A_138, %swap3A_139], %broadcast_in_dim3A_3 {strides = array<i32>} : memref<128x128xf32, #tpu.memory_space<vmem>>, vector<16xf32>,
    %swap3A_141 = arith.constant 0 : i32
    %swap3A_142 = arith.index_cast %swap3A_141 : i32 to index
    %swap3A_143 = arith.constant 32 : index
    %swap3A_144 = tpu.vector_load %arg14[%swap3A_142, %swap3A_143] {strides = array<i32>} : memref<128x128xf32, #tpu.memory_space<vmem>>, vector<16xf32>,
    tpu.vector_store %arg14[%swap3A_142, %swap3A_143], %broadcast_in_dim3A_3 {strides = array<i32>} : memref<128x128xf32, #tpu.memory_space<vmem>>, vector<16xf32>,
    %swap3A_145 = arith.constant 0 : i32
    %swap3A_146 = arith.index_cast %swap3A_145 : i32 to index
    %swap3A_147 = arith.constant 48 : index
    %swap3A_148 = tpu.vector_load %arg14[%swap3A_146, %swap3A_147] {strides = array<i32>} : memref<128x128xf32, #tpu.memory_space<vmem>>, vector<16xf32>,
    tpu.vector_store %arg14[%swap3A_146, %swap3A_147], %broadcast_in_dim3A_3 {strides = array<i32>} : memref<128x128xf32, #tpu.memory_space<vmem>>, vector<16xf32>,
    %swap3A_149 = arith.constant 0 : i32
    %swap3A_150 = arith.index_cast %swap3A_149 : i32 to index
    %swap3A_151 = arith.constant 64 : index
    %swap3A_152 = tpu.vector_load %arg14[%swap3A_150, %swap3A_151] {strides = array<i32>} : memref<128x128xf32, #tpu.memory_space<vmem>>, vector<16xf32>,
    tpu.vector_store %arg14[%swap3A_150, %swap3A_151], %broadcast_in_dim3A_3 {strides = array<i32>} : memref<128x128xf32, #tpu.memory_space<vmem>>, vector<16xf32>,
    %swap3A_153 = arith.constant 0 : i32
    %swap3A_154 = arith.index_cast %swap3A_153 : i32 to index
    %swap3A_155 = arith.constant 80 : index
    %swap3A_156 = tpu.vector_load %arg14[%swap3A_154, %swap3A_155] {strides = array<i32>} : memref<128x128xf32, #tpu.memory_space<vmem>>, vector<16xf32>,
    tpu.vector_store %arg14[%swap3A_154, %swap3A_155], %broadcast_in_dim3A_3 {strides = array<i32>} : memref<128x128xf32, #tpu.memory_space<vmem>>, vector<16xf32>,
    %swap3A_157 = arith.constant 0 : i32
    %swap3A_158 = arith.index_cast %swap3A_157 : i32 to index
    %swap3A_159 = arith.constant 96 : index
    %swap3A_160 = tpu.vector_load %arg14[%swap3A_158, %swap3A_159] {strides = array<i32>} : memref<128x128xf32, #tpu.memory_space<vmem>>, vector<16xf32>,
    tpu.vector_store %arg14[%swap3A_158, %swap3A_159], %broadcast_in_dim3A_3 {strides = array<i32>} : memref<128x128xf32, #tpu.memory_space<vmem>>, vector<16xf32>,
    %swap3A_161 = arith.constant 0 : i32
    %swap3A_162 = arith.index_cast %swap3A_161 : i32 to index
    %swap3A_163 = arith.constant 112 : index
    %swap3A_164 = tpu.vector_load %arg14[%swap3A_162, %swap3A_163] {strides = array<i32>} : memref<128x128xf32, #tpu.memory_space<vmem>>, vector<16xf32>,
    tpu.vector_store %arg14[%swap3A_162, %swap3A_163], %broadcast_in_dim3A_3 {strides = array<i32>} : memref<128x128xf32, #tpu.memory_space<vmem>>, vector<16xf32>,
    %swap3A_165 = arith.constant 1 : i32
    %swap3A_166 = arith.index_cast %swap3A_165 : i32 to index
    %swap3A_167 = arith.constant 0 : index
    %swap3A_168 = tpu.vector_load %arg14[%swap3A_166, %swap3A_167] {strides = array<i32>} : memref<128x128xf32, #tpu.memory_space<vmem>>, vector<16xf32>,
    tpu.vector_store %arg14[%swap3A_166, %swap3A_167], %broadcast_in_dim3A_3 {strides = array<i32>} : memref<128x128xf32, #tpu.memory_space<vmem>>, vector<16xf32>,
    %swap3A_169 = arith.constant 1 : i32
    %swap3A_170 = arith.index_cast %swap3A_169 : i32 to index
    %swap3A_171 = arith.constant 16 : index
    %swap3A_172 = tpu.vector_load %arg14[%swap3A_170, %swap3A_171] {strides = array<i32>} : memref<128x128xf32, #tpu.memory_space<vmem>>, vector<16xf32>,
    tpu.vector_store %arg14[%swap3A_170, %swap3A_171], %broadcast_in_dim3A_3 {strides = array<i32>} : memref<128x128xf32, #tpu.memory_space<vmem>>, vector<16xf32>,
    %swap3A_173 = arith.constant 1 : i32
    %swap3A_174 = arith.index_cast %swap3A_173 : i32 to index
    %swap3A_175 = arith.constant 32 : index
    %swap3A_176 = tpu.vector_load %arg14[%swap3A_174, %swap3A_175] {strides = array<i32>} : memref<128x128xf32, #tpu.memory_space<vmem>>, vector<16xf32>,
    tpu.vector_store %arg14[%swap3A_174, %swap3A_175], %broadcast_in_dim3A_3 {strides = array<i32>} : memref<128x128xf32, #tpu.memory_space<vmem>>, vector<16xf32>,
    %swap3A_177 = arith.constant 1 : i32
    %swap3A_178 = arith.index_cast %swap3A_177 : i32 to index
    %swap3A_179 = arith.constant 48 : index
    %swap3A_180 = tpu.vector_load %arg14[%swap3A_178, %swap3A_179] {strides = array<i32>} : memref<128x128xf32, #tpu.memory_space<vmem>>, vector<16xf32>,
    tpu.vector_store %arg14[%swap3A_178, %swap3A_179], %broadcast_in_dim3A_3 {strides = array<i32>} : memref<128x128xf32, #tpu.memory_space<vmem>>, vector<16xf32>,
    %swap3A_181 = arith.constant 1 : i32
    %swap3A_182 = arith.index_cast %swap3A_181 : i32 to index
    %swap3A_183 = arith.constant 64 : index
    %swap3A_184 = tpu.vector_load %arg14[%swap3A_182, %swap3A_183] {strides = array<i32>} : memref<128x128xf32, #tpu.memory_space<vmem>>, vector<16xf32>,
    tpu.vector_store %arg14[%swap3A_182, %swap3A_183], %broadcast_in_dim3A_3 {strides = array<i32>} : memref<128x128xf32, #tpu.memory_space<vmem>>, vector<16xf32>,
    %swap3A_185 = arith.constant 1 : i32
    %swap3A_186 = arith.index_cast %swap3A_185 : i32 to index
    %swap3A_187 = arith.constant 80 : index
    %swap3A_188 = tpu.vector_load %arg14[%swap3A_186, %swap3A_187] {strides = array<i32>} : memref<128x128xf32, #tpu.memory_space<vmem>>, vector<16xf32>,
    tpu.vector_store %arg14[%swap3A_186, %swap3A_187], %broadcast_in_dim3A_3 {strides = array<i32>} : memref<128x128xf32, #tpu.memory_space<vmem>>, vector<16xf32>,
    %swap3A_189 = arith.constant 1 : i32
    %swap3A_190 = arith.index_cast %swap3A_189 : i32 to index
    %swap3A_191 = arith.constant 96 : index
    %swap3A_192 = tpu.vector_load %arg14[%swap3A_190, %swap3A_191] {strides = array<i32>} : memref<128x128xf32, #tpu.memory_space<vmem>>, vector<16xf32>,
    tpu.vector_store %arg14[%swap3A_190, %swap3A_191], %broadcast_in_dim3A_3 {strides = array<i32>} : memref<128x128xf32, #tpu.memory_space<vmem>>, vector<16xf32>,
    %swap3A_193 = arith.constant 1 : i32
    %swap3A_194 = arith.index_cast %swap3A_193 : i32 to index
    %swap3A_195 = arith.constant 112 : index
    %swap3A_196 = tpu.vector_load %arg14[%swap3A_194, %swap3A_195] {strides = array<i32>} : memref<128x128xf32, #tpu.memory_space<vmem>>, vector<16xf32>,
    tpu.vector_store %arg14[%swap3A_194, %swap3A_195], %broadcast_in_dim3A_3 {strides = array<i32>} : memref<128x128xf32, #tpu.memory_space<vmem>>, vector<16xf32>,
    %swap3A_197 = arith.constant 2 : i32
    %swap3A_198 = arith.index_cast %swap3A_197 : i32 to index
    %swap3A_199 = arith.constant 0 : index
    %swap3A_200 = tpu.vector_load %arg14[%swap3A_198, %swap3A_199] {strides = array<i32>} : memref<128x128xf32, #tpu.memory_space<vmem>>, vector<16xf32>,
    tpu.vector_store %arg14[%swap3A_198, %swap3A_199], %broadcast_in_dim3A_3 {strides = array<i32>} : memref<128x128xf32, #tpu.memory_space<vmem>>, vector<16xf32>,
    %swap3A_201 = arith.constant 2 : i32
    %swap3A_202 = arith.index_cast %swap3A_201 : i32 to index
    %swap3A_203 = arith.constant 16 : index
    %swap3A_204 = tpu.vector_load %arg14[%swap3A_202, %swap3A_203] {strides = array<i32>} : memref<128x128xf32, #tpu.memory_space<vmem>>, vector<16xf32>,
    tpu.vector_store %arg14[%swap3A_202, %swap3A_203], %broadcast_in_dim3A_3 {strides = array<i32>} : memref<128x128xf32, #tpu.memory_space<vmem>>, vector<16xf32>,
    %swap3A_205 = arith.constant 2 : i32
    %swap3A_206 = arith.index_cast %swap3A_205 : i32 to index
    %swap3A_207 = arith.constant 32 : index
    %swap3A_208 = tpu.vector_load %arg14[%swap3A_206, %swap3A_207] {strides = array<i32>} : memref<128x128xf32, #tpu.memory_space<vmem>>, vector<16xf32>,
    tpu.vector_store %arg14[%swap3A_206, %swap3A_207], %broadcast_in_dim3A_3 {strides = array<i32>} : memref<128x128xf32, #tpu.memory_space<vmem>>, vector<16xf32>,
    %swap3A_209 = arith.constant 2 : i32
    %swap3A_210 = arith.index_cast %swap3A_209 : i32 to index
    %swap3A_211 = arith.constant 48 : index
    %swap3A_212 = tpu.vector_load %arg14[%swap3A_210, %swap3A_211] {strides = array<i32>} : memref<128x128xf32, #tpu.memory_space<vmem>>, vector<16xf32>,
    tpu.vector_store %arg14[%swap3A_210, %swap3A_211], %broadcast_in_dim3A_3 {strides = array<i32>} : memref<128x128xf32, #tpu.memory_space<vmem>>, vector<16xf32>,
    %swap3A_213 = arith.constant 2 : i32
    %swap3A_214 = arith.index_cast %swap3A_213 : i32 to index
    %swap3A_215 = arith.constant 64 : index
    %swap3A_216 = tpu.vector_load %arg14[%swap3A_214, %swap3A_215] {strides = array<i32>} : memref<128x128xf32, #tpu.memory_space<vmem>>, vector<16xf32>,
    tpu.vector_store %arg14[%swap3A_214, %swap3A_215], %broadcast_in_dim3A_3 {strides = array<i32>} : memref<128x128xf32, #tpu.memory_space<vmem>>, vector<16xf32>,
    %swap3A_217 = arith.constant 2 : i32
    %swap3A_218 = arith.index_cast %swap3A_217 : i32 to index
    %swap3A_219 = arith.constant 80 : index
    %swap3A_220 = tpu.vector_load %arg14[%swap3A_218, %swap3A_219] {strides = array<i32>} : memref<128x128xf32, #tpu.memory_space<vmem>>, vector<16xf32>,
    tpu.vector_store %arg14[%swap3A_218, %swap3A_219], %broadcast_in_dim3A_3 {strides = array<i32>} : memref<128x128xf32, #tpu.memory_space<vmem>>, vector<16xf32>,
    %swap3A_221 = arith.constant 2 : i32
    %swap3A_222 = arith.index_cast %swap3A_221 : i32 to index
    %swap3A_223 = arith.constant 96 : index
    %swap3A_224 = tpu.vector_load %arg14[%swap3A_222, %swap3A_223] {strides = array<i32>} : memref<128x128xf32, #tpu.memory_space<vmem>>, vector<16xf32>,
    tpu.vector_store %arg14[%swap3A_222, %swap3A_223], %broadcast_in_dim3A_3 {strides = array<i32>} : memref<128x128xf32, #tpu.memory_space<vmem>>, vector<16xf32>,
    %swap3A_225 = arith.constant 2 : i32
    %swap3A_226 = arith.index_cast %swap3A_225 : i32 to index
    %swap3A_227 = arith.constant 112 : index
    %swap3A_228 = tpu.vector_load %arg14[%swap3A_226, %swap3A_227] {strides = array<i32>} : memref<128x128xf32, #tpu.memory_space<vmem>>, vector<16xf32>,
    tpu.vector_store %arg14[%swap3A_226, %swap3A_227], %broadcast_in_dim3A_3 {strides = array<i32>} : memref<128x128xf32, #tpu.memory_space<vmem>>, vector<16xf32>,
    %swap3A_229 = arith.constant 3 : i32
    %swap3A_230 = arith.index_cast %swap3A_229 : i32 to index
    %swap3A_231 = arith.constant 0 : index
    %swap3A_232 = tpu.vector_load %arg14[%swap3A_230, %swap3A_231] {strides = array<i32>} : memref<128x128xf32, #tpu.memory_space<vmem>>, vector<16xf32>,
    tpu.vector_store %arg14[%swap3A_230, %swap3A_231], %broadcast_in_dim3A_3 {strides = array<i32>} : memref<128x128xf32, #tpu.memory_space<vmem>>, vector<16xf32>,
    %swap3A_233 = arith.constant 3 : i32
    %swap3A_234 = arith.index_cast %swap3A_233 : i32 to index
    %swap3A_235 = arith.constant 16 : index
    %swap3A_236 = tpu.vector_load %arg14[%swap3A_234, %swap3A_235] {strides = array<i32>} : memref<128x128xf32, #tpu.memory_space<vmem>>, vector<16xf32>,
    tpu.vector_store %arg14[%swap3A_234, %swap3A_235], %broadcast_in_dim3A_3 {strides = array<i32>} : memref<128x128xf32, #tpu.memory_space<vmem>>, vector<16xf32>,
    %swap3A_237 = arith.constant 3 : i32
    %swap3A_238 = arith.index_cast %swap3A_237 : i32 to index
    %swap3A_239 = arith.constant 32 : index
    %swap3A_240 = tpu.vector_load %arg14[%swap3A_238, %swap3A_239] {strides = array<i32>} : memref<128x128xf32, #tpu.memory_space<vmem>>, vector<16xf32>,
    tpu.vector_store %arg14[%swap3A_238, %swap3A_239], %broadcast_in_dim3A_3 {strides = array<i32>} : memref<128x128xf32, #tpu.memory_space<vmem>>, vector<16xf32>,
    %swap3A_241 = arith.constant 3 : i32
    %swap3A_242 = arith.index_cast %swap3A_241 : i32 to index
    %swap3A_243 = arith.constant 48 : index
    %swap3A_244 = tpu.vector_load %arg14[%swap3A_242, %swap3A_243] {strides = array<i32>} : memref<128x128xf32, #tpu.memory_space<vmem>>, vector<16xf32>,
    tpu.vector_store %arg14[%swap3A_242, %swap3A_243], %broadcast_in_dim3A_3 {strides = array<i32>} : memref<128x128xf32, #tpu.memory_space<vmem>>, vector<16xf32>,
    %swap3A_245 = arith.constant 3 : i32
    %swap3A_246 = arith.index_cast %swap3A_245 : i32 to index
    %swap3A_247 = arith.constant 64 : index
    %swap3A_248 = tpu.vector_load %arg14[%swap3A_246, %swap3A_247] {strides = array<i32>} : memref<128x128xf32, #tpu.memory_space<vmem>>, vector<16xf32>,
    tpu.vector_store %arg14[%swap3A_246, %swap3A_247], %broadcast_in_dim3A_3 {strides = array<i32>} : memref<128x128xf32, #tpu.memory_space<vmem>>, vector<16xf32>,
    %swap3A_249 = arith.constant 3 : i32
    %swap3A_250 = arith.index_cast %swap3A_249 : i32 to index
    %swap3A_251 = arith.constant 80 : index
    %swap3A_252 = tpu.vector_load %arg14[%swap3A_250, %swap3A_251] {strides = array<i32>} : memref<128x128xf32, #tpu.memory_space<vmem>>, vector<16xf32>,
    tpu.vector_store %arg14[%swap3A_250, %swap3A_251], %broadcast_in_dim3A_3 {strides = array<i32>} : memref<128x128xf32, #tpu.memory_space<vmem>>, vector<16xf32>,
    %swap3A_253 = arith.constant 3 : i32
    %swap3A_254 = arith.index_cast %swap3A_253 : i32 to index
    %swap3A_255 = arith.constant 96 : index
    %swap3A_256 = tpu.vector_load %arg14[%swap3A_254, %swap3A_255] {strides = array<i32>} : memref<128x128xf32, #tpu.memory_space<vmem>>, vector<16xf32>,
    tpu.vector_store %arg14[%swap3A_254, %swap3A_255], %broadcast_in_dim3A_3 {strides = array<i32>} : memref<128x128xf32, #tpu.memory_space<vmem>>, vector<16xf32>,
    %swap3A_257 = arith.constant 3 : i32
    %swap3A_258 = arith.index_cast %swap3A_257 : i32 to index
    %swap3A_259 = arith.constant 112 : index
    %swap3A_260 = tpu.vector_load %arg14[%swap3A_258, %swap3A_259] {strides = array<i32>} : memref<128x128xf32, #tpu.memory_space<vmem>>, vector<16xf32>,
    tpu.vector_store %arg14[%swap3A_258, %swap3A_259], %broadcast_in_dim3A_3 {strides = array<i32>} : memref<128x128xf32, #tpu.memory_space<vmem>>, vector<16xf32>,
    %swap3A_261 = arith.constant 4 : i32
    %swap3A_262 = arith.index_cast %swap3A_261 : i32 to index
    %swap3A_263 = arith.constant 0 : index
    %swap3A_264 = tpu.vector_load %arg14[%swap3A_262, %swap3A_263] {strides = array<i32>} : memref<128x128xf32, #tpu.memory_space<vmem>>, vector<16xf32>,
    tpu.vector_store %arg14[%swap3A_262, %swap3A_263], %broadcast_in_dim3A_3 {strides = array<i32>} : memref<128x128xf32, #tpu.memory_space<vmem>>, vector<16xf32>,
    %swap3A_265 = arith.constant 4 : i32
    %swap3A_266 = arith.index_cast %swap3A_265 : i32 to index
    %swap3A_267 = arith.constant 16 : index
    %swap3A_268 = tpu.vector_load %arg14[%swap3A_266, %swap3A_267] {strides = array<i32>} : memref<128x128xf32, #tpu.memory_space<vmem>>, vector<16xf32>,
    tpu.vector_store %arg14[%swap3A_266, %swap3A_267], %broadcast_in_dim3A_3 {strides = array<i32>} : memref<128x128xf32, #tpu.memory_space<vmem>>, vector<16xf32>,
    %swap3A_269 = arith.constant 4 : i32
    %swap3A_270 = arith.index_cast %swap3A_269 : i32 to index
    %swap3A_271 = arith.constant 32 : index
    %swap3A_272 = tpu.vector_load %arg14[%swap3A_270, %swap3A_271] {strides = array<i32>} : memref<128x128xf32, #tpu.memory_space<vmem>>, vector<16xf32>,
    tpu.vector_store %arg14[%swap3A_270, %swap3A_271], %broadcast_in_dim3A_3 {strides = array<i32>} : memref<128x128xf32, #tpu.memory_space<vmem>>, vector<16xf32>,
    %swap3A_273 = arith.constant 4 : i32
    %swap3A_274 = arith.index_cast %swap3A_273 : i32 to index
    %swap3A_275 = arith.constant 48 : index
    %swap3A_276 = tpu.vector_load %arg14[%swap3A_274, %swap3A_275] {strides = array<i32>} : memref<128x128xf32, #tpu.memory_space<vmem>>, vector<16xf32>,
    tpu.vector_store %arg14[%swap3A_274, %swap3A_275], %broadcast_in_dim3A_3 {strides = array<i32>} : memref<128x128xf32, #tpu.memory_space<vmem>>, vector<16xf32>,
    %swap3A_277 = arith.constant 4 : i32
    %swap3A_278 = arith.index_cast %swap3A_277 : i32 to index
    %swap3A_279 = arith.constant 64 : index
    %swap3A_280 = tpu.vector_load %arg14[%swap3A_278, %swap3A_279] {strides = array<i32>} : memref<128x128xf32, #tpu.memory_space<vmem>>, vector<16xf32>,
    tpu.vector_store %arg14[%swap3A_278, %swap3A_279], %broadcast_in_dim3A_3 {strides = array<i32>} : memref<128x128xf32, #tpu.memory_space<vmem>>, vector<16xf32>,
    %swap3A_281 = arith.constant 4 : i32
    %swap3A_282 = arith.index_cast %swap3A_281 : i32 to index
    %swap3A_283 = arith.constant 80 : index
    %swap3A_284 = tpu.vector_load %arg14[%swap3A_282, %swap3A_283] {strides = array<i32>} : memref<128x128xf32, #tpu.memory_space<vmem>>, vector<16xf32>,
    tpu.vector_store %arg14[%swap3A_282, %swap3A_283], %broadcast_in_dim3A_3 {strides = array<i32>} : memref<128x128xf32, #tpu.memory_space<vmem>>, vector<16xf32>,
    %swap3A_285 = arith.constant 4 : i32
    %swap3A_286 = arith.index_cast %swap3A_285 : i32 to index
    %swap3A_287 = arith.constant 96 : index
    %swap3A_288 = tpu.vector_load %arg14[%swap3A_286, %swap3A_287] {strides = array<i32>} : memref<128x128xf32, #tpu.memory_space<vmem>>, vector<16xf32>,
    tpu.vector_store %arg14[%swap3A_286, %swap3A_287], %broadcast_in_dim3A_3 {strides = array<i32>} : memref<128x128xf32, #tpu.memory_space<vmem>>, vector<16xf32>,
    %swap3A_289 = arith.constant 4 : i32
    %swap3A_290 = arith.index_cast %swap3A_289 : i32 to index
    %swap3A_291 = arith.constant 112 : index
    %swap3A_292 = tpu.vector_load %arg14[%swap3A_290, %swap3A_291] {strides = array<i32>} : memref<128x128xf32, #tpu.memory_space<vmem>>, vector<16xf32>,
    tpu.vector_store %arg14[%swap3A_290, %swap3A_291], %broadcast_in_dim3A_3 {strides = array<i32>} : memref<128x128xf32, #tpu.memory_space<vmem>>, vector<16xf32>,
    %swap3A_293 = arith.constant 5 : i32
    %swap3A_294 = arith.index_cast %swap3A_293 : i32 to index
    %swap3A_295 = arith.constant 0 : index
    %swap3A_296 = tpu.vector_load %arg14[%swap3A_294, %swap3A_295] {strides = array<i32>} : memref<128x128xf32, #tpu.memory_space<vmem>>, vector<16xf32>,
    tpu.vector_store %arg14[%swap3A_294, %swap3A_295], %broadcast_in_dim3A_3 {strides = array<i32>} : memref<128x128xf32, #tpu.memory_space<vmem>>, vector<16xf32>,
    %swap3A_297 = arith.constant 5 : i32
    %swap3A_298 = arith.index_cast %swap3A_297 : i32 to index
    %swap3A_299 = arith.constant 16 : index
    %swap3A_300 = tpu.vector_load %arg14[%swap3A_298, %swap3A_299] {strides = array<i32>} : memref<128x128xf32, #tpu.memory_space<vmem>>, vector<16xf32>,
    tpu.vector_store %arg14[%swap3A_298, %swap3A_299], %broadcast_in_dim3A_3 {strides = array<i32>} : memref<128x128xf32, #tpu.memory_space<vmem>>, vector<16xf32>,
    %swap3A_301 = arith.constant 5 : i32
    %swap3A_302 = arith.index_cast %swap3A_301 : i32 to index
    %swap3A_303 = arith.constant 32 : index
    %swap3A_304 = tpu.vector_load %arg14[%swap3A_302, %swap3A_303] {strides = array<i32>} : memref<128x128xf32, #tpu.memory_space<vmem>>, vector<16xf32>,
    tpu.vector_store %arg14[%swap3A_302, %swap3A_303], %broadcast_in_dim3A_3 {strides = array<i32>} : memref<128x128xf32, #tpu.memory_space<vmem>>, vector<16xf32>,
    %swap3A_305 = arith.constant 5 : i32
    %swap3A_306 = arith.index_cast %swap3A_305 : i32 to index
    %swap3A_307 = arith.constant 48 : index
    %swap3A_308 = tpu.vector_load %arg14[%swap3A_306, %swap3A_307] {strides = array<i32>} : memref<128x128xf32, #tpu.memory_space<vmem>>, vector<16xf32>,
    tpu.vector_store %arg14[%swap3A_306, %swap3A_307], %broadcast_in_dim3A_3 {strides = array<i32>} : memref<128x128xf32, #tpu.memory_space<vmem>>, vector<16xf32>,
    %swap3A_309 = arith.constant 5 : i32
    %swap3A_310 = arith.index_cast %swap3A_309 : i32 to index
    %swap3A_311 = arith.constant 64 : index
    %swap3A_312 = tpu.vector_load %arg14[%swap3A_310, %swap3A_311] {strides = array<i32>} : memref<128x128xf32, #tpu.memory_space<vmem>>, vector<16xf32>,
    tpu.vector_store %arg14[%swap3A_310, %swap3A_311], %broadcast_in_dim3A_3 {strides = array<i32>} : memref<128x128xf32, #tpu.memory_space<vmem>>, vector<16xf32>,
    %swap3A_313 = arith.constant 5 : i32
    %swap3A_314 = arith.index_cast %swap3A_313 : i32 to index
    %swap3A_315 = arith.constant 80 : index
    %swap3A_316 = tpu.vector_load %arg14[%swap3A_314, %swap3A_315] {strides = array<i32>} : memref<128x128xf32, #tpu.memory_space<vmem>>, vector<16xf32>,
    tpu.vector_store %arg14[%swap3A_314, %swap3A_315], %broadcast_in_dim3A_3 {strides = array<i32>} : memref<128x128xf32, #tpu.memory_space<vmem>>, vector<16xf32>,
    %swap3A_317 = arith.constant 5 : i32
    %swap3A_318 = arith.index_cast %swap3A_317 : i32 to index
    %swap3A_319 = arith.constant 96 : index
    %swap3A_320 = tpu.vector_load %arg14[%swap3A_318, %swap3A_319] {strides = array<i32>} : memref<128x128xf32, #tpu.memory_space<vmem>>, vector<16xf32>,
    tpu.vector_store %arg14[%swap3A_318, %swap3A_319], %broadcast_in_dim3A_3 {strides = array<i32>} : memref<128x128xf32, #tpu.memory_space<vmem>>, vector<16xf32>,
    %swap3A_321 = arith.constant 5 : i32
    %swap3A_322 = arith.index_cast %swap3A_321 : i32 to index
    %swap3A_323 = arith.constant 112 : index
    %swap3A_324 = tpu.vector_load %arg14[%swap3A_322, %swap3A_323] {strides = array<i32>} : memref<128x128xf32, #tpu.memory_space<vmem>>, vector<16xf32>,
    tpu.vector_store %arg14[%swap3A_322, %swap3A_323], %broadcast_in_dim3A_3 {strides = array<i32>} : memref<128x128xf32, #tpu.memory_space<vmem>>, vector<16xf32>,
    %swap3A_325 = arith.constant 6 : i32
    %swap3A_326 = arith.index_cast %swap3A_325 : i32 to index
    %swap3A_327 = arith.constant 0 : index
    %swap3A_328 = tpu.vector_load %arg14[%swap3A_326, %swap3A_327] {strides = array<i32>} : memref<128x128xf32, #tpu.memory_space<vmem>>, vector<16xf32>,
    tpu.vector_store %arg14[%swap3A_326, %swap3A_327], %broadcast_in_dim3A_3 {strides = array<i32>} : memref<128x128xf32, #tpu.memory_space<vmem>>, vector<16xf32>,
    %swap3A_329 = arith.constant 6 : i32
    %swap3A_330 = arith.index_cast %swap3A_329 : i32 to index
    %swap3A_331 = arith.constant 16 : index
    %swap3A_332 = tpu.vector_load %arg14[%swap3A_330, %swap3A_331] {strides = array<i32>} : memref<128x128xf32, #tpu.memory_space<vmem>>, vector<16xf32>,
    tpu.vector_store %arg14[%swap3A_330, %swap3A_331], %broadcast_in_dim3A_3 {strides = array<i32>} : memref<128x128xf32, #tpu.memory_space<vmem>>, vector<16xf32>,
    %swap3A_333 = arith.constant 6 : i32
    %swap3A_334 = arith.index_cast %swap3A_333 : i32 to index
    %swap3A_335 = arith.constant 32 : index
    %swap3A_336 = tpu.vector_load %arg14[%swap3A_334, %swap3A_335] {strides = array<i32>} : memref<128x128xf32, #tpu.memory_space<vmem>>, vector<16xf32>,
    tpu.vector_store %arg14[%swap3A_334, %swap3A_335], %broadcast_in_dim3A_3 {strides = array<i32>} : memref<128x128xf32, #tpu.memory_space<vmem>>, vector<16xf32>,
    %swap3A_337 = arith.constant 6 : i32
    %swap3A_338 = arith.index_cast %swap3A_337 : i32 to index
    %swap3A_339 = arith.constant 48 : index
    %swap3A_340 = tpu.vector_load %arg14[%swap3A_338, %swap3A_339] {strides = array<i32>} : memref<128x128xf32, #tpu.memory_space<vmem>>, vector<16xf32>,
    tpu.vector_store %arg14[%swap3A_338, %swap3A_339], %broadcast_in_dim3A_3 {strides = array<i32>} : memref<128x128xf32, #tpu.memory_space<vmem>>, vector<16xf32>,
    %swap3A_341 = arith.constant 6 : i32
    %swap3A_342 = arith.index_cast %swap3A_341 : i32 to index
    %swap3A_343 = arith.constant 64 : index
    %swap3A_344 = tpu.vector_load %arg14[%swap3A_342, %swap3A_343] {strides = array<i32>} : memref<128x128xf32, #tpu.memory_space<vmem>>, vector<16xf32>,
    tpu.vector_store %arg14[%swap3A_342, %swap3A_343], %broadcast_in_dim3A_3 {strides = array<i32>} : memref<128x128xf32, #tpu.memory_space<vmem>>, vector<16xf32>,
    %swap3A_345 = arith.constant 6 : i32
    %swap3A_346 = arith.index_cast %swap3A_345 : i32 to index
    %swap3A_347 = arith.constant 80 : index
    %swap3A_348 = tpu.vector_load %arg14[%swap3A_346, %swap3A_347] {strides = array<i32>} : memref<128x128xf32, #tpu.memory_space<vmem>>, vector<16xf32>,
    tpu.vector_store %arg14[%swap3A_346, %swap3A_347], %broadcast_in_dim3A_3 {strides = array<i32>} : memref<128x128xf32, #tpu.memory_space<vmem>>, vector<16xf32>,
    %swap3A_349 = arith.constant 6 : i32
    %swap3A_350 = arith.index_cast %swap3A_349 : i32 to index
    %swap3A_351 = arith.constant 96 : index
    %swap3A_352 = tpu.vector_load %arg14[%swap3A_350, %swap3A_351] {strides = array<i32>} : memref<128x128xf32, #tpu.memory_space<vmem>>, vector<16xf32>,
    tpu.vector_store %arg14[%swap3A_350, %swap3A_351], %broadcast_in_dim3A_3 {strides = array<i32>} : memref<128x128xf32, #tpu.memory_space<vmem>>, vector<16xf32>,
    %swap3A_353 = arith.constant 6 : i32
    %swap3A_354 = arith.index_cast %swap3A_353 : i32 to index
    %swap3A_355 = arith.constant 112 : index
    %swap3A_356 = tpu.vector_load %arg14[%swap3A_354, %swap3A_355] {strides = array<i32>} : memref<128x128xf32, #tpu.memory_space<vmem>>, vector<16xf32>,
    tpu.vector_store %arg14[%swap3A_354, %swap3A_355], %broadcast_in_dim3A_3 {strides = array<i32>} : memref<128x128xf32, #tpu.memory_space<vmem>>, vector<16xf32>,
    %swap3A_357 = arith.constant 7 : i32
    %swap3A_358 = arith.index_cast %swap3A_357 : i32 to index
    %swap3A_359 = arith.constant 0 : index
    %swap3A_360 = tpu.vector_load %arg14[%swap3A_358, %swap3A_359] {strides = array<i32>} : memref<128x128xf32, #tpu.memory_space<vmem>>, vector<16xf32>,
    tpu.vector_store %arg14[%swap3A_358, %swap3A_359], %broadcast_in_dim3A_3 {strides = array<i32>} : memref<128x128xf32, #tpu.memory_space<vmem>>, vector<16xf32>,
    %swap3A_361 = arith.constant 7 : i32
    %swap3A_362 = arith.index_cast %swap3A_361 : i32 to index
    %swap3A_363 = arith.constant 16 : index
    %swap3A_364 = tpu.vector_load %arg14[%swap3A_362, %swap3A_363] {strides = array<i32>} : memref<128x128xf32, #tpu.memory_space<vmem>>, vector<16xf32>,
    tpu.vector_store %arg14[%swap3A_362, %swap3A_363], %broadcast_in_dim3A_3 {strides = array<i32>} : memref<128x128xf32, #tpu.memory_space<vmem>>, vector<16xf32>,
    %swap3A_365 = arith.constant 7 : i32
    %swap3A_366 = arith.index_cast %swap3A_365 : i32 to index
    %swap3A_367 = arith.constant 32 : index
    %swap3A_368 = tpu.vector_load %arg14[%swap3A_366, %swap3A_367] {strides = array<i32>} : memref<128x128xf32, #tpu.memory_space<vmem>>, vector<16xf32>,
    tpu.vector_store %arg14[%swap3A_366, %swap3A_367], %broadcast_in_dim3A_3 {strides = array<i32>} : memref<128x128xf32, #tpu.memory_space<vmem>>, vector<16xf32>,
    %swap3A_369 = arith.constant 7 : i32
    %swap3A_370 = arith.index_cast %swap3A_369 : i32 to index
    %swap3A_371 = arith.constant 48 : index
    %swap3A_372 = tpu.vector_load %arg14[%swap3A_370, %swap3A_371] {strides = array<i32>} : memref<128x128xf32, #tpu.memory_space<vmem>>, vector<16xf32>,
    tpu.vector_store %arg14[%swap3A_370, %swap3A_371], %broadcast_in_dim3A_3 {strides = array<i32>} : memref<128x128xf32, #tpu.memory_space<vmem>>, vector<16xf32>,
    %swap3A_373 = arith.constant 7 : i32
    %swap3A_374 = arith.index_cast %swap3A_373 : i32 to index
    %swap3A_375 = arith.constant 64 : index
    %swap3A_376 = tpu.vector_load %arg14[%swap3A_374, %swap3A_375] {strides = array<i32>} : memref<128x128xf32, #tpu.memory_space<vmem>>, vector<16xf32>,
    tpu.vector_store %arg14[%swap3A_374, %swap3A_375], %broadcast_in_dim3A_3 {strides = array<i32>} : memref<128x128xf32, #tpu.memory_space<vmem>>, vector<16xf32>,
    %swap3A_377 = arith.constant 7 : i32
    %swap3A_378 = arith.index_cast %swap3A_377 : i32 to index
    %swap3A_379 = arith.constant 80 : index
    %swap3A_380 = tpu.vector_load %arg14[%swap3A_378, %swap3A_379] {strides = array<i32>} : memref<128x128xf32, #tpu.memory_space<vmem>>, vector<16xf32>,
    tpu.vector_store %arg14[%swap3A_378, %swap3A_379], %broadcast_in_dim3A_3 {strides = array<i32>} : memref<128x128xf32, #tpu.memory_space<vmem>>, vector<16xf32>,
    %swap3A_381 = arith.constant 7 : i32
    %swap3A_382 = arith.index_cast %swap3A_381 : i32 to index
    %swap3A_383 = arith.constant 96 : index
    %swap3A_384 = tpu.vector_load %arg14[%swap3A_382, %swap3A_383] {strides = array<i32>} : memref<128x128xf32, #tpu.memory_space<vmem>>, vector<16xf32>,
    tpu.vector_store %arg14[%swap3A_382, %swap3A_383], %broadcast_in_dim3A_3 {strides = array<i32>} : memref<128x128xf32, #tpu.memory_space<vmem>>, vector<16xf32>,
    %swap3A_385 = arith.constant 7 : i32
    %swap3A_386 = arith.index_cast %swap3A_385 : i32 to index
    %swap3A_387 = arith.constant 112 : index
    %swap3A_388 = tpu.vector_load %arg14[%swap3A_386, %swap3A_387] {strides = array<i32>} : memref<128x128xf32, #tpu.memory_space<vmem>>, vector<16xf32>,
    tpu.vector_store %arg14[%swap3A_386, %swap3A_387], %broadcast_in_dim3A_3 {strides = array<i32>} : memref<128x128xf32, #tpu.memory_space<vmem>>, vector<16xf32>,
    %swap3A_389 = arith.constant 8 : i32
    %swap3A_390 = arith.index_cast %swap3A_389 : i32 to index
    %swap3A_391 = arith.constant 0 : index
    %swap3A_392 = tpu.vector_load %arg14[%swap3A_390, %swap3A_391] {strides = array<i32>} : memref<128x128xf32, #tpu.memory_space<vmem>>, vector<16xf32>,
    tpu.vector_store %arg14[%swap3A_390, %swap3A_391], %broadcast_in_dim3A_3 {strides = array<i32>} : memref<128x128xf32, #tpu.memory_space<vmem>>, vector<16xf32>,
    %swap3A_393 = arith.constant 8 : i32
    %swap3A_394 = arith.index_cast %swap3A_393 : i32 to index
    %swap3A_395 = arith.constant 16 : index
    %swap3A_396 = tpu.vector_load %arg14[%swap3A_394, %swap3A_395] {strides = array<i32>} : memref<128x128xf32, #tpu.memory_space<vmem>>, vector<16xf32>,
    tpu.vector_store %arg14[%swap3A_394, %swap3A_395], %broadcast_in_dim3A_3 {strides = array<i32>} : memref<128x128xf32, #tpu.memory_space<vmem>>, vector<16xf32>,
    %swap3A_397 = arith.constant 8 : i32
    %swap3A_398 = arith.index_cast %swap3A_397 : i32 to index
    %swap3A_399 = arith.constant 32 : index
    %swap3A_400 = tpu.vector_load %arg14[%swap3A_398, %swap3A_399] {strides = array<i32>} : memref<128x128xf32, #tpu.memory_space<vmem>>, vector<16xf32>,
    tpu.vector_store %arg14[%swap3A_398, %swap3A_399], %broadcast_in_dim3A_3 {strides = array<i32>} : memref<128x128xf32, #tpu.memory_space<vmem>>, vector<16xf32>,
    %swap3A_401 = arith.constant 8 : i32
    %swap3A_402 = arith.index_cast %swap3A_401 : i32 to index
    %swap3A_403 = arith.constant 48 : index
    %swap3A_404 = tpu.vector_load %arg14[%swap3A_402, %swap3A_403] {strides = array<i32>} : memref<128x128xf32, #tpu.memory_space<vmem>>, vector<16xf32>,
    tpu.vector_store %arg14[%swap3A_402, %swap3A_403], %broadcast_in_dim3A_3 {strides = array<i32>} : memref<128x128xf32, #tpu.memory_space<vmem>>, vector<16xf32>,
    %swap3A_405 = arith.constant 8 : i32
    %swap3A_406 = arith.index_cast %swap3A_405 : i32 to index
    %swap3A_407 = arith.constant 64 : index
    %swap3A_408 = tpu.vector_load %arg14[%swap3A_406, %swap3A_407] {strides = array<i32>} : memref<128x128xf32, #tpu.memory_space<vmem>>, vector<16xf32>,
    tpu.vector_store %arg14[%swap3A_406, %swap3A_407], %broadcast_in_dim3A_3 {strides = array<i32>} : memref<128x128xf32, #tpu.memory_space<vmem>>, vector<16xf32>,
    %swap3A_409 = arith.constant 8 : i32
    %swap3A_410 = arith.index_cast %swap3A_409 : i32 to index
    %swap3A_411 = arith.constant 80 : index
    %swap3A_412 = tpu.vector_load %arg14[%swap3A_410, %swap3A_411] {strides = array<i32>} : memref<128x128xf32, #tpu.memory_space<vmem>>, vector<16xf32>,
    tpu.vector_store %arg14[%swap3A_410, %swap3A_411], %broadcast_in_dim3A_3 {strides = array<i32>} : memref<128x128xf32, #tpu.memory_space<vmem>>, vector<16xf32>,
    %swap3A_413 = arith.constant 8 : i32
    %swap3A_414 = arith.index_cast %swap3A_413 : i32 to index
    %swap3A_415 = arith.constant 96 : index
    %swap3A_416 = tpu.vector_load %arg14[%swap3A_414, %swap3A_415] {strides = array<i32>} : memref<128x128xf32, #tpu.memory_space<vmem>>, vector<16xf32>,
    tpu.vector_store %arg14[%swap3A_414, %swap3A_415], %broadcast_in_dim3A_3 {strides = array<i32>} : memref<128x128xf32, #tpu.memory_space<vmem>>, vector<16xf32>,
    %swap3A_417 = arith.constant 8 : i32
    %swap3A_418 = arith.index_cast %swap3A_417 : i32 to index
    %swap3A_419 = arith.constant 112 : index
    %swap3A_420 = tpu.vector_load %arg14[%swap3A_418, %swap3A_419] {strides = array<i32>} : memref<128x128xf32, #tpu.memory_space<vmem>>, vector<16xf32>,
    tpu.vector_store %arg14[%swap3A_418, %swap3A_419], %broadcast_in_dim3A_3 {strides = array<i32>} : memref<128x128xf32, #tpu.memory_space<vmem>>, vector<16xf32>,
    %swap3A_421 = arith.constant 9 : i32
    %swap3A_422 = arith.index_cast %swap3A_421 : i32 to index
    %swap3A_423 = arith.constant 0 : index
    %swap3A_424 = tpu.vector_load %arg14[%swap3A_422, %swap3A_423] {strides = array<i32>} : memref<128x128xf32, #tpu.memory_space<vmem>>, vector<16xf32>,
    tpu.vector_store %arg14[%swap3A_422, %swap3A_423], %broadcast_in_dim3A_3 {strides = array<i32>} : memref<128x128xf32, #tpu.memory_space<vmem>>, vector<16xf32>,
    %swap3A_425 = arith.constant 9 : i32
    %swap3A_426 = arith.index_cast %swap3A_425 : i32 to index
    %swap3A_427 = arith.constant 16 : index
    %swap3A_428 = tpu.vector_load %arg14[%swap3A_426, %swap3A_427] {strides = array<i32>} : memref<128x128xf32, #tpu.memory_space<vmem>>, vector<16xf32>,
    tpu.vector_store %arg14[%swap3A_426, %swap3A_427], %broadcast_in_dim3A_3 {strides = array<i32>} : memref<128x128xf32, #tpu.memory_space<vmem>>, vector<16xf32>,
    %swap3A_429 = arith.constant 9 : i32
    %swap3A_430 = arith.index_cast %swap3A_429 : i32 to index
    %swap3A_431 = arith.constant 32 : index
    %swap3A_432 = tpu.vector_load %arg14[%swap3A_430, %swap3A_431] {strides = array<i32>} : memref<128x128xf32, #tpu.memory_space<vmem>>, vector<16xf32>,
    tpu.vector_store %arg14[%swap3A_430, %swap3A_431], %broadcast_in_dim3A_3 {strides = array<i32>} : memref<128x128xf32, #tpu.memory_space<vmem>>, vector<16xf32>,
    %swap3A_433 = arith.constant 9 : i32
    %swap3A_434 = arith.index_cast %swap3A_433 : i32 to index
    %swap3A_435 = arith.constant 48 : index
    %swap3A_436 = tpu.vector_load %arg14[%swap3A_434, %swap3A_435] {strides = array<i32>} : memref<128x128xf32, #tpu.memory_space<vmem>>, vector<16xf32>,
    tpu.vector_store %arg14[%swap3A_434, %swap3A_435], %broadcast_in_dim3A_3 {strides = array<i32>} : memref<128x128xf32, #tpu.memory_space<vmem>>, vector<16xf32>,
    %swap3A_437 = arith.constant 9 : i32
    %swap3A_438 = arith.index_cast %swap3A_437 : i32 to index
    %swap3A_439 = arith.constant 64 : index
    %swap3A_440 = tpu.vector_load %arg14[%swap3A_438, %swap3A_439] {strides = array<i32>} : memref<128x128xf32, #tpu.memory_space<vmem>>, vector<16xf32>,
    tpu.vector_store %arg14[%swap3A_438, %swap3A_439], %broadcast_in_dim3A_3 {strides = array<i32>} : memref<128x128xf32, #tpu.memory_space<vmem>>, vector<16xf32>,
    %swap3A_441 = arith.constant 9 : i32
    %swap3A_442 = arith.index_cast %swap3A_441 : i32 to index
    %swap3A_443 = arith.constant 80 : index
    %swap3A_444 = tpu.vector_load %arg14[%swap3A_442, %swap3A_443] {strides = array<i32>} : memref<128x128xf32, #tpu.memory_space<vmem>>, vector<16xf32>,
    tpu.vector_store %arg14[%swap3A_442, %swap3A_443], %broadcast_in_dim3A_3 {strides = array<i32>} : memref<128x128xf32, #tpu.memory_space<vmem>>, vector<16xf32>,
    %swap3A_445 = arith.constant 9 : i32
    %swap3A_446 = arith.index_cast %swap3A_445 : i32 to index
    %swap3A_447 = arith.constant 96 : index
    %swap3A_448 = tpu.vector_load %arg14[%swap3A_446, %swap3A_447] {strides = array<i32>} : memref<128x128xf32, #tpu.memory_space<vmem>>, vector<16xf32>,
    tpu.vector_store %arg14[%swap3A_446, %swap3A_447], %broadcast_in_dim3A_3 {strides = array<i32>} : memref<128x128xf32, #tpu.memory_space<vmem>>, vector<16xf32>,
    %swap3A_449 = arith.constant 9 : i32
    %swap3A_450 = arith.index_cast %swap3A_449 : i32 to index
    %swap3A_451 = arith.constant 112 : index
    %swap3A_452 = tpu.vector_load %arg14[%swap3A_450, %swap3A_451] {strides = array<i32>} : memref<128x128xf32, #tpu.memory_space<vmem>>, vector<16xf32>,
    tpu.vector_store %arg14[%swap3A_450, %swap3A_451], %broadcast_in_dim3A_3 {strides = array<i32>} : memref<128x128xf32, #tpu.memory_space<vmem>>, vector<16xf32>,
    %swap3A_453 = arith.constant 10 : i32
    %swap3A_454 = arith.index_cast %swap3A_453 : i32 to index
    %swap3A_455 = arith.constant 0 : index
    %swap3A_456 = tpu.vector_load %arg14[%swap3A_454, %swap3A_455] {strides = array<i32>} : memref<128x128xf32, #tpu.memory_space<vmem>>, vector<16xf32>,
    tpu.vector_store %arg14[%swap3A_454, %swap3A_455], %broadcast_in_dim3A_3 {strides = array<i32>} : memref<128x128xf32, #tpu.memory_space<vmem>>, vector<16xf32>,
    %swap3A_457 = arith.constant 10 : i32
    %swap3A_458 = arith.index_cast %swap3A_457 : i32 to index
    %swap3A_459 = arith.constant 16 : index
    %swap3A_460 = tpu.vector_load %arg14[%swap3A_458, %swap3A_459] {strides = array<i32>} : memref<128x128xf32, #tpu.memory_space<vmem>>, vector<16xf32>,
    tpu.vector_store %arg14[%swap3A_458, %swap3A_459], %broadcast_in_dim3A_3 {strides = array<i32>} : memref<128x128xf32, #tpu.memory_space<vmem>>, vector<16xf32>,
    %swap3A_461 = arith.constant 10 : i32
    %swap3A_462 = arith.index_cast %swap3A_461 : i32 to index
    %swap3A_463 = arith.constant 32 : index
    %swap3A_464 = tpu.vector_load %arg14[%swap3A_462, %swap3A_463] {strides = array<i32>} : memref<128x128xf32, #tpu.memory_space<vmem>>, vector<16xf32>,
    tpu.vector_store %arg14[%swap3A_462, %swap3A_463], %broadcast_in_dim3A_3 {strides = array<i32>} : memref<128x128xf32, #tpu.memory_space<vmem>>, vector<16xf32>,
    %swap3A_465 = arith.constant 10 : i32
    %swap3A_466 = arith.index_cast %swap3A_465 : i32 to index
    %swap3A_467 = arith.constant 48 : index
    %swap3A_468 = tpu.vector_load %arg14[%swap3A_466, %swap3A_467] {strides = array<i32>} : memref<128x128xf32, #tpu.memory_space<vmem>>, vector<16xf32>,
    tpu.vector_store %arg14[%swap3A_466, %swap3A_467], %broadcast_in_dim3A_3 {strides = array<i32>} : memref<128x128xf32, #tpu.memory_space<vmem>>, vector<16xf32>,
    %swap3A_469 = arith.constant 10 : i32
    %swap3A_470 = arith.index_cast %swap3A_469 : i32 to index
    %swap3A_471 = arith.constant 64 : index
    %swap3A_472 = tpu.vector_load %arg14[%swap3A_470, %swap3A_471] {strides = array<i32>} : memref<128x128xf32, #tpu.memory_space<vmem>>, vector<16xf32>,
    tpu.vector_store %arg14[%swap3A_470, %swap3A_471], %broadcast_in_dim3A_3 {strides = array<i32>} : memref<128x128xf32, #tpu.memory_space<vmem>>, vector<16xf32>,
    %swap3A_473 = arith.constant 10 : i32
    %swap3A_474 = arith.index_cast %swap3A_473 : i32 to index
    %swap3A_475 = arith.constant 80 : index
    %swap3A_476 = tpu.vector_load %arg14[%swap3A_474, %swap3A_475] {strides = array<i32>} : memref<128x128xf32, #tpu.memory_space<vmem>>, vector<16xf32>,
    tpu.vector_store %arg14[%swap3A_474, %swap3A_475], %broadcast_in_dim3A_3 {strides = array<i32>} : memref<128x128xf32, #tpu.memory_space<vmem>>, vector<16xf32>,
    %swap3A_477 = arith.constant 10 : i32
    %swap3A_478 = arith.index_cast %swap3A_477 : i32 to index
    %swap3A_479 = arith.constant 96 : index
    %swap3A_480 = tpu.vector_load %arg14[%swap3A_478, %swap3A_479] {strides = array<i32>} : memref<128x128xf32, #tpu.memory_space<vmem>>, vector<16xf32>,
    tpu.vector_store %arg14[%swap3A_478, %swap3A_479], %broadcast_in_dim3A_3 {strides = array<i32>} : memref<128x128xf32, #tpu.memory_space<vmem>>, vector<16xf32>,
    %swap3A_481 = arith.constant 10 : i32
    %swap3A_482 = arith.index_cast %swap3A_481 : i32 to index
    %swap3A_483 = arith.constant 112 : index
    %swap3A_484 = tpu.vector_load %arg14[%swap3A_482, %swap3A_483] {strides = array<i32>} : memref<128x128xf32, #tpu.memory_space<vmem>>, vector<16xf32>,
    tpu.vector_store %arg14[%swap3A_482, %swap3A_483], %broadcast_in_dim3A_3 {strides = array<i32>} : memref<128x128xf32, #tpu.memory_space<vmem>>, vector<16xf32>,
    %swap3A_485 = arith.constant 11 : i32
    %swap3A_486 = arith.index_cast %swap3A_485 : i32 to index
    %swap3A_487 = arith.constant 0 : index
    %swap3A_488 = tpu.vector_load %arg14[%swap3A_486, %swap3A_487] {strides = array<i32>} : memref<128x128xf32, #tpu.memory_space<vmem>>, vector<16xf32>,
    tpu.vector_store %arg14[%swap3A_486, %swap3A_487], %broadcast_in_dim3A_3 {strides = array<i32>} : memref<128x128xf32, #tpu.memory_space<vmem>>, vector<16xf32>,
    %swap3A_489 = arith.constant 11 : i32
    %swap3A_490 = arith.index_cast %swap3A_489 : i32 to index
    %swap3A_491 = arith.constant 16 : index
    %swap3A_492 = tpu.vector_load %arg14[%swap3A_490, %swap3A_491] {strides = array<i32>} : memref<128x128xf32, #tpu.memory_space<vmem>>, vector<16xf32>,
    tpu.vector_store %arg14[%swap3A_490, %swap3A_491], %broadcast_in_dim3A_3 {strides = array<i32>} : memref<128x128xf32, #tpu.memory_space<vmem>>, vector<16xf32>,
    %swap3A_493 = arith.constant 11 : i32
    %swap3A_494 = arith.index_cast %swap3A_493 : i32 to index
    %swap3A_495 = arith.constant 32 : index
    %swap3A_496 = tpu.vector_load %arg14[%swap3A_494, %swap3A_495] {strides = array<i32>} : memref<128x128xf32, #tpu.memory_space<vmem>>, vector<16xf32>,
    tpu.vector_store %arg14[%swap3A_494, %swap3A_495], %broadcast_in_dim3A_3 {strides = array<i32>} : memref<128x128xf32, #tpu.memory_space<vmem>>, vector<16xf32>,
    %swap3A_497 = arith.constant 11 : i32
    %swap3A_498 = arith.index_cast %swap3A_497 : i32 to index
    %swap3A_499 = arith.constant 48 : index
    %swap3A_500 = tpu.vector_load %arg14[%swap3A_498, %swap3A_499] {strides = array<i32>} : memref<128x128xf32, #tpu.memory_space<vmem>>, vector<16xf32>,
    tpu.vector_store %arg14[%swap3A_498, %swap3A_499], %broadcast_in_dim3A_3 {strides = array<i32>} : memref<128x128xf32, #tpu.memory_space<vmem>>, vector<16xf32>,
    %swap3A_501 = arith.constant 11 : i32
    %swap3A_502 = arith.index_cast %swap3A_501 : i32 to index
    %swap3A_503 = arith.constant 64 : index
    %swap3A_504 = tpu.vector_load %arg14[%swap3A_502, %swap3A_503] {strides = array<i32>} : memref<128x128xf32, #tpu.memory_space<vmem>>, vector<16xf32>,
    tpu.vector_store %arg14[%swap3A_502, %swap3A_503], %broadcast_in_dim3A_3 {strides = array<i32>} : memref<128x128xf32, #tpu.memory_space<vmem>>, vector<16xf32>,
    %swap3A_505 = arith.constant 11 : i32
    %swap3A_506 = arith.index_cast %swap3A_505 : i32 to index
    %swap3A_507 = arith.constant 80 : index
    %swap3A_508 = tpu.vector_load %arg14[%swap3A_506, %swap3A_507] {strides = array<i32>} : memref<128x128xf32, #tpu.memory_space<vmem>>, vector<16xf32>,
    tpu.vector_store %arg14[%swap3A_506, %swap3A_507], %broadcast_in_dim3A_3 {strides = array<i32>} : memref<128x128xf32, #tpu.memory_space<vmem>>, vector<16xf32>,
    %swap3A_509 = arith.constant 11 : i32
    %swap3A_510 = arith.index_cast %swap3A_509 : i32 to index
    %swap3A_511 = arith.constant 96 : index
    %swap3A_512 = tpu.vector_load %arg14[%swap3A_510, %swap3A_511] {strides = array<i32>} : memref<128x128xf32, #tpu.memory_space<vmem>>, vector<16xf32>,
    tpu.vector_store %arg14[%swap3A_510, %swap3A_511], %broadcast_in_dim3A_3 {strides = array<i32>} : memref<128x128xf32, #tpu.memory_space<vmem>>, vector<16xf32>,
    %swap3A_513 = arith.constant 11 : i32
    %swap3A_514 = arith.index_cast %swap3A_513 : i32 to index
    %swap3A_515 = arith.constant 112 : index
    %swap3A_516 = tpu.vector_load %arg14[%swap3A_514, %swap3A_515] {strides = array<i32>} : memref<128x128xf32, #tpu.memory_space<vmem>>, vector<16xf32>,
    tpu.vector_store %arg14[%swap3A_514, %swap3A_515], %broadcast_in_dim3A_3 {strides = array<i32>} : memref<128x128xf32, #tpu.memory_space<vmem>>, vector<16xf32>,
    %swap3A_517 = arith.constant 12 : i32
    %swap3A_518 = arith.index_cast %swap3A_517 : i32 to index
    %swap3A_519 = arith.constant 0 : index
    %swap3A_520 = tpu.vector_load %arg14[%swap3A_518, %swap3A_519] {strides = array<i32>} : memref<128x128xf32, #tpu.memory_space<vmem>>, vector<16xf32>,
    tpu.vector_store %arg14[%swap3A_518, %swap3A_519], %broadcast_in_dim3A_3 {strides = array<i32>} : memref<128x128xf32, #tpu.memory_space<vmem>>, vector<16xf32>,
    %swap3A_521 = arith.constant 12 : i32
    %swap3A_522 = arith.index_cast %swap3A_521 : i32 to index
    %swap3A_523 = arith.constant 16 : index
    %swap3A_524 = tpu.vector_load %arg14[%swap3A_522, %swap3A_523] {strides = array<i32>} : memref<128x128xf32, #tpu.memory_space<vmem>>, vector<16xf32>,
    tpu.vector_store %arg14[%swap3A_522, %swap3A_523], %broadcast_in_dim3A_3 {strides = array<i32>} : memref<128x128xf32, #tpu.memory_space<vmem>>, vector<16xf32>,
    %swap3A_525 = arith.constant 12 : i32
    %swap3A_526 = arith.index_cast %swap3A_525 : i32 to index
    %swap3A_527 = arith.constant 32 : index
    %swap3A_528 = tpu.vector_load %arg14[%swap3A_526, %swap3A_527] {strides = array<i32>} : memref<128x128xf32, #tpu.memory_space<vmem>>, vector<16xf32>,
    tpu.vector_store %arg14[%swap3A_526, %swap3A_527], %broadcast_in_dim3A_3 {strides = array<i32>} : memref<128x128xf32, #tpu.memory_space<vmem>>, vector<16xf32>,
    %swap3A_529 = arith.constant 12 : i32
    %swap3A_530 = arith.index_cast %swap3A_529 : i32 to index
    %swap3A_531 = arith.constant 48 : index
    %swap3A_532 = tpu.vector_load %arg14[%swap3A_530, %swap3A_531] {strides = array<i32>} : memref<128x128xf32, #tpu.memory_space<vmem>>, vector<16xf32>,
    tpu.vector_store %arg14[%swap3A_530, %swap3A_531], %broadcast_in_dim3A_3 {strides = array<i32>} : memref<128x128xf32, #tpu.memory_space<vmem>>, vector<16xf32>,
    %swap3A_533 = arith.constant 12 : i32
    %swap3A_534 = arith.index_cast %swap3A_533 : i32 to index
    %swap3A_535 = arith.constant 64 : index
    %swap3A_536 = tpu.vector_load %arg14[%swap3A_534, %swap3A_535] {strides = array<i32>} : memref<128x128xf32, #tpu.memory_space<vmem>>, vector<16xf32>,
    tpu.vector_store %arg14[%swap3A_534, %swap3A_535], %broadcast_in_dim3A_3 {strides = array<i32>} : memref<128x128xf32, #tpu.memory_space<vmem>>, vector<16xf32>,
    %swap3A_537 = arith.constant 12 : i32
    %swap3A_538 = arith.index_cast %swap3A_537 : i32 to index
    %swap3A_539 = arith.constant 80 : index
    %swap3A_540 = tpu.vector_load %arg14[%swap3A_538, %swap3A_539] {strides = array<i32>} : memref<128x128xf32, #tpu.memory_space<vmem>>, vector<16xf32>,
    tpu.vector_store %arg14[%swap3A_538, %swap3A_539], %broadcast_in_dim3A_3 {strides = array<i32>} : memref<128x128xf32, #tpu.memory_space<vmem>>, vector<16xf32>,
    %swap3A_541 = arith.constant 12 : i32
    %swap3A_542 = arith.index_cast %swap3A_541 : i32 to index
    %swap3A_543 = arith.constant 96 : index
    %swap3A_544 = tpu.vector_load %arg14[%swap3A_542, %swap3A_543] {strides = array<i32>} : memref<128x128xf32, #tpu.memory_space<vmem>>, vector<16xf32>,
    tpu.vector_store %arg14[%swap3A_542, %swap3A_543], %broadcast_in_dim3A_3 {strides = array<i32>} : memref<128x128xf32, #tpu.memory_space<vmem>>, vector<16xf32>,
    %swap3A_545 = arith.constant 12 : i32
    %swap3A_546 = arith.index_cast %swap3A_545 : i32 to index
    %swap3A_547 = arith.constant 112 : index
    %swap3A_548 = tpu.vector_load %arg14[%swap3A_546, %swap3A_547] {strides = array<i32>} : memref<128x128xf32, #tpu.memory_space<vmem>>, vector<16xf32>,
    tpu.vector_store %arg14[%swap3A_546, %swap3A_547], %broadcast_in_dim3A_3 {strides = array<i32>} : memref<128x128xf32, #tpu.memory_space<vmem>>, vector<16xf32>,
    %swap3A_549 = arith.constant 13 : i32
    %swap3A_550 = arith.index_cast %swap3A_549 : i32 to index
    %swap3A_551 = arith.constant 0 : index
    %swap3A_552 = tpu.vector_load %arg14[%swap3A_550, %swap3A_551] {strides = array<i32>} : memref<128x128xf32, #tpu.memory_space<vmem>>, vector<16xf32>,
    tpu.vector_store %arg14[%swap3A_550, %swap3A_551], %broadcast_in_dim3A_3 {strides = array<i32>} : memref<128x128xf32, #tpu.memory_space<vmem>>, vector<16xf32>,
    %swap3A_553 = arith.constant 13 : i32
    %swap3A_554 = arith.index_cast %swap3A_553 : i32 to index
    %swap3A_555 = arith.constant 16 : index
    %swap3A_556 = tpu.vector_load %arg14[%swap3A_554, %swap3A_555] {strides = array<i32>} : memref<128x128xf32, #tpu.memory_space<vmem>>, vector<16xf32>,
    tpu.vector_store %arg14[%swap3A_554, %swap3A_555], %broadcast_in_dim3A_3 {strides = array<i32>} : memref<128x128xf32, #tpu.memory_space<vmem>>, vector<16xf32>,
    %swap3A_557 = arith.constant 13 : i32
    %swap3A_558 = arith.index_cast %swap3A_557 : i32 to index
    %swap3A_559 = arith.constant 32 : index
    %swap3A_560 = tpu.vector_load %arg14[%swap3A_558, %swap3A_559] {strides = array<i32>} : memref<128x128xf32, #tpu.memory_space<vmem>>, vector<16xf32>,
    tpu.vector_store %arg14[%swap3A_558, %swap3A_559], %broadcast_in_dim3A_3 {strides = array<i32>} : memref<128x128xf32, #tpu.memory_space<vmem>>, vector<16xf32>,
    %swap3A_561 = arith.constant 13 : i32
    %swap3A_562 = arith.index_cast %swap3A_561 : i32 to index
    %swap3A_563 = arith.constant 48 : index
    %swap3A_564 = tpu.vector_load %arg14[%swap3A_562, %swap3A_563] {strides = array<i32>} : memref<128x128xf32, #tpu.memory_space<vmem>>, vector<16xf32>,
    tpu.vector_store %arg14[%swap3A_562, %swap3A_563], %broadcast_in_dim3A_3 {strides = array<i32>} : memref<128x128xf32, #tpu.memory_space<vmem>>, vector<16xf32>,
    %swap3A_565 = arith.constant 13 : i32
    %swap3A_566 = arith.index_cast %swap3A_565 : i32 to index
    %swap3A_567 = arith.constant 64 : index
    %swap3A_568 = tpu.vector_load %arg14[%swap3A_566, %swap3A_567] {strides = array<i32>} : memref<128x128xf32, #tpu.memory_space<vmem>>, vector<16xf32>,
    tpu.vector_store %arg14[%swap3A_566, %swap3A_567], %broadcast_in_dim3A_3 {strides = array<i32>} : memref<128x128xf32, #tpu.memory_space<vmem>>, vector<16xf32>,
    %swap3A_569 = arith.constant 13 : i32
    %swap3A_570 = arith.index_cast %swap3A_569 : i32 to index
    %swap3A_571 = arith.constant 80 : index
    %swap3A_572 = tpu.vector_load %arg14[%swap3A_570, %swap3A_571] {strides = array<i32>} : memref<128x128xf32, #tpu.memory_space<vmem>>, vector<16xf32>,
    tpu.vector_store %arg14[%swap3A_570, %swap3A_571], %broadcast_in_dim3A_3 {strides = array<i32>} : memref<128x128xf32, #tpu.memory_space<vmem>>, vector<16xf32>,
    %swap3A_573 = arith.constant 13 : i32
    %swap3A_574 = arith.index_cast %swap3A_573 : i32 to index
    %swap3A_575 = arith.constant 96 : index
    %swap3A_576 = tpu.vector_load %arg14[%swap3A_574, %swap3A_575] {strides = array<i32>} : memref<128x128xf32, #tpu.memory_space<vmem>>, vector<16xf32>,
    tpu.vector_store %arg14[%swap3A_574, %swap3A_575], %broadcast_in_dim3A_3 {strides = array<i32>} : memref<128x128xf32, #tpu.memory_space<vmem>>, vector<16xf32>,
    %swap3A_577 = arith.constant 13 : i32
    %swap3A_578 = arith.index_cast %swap3A_577 : i32 to index
    %swap3A_579 = arith.constant 112 : index
    %swap3A_580 = tpu.vector_load %arg14[%swap3A_578, %swap3A_579] {strides = array<i32>} : memref<128x128xf32, #tpu.memory_space<vmem>>, vector<16xf32>,
    tpu.vector_store %arg14[%swap3A_578, %swap3A_579], %broadcast_in_dim3A_3 {strides = array<i32>} : memref<128x128xf32, #tpu.memory_space<vmem>>, vector<16xf32>,
    %swap3A_581 = arith.constant 14 : i32
    %swap3A_582 = arith.index_cast %swap3A_581 : i32 to index
    %swap3A_583 = arith.constant 0 : index
    %swap3A_584 = tpu.vector_load %arg14[%swap3A_582, %swap3A_583] {strides = array<i32>} : memref<128x128xf32, #tpu.memory_space<vmem>>, vector<16xf32>,
    tpu.vector_store %arg14[%swap3A_582, %swap3A_583], %broadcast_in_dim3A_3 {strides = array<i32>} : memref<128x128xf32, #tpu.memory_space<vmem>>, vector<16xf32>,
    %swap3A_585 = arith.constant 14 : i32
    %swap3A_586 = arith.index_cast %swap3A_585 : i32 to index
    %swap3A_587 = arith.constant 16 : index
    %swap3A_588 = tpu.vector_load %arg14[%swap3A_586, %swap3A_587] {strides = array<i32>} : memref<128x128xf32, #tpu.memory_space<vmem>>, vector<16xf32>,
    tpu.vector_store %arg14[%swap3A_586, %swap3A_587], %broadcast_in_dim3A_3 {strides = array<i32>} : memref<128x128xf32, #tpu.memory_space<vmem>>, vector<16xf32>,
    %swap3A_589 = arith.constant 14 : i32
    %swap3A_590 = arith.index_cast %swap3A_589 : i32 to index
    %swap3A_591 = arith.constant 32 : index
    %swap3A_592 = tpu.vector_load %arg14[%swap3A_590, %swap3A_591] {strides = array<i32>} : memref<128x128xf32, #tpu.memory_space<vmem>>, vector<16xf32>,
    tpu.vector_store %arg14[%swap3A_590, %swap3A_591], %broadcast_in_dim3A_3 {strides = array<i32>} : memref<128x128xf32, #tpu.memory_space<vmem>>, vector<16xf32>,
    %swap3A_593 = arith.constant 14 : i32
    %swap3A_594 = arith.index_cast %swap3A_593 : i32 to index
    %swap3A_595 = arith.constant 48 : index
    %swap3A_596 = tpu.vector_load %arg14[%swap3A_594, %swap3A_595] {strides = array<i32>} : memref<128x128xf32, #tpu.memory_space<vmem>>, vector<16xf32>,
    tpu.vector_store %arg14[%swap3A_594, %swap3A_595], %broadcast_in_dim3A_3 {strides = array<i32>} : memref<128x128xf32, #tpu.memory_space<vmem>>, vector<16xf32>,
    %swap3A_597 = arith.constant 14 : i32
    %swap3A_598 = arith.index_cast %swap3A_597 : i32 to index
    %swap3A_599 = arith.constant 64 : index
    %swap3A_600 = tpu.vector_load %arg14[%swap3A_598, %swap3A_599] {strides = array<i32>} : memref<128x128xf32, #tpu.memory_space<vmem>>, vector<16xf32>,
    tpu.vector_store %arg14[%swap3A_598, %swap3A_599], %broadcast_in_dim3A_3 {strides = array<i32>} : memref<128x128xf32, #tpu.memory_space<vmem>>, vector<16xf32>,
    %swap3A_601 = arith.constant 14 : i32
    %swap3A_602 = arith.index_cast %swap3A_601 : i32 to index
    %swap3A_603 = arith.constant 80 : index
    %swap3A_604 = tpu.vector_load %arg14[%swap3A_602, %swap3A_603] {strides = array<i32>} : memref<128x128xf32, #tpu.memory_space<vmem>>, vector<16xf32>,
    tpu.vector_store %arg14[%swap3A_602, %swap3A_603], %broadcast_in_dim3A_3 {strides = array<i32>} : memref<128x128xf32, #tpu.memory_space<vmem>>, vector<16xf32>,
    %swap3A_605 = arith.constant 14 : i32
    %swap3A_606 = arith.index_cast %swap3A_605 : i32 to index
    %swap3A_607 = arith.constant 96 : index
    %swap3A_608 = tpu.vector_load %arg14[%swap3A_606, %swap3A_607] {strides = array<i32>} : memref<128x128xf32, #tpu.memory_space<vmem>>, vector<16xf32>,
    tpu.vector_store %arg14[%swap3A_606, %swap3A_607], %broadcast_in_dim3A_3 {strides = array<i32>} : memref<128x128xf32, #tpu.memory_space<vmem>>, vector<16xf32>,
    %swap3A_609 = arith.constant 14 : i32
    %swap3A_610 = arith.index_cast %swap3A_609 : i32 to index
    %swap3A_611 = arith.constant 112 : index
    %swap3A_612 = tpu.vector_load %arg14[%swap3A_610, %swap3A_611] {strides = array<i32>} : memref<128x128xf32, #tpu.memory_space<vmem>>, vector<16xf32>,
    tpu.vector_store %arg14[%swap3A_610, %swap3A_611], %broadcast_in_dim3A_3 {strides = array<i32>} : memref<128x128xf32, #tpu.memory_space<vmem>>, vector<16xf32>,
    %swap3A_613 = arith.constant 15 : i32
    %swap3A_614 = arith.index_cast %swap3A_613 : i32 to index
    %swap3A_615 = arith.constant 0 : index
    %swap3A_616 = tpu.vector_load %arg14[%swap3A_614, %swap3A_615] {strides = array<i32>} : memref<128x128xf32, #tpu.memory_space<vmem>>, vector<16xf32>,
    tpu.vector_store %arg14[%swap3A_614, %swap3A_615], %broadcast_in_dim3A_3 {strides = array<i32>} : memref<128x128xf32, #tpu.memory_space<vmem>>, vector<16xf32>,
    %swap3A_617 = arith.constant 15 : i32
    %swap3A_618 = arith.index_cast %swap3A_617 : i32 to index
    %swap3A_619 = arith.constant 16 : index
    %swap3A_620 = tpu.vector_load %arg14[%swap3A_618, %swap3A_619] {strides = array<i32>} : memref<128x128xf32, #tpu.memory_space<vmem>>, vector<16xf32>,
    tpu.vector_store %arg14[%swap3A_618, %swap3A_619], %broadcast_in_dim3A_3 {strides = array<i32>} : memref<128x128xf32, #tpu.memory_space<vmem>>, vector<16xf32>,
    %swap3A_621 = arith.constant 15 : i32
    %swap3A_622 = arith.index_cast %swap3A_621 : i32 to index
    %swap3A_623 = arith.constant 32 : index
    %swap3A_624 = tpu.vector_load %arg14[%swap3A_622, %swap3A_623] {strides = array<i32>} : memref<128x128xf32, #tpu.memory_space<vmem>>, vector<16xf32>,
    tpu.vector_store %arg14[%swap3A_622, %swap3A_623], %broadcast_in_dim3A_3 {strides = array<i32>} : memref<128x128xf32, #tpu.memory_space<vmem>>, vector<16xf32>,
    %swap3A_625 = arith.constant 15 : i32
    %swap3A_626 = arith.index_cast %swap3A_625 : i32 to index
    %swap3A_627 = arith.constant 48 : index
    %swap3A_628 = tpu.vector_load %arg14[%swap3A_626, %swap3A_627] {strides = array<i32>} : memref<128x128xf32, #tpu.memory_space<vmem>>, vector<16xf32>,
    tpu.vector_store %arg14[%swap3A_626, %swap3A_627], %broadcast_in_dim3A_3 {strides = array<i32>} : memref<128x128xf32, #tpu.memory_space<vmem>>, vector<16xf32>,
    %swap3A_629 = arith.constant 15 : i32
    %swap3A_630 = arith.index_cast %swap3A_629 : i32 to index
    %swap3A_631 = arith.constant 64 : index
    %swap3A_632 = tpu.vector_load %arg14[%swap3A_630, %swap3A_631] {strides = array<i32>} : memref<128x128xf32, #tpu.memory_space<vmem>>, vector<16xf32>,
    tpu.vector_store %arg14[%swap3A_630, %swap3A_631], %broadcast_in_dim3A_3 {strides = array<i32>} : memref<128x128xf32, #tpu.memory_space<vmem>>, vector<16xf32>,
    %swap3A_633 = arith.constant 15 : i32
    %swap3A_634 = arith.index_cast %swap3A_633 : i32 to index
    %swap3A_635 = arith.constant 80 : index
    %swap3A_636 = tpu.vector_load %arg14[%swap3A_634, %swap3A_635] {strides = array<i32>} : memref<128x128xf32, #tpu.memory_space<vmem>>, vector<16xf32>,
    tpu.vector_store %arg14[%swap3A_634, %swap3A_635], %broadcast_in_dim3A_3 {strides = array<i32>} : memref<128x128xf32, #tpu.memory_space<vmem>>, vector<16xf32>,
    %swap3A_637 = arith.constant 15 : i32
    %swap3A_638 = arith.index_cast %swap3A_637 : i32 to index
    %swap3A_639 = arith.constant 96 : index
    %swap3A_640 = tpu.vector_load %arg14[%swap3A_638, %swap3A_639] {strides = array<i32>} : memref<128x128xf32, #tpu.memory_space<vmem>>, vector<16xf32>,
    tpu.vector_store %arg14[%swap3A_638, %swap3A_639], %broadcast_in_dim3A_3 {strides = array<i32>} : memref<128x128xf32, #tpu.memory_space<vmem>>, vector<16xf32>,
    %swap3A_641 = arith.constant 15 : i32
    %swap3A_642 = arith.index_cast %swap3A_641 : i32 to index
    %swap3A_643 = arith.constant 112 : index
    %swap3A_644 = tpu.vector_load %arg14[%swap3A_642, %swap3A_643] {strides = array<i32>} : memref<128x128xf32, #tpu.memory_space<vmem>>, vector<16xf32>,
    tpu.vector_store %arg14[%swap3A_642, %swap3A_643], %broadcast_in_dim3A_3 {strides = array<i32>} : memref<128x128xf32, #tpu.memory_space<vmem>>, vector<16xf32>,
    %swap3A_645 = arith.constant 16 : i32
    %swap3A_646 = arith.index_cast %swap3A_645 : i32 to index
    %swap3A_647 = arith.constant 0 : index
    %swap3A_648 = tpu.vector_load %arg14[%swap3A_646, %swap3A_647] {strides = array<i32>} : memref<128x128xf32, #tpu.memory_space<vmem>>, vector<16xf32>,
    tpu.vector_store %arg14[%swap3A_646, %swap3A_647], %broadcast_in_dim3A_3 {strides = array<i32>} : memref<128x128xf32, #tpu.memory_space<vmem>>, vector<16xf32>,
    %swap3A_649 = arith.constant 16 : i32
    %swap3A_650 = arith.index_cast %swap3A_649 : i32 to index
    %swap3A_651 = arith.constant 16 : index
    %swap3A_652 = tpu.vector_load %arg14[%swap3A_650, %swap3A_651] {strides = array<i32>} : memref<128x128xf32, #tpu.memory_space<vmem>>, vector<16xf32>,
    tpu.vector_store %arg14[%swap3A_650, %swap3A_651], %broadcast_in_dim3A_3 {strides = array<i32>} : memref<128x128xf32, #tpu.memory_space<vmem>>, vector<16xf32>,
    %swap3A_653 = arith.constant 16 : i32
    %swap3A_654 = arith.index_cast %swap3A_653 : i32 to index
    %swap3A_655 = arith.constant 32 : index
    %swap3A_656 = tpu.vector_load %arg14[%swap3A_654, %swap3A_655] {strides = array<i32>} : memref<128x128xf32, #tpu.memory_space<vmem>>, vector<16xf32>,
    tpu.vector_store %arg14[%swap3A_654, %swap3A_655], %broadcast_in_dim3A_3 {strides = array<i32>} : memref<128x128xf32, #tpu.memory_space<vmem>>, vector<16xf32>,
    %swap3A_657 = arith.constant 16 : i32
    %swap3A_658 = arith.index_cast %swap3A_657 : i32 to index
    %swap3A_659 = arith.constant 48 : index
    %swap3A_660 = tpu.vector_load %arg14[%swap3A_658, %swap3A_659] {strides = array<i32>} : memref<128x128xf32, #tpu.memory_space<vmem>>, vector<16xf32>,
    tpu.vector_store %arg14[%swap3A_658, %swap3A_659], %broadcast_in_dim3A_3 {strides = array<i32>} : memref<128x128xf32, #tpu.memory_space<vmem>>, vector<16xf32>,
    %swap3A_661 = arith.constant 16 : i32
    %swap3A_662 = arith.index_cast %swap3A_661 : i32 to index
    %swap3A_663 = arith.constant 64 : index
    %swap3A_664 = tpu.vector_load %arg14[%swap3A_662, %swap3A_663] {strides = array<i32>} : memref<128x128xf32, #tpu.memory_space<vmem>>, vector<16xf32>,
    tpu.vector_store %arg14[%swap3A_662, %swap3A_663], %broadcast_in_dim3A_3 {strides = array<i32>} : memref<128x128xf32, #tpu.memory_space<vmem>>, vector<16xf32>,
    %swap3A_665 = arith.constant 16 : i32
    %swap3A_666 = arith.index_cast %swap3A_665 : i32 to index
    %swap3A_667 = arith.constant 80 : index
    %swap3A_668 = tpu.vector_load %arg14[%swap3A_666, %swap3A_667] {strides = array<i32>} : memref<128x128xf32, #tpu.memory_space<vmem>>, vector<16xf32>,
    tpu.vector_store %arg14[%swap3A_666, %swap3A_667], %broadcast_in_dim3A_3 {strides = array<i32>} : memref<128x128xf32, #tpu.memory_space<vmem>>, vector<16xf32>,
    %swap3A_669 = arith.constant 16 : i32
    %swap3A_670 = arith.index_cast %swap3A_669 : i32 to index
    %swap3A_671 = arith.constant 96 : index
    %swap3A_672 = tpu.vector_load %arg14[%swap3A_670, %swap3A_671] {strides = array<i32>} : memref<128x128xf32, #tpu.memory_space<vmem>>, vector<16xf32>,
    tpu.vector_store %arg14[%swap3A_670, %swap3A_671], %broadcast_in_dim3A_3 {strides = array<i32>} : memref<128x128xf32, #tpu.memory_space<vmem>>, vector<16xf32>,
    %swap3A_673 = arith.constant 16 : i32
    %swap3A_674 = arith.index_cast %swap3A_673 : i32 to index
    %swap3A_675 = arith.constant 112 : index
    %swap3A_676 = tpu.vector_load %arg14[%swap3A_674, %swap3A_675] {strides = array<i32>} : memref<128x128xf32, #tpu.memory_space<vmem>>, vector<16xf32>,
    tpu.vector_store %arg14[%swap3A_674, %swap3A_675], %broadcast_in_dim3A_3 {strides = array<i32>} : memref<128x128xf32, #tpu.memory_space<vmem>>, vector<16xf32>,
    %swap3A_677 = arith.constant 17 : i32
    %swap3A_678 = arith.index_cast %swap3A_677 : i32 to index
    %swap3A_679 = arith.constant 0 : index
    %swap3A_680 = tpu.vector_load %arg14[%swap3A_678, %swap3A_679] {strides = array<i32>} : memref<128x128xf32, #tpu.memory_space<vmem>>, vector<16xf32>,
    tpu.vector_store %arg14[%swap3A_678, %swap3A_679], %broadcast_in_dim3A_3 {strides = array<i32>} : memref<128x128xf32, #tpu.memory_space<vmem>>, vector<16xf32>,
    %swap3A_681 = arith.constant 17 : i32
    %swap3A_682 = arith.index_cast %swap3A_681 : i32 to index
    %swap3A_683 = arith.constant 16 : index
    %swap3A_684 = tpu.vector_load %arg14[%swap3A_682, %swap3A_683] {strides = array<i32>} : memref<128x128xf32, #tpu.memory_space<vmem>>, vector<16xf32>,
    tpu.vector_store %arg14[%swap3A_682, %swap3A_683], %broadcast_in_dim3A_3 {strides = array<i32>} : memref<128x128xf32, #tpu.memory_space<vmem>>, vector<16xf32>,
    %swap3A_685 = arith.constant 17 : i32
    %swap3A_686 = arith.index_cast %swap3A_685 : i32 to index
    %swap3A_687 = arith.constant 32 : index
    %swap3A_688 = tpu.vector_load %arg14[%swap3A_686, %swap3A_687] {strides = array<i32>} : memref<128x128xf32, #tpu.memory_space<vmem>>, vector<16xf32>,
    tpu.vector_store %arg14[%swap3A_686, %swap3A_687], %broadcast_in_dim3A_3 {strides = array<i32>} : memref<128x128xf32, #tpu.memory_space<vmem>>, vector<16xf32>,
    %swap3A_689 = arith.constant 17 : i32
    %swap3A_690 = arith.index_cast %swap3A_689 : i32 to index
    %swap3A_691 = arith.constant 48 : index
    %swap3A_692 = tpu.vector_load %arg14[%swap3A_690, %swap3A_691] {strides = array<i32>} : memref<128x128xf32, #tpu.memory_space<vmem>>, vector<16xf32>,
    tpu.vector_store %arg14[%swap3A_690, %swap3A_691], %broadcast_in_dim3A_3 {strides = array<i32>} : memref<128x128xf32, #tpu.memory_space<vmem>>, vector<16xf32>,
    %swap3A_693 = arith.constant 17 : i32
    %swap3A_694 = arith.index_cast %swap3A_693 : i32 to index
    %swap3A_695 = arith.constant 64 : index
    %swap3A_696 = tpu.vector_load %arg14[%swap3A_694, %swap3A_695] {strides = array<i32>} : memref<128x128xf32, #tpu.memory_space<vmem>>, vector<16xf32>,
    tpu.vector_store %arg14[%swap3A_694, %swap3A_695], %broadcast_in_dim3A_3 {strides = array<i32>} : memref<128x128xf32, #tpu.memory_space<vmem>>, vector<16xf32>,
    %swap3A_697 = arith.constant 17 : i32
    %swap3A_698 = arith.index_cast %swap3A_697 : i32 to index
    %swap3A_699 = arith.constant 80 : index
    %swap3A_700 = tpu.vector_load %arg14[%swap3A_698, %swap3A_699] {strides = array<i32>} : memref<128x128xf32, #tpu.memory_space<vmem>>, vector<16xf32>,
    tpu.vector_store %arg14[%swap3A_698, %swap3A_699], %broadcast_in_dim3A_3 {strides = array<i32>} : memref<128x128xf32, #tpu.memory_space<vmem>>, vector<16xf32>,
    %swap3A_701 = arith.constant 17 : i32
    %swap3A_702 = arith.index_cast %swap3A_701 : i32 to index
    %swap3A_703 = arith.constant 96 : index
    %swap3A_704 = tpu.vector_load %arg14[%swap3A_702, %swap3A_703] {strides = array<i32>} : memref<128x128xf32, #tpu.memory_space<vmem>>, vector<16xf32>,
    tpu.vector_store %arg14[%swap3A_702, %swap3A_703], %broadcast_in_dim3A_3 {strides = array<i32>} : memref<128x128xf32, #tpu.memory_space<vmem>>, vector<16xf32>,
    %swap3A_705 = arith.constant 17 : i32
    %swap3A_706 = arith.index_cast %swap3A_705 : i32 to index
    %swap3A_707 = arith.constant 112 : index
    %swap3A_708 = tpu.vector_load %arg14[%swap3A_706, %swap3A_707] {strides = array<i32>} : memref<128x128xf32, #tpu.memory_space<vmem>>, vector<16xf32>,
    tpu.vector_store %arg14[%swap3A_706, %swap3A_707], %broadcast_in_dim3A_3 {strides = array<i32>} : memref<128x128xf32, #tpu.memory_space<vmem>>, vector<16xf32>,
    %swap3A_709 = arith.constant 18 : i32
    %swap3A_710 = arith.index_cast %swap3A_709 : i32 to index
    %swap3A_711 = arith.constant 0 : index
    %swap3A_712 = tpu.vector_load %arg14[%swap3A_710, %swap3A_711] {strides = array<i32>} : memref<128x128xf32, #tpu.memory_space<vmem>>, vector<16xf32>,
    tpu.vector_store %arg14[%swap3A_710, %swap3A_711], %broadcast_in_dim3A_3 {strides = array<i32>} : memref<128x128xf32, #tpu.memory_space<vmem>>, vector<16xf32>,
    %swap3A_713 = arith.constant 18 : i32
    %swap3A_714 = arith.index_cast %swap3A_713 : i32 to index
    %swap3A_715 = arith.constant 16 : index
    %swap3A_716 = tpu.vector_load %arg14[%swap3A_714, %swap3A_715] {strides = array<i32>} : memref<128x128xf32, #tpu.memory_space<vmem>>, vector<16xf32>,
    tpu.vector_store %arg14[%swap3A_714, %swap3A_715], %broadcast_in_dim3A_3 {strides = array<i32>} : memref<128x128xf32, #tpu.memory_space<vmem>>, vector<16xf32>,
    %swap3A_717 = arith.constant 18 : i32
    %swap3A_718 = arith.index_cast %swap3A_717 : i32 to index
    %swap3A_719 = arith.constant 32 : index
    %swap3A_720 = tpu.vector_load %arg14[%swap3A_718, %swap3A_719] {strides = array<i32>} : memref<128x128xf32, #tpu.memory_space<vmem>>, vector<16xf32>,
    tpu.vector_store %arg14[%swap3A_718, %swap3A_719], %broadcast_in_dim3A_3 {strides = array<i32>} : memref<128x128xf32, #tpu.memory_space<vmem>>, vector<16xf32>,
    %swap3A_721 = arith.constant 18 : i32
    %swap3A_722 = arith.index_cast %swap3A_721 : i32 to index
    %swap3A_723 = arith.constant 48 : index
    %swap3A_724 = tpu.vector_load %arg14[%swap3A_722, %swap3A_723] {strides = array<i32>} : memref<128x128xf32, #tpu.memory_space<vmem>>, vector<16xf32>,
    tpu.vector_store %arg14[%swap3A_722, %swap3A_723], %broadcast_in_dim3A_3 {strides = array<i32>} : memref<128x128xf32, #tpu.memory_space<vmem>>, vector<16xf32>,
    %swap3A_725 = arith.constant 18 : i32
    %swap3A_726 = arith.index_cast %swap3A_725 : i32 to index
    %swap3A_727 = arith.constant 64 : index
    %swap3A_728 = tpu.vector_load %arg14[%swap3A_726, %swap3A_727] {strides = array<i32>} : memref<128x128xf32, #tpu.memory_space<vmem>>, vector<16xf32>,
    tpu.vector_store %arg14[%swap3A_726, %swap3A_727], %broadcast_in_dim3A_3 {strides = array<i32>} : memref<128x128xf32, #tpu.memory_space<vmem>>, vector<16xf32>,
    %swap3A_729 = arith.constant 18 : i32
    %swap3A_730 = arith.index_cast %swap3A_729 : i32 to index
    %swap3A_731 = arith.constant 80 : index
    %swap3A_732 = tpu.vector_load %arg14[%swap3A_730, %swap3A_731] {strides = array<i32>} : memref<128x128xf32, #tpu.memory_space<vmem>>, vector<16xf32>,
    tpu.vector_store %arg14[%swap3A_730, %swap3A_731], %broadcast_in_dim3A_3 {strides = array<i32>} : memref<128x128xf32, #tpu.memory_space<vmem>>, vector<16xf32>,
    %swap3A_733 = arith.constant 18 : i32
    %swap3A_734 = arith.index_cast %swap3A_733 : i32 to index
    %swap3A_735 = arith.constant 96 : index
    %swap3A_736 = tpu.vector_load %arg14[%swap3A_734, %swap3A_735] {strides = array<i32>} : memref<128x128xf32, #tpu.memory_space<vmem>>, vector<16xf32>,
    tpu.vector_store %arg14[%swap3A_734, %swap3A_735], %broadcast_in_dim3A_3 {strides = array<i32>} : memref<128x128xf32, #tpu.memory_space<vmem>>, vector<16xf32>,
    %swap3A_737 = arith.constant 18 : i32
    %swap3A_738 = arith.index_cast %swap3A_737 : i32 to index
    %swap3A_739 = arith.constant 112 : index
    %swap3A_740 = tpu.vector_load %arg14[%swap3A_738, %swap3A_739] {strides = array<i32>} : memref<128x128xf32, #tpu.memory_space<vmem>>, vector<16xf32>,
    tpu.vector_store %arg14[%swap3A_738, %swap3A_739], %broadcast_in_dim3A_3 {strides = array<i32>} : memref<128x128xf32, #tpu.memory_space<vmem>>, vector<16xf32>,
    %swap3A_741 = arith.constant 19 : i32
    %swap3A_742 = arith.index_cast %swap3A_741 : i32 to index
    %swap3A_743 = arith.constant 0 : index
    %swap3A_744 = tpu.vector_load %arg14[%swap3A_742, %swap3A_743] {strides = array<i32>} : memref<128x128xf32, #tpu.memory_space<vmem>>, vector<16xf32>,
    tpu.vector_store %arg14[%swap3A_742, %swap3A_743], %broadcast_in_dim3A_3 {strides = array<i32>} : memref<128x128xf32, #tpu.memory_space<vmem>>, vector<16xf32>,
    %swap3A_745 = arith.constant 19 : i32
    %swap3A_746 = arith.index_cast %swap3A_745 : i32 to index
    %swap3A_747 = arith.constant 16 : index
    %swap3A_748 = tpu.vector_load %arg14[%swap3A_746, %swap3A_747] {strides = array<i32>} : memref<128x128xf32, #tpu.memory_space<vmem>>, vector<16xf32>,
    tpu.vector_store %arg14[%swap3A_746, %swap3A_747], %broadcast_in_dim3A_3 {strides = array<i32>} : memref<128x128xf32, #tpu.memory_space<vmem>>, vector<16xf32>,
    %swap3A_749 = arith.constant 19 : i32
    %swap3A_750 = arith.index_cast %swap3A_749 : i32 to index
    %swap3A_751 = arith.constant 32 : index
    %swap3A_752 = tpu.vector_load %arg14[%swap3A_750, %swap3A_751] {strides = array<i32>} : memref<128x128xf32, #tpu.memory_space<vmem>>, vector<16xf32>,
    tpu.vector_store %arg14[%swap3A_750, %swap3A_751], %broadcast_in_dim3A_3 {strides = array<i32>} : memref<128x128xf32, #tpu.memory_space<vmem>>, vector<16xf32>,
    %swap3A_753 = arith.constant 19 : i32
    %swap3A_754 = arith.index_cast %swap3A_753 : i32 to index
    %swap3A_755 = arith.constant 48 : index
    %swap3A_756 = tpu.vector_load %arg14[%swap3A_754, %swap3A_755] {strides = array<i32>} : memref<128x128xf32, #tpu.memory_space<vmem>>, vector<16xf32>,
    tpu.vector_store %arg14[%swap3A_754, %swap3A_755], %broadcast_in_dim3A_3 {strides = array<i32>} : memref<128x128xf32, #tpu.memory_space<vmem>>, vector<16xf32>,
    %swap3A_757 = arith.constant 19 : i32
    %swap3A_758 = arith.index_cast %swap3A_757 : i32 to index
    %swap3A_759 = arith.constant 64 : index
    %swap3A_760 = tpu.vector_load %arg14[%swap3A_758, %swap3A_759] {strides = array<i32>} : memref<128x128xf32, #tpu.memory_space<vmem>>, vector<16xf32>,
    tpu.vector_store %arg14[%swap3A_758, %swap3A_759], %broadcast_in_dim3A_3 {strides = array<i32>} : memref<128x128xf32, #tpu.memory_space<vmem>>, vector<16xf32>,
    %swap3A_761 = arith.constant 19 : i32
    %swap3A_762 = arith.index_cast %swap3A_761 : i32 to index
    %swap3A_763 = arith.constant 80 : index
    %swap3A_764 = tpu.vector_load %arg14[%swap3A_762, %swap3A_763] {strides = array<i32>} : memref<128x128xf32, #tpu.memory_space<vmem>>, vector<16xf32>,
    tpu.vector_store %arg14[%swap3A_762, %swap3A_763], %broadcast_in_dim3A_3 {strides = array<i32>} : memref<128x128xf32, #tpu.memory_space<vmem>>, vector<16xf32>,
    %swap3A_765 = arith.constant 19 : i32
    %swap3A_766 = arith.index_cast %swap3A_765 : i32 to index
    %swap3A_767 = arith.constant 96 : index
    %swap3A_768 = tpu.vector_load %arg14[%swap3A_766, %swap3A_767] {strides = array<i32>} : memref<128x128xf32, #tpu.memory_space<vmem>>, vector<16xf32>,
    tpu.vector_store %arg14[%swap3A_766, %swap3A_767], %broadcast_in_dim3A_3 {strides = array<i32>} : memref<128x128xf32, #tpu.memory_space<vmem>>, vector<16xf32>,
    %swap3A_769 = arith.constant 19 : i32
    %swap3A_770 = arith.index_cast %swap3A_769 : i32 to index
    %swap3A_771 = arith.constant 112 : index
    %swap3A_772 = tpu.vector_load %arg14[%swap3A_770, %swap3A_771] {strides = array<i32>} : memref<128x128xf32, #tpu.memory_space<vmem>>, vector<16xf32>,
    tpu.vector_store %arg14[%swap3A_770, %swap3A_771], %broadcast_in_dim3A_3 {strides = array<i32>} : memref<128x128xf32, #tpu.memory_space<vmem>>, vector<16xf32>,
    %swap3A_773 = arith.constant 20 : i32
    %swap3A_774 = arith.index_cast %swap3A_773 : i32 to index
    %swap3A_775 = arith.constant 0 : index
    %swap3A_776 = tpu.vector_load %arg14[%swap3A_774, %swap3A_775] {strides = array<i32>} : memref<128x128xf32, #tpu.memory_space<vmem>>, vector<16xf32>,
    tpu.vector_store %arg14[%swap3A_774, %swap3A_775], %broadcast_in_dim3A_3 {strides = array<i32>} : memref<128x128xf32, #tpu.memory_space<vmem>>, vector<16xf32>,
    %swap3A_777 = arith.constant 20 : i32
    %swap3A_778 = arith.index_cast %swap3A_777 : i32 to index
    %swap3A_779 = arith.constant 16 : index
    %swap3A_780 = tpu.vector_load %arg14[%swap3A_778, %swap3A_779] {strides = array<i32>} : memref<128x128xf32, #tpu.memory_space<vmem>>, vector<16xf32>,
    tpu.vector_store %arg14[%swap3A_778, %swap3A_779], %broadcast_in_dim3A_3 {strides = array<i32>} : memref<128x128xf32, #tpu.memory_space<vmem>>, vector<16xf32>,
    %swap3A_781 = arith.constant 20 : i32
    %swap3A_782 = arith.index_cast %swap3A_781 : i32 to index
    %swap3A_783 = arith.constant 32 : index
    %swap3A_784 = tpu.vector_load %arg14[%swap3A_782, %swap3A_783] {strides = array<i32>} : memref<128x128xf32, #tpu.memory_space<vmem>>, vector<16xf32>,
    tpu.vector_store %arg14[%swap3A_782, %swap3A_783], %broadcast_in_dim3A_3 {strides = array<i32>} : memref<128x128xf32, #tpu.memory_space<vmem>>, vector<16xf32>,
    %swap3A_785 = arith.constant 20 : i32
    %swap3A_786 = arith.index_cast %swap3A_785 : i32 to index
    %swap3A_787 = arith.constant 48 : index
    %swap3A_788 = tpu.vector_load %arg14[%swap3A_786, %swap3A_787] {strides = array<i32>} : memref<128x128xf32, #tpu.memory_space<vmem>>, vector<16xf32>,
    tpu.vector_store %arg14[%swap3A_786, %swap3A_787], %broadcast_in_dim3A_3 {strides = array<i32>} : memref<128x128xf32, #tpu.memory_space<vmem>>, vector<16xf32>,
    %swap3A_789 = arith.constant 20 : i32
    %swap3A_790 = arith.index_cast %swap3A_789 : i32 to index
    %swap3A_791 = arith.constant 64 : index
    %swap3A_792 = tpu.vector_load %arg14[%swap3A_790, %swap3A_791] {strides = array<i32>} : memref<128x128xf32, #tpu.memory_space<vmem>>, vector<16xf32>,
    tpu.vector_store %arg14[%swap3A_790, %swap3A_791], %broadcast_in_dim3A_3 {strides = array<i32>} : memref<128x128xf32, #tpu.memory_space<vmem>>, vector<16xf32>,
    %swap3A_793 = arith.constant 20 : i32
    %swap3A_794 = arith.index_cast %swap3A_793 : i32 to index
    %swap3A_795 = arith.constant 80 : index
    %swap3A_796 = tpu.vector_load %arg14[%swap3A_794, %swap3A_795] {strides = array<i32>} : memref<128x128xf32, #tpu.memory_space<vmem>>, vector<16xf32>,
    tpu.vector_store %arg14[%swap3A_794, %swap3A_795], %broadcast_in_dim3A_3 {strides = array<i32>} : memref<128x128xf32, #tpu.memory_space<vmem>>, vector<16xf32>,
    %swap3A_797 = arith.constant 20 : i32
    %swap3A_798 = arith.index_cast %swap3A_797 : i32 to index
    %swap3A_799 = arith.constant 96 : index
    %swap3A_800 = tpu.vector_load %arg14[%swap3A_798, %swap3A_799] {strides = array<i32>} : memref<128x128xf32, #tpu.memory_space<vmem>>, vector<16xf32>,
    tpu.vector_store %arg14[%swap3A_798, %swap3A_799], %broadcast_in_dim3A_3 {strides = array<i32>} : memref<128x128xf32, #tpu.memory_space<vmem>>, vector<16xf32>,
    %swap3A_801 = arith.constant 20 : i32
    %swap3A_802 = arith.index_cast %swap3A_801 : i32 to index
    %swap3A_803 = arith.constant 112 : index
    %swap3A_804 = tpu.vector_load %arg14[%swap3A_802, %swap3A_803] {strides = array<i32>} : memref<128x128xf32, #tpu.memory_space<vmem>>, vector<16xf32>,
    tpu.vector_store %arg14[%swap3A_802, %swap3A_803], %broadcast_in_dim3A_3 {strides = array<i32>} : memref<128x128xf32, #tpu.memory_space<vmem>>, vector<16xf32>,
    %swap3A_805 = arith.constant 21 : i32
    %swap3A_806 = arith.index_cast %swap3A_805 : i32 to index
    %swap3A_807 = arith.constant 0 : index
    %swap3A_808 = tpu.vector_load %arg14[%swap3A_806, %swap3A_807] {strides = array<i32>} : memref<128x128xf32, #tpu.memory_space<vmem>>, vector<16xf32>,
    tpu.vector_store %arg14[%swap3A_806, %swap3A_807], %broadcast_in_dim3A_3 {strides = array<i32>} : memref<128x128xf32, #tpu.memory_space<vmem>>, vector<16xf32>,
    %swap3A_809 = arith.constant 21 : i32
    %swap3A_810 = arith.index_cast %swap3A_809 : i32 to index
    %swap3A_811 = arith.constant 16 : index
    %swap3A_812 = tpu.vector_load %arg14[%swap3A_810, %swap3A_811] {strides = array<i32>} : memref<128x128xf32, #tpu.memory_space<vmem>>, vector<16xf32>,
    tpu.vector_store %arg14[%swap3A_810, %swap3A_811], %broadcast_in_dim3A_3 {strides = array<i32>} : memref<128x128xf32, #tpu.memory_space<vmem>>, vector<16xf32>,
    %swap3A_813 = arith.constant 21 : i32
    %swap3A_814 = arith.index_cast %swap3A_813 : i32 to index
    %swap3A_815 = arith.constant 32 : index
    %swap3A_816 = tpu.vector_load %arg14[%swap3A_814, %swap3A_815] {strides = array<i32>} : memref<128x128xf32, #tpu.memory_space<vmem>>, vector<16xf32>,
    tpu.vector_store %arg14[%swap3A_814, %swap3A_815], %broadcast_in_dim3A_3 {strides = array<i32>} : memref<128x128xf32, #tpu.memory_space<vmem>>, vector<16xf32>,
    %swap3A_817 = arith.constant 21 : i32
    %swap3A_818 = arith.index_cast %swap3A_817 : i32 to index
    %swap3A_819 = arith.constant 48 : index
    %swap3A_820 = tpu.vector_load %arg14[%swap3A_818, %swap3A_819] {strides = array<i32>} : memref<128x128xf32, #tpu.memory_space<vmem>>, vector<16xf32>,
    tpu.vector_store %arg14[%swap3A_818, %swap3A_819], %broadcast_in_dim3A_3 {strides = array<i32>} : memref<128x128xf32, #tpu.memory_space<vmem>>, vector<16xf32>,
    %swap3A_821 = arith.constant 21 : i32
    %swap3A_822 = arith.index_cast %swap3A_821 : i32 to index
    %swap3A_823 = arith.constant 64 : index
    %swap3A_824 = tpu.vector_load %arg14[%swap3A_822, %swap3A_823] {strides = array<i32>} : memref<128x128xf32, #tpu.memory_space<vmem>>, vector<16xf32>,
    tpu.vector_store %arg14[%swap3A_822, %swap3A_823], %broadcast_in_dim3A_3 {strides = array<i32>} : memref<128x128xf32, #tpu.memory_space<vmem>>, vector<16xf32>,
    %swap3A_825 = arith.constant 21 : i32
    %swap3A_826 = arith.index_cast %swap3A_825 : i32 to index
    %swap3A_827 = arith.constant 80 : index
    %swap3A_828 = tpu.vector_load %arg14[%swap3A_826, %swap3A_827] {strides = array<i32>} : memref<128x128xf32, #tpu.memory_space<vmem>>, vector<16xf32>,
    tpu.vector_store %arg14[%swap3A_826, %swap3A_827], %broadcast_in_dim3A_3 {strides = array<i32>} : memref<128x128xf32, #tpu.memory_space<vmem>>, vector<16xf32>,
    %swap3A_829 = arith.constant 21 : i32
    %swap3A_830 = arith.index_cast %swap3A_829 : i32 to index
    %swap3A_831 = arith.constant 96 : index
    %swap3A_832 = tpu.vector_load %arg14[%swap3A_830, %swap3A_831] {strides = array<i32>} : memref<128x128xf32, #tpu.memory_space<vmem>>, vector<16xf32>,
    tpu.vector_store %arg14[%swap3A_830, %swap3A_831], %broadcast_in_dim3A_3 {strides = array<i32>} : memref<128x128xf32, #tpu.memory_space<vmem>>, vector<16xf32>,
    %swap3A_833 = arith.constant 21 : i32
    %swap3A_834 = arith.index_cast %swap3A_833 : i32 to index
    %swap3A_835 = arith.constant 112 : index
    %swap3A_836 = tpu.vector_load %arg14[%swap3A_834, %swap3A_835] {strides = array<i32>} : memref<128x128xf32, #tpu.memory_space<vmem>>, vector<16xf32>,
    tpu.vector_store %arg14[%swap3A_834, %swap3A_835], %broadcast_in_dim3A_3 {strides = array<i32>} : memref<128x128xf32, #tpu.memory_space<vmem>>, vector<16xf32>,
    %swap3A_837 = arith.constant 22 : i32
    %swap3A_838 = arith.index_cast %swap3A_837 : i32 to index
    %swap3A_839 = arith.constant 0 : index
    %swap3A_840 = tpu.vector_load %arg14[%swap3A_838, %swap3A_839] {strides = array<i32>} : memref<128x128xf32, #tpu.memory_space<vmem>>, vector<16xf32>,
    tpu.vector_store %arg14[%swap3A_838, %swap3A_839], %broadcast_in_dim3A_3 {strides = array<i32>} : memref<128x128xf32, #tpu.memory_space<vmem>>, vector<16xf32>,
    %swap3A_841 = arith.constant 22 : i32
    %swap3A_842 = arith.index_cast %swap3A_841 : i32 to index
    %swap3A_843 = arith.constant 16 : index
    %swap3A_844 = tpu.vector_load %arg14[%swap3A_842, %swap3A_843] {strides = array<i32>} : memref<128x128xf32, #tpu.memory_space<vmem>>, vector<16xf32>,
    tpu.vector_store %arg14[%swap3A_842, %swap3A_843], %broadcast_in_dim3A_3 {strides = array<i32>} : memref<128x128xf32, #tpu.memory_space<vmem>>, vector<16xf32>,
    %swap3A_845 = arith.constant 22 : i32
    %swap3A_846 = arith.index_cast %swap3A_845 : i32 to index
    %swap3A_847 = arith.constant 32 : index
    %swap3A_848 = tpu.vector_load %arg14[%swap3A_846, %swap3A_847] {strides = array<i32>} : memref<128x128xf32, #tpu.memory_space<vmem>>, vector<16xf32>,
    tpu.vector_store %arg14[%swap3A_846, %swap3A_847], %broadcast_in_dim3A_3 {strides = array<i32>} : memref<128x128xf32, #tpu.memory_space<vmem>>, vector<16xf32>,
    %swap3A_849 = arith.constant 22 : i32
    %swap3A_850 = arith.index_cast %swap3A_849 : i32 to index
    %swap3A_851 = arith.constant 48 : index
    %swap3A_852 = tpu.vector_load %arg14[%swap3A_850, %swap3A_851] {strides = array<i32>} : memref<128x128xf32, #tpu.memory_space<vmem>>, vector<16xf32>,
    tpu.vector_store %arg14[%swap3A_850, %swap3A_851], %broadcast_in_dim3A_3 {strides = array<i32>} : memref<128x128xf32, #tpu.memory_space<vmem>>, vector<16xf32>,
    %swap3A_853 = arith.constant 22 : i32
    %swap3A_854 = arith.index_cast %swap3A_853 : i32 to index
    %swap3A_855 = arith.constant 64 : index
    %swap3A_856 = tpu.vector_load %arg14[%swap3A_854, %swap3A_855] {strides = array<i32>} : memref<128x128xf32, #tpu.memory_space<vmem>>, vector<16xf32>,
    tpu.vector_store %arg14[%swap3A_854, %swap3A_855], %broadcast_in_dim3A_3 {strides = array<i32>} : memref<128x128xf32, #tpu.memory_space<vmem>>, vector<16xf32>,
    %swap3A_857 = arith.constant 22 : i32
    %swap3A_858 = arith.index_cast %swap3A_857 : i32 to index
    %swap3A_859 = arith.constant 80 : index
    %swap3A_860 = tpu.vector_load %arg14[%swap3A_858, %swap3A_859] {strides = array<i32>} : memref<128x128xf32, #tpu.memory_space<vmem>>, vector<16xf32>,
    tpu.vector_store %arg14[%swap3A_858, %swap3A_859], %broadcast_in_dim3A_3 {strides = array<i32>} : memref<128x128xf32, #tpu.memory_space<vmem>>, vector<16xf32>,
    %swap3A_861 = arith.constant 22 : i32
    %swap3A_862 = arith.index_cast %swap3A_861 : i32 to index
    %swap3A_863 = arith.constant 96 : index
    %swap3A_864 = tpu.vector_load %arg14[%swap3A_862, %swap3A_863] {strides = array<i32>} : memref<128x128xf32, #tpu.memory_space<vmem>>, vector<16xf32>,
    tpu.vector_store %arg14[%swap3A_862, %swap3A_863], %broadcast_in_dim3A_3 {strides = array<i32>} : memref<128x128xf32, #tpu.memory_space<vmem>>, vector<16xf32>,
    %swap3A_865 = arith.constant 22 : i32
    %swap3A_866 = arith.index_cast %swap3A_865 : i32 to index
    %swap3A_867 = arith.constant 112 : index
    %swap3A_868 = tpu.vector_load %arg14[%swap3A_866, %swap3A_867] {strides = array<i32>} : memref<128x128xf32, #tpu.memory_space<vmem>>, vector<16xf32>,
    tpu.vector_store %arg14[%swap3A_866, %swap3A_867], %broadcast_in_dim3A_3 {strides = array<i32>} : memref<128x128xf32, #tpu.memory_space<vmem>>, vector<16xf32>,
    %swap3A_869 = arith.constant 23 : i32
    %swap3A_870 = arith.index_cast %swap3A_869 : i32 to index
    %swap3A_871 = arith.constant 0 : index
    %swap3A_872 = tpu.vector_load %arg14[%swap3A_870, %swap3A_871] {strides = array<i32>} : memref<128x128xf32, #tpu.memory_space<vmem>>, vector<16xf32>,
    tpu.vector_store %arg14[%swap3A_870, %swap3A_871], %broadcast_in_dim3A_3 {strides = array<i32>} : memref<128x128xf32, #tpu.memory_space<vmem>>, vector<16xf32>,
    %swap3A_873 = arith.constant 23 : i32
    %swap3A_874 = arith.index_cast %swap3A_873 : i32 to index
    %swap3A_875 = arith.constant 16 : index
    %swap3A_876 = tpu.vector_load %arg14[%swap3A_874, %swap3A_875] {strides = array<i32>} : memref<128x128xf32, #tpu.memory_space<vmem>>, vector<16xf32>,
    tpu.vector_store %arg14[%swap3A_874, %swap3A_875], %broadcast_in_dim3A_3 {strides = array<i32>} : memref<128x128xf32, #tpu.memory_space<vmem>>, vector<16xf32>,
    %swap3A_877 = arith.constant 23 : i32
    %swap3A_878 = arith.index_cast %swap3A_877 : i32 to index
    %swap3A_879 = arith.constant 32 : index
    %swap3A_880 = tpu.vector_load %arg14[%swap3A_878, %swap3A_879] {strides = array<i32>} : memref<128x128xf32, #tpu.memory_space<vmem>>, vector<16xf32>,
    tpu.vector_store %arg14[%swap3A_878, %swap3A_879], %broadcast_in_dim3A_3 {strides = array<i32>} : memref<128x128xf32, #tpu.memory_space<vmem>>, vector<16xf32>,
    %swap3A_881 = arith.constant 23 : i32
    %swap3A_882 = arith.index_cast %swap3A_881 : i32 to index
    %swap3A_883 = arith.constant 48 : index
    %swap3A_884 = tpu.vector_load %arg14[%swap3A_882, %swap3A_883] {strides = array<i32>} : memref<128x128xf32, #tpu.memory_space<vmem>>, vector<16xf32>,
    tpu.vector_store %arg14[%swap3A_882, %swap3A_883], %broadcast_in_dim3A_3 {strides = array<i32>} : memref<128x128xf32, #tpu.memory_space<vmem>>, vector<16xf32>,
    %swap3A_885 = arith.constant 23 : i32
    %swap3A_886 = arith.index_cast %swap3A_885 : i32 to index
    %swap3A_887 = arith.constant 64 : index
    %swap3A_888 = tpu.vector_load %arg14[%swap3A_886, %swap3A_887] {strides = array<i32>} : memref<128x128xf32, #tpu.memory_space<vmem>>, vector<16xf32>,
    tpu.vector_store %arg14[%swap3A_886, %swap3A_887], %broadcast_in_dim3A_3 {strides = array<i32>} : memref<128x128xf32, #tpu.memory_space<vmem>>, vector<16xf32>,
    %swap3A_889 = arith.constant 23 : i32
    %swap3A_890 = arith.index_cast %swap3A_889 : i32 to index
    %swap3A_891 = arith.constant 80 : index
    %swap3A_892 = tpu.vector_load %arg14[%swap3A_890, %swap3A_891] {strides = array<i32>} : memref<128x128xf32, #tpu.memory_space<vmem>>, vector<16xf32>,
    tpu.vector_store %arg14[%swap3A_890, %swap3A_891], %broadcast_in_dim3A_3 {strides = array<i32>} : memref<128x128xf32, #tpu.memory_space<vmem>>, vector<16xf32>,
    %swap3A_893 = arith.constant 23 : i32
    %swap3A_894 = arith.index_cast %swap3A_893 : i32 to index
    %swap3A_895 = arith.constant 96 : index
    %swap3A_896 = tpu.vector_load %arg14[%swap3A_894, %swap3A_895] {strides = array<i32>} : memref<128x128xf32, #tpu.memory_space<vmem>>, vector<16xf32>,
    tpu.vector_store %arg14[%swap3A_894, %swap3A_895], %broadcast_in_dim3A_3 {strides = array<i32>} : memref<128x128xf32, #tpu.memory_space<vmem>>, vector<16xf32>,
    %swap3A_897 = arith.constant 23 : i32
    %swap3A_898 = arith.index_cast %swap3A_897 : i32 to index
    %swap3A_899 = arith.constant 112 : index
    %swap3A_900 = tpu.vector_load %arg14[%swap3A_898, %swap3A_899] {strides = array<i32>} : memref<128x128xf32, #tpu.memory_space<vmem>>, vector<16xf32>,
    tpu.vector_store %arg14[%swap3A_898, %swap3A_899], %broadcast_in_dim3A_3 {strides = array<i32>} : memref<128x128xf32, #tpu.memory_space<vmem>>, vector<16xf32>,
    %swap3A_901 = arith.constant 24 : i32
    %swap3A_902 = arith.index_cast %swap3A_901 : i32 to index
    %swap3A_903 = arith.constant 0 : index
    %swap3A_904 = tpu.vector_load %arg14[%swap3A_902, %swap3A_903] {strides = array<i32>} : memref<128x128xf32, #tpu.memory_space<vmem>>, vector<16xf32>,
    tpu.vector_store %arg14[%swap3A_902, %swap3A_903], %broadcast_in_dim3A_3 {strides = array<i32>} : memref<128x128xf32, #tpu.memory_space<vmem>>, vector<16xf32>,
    %swap3A_905 = arith.constant 24 : i32
    %swap3A_906 = arith.index_cast %swap3A_905 : i32 to index
    %swap3A_907 = arith.constant 16 : index
    %swap3A_908 = tpu.vector_load %arg14[%swap3A_906, %swap3A_907] {strides = array<i32>} : memref<128x128xf32, #tpu.memory_space<vmem>>, vector<16xf32>,
    tpu.vector_store %arg14[%swap3A_906, %swap3A_907], %broadcast_in_dim3A_3 {strides = array<i32>} : memref<128x128xf32, #tpu.memory_space<vmem>>, vector<16xf32>,
    %swap3A_909 = arith.constant 24 : i32
    %swap3A_910 = arith.index_cast %swap3A_909 : i32 to index
    %swap3A_911 = arith.constant 32 : index
    %swap3A_912 = tpu.vector_load %arg14[%swap3A_910, %swap3A_911] {strides = array<i32>} : memref<128x128xf32, #tpu.memory_space<vmem>>, vector<16xf32>,
    tpu.vector_store %arg14[%swap3A_910, %swap3A_911], %broadcast_in_dim3A_3 {strides = array<i32>} : memref<128x128xf32, #tpu.memory_space<vmem>>, vector<16xf32>,
    %swap3A_913 = arith.constant 24 : i32
    %swap3A_914 = arith.index_cast %swap3A_913 : i32 to index
    %swap3A_915 = arith.constant 48 : index
    %swap3A_916 = tpu.vector_load %arg14[%swap3A_914, %swap3A_915] {strides = array<i32>} : memref<128x128xf32, #tpu.memory_space<vmem>>, vector<16xf32>,
    tpu.vector_store %arg14[%swap3A_914, %swap3A_915], %broadcast_in_dim3A_3 {strides = array<i32>} : memref<128x128xf32, #tpu.memory_space<vmem>>, vector<16xf32>,
    %swap3A_917 = arith.constant 24 : i32
    %swap3A_918 = arith.index_cast %swap3A_917 : i32 to index
    %swap3A_919 = arith.constant 64 : index
    %swap3A_920 = tpu.vector_load %arg14[%swap3A_918, %swap3A_919] {strides = array<i32>} : memref<128x128xf32, #tpu.memory_space<vmem>>, vector<16xf32>,
    tpu.vector_store %arg14[%swap3A_918, %swap3A_919], %broadcast_in_dim3A_3 {strides = array<i32>} : memref<128x128xf32, #tpu.memory_space<vmem>>, vector<16xf32>,
    %swap3A_921 = arith.constant 24 : i32
    %swap3A_922 = arith.index_cast %swap3A_921 : i32 to index
    %swap3A_923 = arith.constant 80 : index
    %swap3A_924 = tpu.vector_load %arg14[%swap3A_922, %swap3A_923] {strides = array<i32>} : memref<128x128xf32, #tpu.memory_space<vmem>>, vector<16xf32>,
    tpu.vector_store %arg14[%swap3A_922, %swap3A_923], %broadcast_in_dim3A_3 {strides = array<i32>} : memref<128x128xf32, #tpu.memory_space<vmem>>, vector<16xf32>,
    %swap3A_925 = arith.constant 24 : i32
    %swap3A_926 = arith.index_cast %swap3A_925 : i32 to index
    %swap3A_927 = arith.constant 96 : index
    %swap3A_928 = tpu.vector_load %arg14[%swap3A_926, %swap3A_927] {strides = array<i32>} : memref<128x128xf32, #tpu.memory_space<vmem>>, vector<16xf32>,
    tpu.vector_store %arg14[%swap3A_926, %swap3A_927], %broadcast_in_dim3A_3 {strides = array<i32>} : memref<128x128xf32, #tpu.memory_space<vmem>>, vector<16xf32>,
    %swap3A_929 = arith.constant 24 : i32
    %swap3A_930 = arith.index_cast %swap3A_929 : i32 to index
    %swap3A_931 = arith.constant 112 : index
    %swap3A_932 = tpu.vector_load %arg14[%swap3A_930, %swap3A_931] {strides = array<i32>} : memref<128x128xf32, #tpu.memory_space<vmem>>, vector<16xf32>,
    tpu.vector_store %arg14[%swap3A_930, %swap3A_931], %broadcast_in_dim3A_3 {strides = array<i32>} : memref<128x128xf32, #tpu.memory_space<vmem>>, vector<16xf32>,
    %swap3A_933 = arith.constant 25 : i32
    %swap3A_934 = arith.index_cast %swap3A_933 : i32 to index
    %swap3A_935 = arith.constant 0 : index
    %swap3A_936 = tpu.vector_load %arg14[%swap3A_934, %swap3A_935] {strides = array<i32>} : memref<128x128xf32, #tpu.memory_space<vmem>>, vector<16xf32>,
    tpu.vector_store %arg14[%swap3A_934, %swap3A_935], %broadcast_in_dim3A_3 {strides = array<i32>} : memref<128x128xf32, #tpu.memory_space<vmem>>, vector<16xf32>,
    %swap3A_937 = arith.constant 25 : i32
    %swap3A_938 = arith.index_cast %swap3A_937 : i32 to index
    %swap3A_939 = arith.constant 16 : index
    %swap3A_940 = tpu.vector_load %arg14[%swap3A_938, %swap3A_939] {strides = array<i32>} : memref<128x128xf32, #tpu.memory_space<vmem>>, vector<16xf32>,
    tpu.vector_store %arg14[%swap3A_938, %swap3A_939], %broadcast_in_dim3A_3 {strides = array<i32>} : memref<128x128xf32, #tpu.memory_space<vmem>>, vector<16xf32>,
    %swap3A_941 = arith.constant 25 : i32
    %swap3A_942 = arith.index_cast %swap3A_941 : i32 to index
    %swap3A_943 = arith.constant 32 : index
    %swap3A_944 = tpu.vector_load %arg14[%swap3A_942, %swap3A_943] {strides = array<i32>} : memref<128x128xf32, #tpu.memory_space<vmem>>, vector<16xf32>,
    tpu.vector_store %arg14[%swap3A_942, %swap3A_943], %broadcast_in_dim3A_3 {strides = array<i32>} : memref<128x128xf32, #tpu.memory_space<vmem>>, vector<16xf32>,
    %swap3A_945 = arith.constant 25 : i32
    %swap3A_946 = arith.index_cast %swap3A_945 : i32 to index
    %swap3A_947 = arith.constant 48 : index
    %swap3A_948 = tpu.vector_load %arg14[%swap3A_946, %swap3A_947] {strides = array<i32>} : memref<128x128xf32, #tpu.memory_space<vmem>>, vector<16xf32>,
    tpu.vector_store %arg14[%swap3A_946, %swap3A_947], %broadcast_in_dim3A_3 {strides = array<i32>} : memref<128x128xf32, #tpu.memory_space<vmem>>, vector<16xf32>,
    %swap3A_949 = arith.constant 25 : i32
    %swap3A_950 = arith.index_cast %swap3A_949 : i32 to index
    %swap3A_951 = arith.constant 64 : index
    %swap3A_952 = tpu.vector_load %arg14[%swap3A_950, %swap3A_951] {strides = array<i32>} : memref<128x128xf32, #tpu.memory_space<vmem>>, vector<16xf32>,
    tpu.vector_store %arg14[%swap3A_950, %swap3A_951], %broadcast_in_dim3A_3 {strides = array<i32>} : memref<128x128xf32, #tpu.memory_space<vmem>>, vector<16xf32>,
    %swap3A_953 = arith.constant 25 : i32
    %swap3A_954 = arith.index_cast %swap3A_953 : i32 to index
    %swap3A_955 = arith.constant 80 : index
    %swap3A_956 = tpu.vector_load %arg14[%swap3A_954, %swap3A_955] {strides = array<i32>} : memref<128x128xf32, #tpu.memory_space<vmem>>, vector<16xf32>,
    tpu.vector_store %arg14[%swap3A_954, %swap3A_955], %broadcast_in_dim3A_3 {strides = array<i32>} : memref<128x128xf32, #tpu.memory_space<vmem>>, vector<16xf32>,
    %swap3A_957 = arith.constant 25 : i32
    %swap3A_958 = arith.index_cast %swap3A_957 : i32 to index
    %swap3A_959 = arith.constant 96 : index
    %swap3A_960 = tpu.vector_load %arg14[%swap3A_958, %swap3A_959] {strides = array<i32>} : memref<128x128xf32, #tpu.memory_space<vmem>>, vector<16xf32>,
    tpu.vector_store %arg14[%swap3A_958, %swap3A_959], %broadcast_in_dim3A_3 {strides = array<i32>} : memref<128x128xf32, #tpu.memory_space<vmem>>, vector<16xf32>,
    %swap3A_961 = arith.constant 25 : i32
    %swap3A_962 = arith.index_cast %swap3A_961 : i32 to index
    %swap3A_963 = arith.constant 112 : index
    %swap3A_964 = tpu.vector_load %arg14[%swap3A_962, %swap3A_963] {strides = array<i32>} : memref<128x128xf32, #tpu.memory_space<vmem>>, vector<16xf32>,
    tpu.vector_store %arg14[%swap3A_962, %swap3A_963], %broadcast_in_dim3A_3 {strides = array<i32>} : memref<128x128xf32, #tpu.memory_space<vmem>>, vector<16xf32>,
    %swap3A_965 = arith.constant 26 : i32
    %swap3A_966 = arith.index_cast %swap3A_965 : i32 to index
    %swap3A_967 = arith.constant 0 : index
    %swap3A_968 = tpu.vector_load %arg14[%swap3A_966, %swap3A_967] {strides = array<i32>} : memref<128x128xf32, #tpu.memory_space<vmem>>, vector<16xf32>,
    tpu.vector_store %arg14[%swap3A_966, %swap3A_967], %broadcast_in_dim3A_3 {strides = array<i32>} : memref<128x128xf32, #tpu.memory_space<vmem>>, vector<16xf32>,
    %swap3A_969 = arith.constant 26 : i32
    %swap3A_970 = arith.index_cast %swap3A_969 : i32 to index
    %swap3A_971 = arith.constant 16 : index
    %swap3A_972 = tpu.vector_load %arg14[%swap3A_970, %swap3A_971] {strides = array<i32>} : memref<128x128xf32, #tpu.memory_space<vmem>>, vector<16xf32>,
    tpu.vector_store %arg14[%swap3A_970, %swap3A_971], %broadcast_in_dim3A_3 {strides = array<i32>} : memref<128x128xf32, #tpu.memory_space<vmem>>, vector<16xf32>,
    %swap3A_973 = arith.constant 26 : i32
    %swap3A_974 = arith.index_cast %swap3A_973 : i32 to index
    %swap3A_975 = arith.constant 32 : index
    %swap3A_976 = tpu.vector_load %arg14[%swap3A_974, %swap3A_975] {strides = array<i32>} : memref<128x128xf32, #tpu.memory_space<vmem>>, vector<16xf32>,
    tpu.vector_store %arg14[%swap3A_974, %swap3A_975], %broadcast_in_dim3A_3 {strides = array<i32>} : memref<128x128xf32, #tpu.memory_space<vmem>>, vector<16xf32>,
    %swap3A_977 = arith.constant 26 : i32
    %swap3A_978 = arith.index_cast %swap3A_977 : i32 to index
    %swap3A_979 = arith.constant 48 : index
    %swap3A_980 = tpu.vector_load %arg14[%swap3A_978, %swap3A_979] {strides = array<i32>} : memref<128x128xf32, #tpu.memory_space<vmem>>, vector<16xf32>,
    tpu.vector_store %arg14[%swap3A_978, %swap3A_979], %broadcast_in_dim3A_3 {strides = array<i32>} : memref<128x128xf32, #tpu.memory_space<vmem>>, vector<16xf32>,
    %swap3A_981 = arith.constant 26 : i32
    %swap3A_982 = arith.index_cast %swap3A_981 : i32 to index
    %swap3A_983 = arith.constant 64 : index
    %swap3A_984 = tpu.vector_load %arg14[%swap3A_982, %swap3A_983] {strides = array<i32>} : memref<128x128xf32, #tpu.memory_space<vmem>>, vector<16xf32>,
    tpu.vector_store %arg14[%swap3A_982, %swap3A_983], %broadcast_in_dim3A_3 {strides = array<i32>} : memref<128x128xf32, #tpu.memory_space<vmem>>, vector<16xf32>,
    %swap3A_985 = arith.constant 26 : i32
    %swap3A_986 = arith.index_cast %swap3A_985 : i32 to index
    %swap3A_987 = arith.constant 80 : index
    %swap3A_988 = tpu.vector_load %arg14[%swap3A_986, %swap3A_987] {strides = array<i32>} : memref<128x128xf32, #tpu.memory_space<vmem>>, vector<16xf32>,
    tpu.vector_store %arg14[%swap3A_986, %swap3A_987], %broadcast_in_dim3A_3 {strides = array<i32>} : memref<128x128xf32, #tpu.memory_space<vmem>>, vector<16xf32>,
    %swap3A_989 = arith.constant 26 : i32
    %swap3A_990 = arith.index_cast %swap3A_989 : i32 to index
    %swap3A_991 = arith.constant 96 : index
    %swap3A_992 = tpu.vector_load %arg14[%swap3A_990, %swap3A_991] {strides = array<i32>} : memref<128x128xf32, #tpu.memory_space<vmem>>, vector<16xf32>,
    tpu.vector_store %arg14[%swap3A_990, %swap3A_991], %broadcast_in_dim3A_3 {strides = array<i32>} : memref<128x128xf32, #tpu.memory_space<vmem>>, vector<16xf32>,
    %swap3A_993 = arith.constant 26 : i32
    %swap3A_994 = arith.index_cast %swap3A_993 : i32 to index
    %swap3A_995 = arith.constant 112 : index
    %swap3A_996 = tpu.vector_load %arg14[%swap3A_994, %swap3A_995] {strides = array<i32>} : memref<128x128xf32, #tpu.memory_space<vmem>>, vector<16xf32>,
    tpu.vector_store %arg14[%swap3A_994, %swap3A_995], %broadcast_in_dim3A_3 {strides = array<i32>} : memref<128x128xf32, #tpu.memory_space<vmem>>, vector<16xf32>,
    %swap3A_997 = arith.constant 27 : i32
    %swap3A_998 = arith.index_cast %swap3A_997 : i32 to index
    %swap3A_999 = arith.constant 0 : index
    %swap3A_1000 = tpu.vector_load %arg14[%swap3A_998, %swap3A_999] {strides = array<i32>} : memref<128x128xf32, #tpu.memory_space<vmem>>, vector<16xf32>,
    tpu.vector_store %arg14[%swap3A_998, %swap3A_999], %broadcast_in_dim3A_3 {strides = array<i32>} : memref<128x128xf32, #tpu.memory_space<vmem>>, vector<16xf32>,
    %swap3A_1001 = arith.constant 27 : i32
    %swap3A_1002 = arith.index_cast %swap3A_1001 : i32 to index
    %swap3A_1003 = arith.constant 16 : index
    %swap3A_1004 = tpu.vector_load %arg14[%swap3A_1002, %swap3A_1003] {strides = array<i32>} : memref<128x128xf32, #tpu.memory_space<vmem>>, vector<16xf32>,
    tpu.vector_store %arg14[%swap3A_1002, %swap3A_1003], %broadcast_in_dim3A_3 {strides = array<i32>} : memref<128x128xf32, #tpu.memory_space<vmem>>, vector<16xf32>,
    %swap3A_1005 = arith.constant 27 : i32
    %swap3A_1006 = arith.index_cast %swap3A_1005 : i32 to index
    %swap3A_1007 = arith.constant 32 : index
    %swap3A_1008 = tpu.vector_load %arg14[%swap3A_1006, %swap3A_1007] {strides = array<i32>} : memref<128x128xf32, #tpu.memory_space<vmem>>, vector<16xf32>,
    tpu.vector_store %arg14[%swap3A_1006, %swap3A_1007], %broadcast_in_dim3A_3 {strides = array<i32>} : memref<128x128xf32, #tpu.memory_space<vmem>>, vector<16xf32>,
    %swap3A_1009 = arith.constant 27 : i32
    %swap3A_1010 = arith.index_cast %swap3A_1009 : i32 to index
    %swap3A_1011 = arith.constant 48 : index
    %swap3A_1012 = tpu.vector_load %arg14[%swap3A_1010, %swap3A_1011] {strides = array<i32>} : memref<128x128xf32, #tpu.memory_space<vmem>>, vector<16xf32>,
    tpu.vector_store %arg14[%swap3A_1010, %swap3A_1011], %broadcast_in_dim3A_3 {strides = array<i32>} : memref<128x128xf32, #tpu.memory_space<vmem>>, vector<16xf32>,
    %swap3A_1013 = arith.constant 27 : i32
    %swap3A_1014 = arith.index_cast %swap3A_1013 : i32 to index
    %swap3A_1015 = arith.constant 64 : index
    %swap3A_1016 = tpu.vector_load %arg14[%swap3A_1014, %swap3A_1015] {strides = array<i32>} : memref<128x128xf32, #tpu.memory_space<vmem>>, vector<16xf32>,
    tpu.vector_store %arg14[%swap3A_1014, %swap3A_1015], %broadcast_in_dim3A_3 {strides = array<i32>} : memref<128x128xf32, #tpu.memory_space<vmem>>, vector<16xf32>,
    %swap3A_1017 = arith.constant 27 : i32
    %swap3A_1018 = arith.index_cast %swap3A_1017 : i32 to index
    %swap3A_1019 = arith.constant 80 : index
    %swap3A_1020 = tpu.vector_load %arg14[%swap3A_1018, %swap3A_1019] {strides = array<i32>} : memref<128x128xf32, #tpu.memory_space<vmem>>, vector<16xf32>,
    tpu.vector_store %arg14[%swap3A_1018, %swap3A_1019], %broadcast_in_dim3A_3 {strides = array<i32>} : memref<128x128xf32, #tpu.memory_space<vmem>>, vector<16xf32>,
    %swap3A_1021 = arith.constant 27 : i32
    %swap3A_1022 = arith.index_cast %swap3A_1021 : i32 to index
    %swap3A_1023 = arith.constant 96 : index
    %swap3A_1024 = tpu.vector_load %arg14[%swap3A_1022, %swap3A_1023] {strides = array<i32>} : memref<128x128xf32, #tpu.memory_space<vmem>>, vector<16xf32>,
    tpu.vector_store %arg14[%swap3A_1022, %swap3A_1023], %broadcast_in_dim3A_3 {strides = array<i32>} : memref<128x128xf32, #tpu.memory_space<vmem>>, vector<16xf32>,
    %swap3A_1025 = arith.constant 27 : i32
    %swap3A_1026 = arith.index_cast %swap3A_1025 : i32 to index
    %swap3A_1027 = arith.constant 112 : index
    %swap3A_1028 = tpu.vector_load %arg14[%swap3A_1026, %swap3A_1027] {strides = array<i32>} : memref<128x128xf32, #tpu.memory_space<vmem>>, vector<16xf32>,
    tpu.vector_store %arg14[%swap3A_1026, %swap3A_1027], %broadcast_in_dim3A_3 {strides = array<i32>} : memref<128x128xf32, #tpu.memory_space<vmem>>, vector<16xf32>,
    %swap3A_1029 = arith.constant 28 : i32
    %swap3A_1030 = arith.index_cast %swap3A_1029 : i32 to index
    %swap3A_1031 = arith.constant 0 : index
    %swap3A_1032 = tpu.vector_load %arg14[%swap3A_1030, %swap3A_1031] {strides = array<i32>} : memref<128x128xf32, #tpu.memory_space<vmem>>, vector<16xf32>,
    tpu.vector_store %arg14[%swap3A_1030, %swap3A_1031], %broadcast_in_dim3A_3 {strides = array<i32>} : memref<128x128xf32, #tpu.memory_space<vmem>>, vector<16xf32>,
    %swap3A_1033 = arith.constant 28 : i32
    %swap3A_1034 = arith.index_cast %swap3A_1033 : i32 to index
    %swap3A_1035 = arith.constant 16 : index
    %swap3A_1036 = tpu.vector_load %arg14[%swap3A_1034, %swap3A_1035] {strides = array<i32>} : memref<128x128xf32, #tpu.memory_space<vmem>>, vector<16xf32>,
    tpu.vector_store %arg14[%swap3A_1034, %swap3A_1035], %broadcast_in_dim3A_3 {strides = array<i32>} : memref<128x128xf32, #tpu.memory_space<vmem>>, vector<16xf32>,
    %swap3A_1037 = arith.constant 28 : i32
    %swap3A_1038 = arith.index_cast %swap3A_1037 : i32 to index
    %swap3A_1039 = arith.constant 32 : index
    %swap3A_1040 = tpu.vector_load %arg14[%swap3A_1038, %swap3A_1039] {strides = array<i32>} : memref<128x128xf32, #tpu.memory_space<vmem>>, vector<16xf32>,
    tpu.vector_store %arg14[%swap3A_1038, %swap3A_1039], %broadcast_in_dim3A_3 {strides = array<i32>} : memref<128x128xf32, #tpu.memory_space<vmem>>, vector<16xf32>,
    %swap3A_1041 = arith.constant 28 : i32
    %swap3A_1042 = arith.index_cast %swap3A_1041 : i32 to index
    %swap3A_1043 = arith.constant 48 : index
    %swap3A_1044 = tpu.vector_load %arg14[%swap3A_1042, %swap3A_1043] {strides = array<i32>} : memref<128x128xf32, #tpu.memory_space<vmem>>, vector<16xf32>,
    tpu.vector_store %arg14[%swap3A_1042, %swap3A_1043], %broadcast_in_dim3A_3 {strides = array<i32>} : memref<128x128xf32, #tpu.memory_space<vmem>>, vector<16xf32>,
    %swap3A_1045 = arith.constant 28 : i32
    %swap3A_1046 = arith.index_cast %swap3A_1045 : i32 to index
    %swap3A_1047 = arith.constant 64 : index
    %swap3A_1048 = tpu.vector_load %arg14[%swap3A_1046, %swap3A_1047] {strides = array<i32>} : memref<128x128xf32, #tpu.memory_space<vmem>>, vector<16xf32>,
    tpu.vector_store %arg14[%swap3A_1046, %swap3A_1047], %broadcast_in_dim3A_3 {strides = array<i32>} : memref<128x128xf32, #tpu.memory_space<vmem>>, vector<16xf32>,
    %swap3A_1049 = arith.constant 28 : i32
    %swap3A_1050 = arith.index_cast %swap3A_1049 : i32 to index
    %swap3A_1051 = arith.constant 80 : index
    %swap3A_1052 = tpu.vector_load %arg14[%swap3A_1050, %swap3A_1051] {strides = array<i32>} : memref<128x128xf32, #tpu.memory_space<vmem>>, vector<16xf32>,
    tpu.vector_store %arg14[%swap3A_1050, %swap3A_1051], %broadcast_in_dim3A_3 {strides = array<i32>} : memref<128x128xf32, #tpu.memory_space<vmem>>, vector<16xf32>,
    %swap3A_1053 = arith.constant 28 : i32
    %swap3A_1054 = arith.index_cast %swap3A_1053 : i32 to index
    %swap3A_1055 = arith.constant 96 : index
    %swap3A_1056 = tpu.vector_load %arg14[%swap3A_1054, %swap3A_1055] {strides = array<i32>} : memref<128x128xf32, #tpu.memory_space<vmem>>, vector<16xf32>,
    tpu.vector_store %arg14[%swap3A_1054, %swap3A_1055], %broadcast_in_dim3A_3 {strides = array<i32>} : memref<128x128xf32, #tpu.memory_space<vmem>>, vector<16xf32>,
    %swap3A_1057 = arith.constant 28 : i32
    %swap3A_1058 = arith.index_cast %swap3A_1057 : i32 to index
    %swap3A_1059 = arith.constant 112 : index
    %swap3A_1060 = tpu.vector_load %arg14[%swap3A_1058, %swap3A_1059] {strides = array<i32>} : memref<128x128xf32, #tpu.memory_space<vmem>>, vector<16xf32>,
    tpu.vector_store %arg14[%swap3A_1058, %swap3A_1059], %broadcast_in_dim3A_3 {strides = array<i32>} : memref<128x128xf32, #tpu.memory_space<vmem>>, vector<16xf32>,
    %swap3A_1061 = arith.constant 29 : i32
    %swap3A_1062 = arith.index_cast %swap3A_1061 : i32 to index
    %swap3A_1063 = arith.constant 0 : index
    %swap3A_1064 = tpu.vector_load %arg14[%swap3A_1062, %swap3A_1063] {strides = array<i32>} : memref<128x128xf32, #tpu.memory_space<vmem>>, vector<16xf32>,
    tpu.vector_store %arg14[%swap3A_1062, %swap3A_1063], %broadcast_in_dim3A_3 {strides = array<i32>} : memref<128x128xf32, #tpu.memory_space<vmem>>, vector<16xf32>,
    %swap3A_1065 = arith.constant 29 : i32
    %swap3A_1066 = arith.index_cast %swap3A_1065 : i32 to index
    %swap3A_1067 = arith.constant 16 : index
    %swap3A_1068 = tpu.vector_load %arg14[%swap3A_1066, %swap3A_1067] {strides = array<i32>} : memref<128x128xf32, #tpu.memory_space<vmem>>, vector<16xf32>,
    tpu.vector_store %arg14[%swap3A_1066, %swap3A_1067], %broadcast_in_dim3A_3 {strides = array<i32>} : memref<128x128xf32, #tpu.memory_space<vmem>>, vector<16xf32>,
    %swap3A_1069 = arith.constant 29 : i32
    %swap3A_1070 = arith.index_cast %swap3A_1069 : i32 to index
    %swap3A_1071 = arith.constant 32 : index
    %swap3A_1072 = tpu.vector_load %arg14[%swap3A_1070, %swap3A_1071] {strides = array<i32>} : memref<128x128xf32, #tpu.memory_space<vmem>>, vector<16xf32>,
    tpu.vector_store %arg14[%swap3A_1070, %swap3A_1071], %broadcast_in_dim3A_3 {strides = array<i32>} : memref<128x128xf32, #tpu.memory_space<vmem>>, vector<16xf32>,
    %swap3A_1073 = arith.constant 29 : i32
    %swap3A_1074 = arith.index_cast %swap3A_1073 : i32 to index
    %swap3A_1075 = arith.constant 48 : index
    %swap3A_1076 = tpu.vector_load %arg14[%swap3A_1074, %swap3A_1075] {strides = array<i32>} : memref<128x128xf32, #tpu.memory_space<vmem>>, vector<16xf32>,
    tpu.vector_store %arg14[%swap3A_1074, %swap3A_1075], %broadcast_in_dim3A_3 {strides = array<i32>} : memref<128x128xf32, #tpu.memory_space<vmem>>, vector<16xf32>,
    %swap3A_1077 = arith.constant 29 : i32
    %swap3A_1078 = arith.index_cast %swap3A_1077 : i32 to index
    %swap3A_1079 = arith.constant 64 : index
    %swap3A_1080 = tpu.vector_load %arg14[%swap3A_1078, %swap3A_1079] {strides = array<i32>} : memref<128x128xf32, #tpu.memory_space<vmem>>, vector<16xf32>,
    tpu.vector_store %arg14[%swap3A_1078, %swap3A_1079], %broadcast_in_dim3A_3 {strides = array<i32>} : memref<128x128xf32, #tpu.memory_space<vmem>>, vector<16xf32>,
    %swap3A_1081 = arith.constant 29 : i32
    %swap3A_1082 = arith.index_cast %swap3A_1081 : i32 to index
    %swap3A_1083 = arith.constant 80 : index
    %swap3A_1084 = tpu.vector_load %arg14[%swap3A_1082, %swap3A_1083] {strides = array<i32>} : memref<128x128xf32, #tpu.memory_space<vmem>>, vector<16xf32>,
    tpu.vector_store %arg14[%swap3A_1082, %swap3A_1083], %broadcast_in_dim3A_3 {strides = array<i32>} : memref<128x128xf32, #tpu.memory_space<vmem>>, vector<16xf32>,
    %swap3A_1085 = arith.constant 29 : i32
    %swap3A_1086 = arith.index_cast %swap3A_1085 : i32 to index
    %swap3A_1087 = arith.constant 96 : index
    %swap3A_1088 = tpu.vector_load %arg14[%swap3A_1086, %swap3A_1087] {strides = array<i32>} : memref<128x128xf32, #tpu.memory_space<vmem>>, vector<16xf32>,
    tpu.vector_store %arg14[%swap3A_1086, %swap3A_1087], %broadcast_in_dim3A_3 {strides = array<i32>} : memref<128x128xf32, #tpu.memory_space<vmem>>, vector<16xf32>,
    %swap3A_1089 = arith.constant 29 : i32
    %swap3A_1090 = arith.index_cast %swap3A_1089 : i32 to index
    %swap3A_1091 = arith.constant 112 : index
    %swap3A_1092 = tpu.vector_load %arg14[%swap3A_1090, %swap3A_1091] {strides = array<i32>} : memref<128x128xf32, #tpu.memory_space<vmem>>, vector<16xf32>,
    tpu.vector_store %arg14[%swap3A_1090, %swap3A_1091], %broadcast_in_dim3A_3 {strides = array<i32>} : memref<128x128xf32, #tpu.memory_space<vmem>>, vector<16xf32>,
    %swap3A_1093 = arith.constant 30 : i32
    %swap3A_1094 = arith.index_cast %swap3A_1093 : i32 to index
    %swap3A_1095 = arith.constant 0 : index
    %swap3A_1096 = tpu.vector_load %arg14[%swap3A_1094, %swap3A_1095] {strides = array<i32>} : memref<128x128xf32, #tpu.memory_space<vmem>>, vector<16xf32>,
    tpu.vector_store %arg14[%swap3A_1094, %swap3A_1095], %broadcast_in_dim3A_3 {strides = array<i32>} : memref<128x128xf32, #tpu.memory_space<vmem>>, vector<16xf32>,
    %swap3A_1097 = arith.constant 30 : i32
    %swap3A_1098 = arith.index_cast %swap3A_1097 : i32 to index
    %swap3A_1099 = arith.constant 16 : index
    %swap3A_1100 = tpu.vector_load %arg14[%swap3A_1098, %swap3A_1099] {strides = array<i32>} : memref<128x128xf32, #tpu.memory_space<vmem>>, vector<16xf32>,
    tpu.vector_store %arg14[%swap3A_1098, %swap3A_1099], %broadcast_in_dim3A_3 {strides = array<i32>} : memref<128x128xf32, #tpu.memory_space<vmem>>, vector<16xf32>,
    %swap3A_1101 = arith.constant 30 : i32
    %swap3A_1102 = arith.index_cast %swap3A_1101 : i32 to index
    %swap3A_1103 = arith.constant 32 : index
    %swap3A_1104 = tpu.vector_load %arg14[%swap3A_1102, %swap3A_1103] {strides = array<i32>} : memref<128x128xf32, #tpu.memory_space<vmem>>, vector<16xf32>,
    tpu.vector_store %arg14[%swap3A_1102, %swap3A_1103], %broadcast_in_dim3A_3 {strides = array<i32>} : memref<128x128xf32, #tpu.memory_space<vmem>>, vector<16xf32>,
    %swap3A_1105 = arith.constant 30 : i32
    %swap3A_1106 = arith.index_cast %swap3A_1105 : i32 to index
    %swap3A_1107 = arith.constant 48 : index
    %swap3A_1108 = tpu.vector_load %arg14[%swap3A_1106, %swap3A_1107] {strides = array<i32>} : memref<128x128xf32, #tpu.memory_space<vmem>>, vector<16xf32>,
    tpu.vector_store %arg14[%swap3A_1106, %swap3A_1107], %broadcast_in_dim3A_3 {strides = array<i32>} : memref<128x128xf32, #tpu.memory_space<vmem>>, vector<16xf32>,
    %swap3A_1109 = arith.constant 30 : i32
    %swap3A_1110 = arith.index_cast %swap3A_1109 : i32 to index
    %swap3A_1111 = arith.constant 64 : index
    %swap3A_1112 = tpu.vector_load %arg14[%swap3A_1110, %swap3A_1111] {strides = array<i32>} : memref<128x128xf32, #tpu.memory_space<vmem>>, vector<16xf32>,
    tpu.vector_store %arg14[%swap3A_1110, %swap3A_1111], %broadcast_in_dim3A_3 {strides = array<i32>} : memref<128x128xf32, #tpu.memory_space<vmem>>, vector<16xf32>,
    %swap3A_1113 = arith.constant 30 : i32
    %swap3A_1114 = arith.index_cast %swap3A_1113 : i32 to index
    %swap3A_1115 = arith.constant 80 : index
    %swap3A_1116 = tpu.vector_load %arg14[%swap3A_1114, %swap3A_1115] {strides = array<i32>} : memref<128x128xf32, #tpu.memory_space<vmem>>, vector<16xf32>,
    tpu.vector_store %arg14[%swap3A_1114, %swap3A_1115], %broadcast_in_dim3A_3 {strides = array<i32>} : memref<128x128xf32, #tpu.memory_space<vmem>>, vector<16xf32>,
    %swap3A_1117 = arith.constant 30 : i32
    %swap3A_1118 = arith.index_cast %swap3A_1117 : i32 to index
    %swap3A_1119 = arith.constant 96 : index
    %swap3A_1120 = tpu.vector_load %arg14[%swap3A_1118, %swap3A_1119] {strides = array<i32>} : memref<128x128xf32, #tpu.memory_space<vmem>>, vector<16xf32>,
    tpu.vector_store %arg14[%swap3A_1118, %swap3A_1119], %broadcast_in_dim3A_3 {strides = array<i32>} : memref<128x128xf32, #tpu.memory_space<vmem>>, vector<16xf32>,
    %swap3A_1121 = arith.constant 30 : i32
    %swap3A_1122 = arith.index_cast %swap3A_1121 : i32 to index
    %swap3A_1123 = arith.constant 112 : index
    %swap3A_1124 = tpu.vector_load %arg14[%swap3A_1122, %swap3A_1123] {strides = array<i32>} : memref<128x128xf32, #tpu.memory_space<vmem>>, vector<16xf32>,
    tpu.vector_store %arg14[%swap3A_1122, %swap3A_1123], %broadcast_in_dim3A_3 {strides = array<i32>} : memref<128x128xf32, #tpu.memory_space<vmem>>, vector<16xf32>,
    %swap3A_1125 = arith.constant 31 : i32
    %swap3A_1126 = arith.index_cast %swap3A_1125 : i32 to index
    %swap3A_1127 = arith.constant 0 : index
    %swap3A_1128 = tpu.vector_load %arg14[%swap3A_1126, %swap3A_1127] {strides = array<i32>} : memref<128x128xf32, #tpu.memory_space<vmem>>, vector<16xf32>,
    tpu.vector_store %arg14[%swap3A_1126, %swap3A_1127], %broadcast_in_dim3A_3 {strides = array<i32>} : memref<128x128xf32, #tpu.memory_space<vmem>>, vector<16xf32>,
    %swap3A_1129 = arith.constant 31 : i32
    %swap3A_1130 = arith.index_cast %swap3A_1129 : i32 to index
    %swap3A_1131 = arith.constant 16 : index
    %swap3A_1132 = tpu.vector_load %arg14[%swap3A_1130, %swap3A_1131] {strides = array<i32>} : memref<128x128xf32, #tpu.memory_space<vmem>>, vector<16xf32>,
    tpu.vector_store %arg14[%swap3A_1130, %swap3A_1131], %broadcast_in_dim3A_3 {strides = array<i32>} : memref<128x128xf32, #tpu.memory_space<vmem>>, vector<16xf32>,
    %swap3A_1133 = arith.constant 31 : i32
    %swap3A_1134 = arith.index_cast %swap3A_1133 : i32 to index
    %swap3A_1135 = arith.constant 32 : index
    %swap3A_1136 = tpu.vector_load %arg14[%swap3A_1134, %swap3A_1135] {strides = array<i32>} : memref<128x128xf32, #tpu.memory_space<vmem>>, vector<16xf32>,
    tpu.vector_store %arg14[%swap3A_1134, %swap3A_1135], %broadcast_in_dim3A_3 {strides = array<i32>} : memref<128x128xf32, #tpu.memory_space<vmem>>, vector<16xf32>,
    %swap3A_1137 = arith.constant 31 : i32
    %swap3A_1138 = arith.index_cast %swap3A_1137 : i32 to index
    %swap3A_1139 = arith.constant 48 : index
    %swap3A_1140 = tpu.vector_load %arg14[%swap3A_1138, %swap3A_1139] {strides = array<i32>} : memref<128x128xf32, #tpu.memory_space<vmem>>, vector<16xf32>,
    tpu.vector_store %arg14[%swap3A_1138, %swap3A_1139], %broadcast_in_dim3A_3 {strides = array<i32>} : memref<128x128xf32, #tpu.memory_space<vmem>>, vector<16xf32>,
    %swap3A_1141 = arith.constant 31 : i32
    %swap3A_1142 = arith.index_cast %swap3A_1141 : i32 to index
    %swap3A_1143 = arith.constant 64 : index
    %swap3A_1144 = tpu.vector_load %arg14[%swap3A_1142, %swap3A_1143] {strides = array<i32>} : memref<128x128xf32, #tpu.memory_space<vmem>>, vector<16xf32>,
    tpu.vector_store %arg14[%swap3A_1142, %swap3A_1143], %broadcast_in_dim3A_3 {strides = array<i32>} : memref<128x128xf32, #tpu.memory_space<vmem>>, vector<16xf32>,
    %swap3A_1145 = arith.constant 31 : i32
    %swap3A_1146 = arith.index_cast %swap3A_1145 : i32 to index
    %swap3A_1147 = arith.constant 80 : index
    %swap3A_1148 = tpu.vector_load %arg14[%swap3A_1146, %swap3A_1147] {strides = array<i32>} : memref<128x128xf32, #tpu.memory_space<vmem>>, vector<16xf32>,
    tpu.vector_store %arg14[%swap3A_1146, %swap3A_1147], %broadcast_in_dim3A_3 {strides = array<i32>} : memref<128x128xf32, #tpu.memory_space<vmem>>, vector<16xf32>,
    %swap3A_1149 = arith.constant 31 : i32
    %swap3A_1150 = arith.index_cast %swap3A_1149 : i32 to index
    %swap3A_1151 = arith.constant 96 : index
    %swap3A_1152 = tpu.vector_load %arg14[%swap3A_1150, %swap3A_1151] {strides = array<i32>} : memref<128x128xf32, #tpu.memory_space<vmem>>, vector<16xf32>,
    tpu.vector_store %arg14[%swap3A_1150, %swap3A_1151], %broadcast_in_dim3A_3 {strides = array<i32>} : memref<128x128xf32, #tpu.memory_space<vmem>>, vector<16xf32>,
    %swap3A_1153 = arith.constant 31 : i32
    %swap3A_1154 = arith.index_cast %swap3A_1153 : i32 to index
    %swap3A_1155 = arith.constant 112 : index
    %swap3A_1156 = tpu.vector_load %arg14[%swap3A_1154, %swap3A_1155] {strides = array<i32>} : memref<128x128xf32, #tpu.memory_space<vmem>>, vector<16xf32>,
    tpu.vector_store %arg14[%swap3A_1154, %swap3A_1155], %broadcast_in_dim3A_3 {strides = array<i32>} : memref<128x128xf32, #tpu.memory_space<vmem>>, vector<16xf32>,
    %swap3A_1157 = arith.constant 32 : i32
    %swap3A_1158 = arith.index_cast %swap3A_1157 : i32 to index
    %swap3A_1159 = arith.constant 0 : index
    %swap3A_1160 = tpu.vector_load %arg14[%swap3A_1158, %swap3A_1159] {strides = array<i32>} : memref<128x128xf32, #tpu.memory_space<vmem>>, vector<16xf32>,
    tpu.vector_store %arg14[%swap3A_1158, %swap3A_1159], %broadcast_in_dim3A_3 {strides = array<i32>} : memref<128x128xf32, #tpu.memory_space<vmem>>, vector<16xf32>,
    %swap3A_1161 = arith.constant 32 : i32
    %swap3A_1162 = arith.index_cast %swap3A_1161 : i32 to index
    %swap3A_1163 = arith.constant 16 : index
    %swap3A_1164 = tpu.vector_load %arg14[%swap3A_1162, %swap3A_1163] {strides = array<i32>} : memref<128x128xf32, #tpu.memory_space<vmem>>, vector<16xf32>,
    tpu.vector_store %arg14[%swap3A_1162, %swap3A_1163], %broadcast_in_dim3A_3 {strides = array<i32>} : memref<128x128xf32, #tpu.memory_space<vmem>>, vector<16xf32>,
    %swap3A_1165 = arith.constant 32 : i32
    %swap3A_1166 = arith.index_cast %swap3A_1165 : i32 to index
    %swap3A_1167 = arith.constant 32 : index
    %swap3A_1168 = tpu.vector_load %arg14[%swap3A_1166, %swap3A_1167] {strides = array<i32>} : memref<128x128xf32, #tpu.memory_space<vmem>>, vector<16xf32>,
    tpu.vector_store %arg14[%swap3A_1166, %swap3A_1167], %broadcast_in_dim3A_3 {strides = array<i32>} : memref<128x128xf32, #tpu.memory_space<vmem>>, vector<16xf32>,
    %swap3A_1169 = arith.constant 32 : i32
    %swap3A_1170 = arith.index_cast %swap3A_1169 : i32 to index
    %swap3A_1171 = arith.constant 48 : index
    %swap3A_1172 = tpu.vector_load %arg14[%swap3A_1170, %swap3A_1171] {strides = array<i32>} : memref<128x128xf32, #tpu.memory_space<vmem>>, vector<16xf32>,
    tpu.vector_store %arg14[%swap3A_1170, %swap3A_1171], %broadcast_in_dim3A_3 {strides = array<i32>} : memref<128x128xf32, #tpu.memory_space<vmem>>, vector<16xf32>,
    %swap3A_1173 = arith.constant 32 : i32
    %swap3A_1174 = arith.index_cast %swap3A_1173 : i32 to index
    %swap3A_1175 = arith.constant 64 : index
    %swap3A_1176 = tpu.vector_load %arg14[%swap3A_1174, %swap3A_1175] {strides = array<i32>} : memref<128x128xf32, #tpu.memory_space<vmem>>, vector<16xf32>,
    tpu.vector_store %arg14[%swap3A_1174, %swap3A_1175], %broadcast_in_dim3A_3 {strides = array<i32>} : memref<128x128xf32, #tpu.memory_space<vmem>>, vector<16xf32>,
    %swap3A_1177 = arith.constant 32 : i32
    %swap3A_1178 = arith.index_cast %swap3A_1177 : i32 to index
    %swap3A_1179 = arith.constant 80 : index
    %swap3A_1180 = tpu.vector_load %arg14[%swap3A_1178, %swap3A_1179] {strides = array<i32>} : memref<128x128xf32, #tpu.memory_space<vmem>>, vector<16xf32>,
    tpu.vector_store %arg14[%swap3A_1178, %swap3A_1179], %broadcast_in_dim3A_3 {strides = array<i32>} : memref<128x128xf32, #tpu.memory_space<vmem>>, vector<16xf32>,
    %swap3A_1181 = arith.constant 32 : i32
    %swap3A_1182 = arith.index_cast %swap3A_1181 : i32 to index
    %swap3A_1183 = arith.constant 96 : index
    %swap3A_1184 = tpu.vector_load %arg14[%swap3A_1182, %swap3A_1183] {strides = array<i32>} : memref<128x128xf32, #tpu.memory_space<vmem>>, vector<16xf32>,
    tpu.vector_store %arg14[%swap3A_1182, %swap3A_1183], %broadcast_in_dim3A_3 {strides = array<i32>} : memref<128x128xf32, #tpu.memory_space<vmem>>, vector<16xf32>,
    %swap3A_1185 = arith.constant 32 : i32
    %swap3A_1186 = arith.index_cast %swap3A_1185 : i32 to index
    %swap3A_1187 = arith.constant 112 : index
    %swap3A_1188 = tpu.vector_load %arg14[%swap3A_1186, %swap3A_1187] {strides = array<i32>} : memref<128x128xf32, #tpu.memory_space<vmem>>, vector<16xf32>,
    tpu.vector_store %arg14[%swap3A_1186, %swap3A_1187], %broadcast_in_dim3A_3 {strides = array<i32>} : memref<128x128xf32, #tpu.memory_space<vmem>>, vector<16xf32>,
    %swap3A_1189 = arith.constant 33 : i32
    %swap3A_1190 = arith.index_cast %swap3A_1189 : i32 to index
    %swap3A_1191 = arith.constant 0 : index
    %swap3A_1192 = tpu.vector_load %arg14[%swap3A_1190, %swap3A_1191] {strides = array<i32>} : memref<128x128xf32, #tpu.memory_space<vmem>>, vector<16xf32>,
    tpu.vector_store %arg14[%swap3A_1190, %swap3A_1191], %broadcast_in_dim3A_3 {strides = array<i32>} : memref<128x128xf32, #tpu.memory_space<vmem>>, vector<16xf32>,
    %swap3A_1193 = arith.constant 33 : i32
    %swap3A_1194 = arith.index_cast %swap3A_1193 : i32 to index
    %swap3A_1195 = arith.constant 16 : index
    %swap3A_1196 = tpu.vector_load %arg14[%swap3A_1194, %swap3A_1195] {strides = array<i32>} : memref<128x128xf32, #tpu.memory_space<vmem>>, vector<16xf32>,
    tpu.vector_store %arg14[%swap3A_1194, %swap3A_1195], %broadcast_in_dim3A_3 {strides = array<i32>} : memref<128x128xf32, #tpu.memory_space<vmem>>, vector<16xf32>,
    %swap3A_1197 = arith.constant 33 : i32
    %swap3A_1198 = arith.index_cast %swap3A_1197 : i32 to index
    %swap3A_1199 = arith.constant 32 : index
    %swap3A_1200 = tpu.vector_load %arg14[%swap3A_1198, %swap3A_1199] {strides = array<i32>} : memref<128x128xf32, #tpu.memory_space<vmem>>, vector<16xf32>,
    tpu.vector_store %arg14[%swap3A_1198, %swap3A_1199], %broadcast_in_dim3A_3 {strides = array<i32>} : memref<128x128xf32, #tpu.memory_space<vmem>>, vector<16xf32>,
    %swap3A_1201 = arith.constant 33 : i32
    %swap3A_1202 = arith.index_cast %swap3A_1201 : i32 to index
    %swap3A_1203 = arith.constant 48 : index
    %swap3A_1204 = tpu.vector_load %arg14[%swap3A_1202, %swap3A_1203] {strides = array<i32>} : memref<128x128xf32, #tpu.memory_space<vmem>>, vector<16xf32>,
    tpu.vector_store %arg14[%swap3A_1202, %swap3A_1203], %broadcast_in_dim3A_3 {strides = array<i32>} : memref<128x128xf32, #tpu.memory_space<vmem>>, vector<16xf32>,
    %swap3A_1205 = arith.constant 33 : i32
    %swap3A_1206 = arith.index_cast %swap3A_1205 : i32 to index
    %swap3A_1207 = arith.constant 64 : index
    %swap3A_1208 = tpu.vector_load %arg14[%swap3A_1206, %swap3A_1207] {strides = array<i32>} : memref<128x128xf32, #tpu.memory_space<vmem>>, vector<16xf32>,
    tpu.vector_store %arg14[%swap3A_1206, %swap3A_1207], %broadcast_in_dim3A_3 {strides = array<i32>} : memref<128x128xf32, #tpu.memory_space<vmem>>, vector<16xf32>,
    %swap3A_1209 = arith.constant 33 : i32
    %swap3A_1210 = arith.index_cast %swap3A_1209 : i32 to index
    %swap3A_1211 = arith.constant 80 : index
    %swap3A_1212 = tpu.vector_load %arg14[%swap3A_1210, %swap3A_1211] {strides = array<i32>} : memref<128x128xf32, #tpu.memory_space<vmem>>, vector<16xf32>,
    tpu.vector_store %arg14[%swap3A_1210, %swap3A_1211], %broadcast_in_dim3A_3 {strides = array<i32>} : memref<128x128xf32, #tpu.memory_space<vmem>>, vector<16xf32>,
    %swap3A_1213 = arith.constant 33 : i32
    %swap3A_1214 = arith.index_cast %swap3A_1213 : i32 to index
    %swap3A_1215 = arith.constant 96 : index
    %swap3A_1216 = tpu.vector_load %arg14[%swap3A_1214, %swap3A_1215] {strides = array<i32>} : memref<128x128xf32, #tpu.memory_space<vmem>>, vector<16xf32>,
    tpu.vector_store %arg14[%swap3A_1214, %swap3A_1215], %broadcast_in_dim3A_3 {strides = array<i32>} : memref<128x128xf32, #tpu.memory_space<vmem>>, vector<16xf32>,
    %swap3A_1217 = arith.constant 33 : i32
    %swap3A_1218 = arith.index_cast %swap3A_1217 : i32 to index
    %swap3A_1219 = arith.constant 112 : index
    %swap3A_1220 = tpu.vector_load %arg14[%swap3A_1218, %swap3A_1219] {strides = array<i32>} : memref<128x128xf32, #tpu.memory_space<vmem>>, vector<16xf32>,
    tpu.vector_store %arg14[%swap3A_1218, %swap3A_1219], %broadcast_in_dim3A_3 {strides = array<i32>} : memref<128x128xf32, #tpu.memory_space<vmem>>, vector<16xf32>,
    %swap3A_1221 = arith.constant 34 : i32
    %swap3A_1222 = arith.index_cast %swap3A_1221 : i32 to index
    %swap3A_1223 = arith.constant 0 : index
    %swap3A_1224 = tpu.vector_load %arg14[%swap3A_1222, %swap3A_1223] {strides = array<i32>} : memref<128x128xf32, #tpu.memory_space<vmem>>, vector<16xf32>,
    tpu.vector_store %arg14[%swap3A_1222, %swap3A_1223], %broadcast_in_dim3A_3 {strides = array<i32>} : memref<128x128xf32, #tpu.memory_space<vmem>>, vector<16xf32>,
    %swap3A_1225 = arith.constant 34 : i32
    %swap3A_1226 = arith.index_cast %swap3A_1225 : i32 to index
    %swap3A_1227 = arith.constant 16 : index
    %swap3A_1228 = tpu.vector_load %arg14[%swap3A_1226, %swap3A_1227] {strides = array<i32>} : memref<128x128xf32, #tpu.memory_space<vmem>>, vector<16xf32>,
    tpu.vector_store %arg14[%swap3A_1226, %swap3A_1227], %broadcast_in_dim3A_3 {strides = array<i32>} : memref<128x128xf32, #tpu.memory_space<vmem>>, vector<16xf32>,
    %swap3A_1229 = arith.constant 34 : i32
    %swap3A_1230 = arith.index_cast %swap3A_1229 : i32 to index
    %swap3A_1231 = arith.constant 32 : index
    %swap3A_1232 = tpu.vector_load %arg14[%swap3A_1230, %swap3A_1231] {strides = array<i32>} : memref<128x128xf32, #tpu.memory_space<vmem>>, vector<16xf32>,
    tpu.vector_store %arg14[%swap3A_1230, %swap3A_1231], %broadcast_in_dim3A_3 {strides = array<i32>} : memref<128x128xf32, #tpu.memory_space<vmem>>, vector<16xf32>,
    %swap3A_1233 = arith.constant 34 : i32
    %swap3A_1234 = arith.index_cast %swap3A_1233 : i32 to index
    %swap3A_1235 = arith.constant 48 : index
    %swap3A_1236 = tpu.vector_load %arg14[%swap3A_1234, %swap3A_1235] {strides = array<i32>} : memref<128x128xf32, #tpu.memory_space<vmem>>, vector<16xf32>,
    tpu.vector_store %arg14[%swap3A_1234, %swap3A_1235], %broadcast_in_dim3A_3 {strides = array<i32>} : memref<128x128xf32, #tpu.memory_space<vmem>>, vector<16xf32>,
    %swap3A_1237 = arith.constant 34 : i32
    %swap3A_1238 = arith.index_cast %swap3A_1237 : i32 to index
    %swap3A_1239 = arith.constant 64 : index
    %swap3A_1240 = tpu.vector_load %arg14[%swap3A_1238, %swap3A_1239] {strides = array<i32>} : memref<128x128xf32, #tpu.memory_space<vmem>>, vector<16xf32>,
    tpu.vector_store %arg14[%swap3A_1238, %swap3A_1239], %broadcast_in_dim3A_3 {strides = array<i32>} : memref<128x128xf32, #tpu.memory_space<vmem>>, vector<16xf32>,
    %swap3A_1241 = arith.constant 34 : i32
    %swap3A_1242 = arith.index_cast %swap3A_1241 : i32 to index
    %swap3A_1243 = arith.constant 80 : index
    %swap3A_1244 = tpu.vector_load %arg14[%swap3A_1242, %swap3A_1243] {strides = array<i32>} : memref<128x128xf32, #tpu.memory_space<vmem>>, vector<16xf32>,
    tpu.vector_store %arg14[%swap3A_1242, %swap3A_1243], %broadcast_in_dim3A_3 {strides = array<i32>} : memref<128x128xf32, #tpu.memory_space<vmem>>, vector<16xf32>,
    %swap3A_1245 = arith.constant 34 : i32
    %swap3A_1246 = arith.index_cast %swap3A_1245 : i32 to index
    %swap3A_1247 = arith.constant 96 : index
    %swap3A_1248 = tpu.vector_load %arg14[%swap3A_1246, %swap3A_1247] {strides = array<i32>} : memref<128x128xf32, #tpu.memory_space<vmem>>, vector<16xf32>,
    tpu.vector_store %arg14[%swap3A_1246, %swap3A_1247], %broadcast_in_dim3A_3 {strides = array<i32>} : memref<128x128xf32, #tpu.memory_space<vmem>>, vector<16xf32>,
    %swap3A_1249 = arith.constant 34 : i32
    %swap3A_1250 = arith.index_cast %swap3A_1249 : i32 to index
    %swap3A_1251 = arith.constant 112 : index
    %swap3A_1252 = tpu.vector_load %arg14[%swap3A_1250, %swap3A_1251] {strides = array<i32>} : memref<128x128xf32, #tpu.memory_space<vmem>>, vector<16xf32>,
    tpu.vector_store %arg14[%swap3A_1250, %swap3A_1251], %broadcast_in_dim3A_3 {strides = array<i32>} : memref<128x128xf32, #tpu.memory_space<vmem>>, vector<16xf32>,
    %swap3A_1253 = arith.constant 35 : i32
    %swap3A_1254 = arith.index_cast %swap3A_1253 : i32 to index
    %swap3A_1255 = arith.constant 0 : index
    %swap3A_1256 = tpu.vector_load %arg14[%swap3A_1254, %swap3A_1255] {strides = array<i32>} : memref<128x128xf32, #tpu.memory_space<vmem>>, vector<16xf32>,
    tpu.vector_store %arg14[%swap3A_1254, %swap3A_1255], %broadcast_in_dim3A_3 {strides = array<i32>} : memref<128x128xf32, #tpu.memory_space<vmem>>, vector<16xf32>,
    %swap3A_1257 = arith.constant 35 : i32
    %swap3A_1258 = arith.index_cast %swap3A_1257 : i32 to index
    %swap3A_1259 = arith.constant 16 : index
    %swap3A_1260 = tpu.vector_load %arg14[%swap3A_1258, %swap3A_1259] {strides = array<i32>} : memref<128x128xf32, #tpu.memory_space<vmem>>, vector<16xf32>,
    tpu.vector_store %arg14[%swap3A_1258, %swap3A_1259], %broadcast_in_dim3A_3 {strides = array<i32>} : memref<128x128xf32, #tpu.memory_space<vmem>>, vector<16xf32>,
    %swap3A_1261 = arith.constant 35 : i32
    %swap3A_1262 = arith.index_cast %swap3A_1261 : i32 to index
    %swap3A_1263 = arith.constant 32 : index
    %swap3A_1264 = tpu.vector_load %arg14[%swap3A_1262, %swap3A_1263] {strides = array<i32>} : memref<128x128xf32, #tpu.memory_space<vmem>>, vector<16xf32>,
    tpu.vector_store %arg14[%swap3A_1262, %swap3A_1263], %broadcast_in_dim3A_3 {strides = array<i32>} : memref<128x128xf32, #tpu.memory_space<vmem>>, vector<16xf32>,
    %swap3A_1265 = arith.constant 35 : i32
    %swap3A_1266 = arith.index_cast %swap3A_1265 : i32 to index
    %swap3A_1267 = arith.constant 48 : index
    %swap3A_1268 = tpu.vector_load %arg14[%swap3A_1266, %swap3A_1267] {strides = array<i32>} : memref<128x128xf32, #tpu.memory_space<vmem>>, vector<16xf32>,
    tpu.vector_store %arg14[%swap3A_1266, %swap3A_1267], %broadcast_in_dim3A_3 {strides = array<i32>} : memref<128x128xf32, #tpu.memory_space<vmem>>, vector<16xf32>,
    %swap3A_1269 = arith.constant 35 : i32
    %swap3A_1270 = arith.index_cast %swap3A_1269 : i32 to index
    %swap3A_1271 = arith.constant 64 : index
    %swap3A_1272 = tpu.vector_load %arg14[%swap3A_1270, %swap3A_1271] {strides = array<i32>} : memref<128x128xf32, #tpu.memory_space<vmem>>, vector<16xf32>,
    tpu.vector_store %arg14[%swap3A_1270, %swap3A_1271], %broadcast_in_dim3A_3 {strides = array<i32>} : memref<128x128xf32, #tpu.memory_space<vmem>>, vector<16xf32>,
    %swap3A_1273 = arith.constant 35 : i32
    %swap3A_1274 = arith.index_cast %swap3A_1273 : i32 to index
    %swap3A_1275 = arith.constant 80 : index
    %swap3A_1276 = tpu.vector_load %arg14[%swap3A_1274, %swap3A_1275] {strides = array<i32>} : memref<128x128xf32, #tpu.memory_space<vmem>>, vector<16xf32>,
    tpu.vector_store %arg14[%swap3A_1274, %swap3A_1275], %broadcast_in_dim3A_3 {strides = array<i32>} : memref<128x128xf32, #tpu.memory_space<vmem>>, vector<16xf32>,
    %swap3A_1277 = arith.constant 35 : i32
    %swap3A_1278 = arith.index_cast %swap3A_1277 : i32 to index
    %swap3A_1279 = arith.constant 96 : index
    %swap3A_1280 = tpu.vector_load %arg14[%swap3A_1278, %swap3A_1279] {strides = array<i32>} : memref<128x128xf32, #tpu.memory_space<vmem>>, vector<16xf32>,
    tpu.vector_store %arg14[%swap3A_1278, %swap3A_1279], %broadcast_in_dim3A_3 {strides = array<i32>} : memref<128x128xf32, #tpu.memory_space<vmem>>, vector<16xf32>,
    %swap3A_1281 = arith.constant 35 : i32
    %swap3A_1282 = arith.index_cast %swap3A_1281 : i32 to index
    %swap3A_1283 = arith.constant 112 : index
    %swap3A_1284 = tpu.vector_load %arg14[%swap3A_1282, %swap3A_1283] {strides = array<i32>} : memref<128x128xf32, #tpu.memory_space<vmem>>, vector<16xf32>,
    tpu.vector_store %arg14[%swap3A_1282, %swap3A_1283], %broadcast_in_dim3A_3 {strides = array<i32>} : memref<128x128xf32, #tpu.memory_space<vmem>>, vector<16xf32>,
    %swap3A_1285 = arith.constant 36 : i32
    %swap3A_1286 = arith.index_cast %swap3A_1285 : i32 to index
    %swap3A_1287 = arith.constant 0 : index
    %swap3A_1288 = tpu.vector_load %arg14[%swap3A_1286, %swap3A_1287] {strides = array<i32>} : memref<128x128xf32, #tpu.memory_space<vmem>>, vector<16xf32>,
    tpu.vector_store %arg14[%swap3A_1286, %swap3A_1287], %broadcast_in_dim3A_3 {strides = array<i32>} : memref<128x128xf32, #tpu.memory_space<vmem>>, vector<16xf32>,
    %swap3A_1289 = arith.constant 36 : i32
    %swap3A_1290 = arith.index_cast %swap3A_1289 : i32 to index
    %swap3A_1291 = arith.constant 16 : index
    %swap3A_1292 = tpu.vector_load %arg14[%swap3A_1290, %swap3A_1291] {strides = array<i32>} : memref<128x128xf32, #tpu.memory_space<vmem>>, vector<16xf32>,
    tpu.vector_store %arg14[%swap3A_1290, %swap3A_1291], %broadcast_in_dim3A_3 {strides = array<i32>} : memref<128x128xf32, #tpu.memory_space<vmem>>, vector<16xf32>,
    %swap3A_1293 = arith.constant 36 : i32
    %swap3A_1294 = arith.index_cast %swap3A_1293 : i32 to index
    %swap3A_1295 = arith.constant 32 : index
    %swap3A_1296 = tpu.vector_load %arg14[%swap3A_1294, %swap3A_1295] {strides = array<i32>} : memref<128x128xf32, #tpu.memory_space<vmem>>, vector<16xf32>,
    tpu.vector_store %arg14[%swap3A_1294, %swap3A_1295], %broadcast_in_dim3A_3 {strides = array<i32>} : memref<128x128xf32, #tpu.memory_space<vmem>>, vector<16xf32>,
    %swap3A_1297 = arith.constant 36 : i32
    %swap3A_1298 = arith.index_cast %swap3A_1297 : i32 to index
    %swap3A_1299 = arith.constant 48 : index
    %swap3A_1300 = tpu.vector_load %arg14[%swap3A_1298, %swap3A_1299] {strides = array<i32>} : memref<128x128xf32, #tpu.memory_space<vmem>>, vector<16xf32>,
    tpu.vector_store %arg14[%swap3A_1298, %swap3A_1299], %broadcast_in_dim3A_3 {strides = array<i32>} : memref<128x128xf32, #tpu.memory_space<vmem>>, vector<16xf32>,
    %swap3A_1301 = arith.constant 36 : i32
    %swap3A_1302 = arith.index_cast %swap3A_1301 : i32 to index
    %swap3A_1303 = arith.constant 64 : index
    %swap3A_1304 = tpu.vector_load %arg14[%swap3A_1302, %swap3A_1303] {strides = array<i32>} : memref<128x128xf32, #tpu.memory_space<vmem>>, vector<16xf32>,
    tpu.vector_store %arg14[%swap3A_1302, %swap3A_1303], %broadcast_in_dim3A_3 {strides = array<i32>} : memref<128x128xf32, #tpu.memory_space<vmem>>, vector<16xf32>,
    %swap3A_1305 = arith.constant 36 : i32
    %swap3A_1306 = arith.index_cast %swap3A_1305 : i32 to index
    %swap3A_1307 = arith.constant 80 : index
    %swap3A_1308 = tpu.vector_load %arg14[%swap3A_1306, %swap3A_1307] {strides = array<i32>} : memref<128x128xf32, #tpu.memory_space<vmem>>, vector<16xf32>,
    tpu.vector_store %arg14[%swap3A_1306, %swap3A_1307], %broadcast_in_dim3A_3 {strides = array<i32>} : memref<128x128xf32, #tpu.memory_space<vmem>>, vector<16xf32>,
    %swap3A_1309 = arith.constant 36 : i32
    %swap3A_1310 = arith.index_cast %swap3A_1309 : i32 to index
    %swap3A_1311 = arith.constant 96 : index
    %swap3A_1312 = tpu.vector_load %arg14[%swap3A_1310, %swap3A_1311] {strides = array<i32>} : memref<128x128xf32, #tpu.memory_space<vmem>>, vector<16xf32>,
    tpu.vector_store %arg14[%swap3A_1310, %swap3A_1311], %broadcast_in_dim3A_3 {strides = array<i32>} : memref<128x128xf32, #tpu.memory_space<vmem>>, vector<16xf32>,
    %swap3A_1313 = arith.constant 36 : i32
    %swap3A_1314 = arith.index_cast %swap3A_1313 : i32 to index
    %swap3A_1315 = arith.constant 112 : index
    %swap3A_1316 = tpu.vector_load %arg14[%swap3A_1314, %swap3A_1315] {strides = array<i32>} : memref<128x128xf32, #tpu.memory_space<vmem>>, vector<16xf32>,
    tpu.vector_store %arg14[%swap3A_1314, %swap3A_1315], %broadcast_in_dim3A_3 {strides = array<i32>} : memref<128x128xf32, #tpu.memory_space<vmem>>, vector<16xf32>,
    %swap3A_1317 = arith.constant 37 : i32
    %swap3A_1318 = arith.index_cast %swap3A_1317 : i32 to index
    %swap3A_1319 = arith.constant 0 : index
    %swap3A_1320 = tpu.vector_load %arg14[%swap3A_1318, %swap3A_1319] {strides = array<i32>} : memref<128x128xf32, #tpu.memory_space<vmem>>, vector<16xf32>,
    tpu.vector_store %arg14[%swap3A_1318, %swap3A_1319], %broadcast_in_dim3A_3 {strides = array<i32>} : memref<128x128xf32, #tpu.memory_space<vmem>>, vector<16xf32>,
    %swap3A_1321 = arith.constant 37 : i32
    %swap3A_1322 = arith.index_cast %swap3A_1321 : i32 to index
    %swap3A_1323 = arith.constant 16 : index
    %swap3A_1324 = tpu.vector_load %arg14[%swap3A_1322, %swap3A_1323] {strides = array<i32>} : memref<128x128xf32, #tpu.memory_space<vmem>>, vector<16xf32>,
    tpu.vector_store %arg14[%swap3A_1322, %swap3A_1323], %broadcast_in_dim3A_3 {strides = array<i32>} : memref<128x128xf32, #tpu.memory_space<vmem>>, vector<16xf32>,
    %swap3A_1325 = arith.constant 37 : i32
    %swap3A_1326 = arith.index_cast %swap3A_1325 : i32 to index
    %swap3A_1327 = arith.constant 32 : index
    %swap3A_1328 = tpu.vector_load %arg14[%swap3A_1326, %swap3A_1327] {strides = array<i32>} : memref<128x128xf32, #tpu.memory_space<vmem>>, vector<16xf32>,
    tpu.vector_store %arg14[%swap3A_1326, %swap3A_1327], %broadcast_in_dim3A_3 {strides = array<i32>} : memref<128x128xf32, #tpu.memory_space<vmem>>, vector<16xf32>,
    %swap3A_1329 = arith.constant 37 : i32
    %swap3A_1330 = arith.index_cast %swap3A_1329 : i32 to index
    %swap3A_1331 = arith.constant 48 : index
    %swap3A_1332 = tpu.vector_load %arg14[%swap3A_1330, %swap3A_1331] {strides = array<i32>} : memref<128x128xf32, #tpu.memory_space<vmem>>, vector<16xf32>,
    tpu.vector_store %arg14[%swap3A_1330, %swap3A_1331], %broadcast_in_dim3A_3 {strides = array<i32>} : memref<128x128xf32, #tpu.memory_space<vmem>>, vector<16xf32>,
    %swap3A_1333 = arith.constant 37 : i32
    %swap3A_1334 = arith.index_cast %swap3A_1333 : i32 to index
    %swap3A_1335 = arith.constant 64 : index
    %swap3A_1336 = tpu.vector_load %arg14[%swap3A_1334, %swap3A_1335] {strides = array<i32>} : memref<128x128xf32, #tpu.memory_space<vmem>>, vector<16xf32>,
    tpu.vector_store %arg14[%swap3A_1334, %swap3A_1335], %broadcast_in_dim3A_3 {strides = array<i32>} : memref<128x128xf32, #tpu.memory_space<vmem>>, vector<16xf32>,
    %swap3A_1337 = arith.constant 37 : i32
    %swap3A_1338 = arith.index_cast %swap3A_1337 : i32 to index
    %swap3A_1339 = arith.constant 80 : index
    %swap3A_1340 = tpu.vector_load %arg14[%swap3A_1338, %swap3A_1339] {strides = array<i32>} : memref<128x128xf32, #tpu.memory_space<vmem>>, vector<16xf32>,
    tpu.vector_store %arg14[%swap3A_1338, %swap3A_1339], %broadcast_in_dim3A_3 {strides = array<i32>} : memref<128x128xf32, #tpu.memory_space<vmem>>, vector<16xf32>,
    %swap3A_1341 = arith.constant 37 : i32
    %swap3A_1342 = arith.index_cast %swap3A_1341 : i32 to index
    %swap3A_1343 = arith.constant 96 : index
    %swap3A_1344 = tpu.vector_load %arg14[%swap3A_1342, %swap3A_1343] {strides = array<i32>} : memref<128x128xf32, #tpu.memory_space<vmem>>, vector<16xf32>,
    tpu.vector_store %arg14[%swap3A_1342, %swap3A_1343], %broadcast_in_dim3A_3 {strides = array<i32>} : memref<128x128xf32, #tpu.memory_space<vmem>>, vector<16xf32>,
    %swap3A_1345 = arith.constant 37 : i32
    %swap3A_1346 = arith.index_cast %swap3A_1345 : i32 to index
    %swap3A_1347 = arith.constant 112 : index
    %swap3A_1348 = tpu.vector_load %arg14[%swap3A_1346, %swap3A_1347] {strides = array<i32>} : memref<128x128xf32, #tpu.memory_space<vmem>>, vector<16xf32>,
    tpu.vector_store %arg14[%swap3A_1346, %swap3A_1347], %broadcast_in_dim3A_3 {strides = array<i32>} : memref<128x128xf32, #tpu.memory_space<vmem>>, vector<16xf32>,
    %swap3A_1349 = arith.constant 38 : i32
    %swap3A_1350 = arith.index_cast %swap3A_1349 : i32 to index
    %swap3A_1351 = arith.constant 0 : index
    %swap3A_1352 = tpu.vector_load %arg14[%swap3A_1350, %swap3A_1351] {strides = array<i32>} : memref<128x128xf32, #tpu.memory_space<vmem>>, vector<16xf32>,
    tpu.vector_store %arg14[%swap3A_1350, %swap3A_1351], %broadcast_in_dim3A_3 {strides = array<i32>} : memref<128x128xf32, #tpu.memory_space<vmem>>, vector<16xf32>,
    %swap3A_1353 = arith.constant 38 : i32
    %swap3A_1354 = arith.index_cast %swap3A_1353 : i32 to index
    %swap3A_1355 = arith.constant 16 : index
    %swap3A_1356 = tpu.vector_load %arg14[%swap3A_1354, %swap3A_1355] {strides = array<i32>} : memref<128x128xf32, #tpu.memory_space<vmem>>, vector<16xf32>,
    tpu.vector_store %arg14[%swap3A_1354, %swap3A_1355], %broadcast_in_dim3A_3 {strides = array<i32>} : memref<128x128xf32, #tpu.memory_space<vmem>>, vector<16xf32>,
    %swap3A_1357 = arith.constant 38 : i32
    %swap3A_1358 = arith.index_cast %swap3A_1357 : i32 to index
    %swap3A_1359 = arith.constant 32 : index
    %swap3A_1360 = tpu.vector_load %arg14[%swap3A_1358, %swap3A_1359] {strides = array<i32>} : memref<128x128xf32, #tpu.memory_space<vmem>>, vector<16xf32>,
    tpu.vector_store %arg14[%swap3A_1358, %swap3A_1359], %broadcast_in_dim3A_3 {strides = array<i32>} : memref<128x128xf32, #tpu.memory_space<vmem>>, vector<16xf32>,
    %swap3A_1361 = arith.constant 38 : i32
    %swap3A_1362 = arith.index_cast %swap3A_1361 : i32 to index
    %swap3A_1363 = arith.constant 48 : index
    %swap3A_1364 = tpu.vector_load %arg14[%swap3A_1362, %swap3A_1363] {strides = array<i32>} : memref<128x128xf32, #tpu.memory_space<vmem>>, vector<16xf32>,
    tpu.vector_store %arg14[%swap3A_1362, %swap3A_1363], %broadcast_in_dim3A_3 {strides = array<i32>} : memref<128x128xf32, #tpu.memory_space<vmem>>, vector<16xf32>,
    %swap3A_1365 = arith.constant 38 : i32
    %swap3A_1366 = arith.index_cast %swap3A_1365 : i32 to index
    %swap3A_1367 = arith.constant 64 : index
    %swap3A_1368 = tpu.vector_load %arg14[%swap3A_1366, %swap3A_1367] {strides = array<i32>} : memref<128x128xf32, #tpu.memory_space<vmem>>, vector<16xf32>,
    tpu.vector_store %arg14[%swap3A_1366, %swap3A_1367], %broadcast_in_dim3A_3 {strides = array<i32>} : memref<128x128xf32, #tpu.memory_space<vmem>>, vector<16xf32>,
    %swap3A_1369 = arith.constant 38 : i32
    %swap3A_1370 = arith.index_cast %swap3A_1369 : i32 to index
    %swap3A_1371 = arith.constant 80 : index
    %swap3A_1372 = tpu.vector_load %arg14[%swap3A_1370, %swap3A_1371] {strides = array<i32>} : memref<128x128xf32, #tpu.memory_space<vmem>>, vector<16xf32>,
    tpu.vector_store %arg14[%swap3A_1370, %swap3A_1371], %broadcast_in_dim3A_3 {strides = array<i32>} : memref<128x128xf32, #tpu.memory_space<vmem>>, vector<16xf32>,
    %swap3A_1373 = arith.constant 38 : i32
    %swap3A_1374 = arith.index_cast %swap3A_1373 : i32 to index
    %swap3A_1375 = arith.constant 96 : index
    %swap3A_1376 = tpu.vector_load %arg14[%swap3A_1374, %swap3A_1375] {strides = array<i32>} : memref<128x128xf32, #tpu.memory_space<vmem>>, vector<16xf32>,
    tpu.vector_store %arg14[%swap3A_1374, %swap3A_1375], %broadcast_in_dim3A_3 {strides = array<i32>} : memref<128x128xf32, #tpu.memory_space<vmem>>, vector<16xf32>,
    %swap3A_1377 = arith.constant 38 : i32
    %swap3A_1378 = arith.index_cast %swap3A_1377 : i32 to index
    %swap3A_1379 = arith.constant 112 : index
    %swap3A_1380 = tpu.vector_load %arg14[%swap3A_1378, %swap3A_1379] {strides = array<i32>} : memref<128x128xf32, #tpu.memory_space<vmem>>, vector<16xf32>,
    tpu.vector_store %arg14[%swap3A_1378, %swap3A_1379], %broadcast_in_dim3A_3 {strides = array<i32>} : memref<128x128xf32, #tpu.memory_space<vmem>>, vector<16xf32>,
    %swap3A_1381 = arith.constant 39 : i32
    %swap3A_1382 = arith.index_cast %swap3A_1381 : i32 to index
    %swap3A_1383 = arith.constant 0 : index
    %swap3A_1384 = tpu.vector_load %arg14[%swap3A_1382, %swap3A_1383] {strides = array<i32>} : memref<128x128xf32, #tpu.memory_space<vmem>>, vector<16xf32>,
    tpu.vector_store %arg14[%swap3A_1382, %swap3A_1383], %broadcast_in_dim3A_3 {strides = array<i32>} : memref<128x128xf32, #tpu.memory_space<vmem>>, vector<16xf32>,
    %swap3A_1385 = arith.constant 39 : i32
    %swap3A_1386 = arith.index_cast %swap3A_1385 : i32 to index
    %swap3A_1387 = arith.constant 16 : index
    %swap3A_1388 = tpu.vector_load %arg14[%swap3A_1386, %swap3A_1387] {strides = array<i32>} : memref<128x128xf32, #tpu.memory_space<vmem>>, vector<16xf32>,
    tpu.vector_store %arg14[%swap3A_1386, %swap3A_1387], %broadcast_in_dim3A_3 {strides = array<i32>} : memref<128x128xf32, #tpu.memory_space<vmem>>, vector<16xf32>,
    %swap3A_1389 = arith.constant 39 : i32
    %swap3A_1390 = arith.index_cast %swap3A_1389 : i32 to index
    %swap3A_1391 = arith.constant 32 : index
    %swap3A_1392 = tpu.vector_load %arg14[%swap3A_1390, %swap3A_1391] {strides = array<i32>} : memref<128x128xf32, #tpu.memory_space<vmem>>, vector<16xf32>,
    tpu.vector_store %arg14[%swap3A_1390, %swap3A_1391], %broadcast_in_dim3A_3 {strides = array<i32>} : memref<128x128xf32, #tpu.memory_space<vmem>>, vector<16xf32>,
    %swap3A_1393 = arith.constant 39 : i32
    %swap3A_1394 = arith.index_cast %swap3A_1393 : i32 to index
    %swap3A_1395 = arith.constant 48 : index
    %swap3A_1396 = tpu.vector_load %arg14[%swap3A_1394, %swap3A_1395] {strides = array<i32>} : memref<128x128xf32, #tpu.memory_space<vmem>>, vector<16xf32>,
    tpu.vector_store %arg14[%swap3A_1394, %swap3A_1395], %broadcast_in_dim3A_3 {strides = array<i32>} : memref<128x128xf32, #tpu.memory_space<vmem>>, vector<16xf32>,
    %swap3A_1397 = arith.constant 39 : i32
    %swap3A_1398 = arith.index_cast %swap3A_1397 : i32 to index
    %swap3A_1399 = arith.constant 64 : index
    %swap3A_1400 = tpu.vector_load %arg14[%swap3A_1398, %swap3A_1399] {strides = array<i32>} : memref<128x128xf32, #tpu.memory_space<vmem>>, vector<16xf32>,
    tpu.vector_store %arg14[%swap3A_1398, %swap3A_1399], %broadcast_in_dim3A_3 {strides = array<i32>} : memref<128x128xf32, #tpu.memory_space<vmem>>, vector<16xf32>,
    %swap3A_1401 = arith.constant 39 : i32
    %swap3A_1402 = arith.index_cast %swap3A_1401 : i32 to index
    %swap3A_1403 = arith.constant 80 : index
    %swap3A_1404 = tpu.vector_load %arg14[%swap3A_1402, %swap3A_1403] {strides = array<i32>} : memref<128x128xf32, #tpu.memory_space<vmem>>, vector<16xf32>,
    tpu.vector_store %arg14[%swap3A_1402, %swap3A_1403], %broadcast_in_dim3A_3 {strides = array<i32>} : memref<128x128xf32, #tpu.memory_space<vmem>>, vector<16xf32>,
    %swap3A_1405 = arith.constant 39 : i32
    %swap3A_1406 = arith.index_cast %swap3A_1405 : i32 to index
    %swap3A_1407 = arith.constant 96 : index
    %swap3A_1408 = tpu.vector_load %arg14[%swap3A_1406, %swap3A_1407] {strides = array<i32>} : memref<128x128xf32, #tpu.memory_space<vmem>>, vector<16xf32>,
    tpu.vector_store %arg14[%swap3A_1406, %swap3A_1407], %broadcast_in_dim3A_3 {strides = array<i32>} : memref<128x128xf32, #tpu.memory_space<vmem>>, vector<16xf32>,
    %swap3A_1409 = arith.constant 39 : i32
    %swap3A_1410 = arith.index_cast %swap3A_1409 : i32 to index
    %swap3A_1411 = arith.constant 112 : index
    %swap3A_1412 = tpu.vector_load %arg14[%swap3A_1410, %swap3A_1411] {strides = array<i32>} : memref<128x128xf32, #tpu.memory_space<vmem>>, vector<16xf32>,
    tpu.vector_store %arg14[%swap3A_1410, %swap3A_1411], %broadcast_in_dim3A_3 {strides = array<i32>} : memref<128x128xf32, #tpu.memory_space<vmem>>, vector<16xf32>,
    %swap3A_1413 = arith.constant 40 : i32
    %swap3A_1414 = arith.index_cast %swap3A_1413 : i32 to index
    %swap3A_1415 = arith.constant 0 : index
    %swap3A_1416 = tpu.vector_load %arg14[%swap3A_1414, %swap3A_1415] {strides = array<i32>} : memref<128x128xf32, #tpu.memory_space<vmem>>, vector<16xf32>,
    tpu.vector_store %arg14[%swap3A_1414, %swap3A_1415], %broadcast_in_dim3A_3 {strides = array<i32>} : memref<128x128xf32, #tpu.memory_space<vmem>>, vector<16xf32>,
    %swap3A_1417 = arith.constant 40 : i32
    %swap3A_1418 = arith.index_cast %swap3A_1417 : i32 to index
    %swap3A_1419 = arith.constant 16 : index
    %swap3A_1420 = tpu.vector_load %arg14[%swap3A_1418, %swap3A_1419] {strides = array<i32>} : memref<128x128xf32, #tpu.memory_space<vmem>>, vector<16xf32>,
    tpu.vector_store %arg14[%swap3A_1418, %swap3A_1419], %broadcast_in_dim3A_3 {strides = array<i32>} : memref<128x128xf32, #tpu.memory_space<vmem>>, vector<16xf32>,
    %swap3A_1421 = arith.constant 40 : i32
    %swap3A_1422 = arith.index_cast %swap3A_1421 : i32 to index
    %swap3A_1423 = arith.constant 32 : index
    %swap3A_1424 = tpu.vector_load %arg14[%swap3A_1422, %swap3A_1423] {strides = array<i32>} : memref<128x128xf32, #tpu.memory_space<vmem>>, vector<16xf32>,
    tpu.vector_store %arg14[%swap3A_1422, %swap3A_1423], %broadcast_in_dim3A_3 {strides = array<i32>} : memref<128x128xf32, #tpu.memory_space<vmem>>, vector<16xf32>,
    %swap3A_1425 = arith.constant 40 : i32
    %swap3A_1426 = arith.index_cast %swap3A_1425 : i32 to index
    %swap3A_1427 = arith.constant 48 : index
    %swap3A_1428 = tpu.vector_load %arg14[%swap3A_1426, %swap3A_1427] {strides = array<i32>} : memref<128x128xf32, #tpu.memory_space<vmem>>, vector<16xf32>,
    tpu.vector_store %arg14[%swap3A_1426, %swap3A_1427], %broadcast_in_dim3A_3 {strides = array<i32>} : memref<128x128xf32, #tpu.memory_space<vmem>>, vector<16xf32>,
    %swap3A_1429 = arith.constant 40 : i32
    %swap3A_1430 = arith.index_cast %swap3A_1429 : i32 to index
    %swap3A_1431 = arith.constant 64 : index
    %swap3A_1432 = tpu.vector_load %arg14[%swap3A_1430, %swap3A_1431] {strides = array<i32>} : memref<128x128xf32, #tpu.memory_space<vmem>>, vector<16xf32>,
    tpu.vector_store %arg14[%swap3A_1430, %swap3A_1431], %broadcast_in_dim3A_3 {strides = array<i32>} : memref<128x128xf32, #tpu.memory_space<vmem>>, vector<16xf32>,
    %swap3A_1433 = arith.constant 40 : i32
    %swap3A_1434 = arith.index_cast %swap3A_1433 : i32 to index
    %swap3A_1435 = arith.constant 80 : index
    %swap3A_1436 = tpu.vector_load %arg14[%swap3A_1434, %swap3A_1435] {strides = array<i32>} : memref<128x128xf32, #tpu.memory_space<vmem>>, vector<16xf32>,
    tpu.vector_store %arg14[%swap3A_1434, %swap3A_1435], %broadcast_in_dim3A_3 {strides = array<i32>} : memref<128x128xf32, #tpu.memory_space<vmem>>, vector<16xf32>,
    %swap3A_1437 = arith.constant 40 : i32
    %swap3A_1438 = arith.index_cast %swap3A_1437 : i32 to index
    %swap3A_1439 = arith.constant 96 : index
    %swap3A_1440 = tpu.vector_load %arg14[%swap3A_1438, %swap3A_1439] {strides = array<i32>} : memref<128x128xf32, #tpu.memory_space<vmem>>, vector<16xf32>,
    tpu.vector_store %arg14[%swap3A_1438, %swap3A_1439], %broadcast_in_dim3A_3 {strides = array<i32>} : memref<128x128xf32, #tpu.memory_space<vmem>>, vector<16xf32>,
    %swap3A_1441 = arith.constant 40 : i32
    %swap3A_1442 = arith.index_cast %swap3A_1441 : i32 to index
    %swap3A_1443 = arith.constant 112 : index
    %swap3A_1444 = tpu.vector_load %arg14[%swap3A_1442, %swap3A_1443] {strides = array<i32>} : memref<128x128xf32, #tpu.memory_space<vmem>>, vector<16xf32>,
    tpu.vector_store %arg14[%swap3A_1442, %swap3A_1443], %broadcast_in_dim3A_3 {strides = array<i32>} : memref<128x128xf32, #tpu.memory_space<vmem>>, vector<16xf32>,
    %swap3A_1445 = arith.constant 41 : i32
    %swap3A_1446 = arith.index_cast %swap3A_1445 : i32 to index
    %swap3A_1447 = arith.constant 0 : index
    %swap3A_1448 = tpu.vector_load %arg14[%swap3A_1446, %swap3A_1447] {strides = array<i32>} : memref<128x128xf32, #tpu.memory_space<vmem>>, vector<16xf32>,
    tpu.vector_store %arg14[%swap3A_1446, %swap3A_1447], %broadcast_in_dim3A_3 {strides = array<i32>} : memref<128x128xf32, #tpu.memory_space<vmem>>, vector<16xf32>,
    %swap3A_1449 = arith.constant 41 : i32
    %swap3A_1450 = arith.index_cast %swap3A_1449 : i32 to index
    %swap3A_1451 = arith.constant 16 : index
    %swap3A_1452 = tpu.vector_load %arg14[%swap3A_1450, %swap3A_1451] {strides = array<i32>} : memref<128x128xf32, #tpu.memory_space<vmem>>, vector<16xf32>,
    tpu.vector_store %arg14[%swap3A_1450, %swap3A_1451], %broadcast_in_dim3A_3 {strides = array<i32>} : memref<128x128xf32, #tpu.memory_space<vmem>>, vector<16xf32>,
    %swap3A_1453 = arith.constant 41 : i32
    %swap3A_1454 = arith.index_cast %swap3A_1453 : i32 to index
    %swap3A_1455 = arith.constant 32 : index
    %swap3A_1456 = tpu.vector_load %arg14[%swap3A_1454, %swap3A_1455] {strides = array<i32>} : memref<128x128xf32, #tpu.memory_space<vmem>>, vector<16xf32>,
    tpu.vector_store %arg14[%swap3A_1454, %swap3A_1455], %broadcast_in_dim3A_3 {strides = array<i32>} : memref<128x128xf32, #tpu.memory_space<vmem>>, vector<16xf32>,
    %swap3A_1457 = arith.constant 41 : i32
    %swap3A_1458 = arith.index_cast %swap3A_1457 : i32 to index
    %swap3A_1459 = arith.constant 48 : index
    %swap3A_1460 = tpu.vector_load %arg14[%swap3A_1458, %swap3A_1459] {strides = array<i32>} : memref<128x128xf32, #tpu.memory_space<vmem>>, vector<16xf32>,
    tpu.vector_store %arg14[%swap3A_1458, %swap3A_1459], %broadcast_in_dim3A_3 {strides = array<i32>} : memref<128x128xf32, #tpu.memory_space<vmem>>, vector<16xf32>,
    %swap3A_1461 = arith.constant 41 : i32
    %swap3A_1462 = arith.index_cast %swap3A_1461 : i32 to index
    %swap3A_1463 = arith.constant 64 : index
    %swap3A_1464 = tpu.vector_load %arg14[%swap3A_1462, %swap3A_1463] {strides = array<i32>} : memref<128x128xf32, #tpu.memory_space<vmem>>, vector<16xf32>,
    tpu.vector_store %arg14[%swap3A_1462, %swap3A_1463], %broadcast_in_dim3A_3 {strides = array<i32>} : memref<128x128xf32, #tpu.memory_space<vmem>>, vector<16xf32>,
    %swap3A_1465 = arith.constant 41 : i32
    %swap3A_1466 = arith.index_cast %swap3A_1465 : i32 to index
    %swap3A_1467 = arith.constant 80 : index
    %swap3A_1468 = tpu.vector_load %arg14[%swap3A_1466, %swap3A_1467] {strides = array<i32>} : memref<128x128xf32, #tpu.memory_space<vmem>>, vector<16xf32>,
    tpu.vector_store %arg14[%swap3A_1466, %swap3A_1467], %broadcast_in_dim3A_3 {strides = array<i32>} : memref<128x128xf32, #tpu.memory_space<vmem>>, vector<16xf32>,
    %swap3A_1469 = arith.constant 41 : i32
    %swap3A_1470 = arith.index_cast %swap3A_1469 : i32 to index
    %swap3A_1471 = arith.constant 96 : index
    %swap3A_1472 = tpu.vector_load %arg14[%swap3A_1470, %swap3A_1471] {strides = array<i32>} : memref<128x128xf32, #tpu.memory_space<vmem>>, vector<16xf32>,
    tpu.vector_store %arg14[%swap3A_1470, %swap3A_1471], %broadcast_in_dim3A_3 {strides = array<i32>} : memref<128x128xf32, #tpu.memory_space<vmem>>, vector<16xf32>,
    %swap3A_1473 = arith.constant 41 : i32
    %swap3A_1474 = arith.index_cast %swap3A_1473 : i32 to index
    %swap3A_1475 = arith.constant 112 : index
    %swap3A_1476 = tpu.vector_load %arg14[%swap3A_1474, %swap3A_1475] {strides = array<i32>} : memref<128x128xf32, #tpu.memory_space<vmem>>, vector<16xf32>,
    tpu.vector_store %arg14[%swap3A_1474, %swap3A_1475], %broadcast_in_dim3A_3 {strides = array<i32>} : memref<128x128xf32, #tpu.memory_space<vmem>>, vector<16xf32>,
    %swap3A_1477 = arith.constant 42 : i32
    %swap3A_1478 = arith.index_cast %swap3A_1477 : i32 to index
    %swap3A_1479 = arith.constant 0 : index
    %swap3A_1480 = tpu.vector_load %arg14[%swap3A_1478, %swap3A_1479] {strides = array<i32>} : memref<128x128xf32, #tpu.memory_space<vmem>>, vector<16xf32>,
    tpu.vector_store %arg14[%swap3A_1478, %swap3A_1479], %broadcast_in_dim3A_3 {strides = array<i32>} : memref<128x128xf32, #tpu.memory_space<vmem>>, vector<16xf32>,
    %swap3A_1481 = arith.constant 42 : i32
    %swap3A_1482 = arith.index_cast %swap3A_1481 : i32 to index
    %swap3A_1483 = arith.constant 16 : index
    %swap3A_1484 = tpu.vector_load %arg14[%swap3A_1482, %swap3A_1483] {strides = array<i32>} : memref<128x128xf32, #tpu.memory_space<vmem>>, vector<16xf32>,
    tpu.vector_store %arg14[%swap3A_1482, %swap3A_1483], %broadcast_in_dim3A_3 {strides = array<i32>} : memref<128x128xf32, #tpu.memory_space<vmem>>, vector<16xf32>,
    %swap3A_1485 = arith.constant 42 : i32
    %swap3A_1486 = arith.index_cast %swap3A_1485 : i32 to index
    %swap3A_1487 = arith.constant 32 : index
    %swap3A_1488 = tpu.vector_load %arg14[%swap3A_1486, %swap3A_1487] {strides = array<i32>} : memref<128x128xf32, #tpu.memory_space<vmem>>, vector<16xf32>,
    tpu.vector_store %arg14[%swap3A_1486, %swap3A_1487], %broadcast_in_dim3A_3 {strides = array<i32>} : memref<128x128xf32, #tpu.memory_space<vmem>>, vector<16xf32>,
    %swap3A_1489 = arith.constant 42 : i32
    %swap3A_1490 = arith.index_cast %swap3A_1489 : i32 to index
    %swap3A_1491 = arith.constant 48 : index
    %swap3A_1492 = tpu.vector_load %arg14[%swap3A_1490, %swap3A_1491] {strides = array<i32>} : memref<128x128xf32, #tpu.memory_space<vmem>>, vector<16xf32>,
    tpu.vector_store %arg14[%swap3A_1490, %swap3A_1491], %broadcast_in_dim3A_3 {strides = array<i32>} : memref<128x128xf32, #tpu.memory_space<vmem>>, vector<16xf32>,
    %swap3A_1493 = arith.constant 42 : i32
    %swap3A_1494 = arith.index_cast %swap3A_1493 : i32 to index
    %swap3A_1495 = arith.constant 64 : index
    %swap3A_1496 = tpu.vector_load %arg14[%swap3A_1494, %swap3A_1495] {strides = array<i32>} : memref<128x128xf32, #tpu.memory_space<vmem>>, vector<16xf32>,
    tpu.vector_store %arg14[%swap3A_1494, %swap3A_1495], %broadcast_in_dim3A_3 {strides = array<i32>} : memref<128x128xf32, #tpu.memory_space<vmem>>, vector<16xf32>,
    %swap3A_1497 = arith.constant 42 : i32
    %swap3A_1498 = arith.index_cast %swap3A_1497 : i32 to index
    %swap3A_1499 = arith.constant 80 : index
    %swap3A_1500 = tpu.vector_load %arg14[%swap3A_1498, %swap3A_1499] {strides = array<i32>} : memref<128x128xf32, #tpu.memory_space<vmem>>, vector<16xf32>,
    tpu.vector_store %arg14[%swap3A_1498, %swap3A_1499], %broadcast_in_dim3A_3 {strides = array<i32>} : memref<128x128xf32, #tpu.memory_space<vmem>>, vector<16xf32>,
    %swap3A_1501 = arith.constant 42 : i32
    %swap3A_1502 = arith.index_cast %swap3A_1501 : i32 to index
    %swap3A_1503 = arith.constant 96 : index
    %swap3A_1504 = tpu.vector_load %arg14[%swap3A_1502, %swap3A_1503] {strides = array<i32>} : memref<128x128xf32, #tpu.memory_space<vmem>>, vector<16xf32>,
    tpu.vector_store %arg14[%swap3A_1502, %swap3A_1503], %broadcast_in_dim3A_3 {strides = array<i32>} : memref<128x128xf32, #tpu.memory_space<vmem>>, vector<16xf32>,
    %swap3A_1505 = arith.constant 42 : i32
    %swap3A_1506 = arith.index_cast %swap3A_1505 : i32 to index
    %swap3A_1507 = arith.constant 112 : index
    %swap3A_1508 = tpu.vector_load %arg14[%swap3A_1506, %swap3A_1507] {strides = array<i32>} : memref<128x128xf32, #tpu.memory_space<vmem>>, vector<16xf32>,
    tpu.vector_store %arg14[%swap3A_1506, %swap3A_1507], %broadcast_in_dim3A_3 {strides = array<i32>} : memref<128x128xf32, #tpu.memory_space<vmem>>, vector<16xf32>,
    %swap3A_1509 = arith.constant 43 : i32
    %swap3A_1510 = arith.index_cast %swap3A_1509 : i32 to index
    %swap3A_1511 = arith.constant 0 : index
    %swap3A_1512 = tpu.vector_load %arg14[%swap3A_1510, %swap3A_1511] {strides = array<i32>} : memref<128x128xf32, #tpu.memory_space<vmem>>, vector<16xf32>,
    tpu.vector_store %arg14[%swap3A_1510, %swap3A_1511], %broadcast_in_dim3A_3 {strides = array<i32>} : memref<128x128xf32, #tpu.memory_space<vmem>>, vector<16xf32>,
    %swap3A_1513 = arith.constant 43 : i32
    %swap3A_1514 = arith.index_cast %swap3A_1513 : i32 to index
    %swap3A_1515 = arith.constant 16 : index
    %swap3A_1516 = tpu.vector_load %arg14[%swap3A_1514, %swap3A_1515] {strides = array<i32>} : memref<128x128xf32, #tpu.memory_space<vmem>>, vector<16xf32>,
    tpu.vector_store %arg14[%swap3A_1514, %swap3A_1515], %broadcast_in_dim3A_3 {strides = array<i32>} : memref<128x128xf32, #tpu.memory_space<vmem>>, vector<16xf32>,
    %swap3A_1517 = arith.constant 43 : i32
    %swap3A_1518 = arith.index_cast %swap3A_1517 : i32 to index
    %swap3A_1519 = arith.constant 32 : index
    %swap3A_1520 = tpu.vector_load %arg14[%swap3A_1518, %swap3A_1519] {strides = array<i32>} : memref<128x128xf32, #tpu.memory_space<vmem>>, vector<16xf32>,
    tpu.vector_store %arg14[%swap3A_1518, %swap3A_1519], %broadcast_in_dim3A_3 {strides = array<i32>} : memref<128x128xf32, #tpu.memory_space<vmem>>, vector<16xf32>,
    %swap3A_1521 = arith.constant 43 : i32
    %swap3A_1522 = arith.index_cast %swap3A_1521 : i32 to index
    %swap3A_1523 = arith.constant 48 : index
    %swap3A_1524 = tpu.vector_load %arg14[%swap3A_1522, %swap3A_1523] {strides = array<i32>} : memref<128x128xf32, #tpu.memory_space<vmem>>, vector<16xf32>,
    tpu.vector_store %arg14[%swap3A_1522, %swap3A_1523], %broadcast_in_dim3A_3 {strides = array<i32>} : memref<128x128xf32, #tpu.memory_space<vmem>>, vector<16xf32>,
    %swap3A_1525 = arith.constant 43 : i32
    %swap3A_1526 = arith.index_cast %swap3A_1525 : i32 to index
    %swap3A_1527 = arith.constant 64 : index
    %swap3A_1528 = tpu.vector_load %arg14[%swap3A_1526, %swap3A_1527] {strides = array<i32>} : memref<128x128xf32, #tpu.memory_space<vmem>>, vector<16xf32>,
    tpu.vector_store %arg14[%swap3A_1526, %swap3A_1527], %broadcast_in_dim3A_3 {strides = array<i32>} : memref<128x128xf32, #tpu.memory_space<vmem>>, vector<16xf32>,
    %swap3A_1529 = arith.constant 43 : i32
    %swap3A_1530 = arith.index_cast %swap3A_1529 : i32 to index
    %swap3A_1531 = arith.constant 80 : index
    %swap3A_1532 = tpu.vector_load %arg14[%swap3A_1530, %swap3A_1531] {strides = array<i32>} : memref<128x128xf32, #tpu.memory_space<vmem>>, vector<16xf32>,
    tpu.vector_store %arg14[%swap3A_1530, %swap3A_1531], %broadcast_in_dim3A_3 {strides = array<i32>} : memref<128x128xf32, #tpu.memory_space<vmem>>, vector<16xf32>,
    %swap3A_1533 = arith.constant 43 : i32
    %swap3A_1534 = arith.index_cast %swap3A_1533 : i32 to index
    %swap3A_1535 = arith.constant 96 : index
    %swap3A_1536 = tpu.vector_load %arg14[%swap3A_1534, %swap3A_1535] {strides = array<i32>} : memref<128x128xf32, #tpu.memory_space<vmem>>, vector<16xf32>,
    tpu.vector_store %arg14[%swap3A_1534, %swap3A_1535], %broadcast_in_dim3A_3 {strides = array<i32>} : memref<128x128xf32, #tpu.memory_space<vmem>>, vector<16xf32>,
    %swap3A_1537 = arith.constant 43 : i32
    %swap3A_1538 = arith.index_cast %swap3A_1537 : i32 to index
    %swap3A_1539 = arith.constant 112 : index
    %swap3A_1540 = tpu.vector_load %arg14[%swap3A_1538, %swap3A_1539] {strides = array<i32>} : memref<128x128xf32, #tpu.memory_space<vmem>>, vector<16xf32>,
    tpu.vector_store %arg14[%swap3A_1538, %swap3A_1539], %broadcast_in_dim3A_3 {strides = array<i32>} : memref<128x128xf32, #tpu.memory_space<vmem>>, vector<16xf32>,
    %swap3A_1541 = arith.constant 44 : i32
    %swap3A_1542 = arith.index_cast %swap3A_1541 : i32 to index
    %swap3A_1543 = arith.constant 0 : index
    %swap3A_1544 = tpu.vector_load %arg14[%swap3A_1542, %swap3A_1543] {strides = array<i32>} : memref<128x128xf32, #tpu.memory_space<vmem>>, vector<16xf32>,
    tpu.vector_store %arg14[%swap3A_1542, %swap3A_1543], %broadcast_in_dim3A_3 {strides = array<i32>} : memref<128x128xf32, #tpu.memory_space<vmem>>, vector<16xf32>,
    %swap3A_1545 = arith.constant 44 : i32
    %swap3A_1546 = arith.index_cast %swap3A_1545 : i32 to index
    %swap3A_1547 = arith.constant 16 : index
    %swap3A_1548 = tpu.vector_load %arg14[%swap3A_1546, %swap3A_1547] {strides = array<i32>} : memref<128x128xf32, #tpu.memory_space<vmem>>, vector<16xf32>,
    tpu.vector_store %arg14[%swap3A_1546, %swap3A_1547], %broadcast_in_dim3A_3 {strides = array<i32>} : memref<128x128xf32, #tpu.memory_space<vmem>>, vector<16xf32>,
    %swap3A_1549 = arith.constant 44 : i32
    %swap3A_1550 = arith.index_cast %swap3A_1549 : i32 to index
    %swap3A_1551 = arith.constant 32 : index
    %swap3A_1552 = tpu.vector_load %arg14[%swap3A_1550, %swap3A_1551] {strides = array<i32>} : memref<128x128xf32, #tpu.memory_space<vmem>>, vector<16xf32>,
    tpu.vector_store %arg14[%swap3A_1550, %swap3A_1551], %broadcast_in_dim3A_3 {strides = array<i32>} : memref<128x128xf32, #tpu.memory_space<vmem>>, vector<16xf32>,
    %swap3A_1553 = arith.constant 44 : i32
    %swap3A_1554 = arith.index_cast %swap3A_1553 : i32 to index
    %swap3A_1555 = arith.constant 48 : index
    %swap3A_1556 = tpu.vector_load %arg14[%swap3A_1554, %swap3A_1555] {strides = array<i32>} : memref<128x128xf32, #tpu.memory_space<vmem>>, vector<16xf32>,
    tpu.vector_store %arg14[%swap3A_1554, %swap3A_1555], %broadcast_in_dim3A_3 {strides = array<i32>} : memref<128x128xf32, #tpu.memory_space<vmem>>, vector<16xf32>,
    %swap3A_1557 = arith.constant 44 : i32
    %swap3A_1558 = arith.index_cast %swap3A_1557 : i32 to index
    %swap3A_1559 = arith.constant 64 : index
    %swap3A_1560 = tpu.vector_load %arg14[%swap3A_1558, %swap3A_1559] {strides = array<i32>} : memref<128x128xf32, #tpu.memory_space<vmem>>, vector<16xf32>,
    tpu.vector_store %arg14[%swap3A_1558, %swap3A_1559], %broadcast_in_dim3A_3 {strides = array<i32>} : memref<128x128xf32, #tpu.memory_space<vmem>>, vector<16xf32>,
    %swap3A_1561 = arith.constant 44 : i32
    %swap3A_1562 = arith.index_cast %swap3A_1561 : i32 to index
    %swap3A_1563 = arith.constant 80 : index
    %swap3A_1564 = tpu.vector_load %arg14[%swap3A_1562, %swap3A_1563] {strides = array<i32>} : memref<128x128xf32, #tpu.memory_space<vmem>>, vector<16xf32>,
    tpu.vector_store %arg14[%swap3A_1562, %swap3A_1563], %broadcast_in_dim3A_3 {strides = array<i32>} : memref<128x128xf32, #tpu.memory_space<vmem>>, vector<16xf32>,
    %swap3A_1565 = arith.constant 44 : i32
    %swap3A_1566 = arith.index_cast %swap3A_1565 : i32 to index
    %swap3A_1567 = arith.constant 96 : index
    %swap3A_1568 = tpu.vector_load %arg14[%swap3A_1566, %swap3A_1567] {strides = array<i32>} : memref<128x128xf32, #tpu.memory_space<vmem>>, vector<16xf32>,
    tpu.vector_store %arg14[%swap3A_1566, %swap3A_1567], %broadcast_in_dim3A_3 {strides = array<i32>} : memref<128x128xf32, #tpu.memory_space<vmem>>, vector<16xf32>,
    %swap3A_1569 = arith.constant 44 : i32
    %swap3A_1570 = arith.index_cast %swap3A_1569 : i32 to index
    %swap3A_1571 = arith.constant 112 : index
    %swap3A_1572 = tpu.vector_load %arg14[%swap3A_1570, %swap3A_1571] {strides = array<i32>} : memref<128x128xf32, #tpu.memory_space<vmem>>, vector<16xf32>,
    tpu.vector_store %arg14[%swap3A_1570, %swap3A_1571], %broadcast_in_dim3A_3 {strides = array<i32>} : memref<128x128xf32, #tpu.memory_space<vmem>>, vector<16xf32>,
    %swap3A_1573 = arith.constant 45 : i32
    %swap3A_1574 = arith.index_cast %swap3A_1573 : i32 to index
    %swap3A_1575 = arith.constant 0 : index
    %swap3A_1576 = tpu.vector_load %arg14[%swap3A_1574, %swap3A_1575] {strides = array<i32>} : memref<128x128xf32, #tpu.memory_space<vmem>>, vector<16xf32>,
    tpu.vector_store %arg14[%swap3A_1574, %swap3A_1575], %broadcast_in_dim3A_3 {strides = array<i32>} : memref<128x128xf32, #tpu.memory_space<vmem>>, vector<16xf32>,
    %swap3A_1577 = arith.constant 45 : i32
    %swap3A_1578 = arith.index_cast %swap3A_1577 : i32 to index
    %swap3A_1579 = arith.constant 16 : index
    %swap3A_1580 = tpu.vector_load %arg14[%swap3A_1578, %swap3A_1579] {strides = array<i32>} : memref<128x128xf32, #tpu.memory_space<vmem>>, vector<16xf32>,
    tpu.vector_store %arg14[%swap3A_1578, %swap3A_1579], %broadcast_in_dim3A_3 {strides = array<i32>} : memref<128x128xf32, #tpu.memory_space<vmem>>, vector<16xf32>,
    %swap3A_1581 = arith.constant 45 : i32
    %swap3A_1582 = arith.index_cast %swap3A_1581 : i32 to index
    %swap3A_1583 = arith.constant 32 : index
    %swap3A_1584 = tpu.vector_load %arg14[%swap3A_1582, %swap3A_1583] {strides = array<i32>} : memref<128x128xf32, #tpu.memory_space<vmem>>, vector<16xf32>,
    tpu.vector_store %arg14[%swap3A_1582, %swap3A_1583], %broadcast_in_dim3A_3 {strides = array<i32>} : memref<128x128xf32, #tpu.memory_space<vmem>>, vector<16xf32>,
    %swap3A_1585 = arith.constant 45 : i32
    %swap3A_1586 = arith.index_cast %swap3A_1585 : i32 to index
    %swap3A_1587 = arith.constant 48 : index
    %swap3A_1588 = tpu.vector_load %arg14[%swap3A_1586, %swap3A_1587] {strides = array<i32>} : memref<128x128xf32, #tpu.memory_space<vmem>>, vector<16xf32>,
    tpu.vector_store %arg14[%swap3A_1586, %swap3A_1587], %broadcast_in_dim3A_3 {strides = array<i32>} : memref<128x128xf32, #tpu.memory_space<vmem>>, vector<16xf32>,
    %swap3A_1589 = arith.constant 45 : i32
    %swap3A_1590 = arith.index_cast %swap3A_1589 : i32 to index
    %swap3A_1591 = arith.constant 64 : index
    %swap3A_1592 = tpu.vector_load %arg14[%swap3A_1590, %swap3A_1591] {strides = array<i32>} : memref<128x128xf32, #tpu.memory_space<vmem>>, vector<16xf32>,
    tpu.vector_store %arg14[%swap3A_1590, %swap3A_1591], %broadcast_in_dim3A_3 {strides = array<i32>} : memref<128x128xf32, #tpu.memory_space<vmem>>, vector<16xf32>,
    %swap3A_1593 = arith.constant 45 : i32
    %swap3A_1594 = arith.index_cast %swap3A_1593 : i32 to index
    %swap3A_1595 = arith.constant 80 : index
    %swap3A_1596 = tpu.vector_load %arg14[%swap3A_1594, %swap3A_1595] {strides = array<i32>} : memref<128x128xf32, #tpu.memory_space<vmem>>, vector<16xf32>,
    tpu.vector_store %arg14[%swap3A_1594, %swap3A_1595], %broadcast_in_dim3A_3 {strides = array<i32>} : memref<128x128xf32, #tpu.memory_space<vmem>>, vector<16xf32>,
    %swap3A_1597 = arith.constant 45 : i32
    %swap3A_1598 = arith.index_cast %swap3A_1597 : i32 to index
    %swap3A_1599 = arith.constant 96 : index
    %swap3A_1600 = tpu.vector_load %arg14[%swap3A_1598, %swap3A_1599] {strides = array<i32>} : memref<128x128xf32, #tpu.memory_space<vmem>>, vector<16xf32>,
    tpu.vector_store %arg14[%swap3A_1598, %swap3A_1599], %broadcast_in_dim3A_3 {strides = array<i32>} : memref<128x128xf32, #tpu.memory_space<vmem>>, vector<16xf32>,
    %swap3A_1601 = arith.constant 45 : i32
    %swap3A_1602 = arith.index_cast %swap3A_1601 : i32 to index
    %swap3A_1603 = arith.constant 112 : index
    %swap3A_1604 = tpu.vector_load %arg14[%swap3A_1602, %swap3A_1603] {strides = array<i32>} : memref<128x128xf32, #tpu.memory_space<vmem>>, vector<16xf32>,
    tpu.vector_store %arg14[%swap3A_1602, %swap3A_1603], %broadcast_in_dim3A_3 {strides = array<i32>} : memref<128x128xf32, #tpu.memory_space<vmem>>, vector<16xf32>,
    %swap3A_1605 = arith.constant 46 : i32
    %swap3A_1606 = arith.index_cast %swap3A_1605 : i32 to index
    %swap3A_1607 = arith.constant 0 : index
    %swap3A_1608 = tpu.vector_load %arg14[%swap3A_1606, %swap3A_1607] {strides = array<i32>} : memref<128x128xf32, #tpu.memory_space<vmem>>, vector<16xf32>,
    tpu.vector_store %arg14[%swap3A_1606, %swap3A_1607], %broadcast_in_dim3A_3 {strides = array<i32>} : memref<128x128xf32, #tpu.memory_space<vmem>>, vector<16xf32>,
    %swap3A_1609 = arith.constant 46 : i32
    %swap3A_1610 = arith.index_cast %swap3A_1609 : i32 to index
    %swap3A_1611 = arith.constant 16 : index
    %swap3A_1612 = tpu.vector_load %arg14[%swap3A_1610, %swap3A_1611] {strides = array<i32>} : memref<128x128xf32, #tpu.memory_space<vmem>>, vector<16xf32>,
    tpu.vector_store %arg14[%swap3A_1610, %swap3A_1611], %broadcast_in_dim3A_3 {strides = array<i32>} : memref<128x128xf32, #tpu.memory_space<vmem>>, vector<16xf32>,
    %swap3A_1613 = arith.constant 46 : i32
    %swap3A_1614 = arith.index_cast %swap3A_1613 : i32 to index
    %swap3A_1615 = arith.constant 32 : index
    %swap3A_1616 = tpu.vector_load %arg14[%swap3A_1614, %swap3A_1615] {strides = array<i32>} : memref<128x128xf32, #tpu.memory_space<vmem>>, vector<16xf32>,
    tpu.vector_store %arg14[%swap3A_1614, %swap3A_1615], %broadcast_in_dim3A_3 {strides = array<i32>} : memref<128x128xf32, #tpu.memory_space<vmem>>, vector<16xf32>,
    %swap3A_1617 = arith.constant 46 : i32
    %swap3A_1618 = arith.index_cast %swap3A_1617 : i32 to index
    %swap3A_1619 = arith.constant 48 : index
    %swap3A_1620 = tpu.vector_load %arg14[%swap3A_1618, %swap3A_1619] {strides = array<i32>} : memref<128x128xf32, #tpu.memory_space<vmem>>, vector<16xf32>,
    tpu.vector_store %arg14[%swap3A_1618, %swap3A_1619], %broadcast_in_dim3A_3 {strides = array<i32>} : memref<128x128xf32, #tpu.memory_space<vmem>>, vector<16xf32>,
    %swap3A_1621 = arith.constant 46 : i32
    %swap3A_1622 = arith.index_cast %swap3A_1621 : i32 to index
    %swap3A_1623 = arith.constant 64 : index
    %swap3A_1624 = tpu.vector_load %arg14[%swap3A_1622, %swap3A_1623] {strides = array<i32>} : memref<128x128xf32, #tpu.memory_space<vmem>>, vector<16xf32>,
    tpu.vector_store %arg14[%swap3A_1622, %swap3A_1623], %broadcast_in_dim3A_3 {strides = array<i32>} : memref<128x128xf32, #tpu.memory_space<vmem>>, vector<16xf32>,
    %swap3A_1625 = arith.constant 46 : i32
    %swap3A_1626 = arith.index_cast %swap3A_1625 : i32 to index
    %swap3A_1627 = arith.constant 80 : index
    %swap3A_1628 = tpu.vector_load %arg14[%swap3A_1626, %swap3A_1627] {strides = array<i32>} : memref<128x128xf32, #tpu.memory_space<vmem>>, vector<16xf32>,
    tpu.vector_store %arg14[%swap3A_1626, %swap3A_1627], %broadcast_in_dim3A_3 {strides = array<i32>} : memref<128x128xf32, #tpu.memory_space<vmem>>, vector<16xf32>,
    %swap3A_1629 = arith.constant 46 : i32
    %swap3A_1630 = arith.index_cast %swap3A_1629 : i32 to index
    %swap3A_1631 = arith.constant 96 : index
    %swap3A_1632 = tpu.vector_load %arg14[%swap3A_1630, %swap3A_1631] {strides = array<i32>} : memref<128x128xf32, #tpu.memory_space<vmem>>, vector<16xf32>,
    tpu.vector_store %arg14[%swap3A_1630, %swap3A_1631], %broadcast_in_dim3A_3 {strides = array<i32>} : memref<128x128xf32, #tpu.memory_space<vmem>>, vector<16xf32>,
    %swap3A_1633 = arith.constant 46 : i32
    %swap3A_1634 = arith.index_cast %swap3A_1633 : i32 to index
    %swap3A_1635 = arith.constant 112 : index
    %swap3A_1636 = tpu.vector_load %arg14[%swap3A_1634, %swap3A_1635] {strides = array<i32>} : memref<128x128xf32, #tpu.memory_space<vmem>>, vector<16xf32>,
    tpu.vector_store %arg14[%swap3A_1634, %swap3A_1635], %broadcast_in_dim3A_3 {strides = array<i32>} : memref<128x128xf32, #tpu.memory_space<vmem>>, vector<16xf32>,
    %swap3A_1637 = arith.constant 47 : i32
    %swap3A_1638 = arith.index_cast %swap3A_1637 : i32 to index
    %swap3A_1639 = arith.constant 0 : index
    %swap3A_1640 = tpu.vector_load %arg14[%swap3A_1638, %swap3A_1639] {strides = array<i32>} : memref<128x128xf32, #tpu.memory_space<vmem>>, vector<16xf32>,
    tpu.vector_store %arg14[%swap3A_1638, %swap3A_1639], %broadcast_in_dim3A_3 {strides = array<i32>} : memref<128x128xf32, #tpu.memory_space<vmem>>, vector<16xf32>,
    %swap3A_1641 = arith.constant 47 : i32
    %swap3A_1642 = arith.index_cast %swap3A_1641 : i32 to index
    %swap3A_1643 = arith.constant 16 : index
    %swap3A_1644 = tpu.vector_load %arg14[%swap3A_1642, %swap3A_1643] {strides = array<i32>} : memref<128x128xf32, #tpu.memory_space<vmem>>, vector<16xf32>,
    tpu.vector_store %arg14[%swap3A_1642, %swap3A_1643], %broadcast_in_dim3A_3 {strides = array<i32>} : memref<128x128xf32, #tpu.memory_space<vmem>>, vector<16xf32>,
    %swap3A_1645 = arith.constant 47 : i32
    %swap3A_1646 = arith.index_cast %swap3A_1645 : i32 to index
    %swap3A_1647 = arith.constant 32 : index
    %swap3A_1648 = tpu.vector_load %arg14[%swap3A_1646, %swap3A_1647] {strides = array<i32>} : memref<128x128xf32, #tpu.memory_space<vmem>>, vector<16xf32>,
    tpu.vector_store %arg14[%swap3A_1646, %swap3A_1647], %broadcast_in_dim3A_3 {strides = array<i32>} : memref<128x128xf32, #tpu.memory_space<vmem>>, vector<16xf32>,
    %swap3A_1649 = arith.constant 47 : i32
    %swap3A_1650 = arith.index_cast %swap3A_1649 : i32 to index
    %swap3A_1651 = arith.constant 48 : index
    %swap3A_1652 = tpu.vector_load %arg14[%swap3A_1650, %swap3A_1651] {strides = array<i32>} : memref<128x128xf32, #tpu.memory_space<vmem>>, vector<16xf32>,
    tpu.vector_store %arg14[%swap3A_1650, %swap3A_1651], %broadcast_in_dim3A_3 {strides = array<i32>} : memref<128x128xf32, #tpu.memory_space<vmem>>, vector<16xf32>,
    %swap3A_1653 = arith.constant 47 : i32
    %swap3A_1654 = arith.index_cast %swap3A_1653 : i32 to index
    %swap3A_1655 = arith.constant 64 : index
    %swap3A_1656 = tpu.vector_load %arg14[%swap3A_1654, %swap3A_1655] {strides = array<i32>} : memref<128x128xf32, #tpu.memory_space<vmem>>, vector<16xf32>,
    tpu.vector_store %arg14[%swap3A_1654, %swap3A_1655], %broadcast_in_dim3A_3 {strides = array<i32>} : memref<128x128xf32, #tpu.memory_space<vmem>>, vector<16xf32>,
    %swap3A_1657 = arith.constant 47 : i32
    %swap3A_1658 = arith.index_cast %swap3A_1657 : i32 to index
    %swap3A_1659 = arith.constant 80 : index
    %swap3A_1660 = tpu.vector_load %arg14[%swap3A_1658, %swap3A_1659] {strides = array<i32>} : memref<128x128xf32, #tpu.memory_space<vmem>>, vector<16xf32>,
    tpu.vector_store %arg14[%swap3A_1658, %swap3A_1659], %broadcast_in_dim3A_3 {strides = array<i32>} : memref<128x128xf32, #tpu.memory_space<vmem>>, vector<16xf32>,
    %swap3A_1661 = arith.constant 47 : i32
    %swap3A_1662 = arith.index_cast %swap3A_1661 : i32 to index
    %swap3A_1663 = arith.constant 96 : index
    %swap3A_1664 = tpu.vector_load %arg14[%swap3A_1662, %swap3A_1663] {strides = array<i32>} : memref<128x128xf32, #tpu.memory_space<vmem>>, vector<16xf32>,
    tpu.vector_store %arg14[%swap3A_1662, %swap3A_1663], %broadcast_in_dim3A_3 {strides = array<i32>} : memref<128x128xf32, #tpu.memory_space<vmem>>, vector<16xf32>,
    %swap3A_1665 = arith.constant 47 : i32
    %swap3A_1666 = arith.index_cast %swap3A_1665 : i32 to index
    %swap3A_1667 = arith.constant 112 : index
    %swap3A_1668 = tpu.vector_load %arg14[%swap3A_1666, %swap3A_1667] {strides = array<i32>} : memref<128x128xf32, #tpu.memory_space<vmem>>, vector<16xf32>,
    tpu.vector_store %arg14[%swap3A_1666, %swap3A_1667], %broadcast_in_dim3A_3 {strides = array<i32>} : memref<128x128xf32, #tpu.memory_space<vmem>>, vector<16xf32>,
    %swap3A_1669 = arith.constant 48 : i32
    %swap3A_1670 = arith.index_cast %swap3A_1669 : i32 to index
    %swap3A_1671 = arith.constant 0 : index
    %swap3A_1672 = tpu.vector_load %arg14[%swap3A_1670, %swap3A_1671] {strides = array<i32>} : memref<128x128xf32, #tpu.memory_space<vmem>>, vector<16xf32>,
    tpu.vector_store %arg14[%swap3A_1670, %swap3A_1671], %broadcast_in_dim3A_3 {strides = array<i32>} : memref<128x128xf32, #tpu.memory_space<vmem>>, vector<16xf32>,
    %swap3A_1673 = arith.constant 48 : i32
    %swap3A_1674 = arith.index_cast %swap3A_1673 : i32 to index
    %swap3A_1675 = arith.constant 16 : index
    %swap3A_1676 = tpu.vector_load %arg14[%swap3A_1674, %swap3A_1675] {strides = array<i32>} : memref<128x128xf32, #tpu.memory_space<vmem>>, vector<16xf32>,
    tpu.vector_store %arg14[%swap3A_1674, %swap3A_1675], %broadcast_in_dim3A_3 {strides = array<i32>} : memref<128x128xf32, #tpu.memory_space<vmem>>, vector<16xf32>,
    %swap3A_1677 = arith.constant 48 : i32
    %swap3A_1678 = arith.index_cast %swap3A_1677 : i32 to index
    %swap3A_1679 = arith.constant 32 : index
    %swap3A_1680 = tpu.vector_load %arg14[%swap3A_1678, %swap3A_1679] {strides = array<i32>} : memref<128x128xf32, #tpu.memory_space<vmem>>, vector<16xf32>,
    tpu.vector_store %arg14[%swap3A_1678, %swap3A_1679], %broadcast_in_dim3A_3 {strides = array<i32>} : memref<128x128xf32, #tpu.memory_space<vmem>>, vector<16xf32>,
    %swap3A_1681 = arith.constant 48 : i32
    %swap3A_1682 = arith.index_cast %swap3A_1681 : i32 to index
    %swap3A_1683 = arith.constant 48 : index
    %swap3A_1684 = tpu.vector_load %arg14[%swap3A_1682, %swap3A_1683] {strides = array<i32>} : memref<128x128xf32, #tpu.memory_space<vmem>>, vector<16xf32>,
    tpu.vector_store %arg14[%swap3A_1682, %swap3A_1683], %broadcast_in_dim3A_3 {strides = array<i32>} : memref<128x128xf32, #tpu.memory_space<vmem>>, vector<16xf32>,
    %swap3A_1685 = arith.constant 48 : i32
    %swap3A_1686 = arith.index_cast %swap3A_1685 : i32 to index
    %swap3A_1687 = arith.constant 64 : index
    %swap3A_1688 = tpu.vector_load %arg14[%swap3A_1686, %swap3A_1687] {strides = array<i32>} : memref<128x128xf32, #tpu.memory_space<vmem>>, vector<16xf32>,
    tpu.vector_store %arg14[%swap3A_1686, %swap3A_1687], %broadcast_in_dim3A_3 {strides = array<i32>} : memref<128x128xf32, #tpu.memory_space<vmem>>, vector<16xf32>,
    %swap3A_1689 = arith.constant 48 : i32
    %swap3A_1690 = arith.index_cast %swap3A_1689 : i32 to index
    %swap3A_1691 = arith.constant 80 : index
    %swap3A_1692 = tpu.vector_load %arg14[%swap3A_1690, %swap3A_1691] {strides = array<i32>} : memref<128x128xf32, #tpu.memory_space<vmem>>, vector<16xf32>,
    tpu.vector_store %arg14[%swap3A_1690, %swap3A_1691], %broadcast_in_dim3A_3 {strides = array<i32>} : memref<128x128xf32, #tpu.memory_space<vmem>>, vector<16xf32>,
    %swap3A_1693 = arith.constant 48 : i32
    %swap3A_1694 = arith.index_cast %swap3A_1693 : i32 to index
    %swap3A_1695 = arith.constant 96 : index
    %swap3A_1696 = tpu.vector_load %arg14[%swap3A_1694, %swap3A_1695] {strides = array<i32>} : memref<128x128xf32, #tpu.memory_space<vmem>>, vector<16xf32>,
    tpu.vector_store %arg14[%swap3A_1694, %swap3A_1695], %broadcast_in_dim3A_3 {strides = array<i32>} : memref<128x128xf32, #tpu.memory_space<vmem>>, vector<16xf32>,
    %swap3A_1697 = arith.constant 48 : i32
    %swap3A_1698 = arith.index_cast %swap3A_1697 : i32 to index
    %swap3A_1699 = arith.constant 112 : index
    %swap3A_1700 = tpu.vector_load %arg14[%swap3A_1698, %swap3A_1699] {strides = array<i32>} : memref<128x128xf32, #tpu.memory_space<vmem>>, vector<16xf32>,
    tpu.vector_store %arg14[%swap3A_1698, %swap3A_1699], %broadcast_in_dim3A_3 {strides = array<i32>} : memref<128x128xf32, #tpu.memory_space<vmem>>, vector<16xf32>,
    %swap3A_1701 = arith.constant 49 : i32
    %swap3A_1702 = arith.index_cast %swap3A_1701 : i32 to index
    %swap3A_1703 = arith.constant 0 : index
    %swap3A_1704 = tpu.vector_load %arg14[%swap3A_1702, %swap3A_1703] {strides = array<i32>} : memref<128x128xf32, #tpu.memory_space<vmem>>, vector<16xf32>,
    tpu.vector_store %arg14[%swap3A_1702, %swap3A_1703], %broadcast_in_dim3A_3 {strides = array<i32>} : memref<128x128xf32, #tpu.memory_space<vmem>>, vector<16xf32>,
    %swap3A_1705 = arith.constant 49 : i32
    %swap3A_1706 = arith.index_cast %swap3A_1705 : i32 to index
    %swap3A_1707 = arith.constant 16 : index
    %swap3A_1708 = tpu.vector_load %arg14[%swap3A_1706, %swap3A_1707] {strides = array<i32>} : memref<128x128xf32, #tpu.memory_space<vmem>>, vector<16xf32>,
    tpu.vector_store %arg14[%swap3A_1706, %swap3A_1707], %broadcast_in_dim3A_3 {strides = array<i32>} : memref<128x128xf32, #tpu.memory_space<vmem>>, vector<16xf32>,
    %swap3A_1709 = arith.constant 49 : i32
    %swap3A_1710 = arith.index_cast %swap3A_1709 : i32 to index
    %swap3A_1711 = arith.constant 32 : index
    %swap3A_1712 = tpu.vector_load %arg14[%swap3A_1710, %swap3A_1711] {strides = array<i32>} : memref<128x128xf32, #tpu.memory_space<vmem>>, vector<16xf32>,
    tpu.vector_store %arg14[%swap3A_1710, %swap3A_1711], %broadcast_in_dim3A_3 {strides = array<i32>} : memref<128x128xf32, #tpu.memory_space<vmem>>, vector<16xf32>,
    %swap3A_1713 = arith.constant 49 : i32
    %swap3A_1714 = arith.index_cast %swap3A_1713 : i32 to index
    %swap3A_1715 = arith.constant 48 : index
    %swap3A_1716 = tpu.vector_load %arg14[%swap3A_1714, %swap3A_1715] {strides = array<i32>} : memref<128x128xf32, #tpu.memory_space<vmem>>, vector<16xf32>,
    tpu.vector_store %arg14[%swap3A_1714, %swap3A_1715], %broadcast_in_dim3A_3 {strides = array<i32>} : memref<128x128xf32, #tpu.memory_space<vmem>>, vector<16xf32>,
    %swap3A_1717 = arith.constant 49 : i32
    %swap3A_1718 = arith.index_cast %swap3A_1717 : i32 to index
    %swap3A_1719 = arith.constant 64 : index
    %swap3A_1720 = tpu.vector_load %arg14[%swap3A_1718, %swap3A_1719] {strides = array<i32>} : memref<128x128xf32, #tpu.memory_space<vmem>>, vector<16xf32>,
    tpu.vector_store %arg14[%swap3A_1718, %swap3A_1719], %broadcast_in_dim3A_3 {strides = array<i32>} : memref<128x128xf32, #tpu.memory_space<vmem>>, vector<16xf32>,
    %swap3A_1721 = arith.constant 49 : i32
    %swap3A_1722 = arith.index_cast %swap3A_1721 : i32 to index
    %swap3A_1723 = arith.constant 80 : index
    %swap3A_1724 = tpu.vector_load %arg14[%swap3A_1722, %swap3A_1723] {strides = array<i32>} : memref<128x128xf32, #tpu.memory_space<vmem>>, vector<16xf32>,
    tpu.vector_store %arg14[%swap3A_1722, %swap3A_1723], %broadcast_in_dim3A_3 {strides = array<i32>} : memref<128x128xf32, #tpu.memory_space<vmem>>, vector<16xf32>,
    %swap3A_1725 = arith.constant 49 : i32
    %swap3A_1726 = arith.index_cast %swap3A_1725 : i32 to index
    %swap3A_1727 = arith.constant 96 : index
    %swap3A_1728 = tpu.vector_load %arg14[%swap3A_1726, %swap3A_1727] {strides = array<i32>} : memref<128x128xf32, #tpu.memory_space<vmem>>, vector<16xf32>,
    tpu.vector_store %arg14[%swap3A_1726, %swap3A_1727], %broadcast_in_dim3A_3 {strides = array<i32>} : memref<128x128xf32, #tpu.memory_space<vmem>>, vector<16xf32>,
    %swap3A_1729 = arith.constant 49 : i32
    %swap3A_1730 = arith.index_cast %swap3A_1729 : i32 to index
    %swap3A_1731 = arith.constant 112 : index
    %swap3A_1732 = tpu.vector_load %arg14[%swap3A_1730, %swap3A_1731] {strides = array<i32>} : memref<128x128xf32, #tpu.memory_space<vmem>>, vector<16xf32>,
    tpu.vector_store %arg14[%swap3A_1730, %swap3A_1731], %broadcast_in_dim3A_3 {strides = array<i32>} : memref<128x128xf32, #tpu.memory_space<vmem>>, vector<16xf32>,
    %swap3A_1733 = arith.constant 50 : i32
    %swap3A_1734 = arith.index_cast %swap3A_1733 : i32 to index
    %swap3A_1735 = arith.constant 0 : index
    %swap3A_1736 = tpu.vector_load %arg14[%swap3A_1734, %swap3A_1735] {strides = array<i32>} : memref<128x128xf32, #tpu.memory_space<vmem>>, vector<16xf32>,
    tpu.vector_store %arg14[%swap3A_1734, %swap3A_1735], %broadcast_in_dim3A_3 {strides = array<i32>} : memref<128x128xf32, #tpu.memory_space<vmem>>, vector<16xf32>,
    %swap3A_1737 = arith.constant 50 : i32
    %swap3A_1738 = arith.index_cast %swap3A_1737 : i32 to index
    %swap3A_1739 = arith.constant 16 : index
    %swap3A_1740 = tpu.vector_load %arg14[%swap3A_1738, %swap3A_1739] {strides = array<i32>} : memref<128x128xf32, #tpu.memory_space<vmem>>, vector<16xf32>,
    tpu.vector_store %arg14[%swap3A_1738, %swap3A_1739], %broadcast_in_dim3A_3 {strides = array<i32>} : memref<128x128xf32, #tpu.memory_space<vmem>>, vector<16xf32>,
    %swap3A_1741 = arith.constant 50 : i32
    %swap3A_1742 = arith.index_cast %swap3A_1741 : i32 to index
    %swap3A_1743 = arith.constant 32 : index
    %swap3A_1744 = tpu.vector_load %arg14[%swap3A_1742, %swap3A_1743] {strides = array<i32>} : memref<128x128xf32, #tpu.memory_space<vmem>>, vector<16xf32>,
    tpu.vector_store %arg14[%swap3A_1742, %swap3A_1743], %broadcast_in_dim3A_3 {strides = array<i32>} : memref<128x128xf32, #tpu.memory_space<vmem>>, vector<16xf32>,
    %swap3A_1745 = arith.constant 50 : i32
    %swap3A_1746 = arith.index_cast %swap3A_1745 : i32 to index
    %swap3A_1747 = arith.constant 48 : index
    %swap3A_1748 = tpu.vector_load %arg14[%swap3A_1746, %swap3A_1747] {strides = array<i32>} : memref<128x128xf32, #tpu.memory_space<vmem>>, vector<16xf32>,
    tpu.vector_store %arg14[%swap3A_1746, %swap3A_1747], %broadcast_in_dim3A_3 {strides = array<i32>} : memref<128x128xf32, #tpu.memory_space<vmem>>, vector<16xf32>,
    %swap3A_1749 = arith.constant 50 : i32
    %swap3A_1750 = arith.index_cast %swap3A_1749 : i32 to index
    %swap3A_1751 = arith.constant 64 : index
    %swap3A_1752 = tpu.vector_load %arg14[%swap3A_1750, %swap3A_1751] {strides = array<i32>} : memref<128x128xf32, #tpu.memory_space<vmem>>, vector<16xf32>,
    tpu.vector_store %arg14[%swap3A_1750, %swap3A_1751], %broadcast_in_dim3A_3 {strides = array<i32>} : memref<128x128xf32, #tpu.memory_space<vmem>>, vector<16xf32>,
    %swap3A_1753 = arith.constant 50 : i32
    %swap3A_1754 = arith.index_cast %swap3A_1753 : i32 to index
    %swap3A_1755 = arith.constant 80 : index
    %swap3A_1756 = tpu.vector_load %arg14[%swap3A_1754, %swap3A_1755] {strides = array<i32>} : memref<128x128xf32, #tpu.memory_space<vmem>>, vector<16xf32>,
    tpu.vector_store %arg14[%swap3A_1754, %swap3A_1755], %broadcast_in_dim3A_3 {strides = array<i32>} : memref<128x128xf32, #tpu.memory_space<vmem>>, vector<16xf32>,
    %swap3A_1757 = arith.constant 50 : i32
    %swap3A_1758 = arith.index_cast %swap3A_1757 : i32 to index
    %swap3A_1759 = arith.constant 96 : index
    %swap3A_1760 = tpu.vector_load %arg14[%swap3A_1758, %swap3A_1759] {strides = array<i32>} : memref<128x128xf32, #tpu.memory_space<vmem>>, vector<16xf32>,
    tpu.vector_store %arg14[%swap3A_1758, %swap3A_1759], %broadcast_in_dim3A_3 {strides = array<i32>} : memref<128x128xf32, #tpu.memory_space<vmem>>, vector<16xf32>,
    %swap3A_1761 = arith.constant 50 : i32
    %swap3A_1762 = arith.index_cast %swap3A_1761 : i32 to index
    %swap3A_1763 = arith.constant 112 : index
    %swap3A_1764 = tpu.vector_load %arg14[%swap3A_1762, %swap3A_1763] {strides = array<i32>} : memref<128x128xf32, #tpu.memory_space<vmem>>, vector<16xf32>,
    tpu.vector_store %arg14[%swap3A_1762, %swap3A_1763], %broadcast_in_dim3A_3 {strides = array<i32>} : memref<128x128xf32, #tpu.memory_space<vmem>>, vector<16xf32>,
    %swap3A_1765 = arith.constant 51 : i32
    %swap3A_1766 = arith.index_cast %swap3A_1765 : i32 to index
    %swap3A_1767 = arith.constant 0 : index
    %swap3A_1768 = tpu.vector_load %arg14[%swap3A_1766, %swap3A_1767] {strides = array<i32>} : memref<128x128xf32, #tpu.memory_space<vmem>>, vector<16xf32>,
    tpu.vector_store %arg14[%swap3A_1766, %swap3A_1767], %broadcast_in_dim3A_3 {strides = array<i32>} : memref<128x128xf32, #tpu.memory_space<vmem>>, vector<16xf32>,
    %swap3A_1769 = arith.constant 51 : i32
    %swap3A_1770 = arith.index_cast %swap3A_1769 : i32 to index
    %swap3A_1771 = arith.constant 16 : index
    %swap3A_1772 = tpu.vector_load %arg14[%swap3A_1770, %swap3A_1771] {strides = array<i32>} : memref<128x128xf32, #tpu.memory_space<vmem>>, vector<16xf32>,
    tpu.vector_store %arg14[%swap3A_1770, %swap3A_1771], %broadcast_in_dim3A_3 {strides = array<i32>} : memref<128x128xf32, #tpu.memory_space<vmem>>, vector<16xf32>,
    %swap3A_1773 = arith.constant 51 : i32
    %swap3A_1774 = arith.index_cast %swap3A_1773 : i32 to index
    %swap3A_1775 = arith.constant 32 : index
    %swap3A_1776 = tpu.vector_load %arg14[%swap3A_1774, %swap3A_1775] {strides = array<i32>} : memref<128x128xf32, #tpu.memory_space<vmem>>, vector<16xf32>,
    tpu.vector_store %arg14[%swap3A_1774, %swap3A_1775], %broadcast_in_dim3A_3 {strides = array<i32>} : memref<128x128xf32, #tpu.memory_space<vmem>>, vector<16xf32>,
    %swap3A_1777 = arith.constant 51 : i32
    %swap3A_1778 = arith.index_cast %swap3A_1777 : i32 to index
    %swap3A_1779 = arith.constant 48 : index
    %swap3A_1780 = tpu.vector_load %arg14[%swap3A_1778, %swap3A_1779] {strides = array<i32>} : memref<128x128xf32, #tpu.memory_space<vmem>>, vector<16xf32>,
    tpu.vector_store %arg14[%swap3A_1778, %swap3A_1779], %broadcast_in_dim3A_3 {strides = array<i32>} : memref<128x128xf32, #tpu.memory_space<vmem>>, vector<16xf32>,
    %swap3A_1781 = arith.constant 51 : i32
    %swap3A_1782 = arith.index_cast %swap3A_1781 : i32 to index
    %swap3A_1783 = arith.constant 64 : index
    %swap3A_1784 = tpu.vector_load %arg14[%swap3A_1782, %swap3A_1783] {strides = array<i32>} : memref<128x128xf32, #tpu.memory_space<vmem>>, vector<16xf32>,
    tpu.vector_store %arg14[%swap3A_1782, %swap3A_1783], %broadcast_in_dim3A_3 {strides = array<i32>} : memref<128x128xf32, #tpu.memory_space<vmem>>, vector<16xf32>,
    %swap3A_1785 = arith.constant 51 : i32
    %swap3A_1786 = arith.index_cast %swap3A_1785 : i32 to index
    %swap3A_1787 = arith.constant 80 : index
    %swap3A_1788 = tpu.vector_load %arg14[%swap3A_1786, %swap3A_1787] {strides = array<i32>} : memref<128x128xf32, #tpu.memory_space<vmem>>, vector<16xf32>,
    tpu.vector_store %arg14[%swap3A_1786, %swap3A_1787], %broadcast_in_dim3A_3 {strides = array<i32>} : memref<128x128xf32, #tpu.memory_space<vmem>>, vector<16xf32>,
    %swap3A_1789 = arith.constant 51 : i32
    %swap3A_1790 = arith.index_cast %swap3A_1789 : i32 to index
    %swap3A_1791 = arith.constant 96 : index
    %swap3A_1792 = tpu.vector_load %arg14[%swap3A_1790, %swap3A_1791] {strides = array<i32>} : memref<128x128xf32, #tpu.memory_space<vmem>>, vector<16xf32>,
    tpu.vector_store %arg14[%swap3A_1790, %swap3A_1791], %broadcast_in_dim3A_3 {strides = array<i32>} : memref<128x128xf32, #tpu.memory_space<vmem>>, vector<16xf32>,
    %swap3A_1793 = arith.constant 51 : i32
    %swap3A_1794 = arith.index_cast %swap3A_1793 : i32 to index
    %swap3A_1795 = arith.constant 112 : index
    %swap3A_1796 = tpu.vector_load %arg14[%swap3A_1794, %swap3A_1795] {strides = array<i32>} : memref<128x128xf32, #tpu.memory_space<vmem>>, vector<16xf32>,
    tpu.vector_store %arg14[%swap3A_1794, %swap3A_1795], %broadcast_in_dim3A_3 {strides = array<i32>} : memref<128x128xf32, #tpu.memory_space<vmem>>, vector<16xf32>,
    %swap3A_1797 = arith.constant 52 : i32
    %swap3A_1798 = arith.index_cast %swap3A_1797 : i32 to index
    %swap3A_1799 = arith.constant 0 : index
    %swap3A_1800 = tpu.vector_load %arg14[%swap3A_1798, %swap3A_1799] {strides = array<i32>} : memref<128x128xf32, #tpu.memory_space<vmem>>, vector<16xf32>,
    tpu.vector_store %arg14[%swap3A_1798, %swap3A_1799], %broadcast_in_dim3A_3 {strides = array<i32>} : memref<128x128xf32, #tpu.memory_space<vmem>>, vector<16xf32>,
    %swap3A_1801 = arith.constant 52 : i32
    %swap3A_1802 = arith.index_cast %swap3A_1801 : i32 to index
    %swap3A_1803 = arith.constant 16 : index
    %swap3A_1804 = tpu.vector_load %arg14[%swap3A_1802, %swap3A_1803] {strides = array<i32>} : memref<128x128xf32, #tpu.memory_space<vmem>>, vector<16xf32>,
    tpu.vector_store %arg14[%swap3A_1802, %swap3A_1803], %broadcast_in_dim3A_3 {strides = array<i32>} : memref<128x128xf32, #tpu.memory_space<vmem>>, vector<16xf32>,
    %swap3A_1805 = arith.constant 52 : i32
    %swap3A_1806 = arith.index_cast %swap3A_1805 : i32 to index
    %swap3A_1807 = arith.constant 32 : index
    %swap3A_1808 = tpu.vector_load %arg14[%swap3A_1806, %swap3A_1807] {strides = array<i32>} : memref<128x128xf32, #tpu.memory_space<vmem>>, vector<16xf32>,
    tpu.vector_store %arg14[%swap3A_1806, %swap3A_1807], %broadcast_in_dim3A_3 {strides = array<i32>} : memref<128x128xf32, #tpu.memory_space<vmem>>, vector<16xf32>,
    %swap3A_1809 = arith.constant 52 : i32
    %swap3A_1810 = arith.index_cast %swap3A_1809 : i32 to index
    %swap3A_1811 = arith.constant 48 : index
    %swap3A_1812 = tpu.vector_load %arg14[%swap3A_1810, %swap3A_1811] {strides = array<i32>} : memref<128x128xf32, #tpu.memory_space<vmem>>, vector<16xf32>,
    tpu.vector_store %arg14[%swap3A_1810, %swap3A_1811], %broadcast_in_dim3A_3 {strides = array<i32>} : memref<128x128xf32, #tpu.memory_space<vmem>>, vector<16xf32>,
    %swap3A_1813 = arith.constant 52 : i32
    %swap3A_1814 = arith.index_cast %swap3A_1813 : i32 to index
    %swap3A_1815 = arith.constant 64 : index
    %swap3A_1816 = tpu.vector_load %arg14[%swap3A_1814, %swap3A_1815] {strides = array<i32>} : memref<128x128xf32, #tpu.memory_space<vmem>>, vector<16xf32>,
    tpu.vector_store %arg14[%swap3A_1814, %swap3A_1815], %broadcast_in_dim3A_3 {strides = array<i32>} : memref<128x128xf32, #tpu.memory_space<vmem>>, vector<16xf32>,
    %swap3A_1817 = arith.constant 52 : i32
    %swap3A_1818 = arith.index_cast %swap3A_1817 : i32 to index
    %swap3A_1819 = arith.constant 80 : index
    %swap3A_1820 = tpu.vector_load %arg14[%swap3A_1818, %swap3A_1819] {strides = array<i32>} : memref<128x128xf32, #tpu.memory_space<vmem>>, vector<16xf32>,
    tpu.vector_store %arg14[%swap3A_1818, %swap3A_1819], %broadcast_in_dim3A_3 {strides = array<i32>} : memref<128x128xf32, #tpu.memory_space<vmem>>, vector<16xf32>,
    %swap3A_1821 = arith.constant 52 : i32
    %swap3A_1822 = arith.index_cast %swap3A_1821 : i32 to index
    %swap3A_1823 = arith.constant 96 : index
    %swap3A_1824 = tpu.vector_load %arg14[%swap3A_1822, %swap3A_1823] {strides = array<i32>} : memref<128x128xf32, #tpu.memory_space<vmem>>, vector<16xf32>,
    tpu.vector_store %arg14[%swap3A_1822, %swap3A_1823], %broadcast_in_dim3A_3 {strides = array<i32>} : memref<128x128xf32, #tpu.memory_space<vmem>>, vector<16xf32>,
    %swap3A_1825 = arith.constant 52 : i32
    %swap3A_1826 = arith.index_cast %swap3A_1825 : i32 to index
    %swap3A_1827 = arith.constant 112 : index
    %swap3A_1828 = tpu.vector_load %arg14[%swap3A_1826, %swap3A_1827] {strides = array<i32>} : memref<128x128xf32, #tpu.memory_space<vmem>>, vector<16xf32>,
    tpu.vector_store %arg14[%swap3A_1826, %swap3A_1827], %broadcast_in_dim3A_3 {strides = array<i32>} : memref<128x128xf32, #tpu.memory_space<vmem>>, vector<16xf32>,
    %swap3A_1829 = arith.constant 53 : i32
    %swap3A_1830 = arith.index_cast %swap3A_1829 : i32 to index
    %swap3A_1831 = arith.constant 0 : index
    %swap3A_1832 = tpu.vector_load %arg14[%swap3A_1830, %swap3A_1831] {strides = array<i32>} : memref<128x128xf32, #tpu.memory_space<vmem>>, vector<16xf32>,
    tpu.vector_store %arg14[%swap3A_1830, %swap3A_1831], %broadcast_in_dim3A_3 {strides = array<i32>} : memref<128x128xf32, #tpu.memory_space<vmem>>, vector<16xf32>,
    %swap3A_1833 = arith.constant 53 : i32
    %swap3A_1834 = arith.index_cast %swap3A_1833 : i32 to index
    %swap3A_1835 = arith.constant 16 : index
    %swap3A_1836 = tpu.vector_load %arg14[%swap3A_1834, %swap3A_1835] {strides = array<i32>} : memref<128x128xf32, #tpu.memory_space<vmem>>, vector<16xf32>,
    tpu.vector_store %arg14[%swap3A_1834, %swap3A_1835], %broadcast_in_dim3A_3 {strides = array<i32>} : memref<128x128xf32, #tpu.memory_space<vmem>>, vector<16xf32>,
    %swap3A_1837 = arith.constant 53 : i32
    %swap3A_1838 = arith.index_cast %swap3A_1837 : i32 to index
    %swap3A_1839 = arith.constant 32 : index
    %swap3A_1840 = tpu.vector_load %arg14[%swap3A_1838, %swap3A_1839] {strides = array<i32>} : memref<128x128xf32, #tpu.memory_space<vmem>>, vector<16xf32>,
    tpu.vector_store %arg14[%swap3A_1838, %swap3A_1839], %broadcast_in_dim3A_3 {strides = array<i32>} : memref<128x128xf32, #tpu.memory_space<vmem>>, vector<16xf32>,
    %swap3A_1841 = arith.constant 53 : i32
    %swap3A_1842 = arith.index_cast %swap3A_1841 : i32 to index
    %swap3A_1843 = arith.constant 48 : index
    %swap3A_1844 = tpu.vector_load %arg14[%swap3A_1842, %swap3A_1843] {strides = array<i32>} : memref<128x128xf32, #tpu.memory_space<vmem>>, vector<16xf32>,
    tpu.vector_store %arg14[%swap3A_1842, %swap3A_1843], %broadcast_in_dim3A_3 {strides = array<i32>} : memref<128x128xf32, #tpu.memory_space<vmem>>, vector<16xf32>,
    %swap3A_1845 = arith.constant 53 : i32
    %swap3A_1846 = arith.index_cast %swap3A_1845 : i32 to index
    %swap3A_1847 = arith.constant 64 : index
    %swap3A_1848 = tpu.vector_load %arg14[%swap3A_1846, %swap3A_1847] {strides = array<i32>} : memref<128x128xf32, #tpu.memory_space<vmem>>, vector<16xf32>,
    tpu.vector_store %arg14[%swap3A_1846, %swap3A_1847], %broadcast_in_dim3A_3 {strides = array<i32>} : memref<128x128xf32, #tpu.memory_space<vmem>>, vector<16xf32>,
    %swap3A_1849 = arith.constant 53 : i32
    %swap3A_1850 = arith.index_cast %swap3A_1849 : i32 to index
    %swap3A_1851 = arith.constant 80 : index
    %swap3A_1852 = tpu.vector_load %arg14[%swap3A_1850, %swap3A_1851] {strides = array<i32>} : memref<128x128xf32, #tpu.memory_space<vmem>>, vector<16xf32>,
    tpu.vector_store %arg14[%swap3A_1850, %swap3A_1851], %broadcast_in_dim3A_3 {strides = array<i32>} : memref<128x128xf32, #tpu.memory_space<vmem>>, vector<16xf32>,
    %swap3A_1853 = arith.constant 53 : i32
    %swap3A_1854 = arith.index_cast %swap3A_1853 : i32 to index
    %swap3A_1855 = arith.constant 96 : index
    %swap3A_1856 = tpu.vector_load %arg14[%swap3A_1854, %swap3A_1855] {strides = array<i32>} : memref<128x128xf32, #tpu.memory_space<vmem>>, vector<16xf32>,
    tpu.vector_store %arg14[%swap3A_1854, %swap3A_1855], %broadcast_in_dim3A_3 {strides = array<i32>} : memref<128x128xf32, #tpu.memory_space<vmem>>, vector<16xf32>,
    %swap3A_1857 = arith.constant 53 : i32
    %swap3A_1858 = arith.index_cast %swap3A_1857 : i32 to index
    %swap3A_1859 = arith.constant 112 : index
    %swap3A_1860 = tpu.vector_load %arg14[%swap3A_1858, %swap3A_1859] {strides = array<i32>} : memref<128x128xf32, #tpu.memory_space<vmem>>, vector<16xf32>,
    tpu.vector_store %arg14[%swap3A_1858, %swap3A_1859], %broadcast_in_dim3A_3 {strides = array<i32>} : memref<128x128xf32, #tpu.memory_space<vmem>>, vector<16xf32>,
    %swap3A_1861 = arith.constant 54 : i32
    %swap3A_1862 = arith.index_cast %swap3A_1861 : i32 to index
    %swap3A_1863 = arith.constant 0 : index
    %swap3A_1864 = tpu.vector_load %arg14[%swap3A_1862, %swap3A_1863] {strides = array<i32>} : memref<128x128xf32, #tpu.memory_space<vmem>>, vector<16xf32>,
    tpu.vector_store %arg14[%swap3A_1862, %swap3A_1863], %broadcast_in_dim3A_3 {strides = array<i32>} : memref<128x128xf32, #tpu.memory_space<vmem>>, vector<16xf32>,
    %swap3A_1865 = arith.constant 54 : i32
    %swap3A_1866 = arith.index_cast %swap3A_1865 : i32 to index
    %swap3A_1867 = arith.constant 16 : index
    %swap3A_1868 = tpu.vector_load %arg14[%swap3A_1866, %swap3A_1867] {strides = array<i32>} : memref<128x128xf32, #tpu.memory_space<vmem>>, vector<16xf32>,
    tpu.vector_store %arg14[%swap3A_1866, %swap3A_1867], %broadcast_in_dim3A_3 {strides = array<i32>} : memref<128x128xf32, #tpu.memory_space<vmem>>, vector<16xf32>,
    %swap3A_1869 = arith.constant 54 : i32
    %swap3A_1870 = arith.index_cast %swap3A_1869 : i32 to index
    %swap3A_1871 = arith.constant 32 : index
    %swap3A_1872 = tpu.vector_load %arg14[%swap3A_1870, %swap3A_1871] {strides = array<i32>} : memref<128x128xf32, #tpu.memory_space<vmem>>, vector<16xf32>,
    tpu.vector_store %arg14[%swap3A_1870, %swap3A_1871], %broadcast_in_dim3A_3 {strides = array<i32>} : memref<128x128xf32, #tpu.memory_space<vmem>>, vector<16xf32>,
    %swap3A_1873 = arith.constant 54 : i32
    %swap3A_1874 = arith.index_cast %swap3A_1873 : i32 to index
    %swap3A_1875 = arith.constant 48 : index
    %swap3A_1876 = tpu.vector_load %arg14[%swap3A_1874, %swap3A_1875] {strides = array<i32>} : memref<128x128xf32, #tpu.memory_space<vmem>>, vector<16xf32>,
    tpu.vector_store %arg14[%swap3A_1874, %swap3A_1875], %broadcast_in_dim3A_3 {strides = array<i32>} : memref<128x128xf32, #tpu.memory_space<vmem>>, vector<16xf32>,
    %swap3A_1877 = arith.constant 54 : i32
    %swap3A_1878 = arith.index_cast %swap3A_1877 : i32 to index
    %swap3A_1879 = arith.constant 64 : index
    %swap3A_1880 = tpu.vector_load %arg14[%swap3A_1878, %swap3A_1879] {strides = array<i32>} : memref<128x128xf32, #tpu.memory_space<vmem>>, vector<16xf32>,
    tpu.vector_store %arg14[%swap3A_1878, %swap3A_1879], %broadcast_in_dim3A_3 {strides = array<i32>} : memref<128x128xf32, #tpu.memory_space<vmem>>, vector<16xf32>,
    %swap3A_1881 = arith.constant 54 : i32
    %swap3A_1882 = arith.index_cast %swap3A_1881 : i32 to index
    %swap3A_1883 = arith.constant 80 : index
    %swap3A_1884 = tpu.vector_load %arg14[%swap3A_1882, %swap3A_1883] {strides = array<i32>} : memref<128x128xf32, #tpu.memory_space<vmem>>, vector<16xf32>,
    tpu.vector_store %arg14[%swap3A_1882, %swap3A_1883], %broadcast_in_dim3A_3 {strides = array<i32>} : memref<128x128xf32, #tpu.memory_space<vmem>>, vector<16xf32>,
    %swap3A_1885 = arith.constant 54 : i32
    %swap3A_1886 = arith.index_cast %swap3A_1885 : i32 to index
    %swap3A_1887 = arith.constant 96 : index
    %swap3A_1888 = tpu.vector_load %arg14[%swap3A_1886, %swap3A_1887] {strides = array<i32>} : memref<128x128xf32, #tpu.memory_space<vmem>>, vector<16xf32>,
    tpu.vector_store %arg14[%swap3A_1886, %swap3A_1887], %broadcast_in_dim3A_3 {strides = array<i32>} : memref<128x128xf32, #tpu.memory_space<vmem>>, vector<16xf32>,
    %swap3A_1889 = arith.constant 54 : i32
    %swap3A_1890 = arith.index_cast %swap3A_1889 : i32 to index
    %swap3A_1891 = arith.constant 112 : index
    %swap3A_1892 = tpu.vector_load %arg14[%swap3A_1890, %swap3A_1891] {strides = array<i32>} : memref<128x128xf32, #tpu.memory_space<vmem>>, vector<16xf32>,
    tpu.vector_store %arg14[%swap3A_1890, %swap3A_1891], %broadcast_in_dim3A_3 {strides = array<i32>} : memref<128x128xf32, #tpu.memory_space<vmem>>, vector<16xf32>,
    %swap3A_1893 = arith.constant 55 : i32
    %swap3A_1894 = arith.index_cast %swap3A_1893 : i32 to index
    %swap3A_1895 = arith.constant 0 : index
    %swap3A_1896 = tpu.vector_load %arg14[%swap3A_1894, %swap3A_1895] {strides = array<i32>} : memref<128x128xf32, #tpu.memory_space<vmem>>, vector<16xf32>,
    tpu.vector_store %arg14[%swap3A_1894, %swap3A_1895], %broadcast_in_dim3A_3 {strides = array<i32>} : memref<128x128xf32, #tpu.memory_space<vmem>>, vector<16xf32>,
    %swap3A_1897 = arith.constant 55 : i32
    %swap3A_1898 = arith.index_cast %swap3A_1897 : i32 to index
    %swap3A_1899 = arith.constant 16 : index
    %swap3A_1900 = tpu.vector_load %arg14[%swap3A_1898, %swap3A_1899] {strides = array<i32>} : memref<128x128xf32, #tpu.memory_space<vmem>>, vector<16xf32>,
    tpu.vector_store %arg14[%swap3A_1898, %swap3A_1899], %broadcast_in_dim3A_3 {strides = array<i32>} : memref<128x128xf32, #tpu.memory_space<vmem>>, vector<16xf32>,
    %swap3A_1901 = arith.constant 55 : i32
    %swap3A_1902 = arith.index_cast %swap3A_1901 : i32 to index
    %swap3A_1903 = arith.constant 32 : index
    %swap3A_1904 = tpu.vector_load %arg14[%swap3A_1902, %swap3A_1903] {strides = array<i32>} : memref<128x128xf32, #tpu.memory_space<vmem>>, vector<16xf32>,
    tpu.vector_store %arg14[%swap3A_1902, %swap3A_1903], %broadcast_in_dim3A_3 {strides = array<i32>} : memref<128x128xf32, #tpu.memory_space<vmem>>, vector<16xf32>,
    %swap3A_1905 = arith.constant 55 : i32
    %swap3A_1906 = arith.index_cast %swap3A_1905 : i32 to index
    %swap3A_1907 = arith.constant 48 : index
    %swap3A_1908 = tpu.vector_load %arg14[%swap3A_1906, %swap3A_1907] {strides = array<i32>} : memref<128x128xf32, #tpu.memory_space<vmem>>, vector<16xf32>,
    tpu.vector_store %arg14[%swap3A_1906, %swap3A_1907], %broadcast_in_dim3A_3 {strides = array<i32>} : memref<128x128xf32, #tpu.memory_space<vmem>>, vector<16xf32>,
    %swap3A_1909 = arith.constant 55 : i32
    %swap3A_1910 = arith.index_cast %swap3A_1909 : i32 to index
    %swap3A_1911 = arith.constant 64 : index
    %swap3A_1912 = tpu.vector_load %arg14[%swap3A_1910, %swap3A_1911] {strides = array<i32>} : memref<128x128xf32, #tpu.memory_space<vmem>>, vector<16xf32>,
    tpu.vector_store %arg14[%swap3A_1910, %swap3A_1911], %broadcast_in_dim3A_3 {strides = array<i32>} : memref<128x128xf32, #tpu.memory_space<vmem>>, vector<16xf32>,
    %swap3A_1913 = arith.constant 55 : i32
    %swap3A_1914 = arith.index_cast %swap3A_1913 : i32 to index
    %swap3A_1915 = arith.constant 80 : index
    %swap3A_1916 = tpu.vector_load %arg14[%swap3A_1914, %swap3A_1915] {strides = array<i32>} : memref<128x128xf32, #tpu.memory_space<vmem>>, vector<16xf32>,
    tpu.vector_store %arg14[%swap3A_1914, %swap3A_1915], %broadcast_in_dim3A_3 {strides = array<i32>} : memref<128x128xf32, #tpu.memory_space<vmem>>, vector<16xf32>,
    %swap3A_1917 = arith.constant 55 : i32
    %swap3A_1918 = arith.index_cast %swap3A_1917 : i32 to index
    %swap3A_1919 = arith.constant 96 : index
    %swap3A_1920 = tpu.vector_load %arg14[%swap3A_1918, %swap3A_1919] {strides = array<i32>} : memref<128x128xf32, #tpu.memory_space<vmem>>, vector<16xf32>,
    tpu.vector_store %arg14[%swap3A_1918, %swap3A_1919], %broadcast_in_dim3A_3 {strides = array<i32>} : memref<128x128xf32, #tpu.memory_space<vmem>>, vector<16xf32>,
    %swap3A_1921 = arith.constant 55 : i32
    %swap3A_1922 = arith.index_cast %swap3A_1921 : i32 to index
    %swap3A_1923 = arith.constant 112 : index
    %swap3A_1924 = tpu.vector_load %arg14[%swap3A_1922, %swap3A_1923] {strides = array<i32>} : memref<128x128xf32, #tpu.memory_space<vmem>>, vector<16xf32>,
    tpu.vector_store %arg14[%swap3A_1922, %swap3A_1923], %broadcast_in_dim3A_3 {strides = array<i32>} : memref<128x128xf32, #tpu.memory_space<vmem>>, vector<16xf32>,
    %swap3A_1925 = arith.constant 56 : i32
    %swap3A_1926 = arith.index_cast %swap3A_1925 : i32 to index
    %swap3A_1927 = arith.constant 0 : index
    %swap3A_1928 = tpu.vector_load %arg14[%swap3A_1926, %swap3A_1927] {strides = array<i32>} : memref<128x128xf32, #tpu.memory_space<vmem>>, vector<16xf32>,
    tpu.vector_store %arg14[%swap3A_1926, %swap3A_1927], %broadcast_in_dim3A_3 {strides = array<i32>} : memref<128x128xf32, #tpu.memory_space<vmem>>, vector<16xf32>,
    %swap3A_1929 = arith.constant 56 : i32
    %swap3A_1930 = arith.index_cast %swap3A_1929 : i32 to index
    %swap3A_1931 = arith.constant 16 : index
    %swap3A_1932 = tpu.vector_load %arg14[%swap3A_1930, %swap3A_1931] {strides = array<i32>} : memref<128x128xf32, #tpu.memory_space<vmem>>, vector<16xf32>,
    tpu.vector_store %arg14[%swap3A_1930, %swap3A_1931], %broadcast_in_dim3A_3 {strides = array<i32>} : memref<128x128xf32, #tpu.memory_space<vmem>>, vector<16xf32>,
    %swap3A_1933 = arith.constant 56 : i32
    %swap3A_1934 = arith.index_cast %swap3A_1933 : i32 to index
    %swap3A_1935 = arith.constant 32 : index
    %swap3A_1936 = tpu.vector_load %arg14[%swap3A_1934, %swap3A_1935] {strides = array<i32>} : memref<128x128xf32, #tpu.memory_space<vmem>>, vector<16xf32>,
    tpu.vector_store %arg14[%swap3A_1934, %swap3A_1935], %broadcast_in_dim3A_3 {strides = array<i32>} : memref<128x128xf32, #tpu.memory_space<vmem>>, vector<16xf32>,
    %swap3A_1937 = arith.constant 56 : i32
    %swap3A_1938 = arith.index_cast %swap3A_1937 : i32 to index
    %swap3A_1939 = arith.constant 48 : index
    %swap3A_1940 = tpu.vector_load %arg14[%swap3A_1938, %swap3A_1939] {strides = array<i32>} : memref<128x128xf32, #tpu.memory_space<vmem>>, vector<16xf32>,
    tpu.vector_store %arg14[%swap3A_1938, %swap3A_1939], %broadcast_in_dim3A_3 {strides = array<i32>} : memref<128x128xf32, #tpu.memory_space<vmem>>, vector<16xf32>,
    %swap3A_1941 = arith.constant 56 : i32
    %swap3A_1942 = arith.index_cast %swap3A_1941 : i32 to index
    %swap3A_1943 = arith.constant 64 : index
    %swap3A_1944 = tpu.vector_load %arg14[%swap3A_1942, %swap3A_1943] {strides = array<i32>} : memref<128x128xf32, #tpu.memory_space<vmem>>, vector<16xf32>,
    tpu.vector_store %arg14[%swap3A_1942, %swap3A_1943], %broadcast_in_dim3A_3 {strides = array<i32>} : memref<128x128xf32, #tpu.memory_space<vmem>>, vector<16xf32>,
    %swap3A_1945 = arith.constant 56 : i32
    %swap3A_1946 = arith.index_cast %swap3A_1945 : i32 to index
    %swap3A_1947 = arith.constant 80 : index
    %swap3A_1948 = tpu.vector_load %arg14[%swap3A_1946, %swap3A_1947] {strides = array<i32>} : memref<128x128xf32, #tpu.memory_space<vmem>>, vector<16xf32>,
    tpu.vector_store %arg14[%swap3A_1946, %swap3A_1947], %broadcast_in_dim3A_3 {strides = array<i32>} : memref<128x128xf32, #tpu.memory_space<vmem>>, vector<16xf32>,
    %swap3A_1949 = arith.constant 56 : i32
    %swap3A_1950 = arith.index_cast %swap3A_1949 : i32 to index
    %swap3A_1951 = arith.constant 96 : index
    %swap3A_1952 = tpu.vector_load %arg14[%swap3A_1950, %swap3A_1951] {strides = array<i32>} : memref<128x128xf32, #tpu.memory_space<vmem>>, vector<16xf32>,
    tpu.vector_store %arg14[%swap3A_1950, %swap3A_1951], %broadcast_in_dim3A_3 {strides = array<i32>} : memref<128x128xf32, #tpu.memory_space<vmem>>, vector<16xf32>,
    %swap3A_1953 = arith.constant 56 : i32
    %swap3A_1954 = arith.index_cast %swap3A_1953 : i32 to index
    %swap3A_1955 = arith.constant 112 : index
    %swap3A_1956 = tpu.vector_load %arg14[%swap3A_1954, %swap3A_1955] {strides = array<i32>} : memref<128x128xf32, #tpu.memory_space<vmem>>, vector<16xf32>,
    tpu.vector_store %arg14[%swap3A_1954, %swap3A_1955], %broadcast_in_dim3A_3 {strides = array<i32>} : memref<128x128xf32, #tpu.memory_space<vmem>>, vector<16xf32>,
    %swap3A_1957 = arith.constant 57 : i32
    %swap3A_1958 = arith.index_cast %swap3A_1957 : i32 to index
    %swap3A_1959 = arith.constant 0 : index
    %swap3A_1960 = tpu.vector_load %arg14[%swap3A_1958, %swap3A_1959] {strides = array<i32>} : memref<128x128xf32, #tpu.memory_space<vmem>>, vector<16xf32>,
    tpu.vector_store %arg14[%swap3A_1958, %swap3A_1959], %broadcast_in_dim3A_3 {strides = array<i32>} : memref<128x128xf32, #tpu.memory_space<vmem>>, vector<16xf32>,
    %swap3A_1961 = arith.constant 57 : i32
    %swap3A_1962 = arith.index_cast %swap3A_1961 : i32 to index
    %swap3A_1963 = arith.constant 16 : index
    %swap3A_1964 = tpu.vector_load %arg14[%swap3A_1962, %swap3A_1963] {strides = array<i32>} : memref<128x128xf32, #tpu.memory_space<vmem>>, vector<16xf32>,
    tpu.vector_store %arg14[%swap3A_1962, %swap3A_1963], %broadcast_in_dim3A_3 {strides = array<i32>} : memref<128x128xf32, #tpu.memory_space<vmem>>, vector<16xf32>,
    %swap3A_1965 = arith.constant 57 : i32
    %swap3A_1966 = arith.index_cast %swap3A_1965 : i32 to index
    %swap3A_1967 = arith.constant 32 : index
    %swap3A_1968 = tpu.vector_load %arg14[%swap3A_1966, %swap3A_1967] {strides = array<i32>} : memref<128x128xf32, #tpu.memory_space<vmem>>, vector<16xf32>,
    tpu.vector_store %arg14[%swap3A_1966, %swap3A_1967], %broadcast_in_dim3A_3 {strides = array<i32>} : memref<128x128xf32, #tpu.memory_space<vmem>>, vector<16xf32>,
    %swap3A_1969 = arith.constant 57 : i32
    %swap3A_1970 = arith.index_cast %swap3A_1969 : i32 to index
    %swap3A_1971 = arith.constant 48 : index
    %swap3A_1972 = tpu.vector_load %arg14[%swap3A_1970, %swap3A_1971] {strides = array<i32>} : memref<128x128xf32, #tpu.memory_space<vmem>>, vector<16xf32>,
    tpu.vector_store %arg14[%swap3A_1970, %swap3A_1971], %broadcast_in_dim3A_3 {strides = array<i32>} : memref<128x128xf32, #tpu.memory_space<vmem>>, vector<16xf32>,
    %swap3A_1973 = arith.constant 57 : i32
    %swap3A_1974 = arith.index_cast %swap3A_1973 : i32 to index
    %swap3A_1975 = arith.constant 64 : index
    %swap3A_1976 = tpu.vector_load %arg14[%swap3A_1974, %swap3A_1975] {strides = array<i32>} : memref<128x128xf32, #tpu.memory_space<vmem>>, vector<16xf32>,
    tpu.vector_store %arg14[%swap3A_1974, %swap3A_1975], %broadcast_in_dim3A_3 {strides = array<i32>} : memref<128x128xf32, #tpu.memory_space<vmem>>, vector<16xf32>,
    %swap3A_1977 = arith.constant 57 : i32
    %swap3A_1978 = arith.index_cast %swap3A_1977 : i32 to index
    %swap3A_1979 = arith.constant 80 : index
    %swap3A_1980 = tpu.vector_load %arg14[%swap3A_1978, %swap3A_1979] {strides = array<i32>} : memref<128x128xf32, #tpu.memory_space<vmem>>, vector<16xf32>,
    tpu.vector_store %arg14[%swap3A_1978, %swap3A_1979], %broadcast_in_dim3A_3 {strides = array<i32>} : memref<128x128xf32, #tpu.memory_space<vmem>>, vector<16xf32>,
    %swap3A_1981 = arith.constant 57 : i32
    %swap3A_1982 = arith.index_cast %swap3A_1981 : i32 to index
    %swap3A_1983 = arith.constant 96 : index
    %swap3A_1984 = tpu.vector_load %arg14[%swap3A_1982, %swap3A_1983] {strides = array<i32>} : memref<128x128xf32, #tpu.memory_space<vmem>>, vector<16xf32>,
    tpu.vector_store %arg14[%swap3A_1982, %swap3A_1983], %broadcast_in_dim3A_3 {strides = array<i32>} : memref<128x128xf32, #tpu.memory_space<vmem>>, vector<16xf32>,
    %swap3A_1985 = arith.constant 57 : i32
    %swap3A_1986 = arith.index_cast %swap3A_1985 : i32 to index
    %swap3A_1987 = arith.constant 112 : index
    %swap3A_1988 = tpu.vector_load %arg14[%swap3A_1986, %swap3A_1987] {strides = array<i32>} : memref<128x128xf32, #tpu.memory_space<vmem>>, vector<16xf32>,
    tpu.vector_store %arg14[%swap3A_1986, %swap3A_1987], %broadcast_in_dim3A_3 {strides = array<i32>} : memref<128x128xf32, #tpu.memory_space<vmem>>, vector<16xf32>,
    %swap3A_1989 = arith.constant 58 : i32
    %swap3A_1990 = arith.index_cast %swap3A_1989 : i32 to index
    %swap3A_1991 = arith.constant 0 : index
    %swap3A_1992 = tpu.vector_load %arg14[%swap3A_1990, %swap3A_1991] {strides = array<i32>} : memref<128x128xf32, #tpu.memory_space<vmem>>, vector<16xf32>,
    tpu.vector_store %arg14[%swap3A_1990, %swap3A_1991], %broadcast_in_dim3A_3 {strides = array<i32>} : memref<128x128xf32, #tpu.memory_space<vmem>>, vector<16xf32>,
    %swap3A_1993 = arith.constant 58 : i32
    %swap3A_1994 = arith.index_cast %swap3A_1993 : i32 to index
    %swap3A_1995 = arith.constant 16 : index
    %swap3A_1996 = tpu.vector_load %arg14[%swap3A_1994, %swap3A_1995] {strides = array<i32>} : memref<128x128xf32, #tpu.memory_space<vmem>>, vector<16xf32>,
    tpu.vector_store %arg14[%swap3A_1994, %swap3A_1995], %broadcast_in_dim3A_3 {strides = array<i32>} : memref<128x128xf32, #tpu.memory_space<vmem>>, vector<16xf32>,
    %swap3A_1997 = arith.constant 58 : i32
    %swap3A_1998 = arith.index_cast %swap3A_1997 : i32 to index
    %swap3A_1999 = arith.constant 32 : index
    %swap3A_2000 = tpu.vector_load %arg14[%swap3A_1998, %swap3A_1999] {strides = array<i32>} : memref<128x128xf32, #tpu.memory_space<vmem>>, vector<16xf32>,
    tpu.vector_store %arg14[%swap3A_1998, %swap3A_1999], %broadcast_in_dim3A_3 {strides = array<i32>} : memref<128x128xf32, #tpu.memory_space<vmem>>, vector<16xf32>,
    %swap3A_2001 = arith.constant 58 : i32
    %swap3A_2002 = arith.index_cast %swap3A_2001 : i32 to index
    %swap3A_2003 = arith.constant 48 : index
    %swap3A_2004 = tpu.vector_load %arg14[%swap3A_2002, %swap3A_2003] {strides = array<i32>} : memref<128x128xf32, #tpu.memory_space<vmem>>, vector<16xf32>,
    tpu.vector_store %arg14[%swap3A_2002, %swap3A_2003], %broadcast_in_dim3A_3 {strides = array<i32>} : memref<128x128xf32, #tpu.memory_space<vmem>>, vector<16xf32>,
    %swap3A_2005 = arith.constant 58 : i32
    %swap3A_2006 = arith.index_cast %swap3A_2005 : i32 to index
    %swap3A_2007 = arith.constant 64 : index
    %swap3A_2008 = tpu.vector_load %arg14[%swap3A_2006, %swap3A_2007] {strides = array<i32>} : memref<128x128xf32, #tpu.memory_space<vmem>>, vector<16xf32>,
    tpu.vector_store %arg14[%swap3A_2006, %swap3A_2007], %broadcast_in_dim3A_3 {strides = array<i32>} : memref<128x128xf32, #tpu.memory_space<vmem>>, vector<16xf32>,
    %swap3A_2009 = arith.constant 58 : i32
    %swap3A_2010 = arith.index_cast %swap3A_2009 : i32 to index
    %swap3A_2011 = arith.constant 80 : index
    %swap3A_2012 = tpu.vector_load %arg14[%swap3A_2010, %swap3A_2011] {strides = array<i32>} : memref<128x128xf32, #tpu.memory_space<vmem>>, vector<16xf32>,
    tpu.vector_store %arg14[%swap3A_2010, %swap3A_2011], %broadcast_in_dim3A_3 {strides = array<i32>} : memref<128x128xf32, #tpu.memory_space<vmem>>, vector<16xf32>,
    %swap3A_2013 = arith.constant 58 : i32
    %swap3A_2014 = arith.index_cast %swap3A_2013 : i32 to index
    %swap3A_2015 = arith.constant 96 : index
    %swap3A_2016 = tpu.vector_load %arg14[%swap3A_2014, %swap3A_2015] {strides = array<i32>} : memref<128x128xf32, #tpu.memory_space<vmem>>, vector<16xf32>,
    tpu.vector_store %arg14[%swap3A_2014, %swap3A_2015], %broadcast_in_dim3A_3 {strides = array<i32>} : memref<128x128xf32, #tpu.memory_space<vmem>>, vector<16xf32>,
    %swap3A_2017 = arith.constant 58 : i32
    %swap3A_2018 = arith.index_cast %swap3A_2017 : i32 to index
    %swap3A_2019 = arith.constant 112 : index
    %swap3A_2020 = tpu.vector_load %arg14[%swap3A_2018, %swap3A_2019] {strides = array<i32>} : memref<128x128xf32, #tpu.memory_space<vmem>>, vector<16xf32>,
    tpu.vector_store %arg14[%swap3A_2018, %swap3A_2019], %broadcast_in_dim3A_3 {strides = array<i32>} : memref<128x128xf32, #tpu.memory_space<vmem>>, vector<16xf32>,
    %swap3A_2021 = arith.constant 59 : i32
    %swap3A_2022 = arith.index_cast %swap3A_2021 : i32 to index
    %swap3A_2023 = arith.constant 0 : index
    %swap3A_2024 = tpu.vector_load %arg14[%swap3A_2022, %swap3A_2023] {strides = array<i32>} : memref<128x128xf32, #tpu.memory_space<vmem>>, vector<16xf32>,
    tpu.vector_store %arg14[%swap3A_2022, %swap3A_2023], %broadcast_in_dim3A_3 {strides = array<i32>} : memref<128x128xf32, #tpu.memory_space<vmem>>, vector<16xf32>,
    %swap3A_2025 = arith.constant 59 : i32
    %swap3A_2026 = arith.index_cast %swap3A_2025 : i32 to index
    %swap3A_2027 = arith.constant 16 : index
    %swap3A_2028 = tpu.vector_load %arg14[%swap3A_2026, %swap3A_2027] {strides = array<i32>} : memref<128x128xf32, #tpu.memory_space<vmem>>, vector<16xf32>,
    tpu.vector_store %arg14[%swap3A_2026, %swap3A_2027], %broadcast_in_dim3A_3 {strides = array<i32>} : memref<128x128xf32, #tpu.memory_space<vmem>>, vector<16xf32>,
    %swap3A_2029 = arith.constant 59 : i32
    %swap3A_2030 = arith.index_cast %swap3A_2029 : i32 to index
    %swap3A_2031 = arith.constant 32 : index
    %swap3A_2032 = tpu.vector_load %arg14[%swap3A_2030, %swap3A_2031] {strides = array<i32>} : memref<128x128xf32, #tpu.memory_space<vmem>>, vector<16xf32>,
    tpu.vector_store %arg14[%swap3A_2030, %swap3A_2031], %broadcast_in_dim3A_3 {strides = array<i32>} : memref<128x128xf32, #tpu.memory_space<vmem>>, vector<16xf32>,
    %swap3A_2033 = arith.constant 59 : i32
    %swap3A_2034 = arith.index_cast %swap3A_2033 : i32 to index
    %swap3A_2035 = arith.constant 48 : index
    %swap3A_2036 = tpu.vector_load %arg14[%swap3A_2034, %swap3A_2035] {strides = array<i32>} : memref<128x128xf32, #tpu.memory_space<vmem>>, vector<16xf32>,
    tpu.vector_store %arg14[%swap3A_2034, %swap3A_2035], %broadcast_in_dim3A_3 {strides = array<i32>} : memref<128x128xf32, #tpu.memory_space<vmem>>, vector<16xf32>,
    %swap3A_2037 = arith.constant 59 : i32
    %swap3A_2038 = arith.index_cast %swap3A_2037 : i32 to index
    %swap3A_2039 = arith.constant 64 : index
    %swap3A_2040 = tpu.vector_load %arg14[%swap3A_2038, %swap3A_2039] {strides = array<i32>} : memref<128x128xf32, #tpu.memory_space<vmem>>, vector<16xf32>,
    tpu.vector_store %arg14[%swap3A_2038, %swap3A_2039], %broadcast_in_dim3A_3 {strides = array<i32>} : memref<128x128xf32, #tpu.memory_space<vmem>>, vector<16xf32>,
    %swap3A_2041 = arith.constant 59 : i32
    %swap3A_2042 = arith.index_cast %swap3A_2041 : i32 to index
    %swap3A_2043 = arith.constant 80 : index
    %swap3A_2044 = tpu.vector_load %arg14[%swap3A_2042, %swap3A_2043] {strides = array<i32>} : memref<128x128xf32, #tpu.memory_space<vmem>>, vector<16xf32>,
    tpu.vector_store %arg14[%swap3A_2042, %swap3A_2043], %broadcast_in_dim3A_3 {strides = array<i32>} : memref<128x128xf32, #tpu.memory_space<vmem>>, vector<16xf32>,
    %swap3A_2045 = arith.constant 59 : i32
    %swap3A_2046 = arith.index_cast %swap3A_2045 : i32 to index
    %swap3A_2047 = arith.constant 96 : index
    %swap3A_2048 = tpu.vector_load %arg14[%swap3A_2046, %swap3A_2047] {strides = array<i32>} : memref<128x128xf32, #tpu.memory_space<vmem>>, vector<16xf32>,
    tpu.vector_store %arg14[%swap3A_2046, %swap3A_2047], %broadcast_in_dim3A_3 {strides = array<i32>} : memref<128x128xf32, #tpu.memory_space<vmem>>, vector<16xf32>,
    %swap3A_2049 = arith.constant 59 : i32
    %swap3A_2050 = arith.index_cast %swap3A_2049 : i32 to index
    %swap3A_2051 = arith.constant 112 : index
    %swap3A_2052 = tpu.vector_load %arg14[%swap3A_2050, %swap3A_2051] {strides = array<i32>} : memref<128x128xf32, #tpu.memory_space<vmem>>, vector<16xf32>,
    tpu.vector_store %arg14[%swap3A_2050, %swap3A_2051], %broadcast_in_dim3A_3 {strides = array<i32>} : memref<128x128xf32, #tpu.memory_space<vmem>>, vector<16xf32>,
    %swap3A_2053 = arith.constant 60 : i32
    %swap3A_2054 = arith.index_cast %swap3A_2053 : i32 to index
    %swap3A_2055 = arith.constant 0 : index
    %swap3A_2056 = tpu.vector_load %arg14[%swap3A_2054, %swap3A_2055] {strides = array<i32>} : memref<128x128xf32, #tpu.memory_space<vmem>>, vector<16xf32>,
    tpu.vector_store %arg14[%swap3A_2054, %swap3A_2055], %broadcast_in_dim3A_3 {strides = array<i32>} : memref<128x128xf32, #tpu.memory_space<vmem>>, vector<16xf32>,
    %swap3A_2057 = arith.constant 60 : i32
    %swap3A_2058 = arith.index_cast %swap3A_2057 : i32 to index
    %swap3A_2059 = arith.constant 16 : index
    %swap3A_2060 = tpu.vector_load %arg14[%swap3A_2058, %swap3A_2059] {strides = array<i32>} : memref<128x128xf32, #tpu.memory_space<vmem>>, vector<16xf32>,
    tpu.vector_store %arg14[%swap3A_2058, %swap3A_2059], %broadcast_in_dim3A_3 {strides = array<i32>} : memref<128x128xf32, #tpu.memory_space<vmem>>, vector<16xf32>,
    %swap3A_2061 = arith.constant 60 : i32
    %swap3A_2062 = arith.index_cast %swap3A_2061 : i32 to index
    %swap3A_2063 = arith.constant 32 : index
    %swap3A_2064 = tpu.vector_load %arg14[%swap3A_2062, %swap3A_2063] {strides = array<i32>} : memref<128x128xf32, #tpu.memory_space<vmem>>, vector<16xf32>,
    tpu.vector_store %arg14[%swap3A_2062, %swap3A_2063], %broadcast_in_dim3A_3 {strides = array<i32>} : memref<128x128xf32, #tpu.memory_space<vmem>>, vector<16xf32>,
    %swap3A_2065 = arith.constant 60 : i32
    %swap3A_2066 = arith.index_cast %swap3A_2065 : i32 to index
    %swap3A_2067 = arith.constant 48 : index
    %swap3A_2068 = tpu.vector_load %arg14[%swap3A_2066, %swap3A_2067] {strides = array<i32>} : memref<128x128xf32, #tpu.memory_space<vmem>>, vector<16xf32>,
    tpu.vector_store %arg14[%swap3A_2066, %swap3A_2067], %broadcast_in_dim3A_3 {strides = array<i32>} : memref<128x128xf32, #tpu.memory_space<vmem>>, vector<16xf32>,
    %swap3A_2069 = arith.constant 60 : i32
    %swap3A_2070 = arith.index_cast %swap3A_2069 : i32 to index
    %swap3A_2071 = arith.constant 64 : index
    %swap3A_2072 = tpu.vector_load %arg14[%swap3A_2070, %swap3A_2071] {strides = array<i32>} : memref<128x128xf32, #tpu.memory_space<vmem>>, vector<16xf32>,
    tpu.vector_store %arg14[%swap3A_2070, %swap3A_2071], %broadcast_in_dim3A_3 {strides = array<i32>} : memref<128x128xf32, #tpu.memory_space<vmem>>, vector<16xf32>,
    %swap3A_2073 = arith.constant 60 : i32
    %swap3A_2074 = arith.index_cast %swap3A_2073 : i32 to index
    %swap3A_2075 = arith.constant 80 : index
    %swap3A_2076 = tpu.vector_load %arg14[%swap3A_2074, %swap3A_2075] {strides = array<i32>} : memref<128x128xf32, #tpu.memory_space<vmem>>, vector<16xf32>,
    tpu.vector_store %arg14[%swap3A_2074, %swap3A_2075], %broadcast_in_dim3A_3 {strides = array<i32>} : memref<128x128xf32, #tpu.memory_space<vmem>>, vector<16xf32>,
    %swap3A_2077 = arith.constant 60 : i32
    %swap3A_2078 = arith.index_cast %swap3A_2077 : i32 to index
    %swap3A_2079 = arith.constant 96 : index
    %swap3A_2080 = tpu.vector_load %arg14[%swap3A_2078, %swap3A_2079] {strides = array<i32>} : memref<128x128xf32, #tpu.memory_space<vmem>>, vector<16xf32>,
    tpu.vector_store %arg14[%swap3A_2078, %swap3A_2079], %broadcast_in_dim3A_3 {strides = array<i32>} : memref<128x128xf32, #tpu.memory_space<vmem>>, vector<16xf32>,
    %swap3A_2081 = arith.constant 60 : i32
    %swap3A_2082 = arith.index_cast %swap3A_2081 : i32 to index
    %swap3A_2083 = arith.constant 112 : index
    %swap3A_2084 = tpu.vector_load %arg14[%swap3A_2082, %swap3A_2083] {strides = array<i32>} : memref<128x128xf32, #tpu.memory_space<vmem>>, vector<16xf32>,
    tpu.vector_store %arg14[%swap3A_2082, %swap3A_2083], %broadcast_in_dim3A_3 {strides = array<i32>} : memref<128x128xf32, #tpu.memory_space<vmem>>, vector<16xf32>,
    %swap3A_2085 = arith.constant 61 : i32
    %swap3A_2086 = arith.index_cast %swap3A_2085 : i32 to index
    %swap3A_2087 = arith.constant 0 : index
    %swap3A_2088 = tpu.vector_load %arg14[%swap3A_2086, %swap3A_2087] {strides = array<i32>} : memref<128x128xf32, #tpu.memory_space<vmem>>, vector<16xf32>,
    tpu.vector_store %arg14[%swap3A_2086, %swap3A_2087], %broadcast_in_dim3A_3 {strides = array<i32>} : memref<128x128xf32, #tpu.memory_space<vmem>>, vector<16xf32>,
    %swap3A_2089 = arith.constant 61 : i32
    %swap3A_2090 = arith.index_cast %swap3A_2089 : i32 to index
    %swap3A_2091 = arith.constant 16 : index
    %swap3A_2092 = tpu.vector_load %arg14[%swap3A_2090, %swap3A_2091] {strides = array<i32>} : memref<128x128xf32, #tpu.memory_space<vmem>>, vector<16xf32>,
    tpu.vector_store %arg14[%swap3A_2090, %swap3A_2091], %broadcast_in_dim3A_3 {strides = array<i32>} : memref<128x128xf32, #tpu.memory_space<vmem>>, vector<16xf32>,
    %swap3A_2093 = arith.constant 61 : i32
    %swap3A_2094 = arith.index_cast %swap3A_2093 : i32 to index
    %swap3A_2095 = arith.constant 32 : index
    %swap3A_2096 = tpu.vector_load %arg14[%swap3A_2094, %swap3A_2095] {strides = array<i32>} : memref<128x128xf32, #tpu.memory_space<vmem>>, vector<16xf32>,
    tpu.vector_store %arg14[%swap3A_2094, %swap3A_2095], %broadcast_in_dim3A_3 {strides = array<i32>} : memref<128x128xf32, #tpu.memory_space<vmem>>, vector<16xf32>,
    %swap3A_2097 = arith.constant 61 : i32
    %swap3A_2098 = arith.index_cast %swap3A_2097 : i32 to index
    %swap3A_2099 = arith.constant 48 : index
    %swap3A_2100 = tpu.vector_load %arg14[%swap3A_2098, %swap3A_2099] {strides = array<i32>} : memref<128x128xf32, #tpu.memory_space<vmem>>, vector<16xf32>,
    tpu.vector_store %arg14[%swap3A_2098, %swap3A_2099], %broadcast_in_dim3A_3 {strides = array<i32>} : memref<128x128xf32, #tpu.memory_space<vmem>>, vector<16xf32>,
    %swap3A_2101 = arith.constant 61 : i32
    %swap3A_2102 = arith.index_cast %swap3A_2101 : i32 to index
    %swap3A_2103 = arith.constant 64 : index
    %swap3A_2104 = tpu.vector_load %arg14[%swap3A_2102, %swap3A_2103] {strides = array<i32>} : memref<128x128xf32, #tpu.memory_space<vmem>>, vector<16xf32>,
    tpu.vector_store %arg14[%swap3A_2102, %swap3A_2103], %broadcast_in_dim3A_3 {strides = array<i32>} : memref<128x128xf32, #tpu.memory_space<vmem>>, vector<16xf32>,
    %swap3A_2105 = arith.constant 61 : i32
    %swap3A_2106 = arith.index_cast %swap3A_2105 : i32 to index
    %swap3A_2107 = arith.constant 80 : index
    %swap3A_2108 = tpu.vector_load %arg14[%swap3A_2106, %swap3A_2107] {strides = array<i32>} : memref<128x128xf32, #tpu.memory_space<vmem>>, vector<16xf32>,
    tpu.vector_store %arg14[%swap3A_2106, %swap3A_2107], %broadcast_in_dim3A_3 {strides = array<i32>} : memref<128x128xf32, #tpu.memory_space<vmem>>, vector<16xf32>,
    %swap3A_2109 = arith.constant 61 : i32
    %swap3A_2110 = arith.index_cast %swap3A_2109 : i32 to index
    %swap3A_2111 = arith.constant 96 : index
    %swap3A_2112 = tpu.vector_load %arg14[%swap3A_2110, %swap3A_2111] {strides = array<i32>} : memref<128x128xf32, #tpu.memory_space<vmem>>, vector<16xf32>,
    tpu.vector_store %arg14[%swap3A_2110, %swap3A_2111], %broadcast_in_dim3A_3 {strides = array<i32>} : memref<128x128xf32, #tpu.memory_space<vmem>>, vector<16xf32>,
    %swap3A_2113 = arith.constant 61 : i32
    %swap3A_2114 = arith.index_cast %swap3A_2113 : i32 to index
    %swap3A_2115 = arith.constant 112 : index
    %swap3A_2116 = tpu.vector_load %arg14[%swap3A_2114, %swap3A_2115] {strides = array<i32>} : memref<128x128xf32, #tpu.memory_space<vmem>>, vector<16xf32>,
    tpu.vector_store %arg14[%swap3A_2114, %swap3A_2115], %broadcast_in_dim3A_3 {strides = array<i32>} : memref<128x128xf32, #tpu.memory_space<vmem>>, vector<16xf32>,
    %swap3A_2117 = arith.constant 62 : i32
    %swap3A_2118 = arith.index_cast %swap3A_2117 : i32 to index
    %swap3A_2119 = arith.constant 0 : index
    %swap3A_2120 = tpu.vector_load %arg14[%swap3A_2118, %swap3A_2119] {strides = array<i32>} : memref<128x128xf32, #tpu.memory_space<vmem>>, vector<16xf32>,
    tpu.vector_store %arg14[%swap3A_2118, %swap3A_2119], %broadcast_in_dim3A_3 {strides = array<i32>} : memref<128x128xf32, #tpu.memory_space<vmem>>, vector<16xf32>,
    %swap3A_2121 = arith.constant 62 : i32
    %swap3A_2122 = arith.index_cast %swap3A_2121 : i32 to index
    %swap3A_2123 = arith.constant 16 : index
    %swap3A_2124 = tpu.vector_load %arg14[%swap3A_2122, %swap3A_2123] {strides = array<i32>} : memref<128x128xf32, #tpu.memory_space<vmem>>, vector<16xf32>,
    tpu.vector_store %arg14[%swap3A_2122, %swap3A_2123], %broadcast_in_dim3A_3 {strides = array<i32>} : memref<128x128xf32, #tpu.memory_space<vmem>>, vector<16xf32>,
    %swap3A_2125 = arith.constant 62 : i32
    %swap3A_2126 = arith.index_cast %swap3A_2125 : i32 to index
    %swap3A_2127 = arith.constant 32 : index
    %swap3A_2128 = tpu.vector_load %arg14[%swap3A_2126, %swap3A_2127] {strides = array<i32>} : memref<128x128xf32, #tpu.memory_space<vmem>>, vector<16xf32>,
    tpu.vector_store %arg14[%swap3A_2126, %swap3A_2127], %broadcast_in_dim3A_3 {strides = array<i32>} : memref<128x128xf32, #tpu.memory_space<vmem>>, vector<16xf32>,
    %swap3A_2129 = arith.constant 62 : i32
    %swap3A_2130 = arith.index_cast %swap3A_2129 : i32 to index
    %swap3A_2131 = arith.constant 48 : index
    %swap3A_2132 = tpu.vector_load %arg14[%swap3A_2130, %swap3A_2131] {strides = array<i32>} : memref<128x128xf32, #tpu.memory_space<vmem>>, vector<16xf32>,
    tpu.vector_store %arg14[%swap3A_2130, %swap3A_2131], %broadcast_in_dim3A_3 {strides = array<i32>} : memref<128x128xf32, #tpu.memory_space<vmem>>, vector<16xf32>,
    %swap3A_2133 = arith.constant 62 : i32
    %swap3A_2134 = arith.index_cast %swap3A_2133 : i32 to index
    %swap3A_2135 = arith.constant 64 : index
    %swap3A_2136 = tpu.vector_load %arg14[%swap3A_2134, %swap3A_2135] {strides = array<i32>} : memref<128x128xf32, #tpu.memory_space<vmem>>, vector<16xf32>,
    tpu.vector_store %arg14[%swap3A_2134, %swap3A_2135], %broadcast_in_dim3A_3 {strides = array<i32>} : memref<128x128xf32, #tpu.memory_space<vmem>>, vector<16xf32>,
    %swap3A_2137 = arith.constant 62 : i32
    %swap3A_2138 = arith.index_cast %swap3A_2137 : i32 to index
    %swap3A_2139 = arith.constant 80 : index
    %swap3A_2140 = tpu.vector_load %arg14[%swap3A_2138, %swap3A_2139] {strides = array<i32>} : memref<128x128xf32, #tpu.memory_space<vmem>>, vector<16xf32>,
    tpu.vector_store %arg14[%swap3A_2138, %swap3A_2139], %broadcast_in_dim3A_3 {strides = array<i32>} : memref<128x128xf32, #tpu.memory_space<vmem>>, vector<16xf32>,
    %swap3A_2141 = arith.constant 62 : i32
    %swap3A_2142 = arith.index_cast %swap3A_2141 : i32 to index
    %swap3A_2143 = arith.constant 96 : index
    %swap3A_2144 = tpu.vector_load %arg14[%swap3A_2142, %swap3A_2143] {strides = array<i32>} : memref<128x128xf32, #tpu.memory_space<vmem>>, vector<16xf32>,
    tpu.vector_store %arg14[%swap3A_2142, %swap3A_2143], %broadcast_in_dim3A_3 {strides = array<i32>} : memref<128x128xf32, #tpu.memory_space<vmem>>, vector<16xf32>,
    %swap3A_2145 = arith.constant 62 : i32
    %swap3A_2146 = arith.index_cast %swap3A_2145 : i32 to index
    %swap3A_2147 = arith.constant 112 : index
    %swap3A_2148 = tpu.vector_load %arg14[%swap3A_2146, %swap3A_2147] {strides = array<i32>} : memref<128x128xf32, #tpu.memory_space<vmem>>, vector<16xf32>,
    tpu.vector_store %arg14[%swap3A_2146, %swap3A_2147], %broadcast_in_dim3A_3 {strides = array<i32>} : memref<128x128xf32, #tpu.memory_space<vmem>>, vector<16xf32>,
    %swap3A_2149 = arith.constant 63 : i32
    %swap3A_2150 = arith.index_cast %swap3A_2149 : i32 to index
    %swap3A_2151 = arith.constant 0 : index
    %swap3A_2152 = tpu.vector_load %arg14[%swap3A_2150, %swap3A_2151] {strides = array<i32>} : memref<128x128xf32, #tpu.memory_space<vmem>>, vector<16xf32>,
    tpu.vector_store %arg14[%swap3A_2150, %swap3A_2151], %broadcast_in_dim3A_3 {strides = array<i32>} : memref<128x128xf32, #tpu.memory_space<vmem>>, vector<16xf32>,
    %swap3A_2153 = arith.constant 63 : i32
    %swap3A_2154 = arith.index_cast %swap3A_2153 : i32 to index
    %swap3A_2155 = arith.constant 16 : index
    %swap3A_2156 = tpu.vector_load %arg14[%swap3A_2154, %swap3A_2155] {strides = array<i32>} : memref<128x128xf32, #tpu.memory_space<vmem>>, vector<16xf32>,
    tpu.vector_store %arg14[%swap3A_2154, %swap3A_2155], %broadcast_in_dim3A_3 {strides = array<i32>} : memref<128x128xf32, #tpu.memory_space<vmem>>, vector<16xf32>,
    %swap3A_2157 = arith.constant 63 : i32
    %swap3A_2158 = arith.index_cast %swap3A_2157 : i32 to index
    %swap3A_2159 = arith.constant 32 : index
    %swap3A_2160 = tpu.vector_load %arg14[%swap3A_2158, %swap3A_2159] {strides = array<i32>} : memref<128x128xf32, #tpu.memory_space<vmem>>, vector<16xf32>,
    tpu.vector_store %arg14[%swap3A_2158, %swap3A_2159], %broadcast_in_dim3A_3 {strides = array<i32>} : memref<128x128xf32, #tpu.memory_space<vmem>>, vector<16xf32>,
    %swap3A_2161 = arith.constant 63 : i32
    %swap3A_2162 = arith.index_cast %swap3A_2161 : i32 to index
    %swap3A_2163 = arith.constant 48 : index
    %swap3A_2164 = tpu.vector_load %arg14[%swap3A_2162, %swap3A_2163] {strides = array<i32>} : memref<128x128xf32, #tpu.memory_space<vmem>>, vector<16xf32>,
    tpu.vector_store %arg14[%swap3A_2162, %swap3A_2163], %broadcast_in_dim3A_3 {strides = array<i32>} : memref<128x128xf32, #tpu.memory_space<vmem>>, vector<16xf32>,
    %swap3A_2165 = arith.constant 63 : i32
    %swap3A_2166 = arith.index_cast %swap3A_2165 : i32 to index
    %swap3A_2167 = arith.constant 64 : index
    %swap3A_2168 = tpu.vector_load %arg14[%swap3A_2166, %swap3A_2167] {strides = array<i32>} : memref<128x128xf32, #tpu.memory_space<vmem>>, vector<16xf32>,
    tpu.vector_store %arg14[%swap3A_2166, %swap3A_2167], %broadcast_in_dim3A_3 {strides = array<i32>} : memref<128x128xf32, #tpu.memory_space<vmem>>, vector<16xf32>,
    %swap3A_2169 = arith.constant 63 : i32
    %swap3A_2170 = arith.index_cast %swap3A_2169 : i32 to index
    %swap3A_2171 = arith.constant 80 : index
    %swap3A_2172 = tpu.vector_load %arg14[%swap3A_2170, %swap3A_2171] {strides = array<i32>} : memref<128x128xf32, #tpu.memory_space<vmem>>, vector<16xf32>,
    tpu.vector_store %arg14[%swap3A_2170, %swap3A_2171], %broadcast_in_dim3A_3 {strides = array<i32>} : memref<128x128xf32, #tpu.memory_space<vmem>>, vector<16xf32>,
    %swap3A_2173 = arith.constant 63 : i32
    %swap3A_2174 = arith.index_cast %swap3A_2173 : i32 to index
    %swap3A_2175 = arith.constant 96 : index
    %swap3A_2176 = tpu.vector_load %arg14[%swap3A_2174, %swap3A_2175] {strides = array<i32>} : memref<128x128xf32, #tpu.memory_space<vmem>>, vector<16xf32>,
    tpu.vector_store %arg14[%swap3A_2174, %swap3A_2175], %broadcast_in_dim3A_3 {strides = array<i32>} : memref<128x128xf32, #tpu.memory_space<vmem>>, vector<16xf32>,
    %swap3A_2177 = arith.constant 63 : i32
    %swap3A_2178 = arith.index_cast %swap3A_2177 : i32 to index
    %swap3A_2179 = arith.constant 112 : index
    %swap3A_2180 = tpu.vector_load %arg14[%swap3A_2178, %swap3A_2179] {strides = array<i32>} : memref<128x128xf32, #tpu.memory_space<vmem>>, vector<16xf32>,
    tpu.vector_store %arg14[%swap3A_2178, %swap3A_2179], %broadcast_in_dim3A_3 {strides = array<i32>} : memref<128x128xf32, #tpu.memory_space<vmem>>, vector<16xf32>,
    %mul3A_2181 = arith.constant 64 : i32
    %mul3A_2182 = arith.muli %arg1, %mul3A_2181 : i32
    "tpu.region"() ({
      %run_scoped3A = tpu.sem_alloc : memref<!tpu.dma_semaphore, #tpu.memory_space<semaphore_mem>>
      %dma_start3A_2924 = arith.constant 0 : i32
      %dma_start3A_2925 = arith.constant 0 : i32
      %dma_start3A_2926 = tpu.memref_slice %arg14[%dma_start3A_2924, %dma_start3A_2925] : memref<128x128xf32, #tpu.memory_space<vmem>> -> memref<64x128xf32, #tpu.memory_space<vmem>>
      %dma_start3A_2927 = arith.constant 0 : i32
      %dma_start3A_2928 = tpu.memref_slice %arg19[%mul3A_2182, %dma_start3A_2927] : memref<1024x128xf32, #tpu.memory_space<vmem_shared>> -> memref<64x128xf32, #tpu.memory_space<vmem_shared>>
      %dma_start3A_2929 = arith.constant 0 : i32
      %dma_start3A_2930 = tpu.memref_slice %arg19[%mul3A_2182, %dma_start3A_2929] : memref<1024x128xf32, #tpu.memory_space<vmem_shared>> -> memref<64x128xf32, #tpu.memory_space<vmem_shared>>
      %dma_start3A_2931 = arith.constant 0 : i32
      %dma_start3A_2932 = arith.constant 0 : i32
      %dma_start3A_2933 = tpu.memref_slice %arg14[%dma_start3A_2931, %dma_start3A_2932] : memref<128x128xf32, #tpu.memory_space<vmem>> -> memref<64x128xf32, #tpu.memory_space<vmem>>
      tpu.enqueue_dma source(%dma_start3A_2933 : memref<64x128xf32, #tpu.memory_space<vmem>>) target(%dma_start3A_2930 : memref<64x128xf32, #tpu.memory_space<vmem_shared>>) target_semaphore(%run_scoped3A : memref<!tpu.dma_semaphore, #tpu.memory_space<semaphore_mem>>)
      %dma_wait3A_2934 = arith.constant 0 : i32
      %dma_wait3A_2935 = arith.constant 0 : i32
      %dma_wait3A_2936 = tpu.memref_slice %arg14[%dma_wait3A_2934, %dma_wait3A_2935] : memref<128x128xf32, #tpu.memory_space<vmem>> -> memref<64x128xf32, #tpu.memory_space<vmem>>
      %dma_wait3A_2937 = arith.constant 0 : i32
      %dma_wait3A_2938 = tpu.memref_slice %arg19[%mul3A_2182, %dma_wait3A_2937] : memref<1024x128xf32, #tpu.memory_space<vmem_shared>> -> memref<64x128xf32, #tpu.memory_space<vmem_shared>>
      %dma_wait3A_2939 = arith.constant 0 : i32
      %dma_wait3A_2940 = tpu.memref_slice %arg19[%mul3A_2182, %dma_wait3A_2939] : memref<1024x128xf32, #tpu.memory_space<vmem_shared>> -> memref<64x128xf32, #tpu.memory_space<vmem_shared>>
      %dma_wait3A_2941 = arith.constant 0 : i32
      %dma_wait3A_2942 = arith.constant 0 : i32
      %dma_wait3A_2943 = tpu.memref_slice %arg14[%dma_wait3A_2941, %dma_wait3A_2942] : memref<128x128xf32, #tpu.memory_space<vmem>> -> memref<64x128xf32, #tpu.memory_space<vmem>>
      tpu.wait_dma2 semaphore(%run_scoped3A : memref<!tpu.dma_semaphore, #tpu.memory_space<semaphore_mem>>) src(%dma_wait3A_2943 : memref<64x128xf32, #tpu.memory_space<vmem>>) dst(%dma_wait3A_2940 : memref<64x128xf32, #tpu.memory_space<vmem_shared>>)
      tpu.yield
    }) : () -> ()
    %barrier3A = arith.constant 0 : index
    tpu.barrier barrier_id(%barrier3A)
    %add3A_2183 = arith.constant 0 : i32
    %add3A_2184 = arith.addi %mul3A_2, %add3A_2183 : i32
    %dma_start3A = tpu.memref_slice %arg3[%add3A_2184] : memref<65536xi32, #tpu.memory_space<hbm>> -> memref<128xi32, #tpu.memory_space<hbm>>
    %dma_start3A_2185 = tpu.memref_slice %arg3[%add3A_2184] : memref<65536xi32, #tpu.memory_space<hbm>> -> memref<128xi32, #tpu.memory_space<hbm>>
    tpu.enqueue_dma source(%dma_start3A_2185 : memref<128xi32, #tpu.memory_space<hbm>>) target(%arg6 : memref<128xi32, #tpu.memory_space<vmem>>) target_semaphore(%arg20 : memref<!tpu.dma_semaphore, #tpu.memory_space<semaphore_mem>>)
    %dma_start3A_2186 = tpu.memref_slice %arg3[%add3A_2184] : memref<65536xi32, #tpu.memory_space<hbm>> -> memref<8xi32, #tpu.memory_space<hbm>>
    %dma_start3A_2187 = tpu.memref_slice %arg3[%add3A_2184] : memref<65536xi32, #tpu.memory_space<hbm>> -> memref<8xi32, #tpu.memory_space<hbm>>
    tpu.enqueue_dma source(%dma_start3A_2187 : memref<8xi32, #tpu.memory_space<hbm>>) target(%arg10 : memref<8xi32, #tpu.memory_space<vmem>>) target_semaphore(%arg20 : memref<!tpu.dma_semaphore, #tpu.memory_space<semaphore_mem>>)
    %dma_start3A_2188 = arith.constant 0 : i32
    %dma_start3A_2189 = tpu.memref_slice %arg2[%add3A_2184, %dma_start3A_2188] : memref<65536x128xf32, #tpu.memory_space<hbm>> -> memref<128x128xf32, #tpu.memory_space<hbm>>
    %dma_start3A_2190 = arith.constant 0 : i32
    %dma_start3A_2191 = tpu.memref_slice %arg2[%add3A_2184, %dma_start3A_2190] : memref<65536x128xf32, #tpu.memory_space<hbm>> -> memref<128x128xf32, #tpu.memory_space<hbm>>
    tpu.enqueue_dma source(%dma_start3A_2191 : memref<128x128xf32, #tpu.memory_space<hbm>>) target(%arg14 : memref<128x128xf32, #tpu.memory_space<vmem>>) target_semaphore(%arg20 : memref<!tpu.dma_semaphore, #tpu.memory_space<semaphore_mem>>)
    %add3A_2192 = arith.constant 128 : i32
    %add3A_2193 = arith.addi %mul3A_2, %add3A_2192 : i32
    %dma_start3A_2194 = tpu.memref_slice %arg3[%add3A_2193] : memref<65536xi32, #tpu.memory_space<hbm>> -> memref<128xi32, #tpu.memory_space<hbm>>
    %dma_start3A_2195 = tpu.memref_slice %arg3[%add3A_2193] : memref<65536xi32, #tpu.memory_space<hbm>> -> memref<128xi32, #tpu.memory_space<hbm>>
    tpu.enqueue_dma source(%dma_start3A_2195 : memref<128xi32, #tpu.memory_space<hbm>>) target(%arg7 : memref<128xi32, #tpu.memory_space<vmem>>) target_semaphore(%arg20 : memref<!tpu.dma_semaphore, #tpu.memory_space<semaphore_mem>>)
    %dma_start3A_2196 = tpu.memref_slice %arg3[%add3A_2193] : memref<65536xi32, #tpu.memory_space<hbm>> -> memref<8xi32, #tpu.memory_space<hbm>>
    %dma_start3A_2197 = tpu.memref_slice %arg3[%add3A_2193] : memref<65536xi32, #tpu.memory_space<hbm>> -> memref<8xi32, #tpu.memory_space<hbm>>
    tpu.enqueue_dma source(%dma_start3A_2197 : memref<8xi32, #tpu.memory_space<hbm>>) target(%arg11 : memref<8xi32, #tpu.memory_space<vmem>>) target_semaphore(%arg20 : memref<!tpu.dma_semaphore, #tpu.memory_space<semaphore_mem>>)
    %dma_start3A_2198 = arith.constant 0 : i32
    %dma_start3A_2199 = tpu.memref_slice %arg2[%add3A_2193, %dma_start3A_2198] : memref<65536x128xf32, #tpu.memory_space<hbm>> -> memref<128x128xf32, #tpu.memory_space<hbm>>
    %dma_start3A_2200 = arith.constant 0 : i32
    %dma_start3A_2201 = tpu.memref_slice %arg2[%add3A_2193, %dma_start3A_2200] : memref<65536x128xf32, #tpu.memory_space<hbm>> -> memref<128x128xf32, #tpu.memory_space<hbm>>
    tpu.enqueue_dma source(%dma_start3A_2201 : memref<128x128xf32, #tpu.memory_space<hbm>>) target(%arg15 : memref<128x128xf32, #tpu.memory_space<vmem>>) target_semaphore(%arg20 : memref<!tpu.dma_semaphore, #tpu.memory_space<semaphore_mem>>)
    %add3A_2202 = arith.constant 256 : i32
    %add3A_2203 = arith.addi %mul3A_2, %add3A_2202 : i32
    %dma_start3A_2204 = tpu.memref_slice %arg3[%add3A_2203] : memref<65536xi32, #tpu.memory_space<hbm>> -> memref<128xi32, #tpu.memory_space<hbm>>
    %dma_start3A_2205 = tpu.memref_slice %arg3[%add3A_2203] : memref<65536xi32, #tpu.memory_space<hbm>> -> memref<128xi32, #tpu.memory_space<hbm>>
    tpu.enqueue_dma source(%dma_start3A_2205 : memref<128xi32, #tpu.memory_space<hbm>>) target(%arg8 : memref<128xi32, #tpu.memory_space<vmem>>) target_semaphore(%arg20 : memref<!tpu.dma_semaphore, #tpu.memory_space<semaphore_mem>>)
    %dma_start3A_2206 = tpu.memref_slice %arg3[%add3A_2203] : memref<65536xi32, #tpu.memory_space<hbm>> -> memref<8xi32, #tpu.memory_space<hbm>>
    %dma_start3A_2207 = tpu.memref_slice %arg3[%add3A_2203] : memref<65536xi32, #tpu.memory_space<hbm>> -> memref<8xi32, #tpu.memory_space<hbm>>
    tpu.enqueue_dma source(%dma_start3A_2207 : memref<8xi32, #tpu.memory_space<hbm>>) target(%arg12 : memref<8xi32, #tpu.memory_space<vmem>>) target_semaphore(%arg20 : memref<!tpu.dma_semaphore, #tpu.memory_space<semaphore_mem>>)
    %dma_start3A_2208 = arith.constant 0 : i32
    %dma_start3A_2209 = tpu.memref_slice %arg2[%add3A_2203, %dma_start3A_2208] : memref<65536x128xf32, #tpu.memory_space<hbm>> -> memref<128x128xf32, #tpu.memory_space<hbm>>
    %dma_start3A_2210 = arith.constant 0 : i32
    %dma_start3A_2211 = tpu.memref_slice %arg2[%add3A_2203, %dma_start3A_2210] : memref<65536x128xf32, #tpu.memory_space<hbm>> -> memref<128x128xf32, #tpu.memory_space<hbm>>
    tpu.enqueue_dma source(%dma_start3A_2211 : memref<128x128xf32, #tpu.memory_space<hbm>>) target(%arg16 : memref<128x128xf32, #tpu.memory_space<vmem>>) target_semaphore(%arg20 : memref<!tpu.dma_semaphore, #tpu.memory_space<semaphore_mem>>)
    %add3A_2212 = arith.constant 384 : i32
    %add3A_2213 = arith.addi %mul3A_2, %add3A_2212 : i32
    %dma_start3A_2214 = tpu.memref_slice %arg3[%add3A_2213] : memref<65536xi32, #tpu.memory_space<hbm>> -> memref<128xi32, #tpu.memory_space<hbm>>
    %dma_start3A_2215 = tpu.memref_slice %arg3[%add3A_2213] : memref<65536xi32, #tpu.memory_space<hbm>> -> memref<128xi32, #tpu.memory_space<hbm>>
    tpu.enqueue_dma source(%dma_start3A_2215 : memref<128xi32, #tpu.memory_space<hbm>>) target(%arg9 : memref<128xi32, #tpu.memory_space<vmem>>) target_semaphore(%arg20 : memref<!tpu.dma_semaphore, #tpu.memory_space<semaphore_mem>>)
    %dma_start3A_2216 = tpu.memref_slice %arg3[%add3A_2213] : memref<65536xi32, #tpu.memory_space<hbm>> -> memref<8xi32, #tpu.memory_space<hbm>>
    %dma_start3A_2217 = tpu.memref_slice %arg3[%add3A_2213] : memref<65536xi32, #tpu.memory_space<hbm>> -> memref<8xi32, #tpu.memory_space<hbm>>
    tpu.enqueue_dma source(%dma_start3A_2217 : memref<8xi32, #tpu.memory_space<hbm>>) target(%arg13 : memref<8xi32, #tpu.memory_space<vmem>>) target_semaphore(%arg20 : memref<!tpu.dma_semaphore, #tpu.memory_space<semaphore_mem>>)
    %dma_start3A_2218 = arith.constant 0 : i32
    %dma_start3A_2219 = tpu.memref_slice %arg2[%add3A_2213, %dma_start3A_2218] : memref<65536x128xf32, #tpu.memory_space<hbm>> -> memref<128x128xf32, #tpu.memory_space<hbm>>
    %dma_start3A_2220 = arith.constant 0 : i32
    %dma_start3A_2221 = tpu.memref_slice %arg2[%add3A_2213, %dma_start3A_2220] : memref<65536x128xf32, #tpu.memory_space<hbm>> -> memref<128x128xf32, #tpu.memory_space<hbm>>
    tpu.enqueue_dma source(%dma_start3A_2221 : memref<128x128xf32, #tpu.memory_space<hbm>>) target(%arg17 : memref<128x128xf32, #tpu.memory_space<vmem>>) target_semaphore(%arg20 : memref<!tpu.dma_semaphore, #tpu.memory_space<semaphore_mem>>)
    %dma_wait3A = tpu.memref_slice %arg3[%add3A_2184] : memref<65536xi32, #tpu.memory_space<hbm>> -> memref<128xi32, #tpu.memory_space<hbm>>
    %dma_wait3A_2222 = tpu.memref_slice %arg3[%add3A_2184] : memref<65536xi32, #tpu.memory_space<hbm>> -> memref<128xi32, #tpu.memory_space<hbm>>
    tpu.wait_dma2 semaphore(%arg20 : memref<!tpu.dma_semaphore, #tpu.memory_space<semaphore_mem>>) src(%dma_wait3A_2222 : memref<128xi32, #tpu.memory_space<hbm>>) dst(%arg6 : memref<128xi32, #tpu.memory_space<vmem>>)
    %dma_wait3A_2223 = tpu.memref_slice %arg3[%add3A_2184] : memref<65536xi32, #tpu.memory_space<hbm>> -> memref<8xi32, #tpu.memory_space<hbm>>
    %dma_wait3A_2224 = tpu.memref_slice %arg3[%add3A_2184] : memref<65536xi32, #tpu.memory_space<hbm>> -> memref<8xi32, #tpu.memory_space<hbm>>
    tpu.wait_dma2 semaphore(%arg20 : memref<!tpu.dma_semaphore, #tpu.memory_space<semaphore_mem>>) src(%dma_wait3A_2224 : memref<8xi32, #tpu.memory_space<hbm>>) dst(%arg10 : memref<8xi32, #tpu.memory_space<vmem>>)
    %dma_wait3A_2225 = arith.constant 0 : i32
    %dma_wait3A_2226 = tpu.memref_slice %arg2[%add3A_2184, %dma_wait3A_2225] : memref<65536x128xf32, #tpu.memory_space<hbm>> -> memref<128x128xf32, #tpu.memory_space<hbm>>
    %dma_wait3A_2227 = arith.constant 0 : i32
    %dma_wait3A_2228 = tpu.memref_slice %arg2[%add3A_2184, %dma_wait3A_2227] : memref<65536x128xf32, #tpu.memory_space<hbm>> -> memref<128x128xf32, #tpu.memory_space<hbm>>
    tpu.wait_dma2 semaphore(%arg20 : memref<!tpu.dma_semaphore, #tpu.memory_space<semaphore_mem>>) src(%dma_wait3A_2228 : memref<128x128xf32, #tpu.memory_space<hbm>>) dst(%arg14 : memref<128x128xf32, #tpu.memory_space<vmem>>)
    %dma_start3A_2229 = arith.constant 0 : i32
    %dma_start3A_2230 = arith.constant 0 : i32
    %dma_start3A_2231 = tpu.memref_slice %arg14[%dma_start3A_2229, %dma_start3A_2230] : memref<128x128xf32, #tpu.memory_space<vmem>> -> memref<8x128xf32, #tpu.memory_space<vmem>>
    %dma_start3A_2232 = arith.constant 0 : i32
    %dma_start3A_2233 = arith.constant 0 : i32
    %dma_start3A_2234 = tpu.memref_slice %arg19[%dma_start3A_2232, %dma_start3A_2233] : memref<1024x128xf32, #tpu.memory_space<vmem_shared>> -> memref<1024x128xf32, #tpu.memory_space<vmem_shared>>
    tpu.enqueue_indirect_dma source(%dma_start3A_2231 : memref<8x128xf32, #tpu.memory_space<vmem>>) target(%dma_start3A_2234 : memref<1024x128xf32, #tpu.memory_space<vmem_shared>>) offsets(%arg10 : memref<8xi32, #tpu.memory_space<vmem>>) semaphore(%arg21 : memref<!tpu.dma_semaphore, #tpu.memory_space<semaphore_mem>>) {add = true}
    %get3A = arith.constant 0 : index
    %get3A_2235 = tpu.vector_load %arg6[%get3A] {strides = array<i32>} : memref<128xi32, #tpu.memory_space<vmem>>, vector<16xi32>,
    tpu.vector_store_idx %arg18[%get3A_2235], %broadcast_in_dim3A_5 {add = true} : memref<1024xf32, #tpu.memory_space<vmem>>[vector<16xi32>], vector<16xf32>,
    %get3A_2236 = arith.constant 16 : index
    %get3A_2237 = tpu.vector_load %arg6[%get3A_2236] {strides = array<i32>} : memref<128xi32, #tpu.memory_space<vmem>>, vector<16xi32>,
    tpu.vector_store_idx %arg18[%get3A_2237], %broadcast_in_dim3A_5 {add = true} : memref<1024xf32, #tpu.memory_space<vmem>>[vector<16xi32>], vector<16xf32>,
    %get3A_2238 = arith.constant 32 : index
    %get3A_2239 = tpu.vector_load %arg6[%get3A_2238] {strides = array<i32>} : memref<128xi32, #tpu.memory_space<vmem>>, vector<16xi32>,
    tpu.vector_store_idx %arg18[%get3A_2239], %broadcast_in_dim3A_5 {add = true} : memref<1024xf32, #tpu.memory_space<vmem>>[vector<16xi32>], vector<16xf32>,
    %get3A_2240 = arith.constant 48 : index
    %get3A_2241 = tpu.vector_load %arg6[%get3A_2240] {strides = array<i32>} : memref<128xi32, #tpu.memory_space<vmem>>, vector<16xi32>,
    tpu.vector_store_idx %arg18[%get3A_2241], %broadcast_in_dim3A_5 {add = true} : memref<1024xf32, #tpu.memory_space<vmem>>[vector<16xi32>], vector<16xf32>,
    %get3A_2242 = arith.constant 64 : index
    %get3A_2243 = tpu.vector_load %arg6[%get3A_2242] {strides = array<i32>} : memref<128xi32, #tpu.memory_space<vmem>>, vector<16xi32>,
    tpu.vector_store_idx %arg18[%get3A_2243], %broadcast_in_dim3A_5 {add = true} : memref<1024xf32, #tpu.memory_space<vmem>>[vector<16xi32>], vector<16xf32>,
    %get3A_2244 = arith.constant 80 : index
    %get3A_2245 = tpu.vector_load %arg6[%get3A_2244] {strides = array<i32>} : memref<128xi32, #tpu.memory_space<vmem>>, vector<16xi32>,
    tpu.vector_store_idx %arg18[%get3A_2245], %broadcast_in_dim3A_5 {add = true} : memref<1024xf32, #tpu.memory_space<vmem>>[vector<16xi32>], vector<16xf32>,
    %get3A_2246 = arith.constant 96 : index
    %get3A_2247 = tpu.vector_load %arg6[%get3A_2246] {strides = array<i32>} : memref<128xi32, #tpu.memory_space<vmem>>, vector<16xi32>,
    tpu.vector_store_idx %arg18[%get3A_2247], %broadcast_in_dim3A_5 {add = true} : memref<1024xf32, #tpu.memory_space<vmem>>[vector<16xi32>], vector<16xf32>,
    %get3A_2248 = arith.constant 112 : index
    %get3A_2249 = tpu.vector_load %arg6[%get3A_2248] {strides = array<i32>} : memref<128xi32, #tpu.memory_space<vmem>>, vector<16xi32>,
    tpu.vector_store_idx %arg18[%get3A_2249], %broadcast_in_dim3A_5 {add = true} : memref<1024xf32, #tpu.memory_space<vmem>>[vector<16xi32>], vector<16xf32>,
    %dma_wait3A_2250 = arith.constant 0 : i32
    %dma_wait3A_2251 = arith.constant 0 : i32
    %dma_wait3A_2252 = tpu.memref_slice %arg14[%dma_wait3A_2250, %dma_wait3A_2251] : memref<128x128xf32, #tpu.memory_space<vmem>> -> memref<8x128xf32, #tpu.memory_space<vmem>>
    %dma_wait3A_2253 = arith.constant 0 : i32
    %dma_wait3A_2254 = arith.constant 0 : i32
    %dma_wait3A_2255 = tpu.memref_slice %arg19[%dma_wait3A_2253, %dma_wait3A_2254] : memref<1024x128xf32, #tpu.memory_space<vmem_shared>> -> memref<1024x128xf32, #tpu.memory_space<vmem_shared>>
    tpu.wait_indirect_dma semaphore(%arg21 : memref<!tpu.dma_semaphore, #tpu.memory_space<semaphore_mem>>) src(%dma_wait3A_2252 : memref<8x128xf32, #tpu.memory_space<vmem>>) dst(%dma_wait3A_2255 : memref<1024x128xf32, #tpu.memory_space<vmem_shared>>)
    %add3A_2256 = arith.constant 512 : i32
    %add3A_2257 = arith.addi %mul3A_2, %add3A_2256 : i32
    %dma_start3A_2258 = tpu.memref_slice %arg3[%add3A_2257] : memref<65536xi32, #tpu.memory_space<hbm>> -> memref<128xi32, #tpu.memory_space<hbm>>
    %dma_start3A_2259 = tpu.memref_slice %arg3[%add3A_2257] : memref<65536xi32, #tpu.memory_space<hbm>> -> memref<128xi32, #tpu.memory_space<hbm>>
    tpu.enqueue_dma source(%dma_start3A_2259 : memref<128xi32, #tpu.memory_space<hbm>>) target(%arg6 : memref<128xi32, #tpu.memory_space<vmem>>) target_semaphore(%arg20 : memref<!tpu.dma_semaphore, #tpu.memory_space<semaphore_mem>>)
    %dma_start3A_2260 = tpu.memref_slice %arg3[%add3A_2257] : memref<65536xi32, #tpu.memory_space<hbm>> -> memref<8xi32, #tpu.memory_space<hbm>>
    %dma_start3A_2261 = tpu.memref_slice %arg3[%add3A_2257] : memref<65536xi32, #tpu.memory_space<hbm>> -> memref<8xi32, #tpu.memory_space<hbm>>
    tpu.enqueue_dma source(%dma_start3A_2261 : memref<8xi32, #tpu.memory_space<hbm>>) target(%arg10 : memref<8xi32, #tpu.memory_space<vmem>>) target_semaphore(%arg20 : memref<!tpu.dma_semaphore, #tpu.memory_space<semaphore_mem>>)
    %dma_start3A_2262 = arith.constant 0 : i32
    %dma_start3A_2263 = tpu.memref_slice %arg2[%add3A_2257, %dma_start3A_2262] : memref<65536x128xf32, #tpu.memory_space<hbm>> -> memref<128x128xf32, #tpu.memory_space<hbm>>
    %dma_start3A_2264 = arith.constant 0 : i32
    %dma_start3A_2265 = tpu.memref_slice %arg2[%add3A_2257, %dma_start3A_2264] : memref<65536x128xf32, #tpu.memory_space<hbm>> -> memref<128x128xf32, #tpu.memory_space<hbm>>
    tpu.enqueue_dma source(%dma_start3A_2265 : memref<128x128xf32, #tpu.memory_space<hbm>>) target(%arg14 : memref<128x128xf32, #tpu.memory_space<vmem>>) target_semaphore(%arg20 : memref<!tpu.dma_semaphore, #tpu.memory_space<semaphore_mem>>)
    %dma_wait3A_2266 = tpu.memref_slice %arg3[%add3A_2193] : memref<65536xi32, #tpu.memory_space<hbm>> -> memref<128xi32, #tpu.memory_space<hbm>>
    %dma_wait3A_2267 = tpu.memref_slice %arg3[%add3A_2193] : memref<65536xi32, #tpu.memory_space<hbm>> -> memref<128xi32, #tpu.memory_space<hbm>>
    tpu.wait_dma2 semaphore(%arg20 : memref<!tpu.dma_semaphore, #tpu.memory_space<semaphore_mem>>) src(%dma_wait3A_2267 : memref<128xi32, #tpu.memory_space<hbm>>) dst(%arg7 : memref<128xi32, #tpu.memory_space<vmem>>)
    %dma_wait3A_2268 = tpu.memref_slice %arg3[%add3A_2193] : memref<65536xi32, #tpu.memory_space<hbm>> -> memref<8xi32, #tpu.memory_space<hbm>>
    %dma_wait3A_2269 = tpu.memref_slice %arg3[%add3A_2193] : memref<65536xi32, #tpu.memory_space<hbm>> -> memref<8xi32, #tpu.memory_space<hbm>>
    tpu.wait_dma2 semaphore(%arg20 : memref<!tpu.dma_semaphore, #tpu.memory_space<semaphore_mem>>) src(%dma_wait3A_2269 : memref<8xi32, #tpu.memory_space<hbm>>) dst(%arg11 : memref<8xi32, #tpu.memory_space<vmem>>)
    %dma_wait3A_2270 = arith.constant 0 : i32
    %dma_wait3A_2271 = tpu.memref_slice %arg2[%add3A_2193, %dma_wait3A_2270] : memref<65536x128xf32, #tpu.memory_space<hbm>> -> memref<128x128xf32, #tpu.memory_space<hbm>>
    %dma_wait3A_2272 = arith.constant 0 : i32
    %dma_wait3A_2273 = tpu.memref_slice %arg2[%add3A_2193, %dma_wait3A_2272] : memref<65536x128xf32, #tpu.memory_space<hbm>> -> memref<128x128xf32, #tpu.memory_space<hbm>>
    tpu.wait_dma2 semaphore(%arg20 : memref<!tpu.dma_semaphore, #tpu.memory_space<semaphore_mem>>) src(%dma_wait3A_2273 : memref<128x128xf32, #tpu.memory_space<hbm>>) dst(%arg15 : memref<128x128xf32, #tpu.memory_space<vmem>>)
    %dma_start3A_2274 = arith.constant 0 : i32
    %dma_start3A_2275 = arith.constant 0 : i32
    %dma_start3A_2276 = tpu.memref_slice %arg15[%dma_start3A_2274, %dma_start3A_2275] : memref<128x128xf32, #tpu.memory_space<vmem>> -> memref<8x128xf32, #tpu.memory_space<vmem>>
    %dma_start3A_2277 = arith.constant 0 : i32
    %dma_start3A_2278 = arith.constant 0 : i32
    %dma_start3A_2279 = tpu.memref_slice %arg19[%dma_start3A_2277, %dma_start3A_2278] : memref<1024x128xf32, #tpu.memory_space<vmem_shared>> -> memref<1024x128xf32, #tpu.memory_space<vmem_shared>>
    tpu.enqueue_indirect_dma source(%dma_start3A_2276 : memref<8x128xf32, #tpu.memory_space<vmem>>) target(%dma_start3A_2279 : memref<1024x128xf32, #tpu.memory_space<vmem_shared>>) offsets(%arg11 : memref<8xi32, #tpu.memory_space<vmem>>) semaphore(%arg21 : memref<!tpu.dma_semaphore, #tpu.memory_space<semaphore_mem>>) {add = true}
    %get3A_2280 = arith.constant 0 : index
    %get3A_2281 = tpu.vector_load %arg7[%get3A_2280] {strides = array<i32>} : memref<128xi32, #tpu.memory_space<vmem>>, vector<16xi32>,
    tpu.vector_store_idx %arg18[%get3A_2281], %broadcast_in_dim3A_5 {add = true} : memref<1024xf32, #tpu.memory_space<vmem>>[vector<16xi32>], vector<16xf32>,
    %get3A_2282 = arith.constant 16 : index
    %get3A_2283 = tpu.vector_load %arg7[%get3A_2282] {strides = array<i32>} : memref<128xi32, #tpu.memory_space<vmem>>, vector<16xi32>,
    tpu.vector_store_idx %arg18[%get3A_2283], %broadcast_in_dim3A_5 {add = true} : memref<1024xf32, #tpu.memory_space<vmem>>[vector<16xi32>], vector<16xf32>,
    %get3A_2284 = arith.constant 32 : index
    %get3A_2285 = tpu.vector_load %arg7[%get3A_2284] {strides = array<i32>} : memref<128xi32, #tpu.memory_space<vmem>>, vector<16xi32>,
    tpu.vector_store_idx %arg18[%get3A_2285], %broadcast_in_dim3A_5 {add = true} : memref<1024xf32, #tpu.memory_space<vmem>>[vector<16xi32>], vector<16xf32>,
    %get3A_2286 = arith.constant 48 : index
    %get3A_2287 = tpu.vector_load %arg7[%get3A_2286] {strides = array<i32>} : memref<128xi32, #tpu.memory_space<vmem>>, vector<16xi32>,
    tpu.vector_store_idx %arg18[%get3A_2287], %broadcast_in_dim3A_5 {add = true} : memref<1024xf32, #tpu.memory_space<vmem>>[vector<16xi32>], vector<16xf32>,
    %get3A_2288 = arith.constant 64 : index
    %get3A_2289 = tpu.vector_load %arg7[%get3A_2288] {strides = array<i32>} : memref<128xi32, #tpu.memory_space<vmem>>, vector<16xi32>,
    tpu.vector_store_idx %arg18[%get3A_2289], %broadcast_in_dim3A_5 {add = true} : memref<1024xf32, #tpu.memory_space<vmem>>[vector<16xi32>], vector<16xf32>,
    %get3A_2290 = arith.constant 80 : index
    %get3A_2291 = tpu.vector_load %arg7[%get3A_2290] {strides = array<i32>} : memref<128xi32, #tpu.memory_space<vmem>>, vector<16xi32>,
    tpu.vector_store_idx %arg18[%get3A_2291], %broadcast_in_dim3A_5 {add = true} : memref<1024xf32, #tpu.memory_space<vmem>>[vector<16xi32>], vector<16xf32>,
    %get3A_2292 = arith.constant 96 : index
    %get3A_2293 = tpu.vector_load %arg7[%get3A_2292] {strides = array<i32>} : memref<128xi32, #tpu.memory_space<vmem>>, vector<16xi32>,
    tpu.vector_store_idx %arg18[%get3A_2293], %broadcast_in_dim3A_5 {add = true} : memref<1024xf32, #tpu.memory_space<vmem>>[vector<16xi32>], vector<16xf32>,
    %get3A_2294 = arith.constant 112 : index
    %get3A_2295 = tpu.vector_load %arg7[%get3A_2294] {strides = array<i32>} : memref<128xi32, #tpu.memory_space<vmem>>, vector<16xi32>,
    tpu.vector_store_idx %arg18[%get3A_2295], %broadcast_in_dim3A_5 {add = true} : memref<1024xf32, #tpu.memory_space<vmem>>[vector<16xi32>], vector<16xf32>,
    %dma_wait3A_2296 = arith.constant 0 : i32
    %dma_wait3A_2297 = arith.constant 0 : i32
    %dma_wait3A_2298 = tpu.memref_slice %arg15[%dma_wait3A_2296, %dma_wait3A_2297] : memref<128x128xf32, #tpu.memory_space<vmem>> -> memref<8x128xf32, #tpu.memory_space<vmem>>
    %dma_wait3A_2299 = arith.constant 0 : i32
    %dma_wait3A_2300 = arith.constant 0 : i32
    %dma_wait3A_2301 = tpu.memref_slice %arg19[%dma_wait3A_2299, %dma_wait3A_2300] : memref<1024x128xf32, #tpu.memory_space<vmem_shared>> -> memref<1024x128xf32, #tpu.memory_space<vmem_shared>>
    tpu.wait_indirect_dma semaphore(%arg21 : memref<!tpu.dma_semaphore, #tpu.memory_space<semaphore_mem>>) src(%dma_wait3A_2298 : memref<8x128xf32, #tpu.memory_space<vmem>>) dst(%dma_wait3A_2301 : memref<1024x128xf32, #tpu.memory_space<vmem_shared>>)
    %add3A_2302 = arith.constant 640 : i32
    %add3A_2303 = arith.addi %mul3A_2, %add3A_2302 : i32
    %dma_start3A_2304 = tpu.memref_slice %arg3[%add3A_2303] : memref<65536xi32, #tpu.memory_space<hbm>> -> memref<128xi32, #tpu.memory_space<hbm>>
    %dma_start3A_2305 = tpu.memref_slice %arg3[%add3A_2303] : memref<65536xi32, #tpu.memory_space<hbm>> -> memref<128xi32, #tpu.memory_space<hbm>>
    tpu.enqueue_dma source(%dma_start3A_2305 : memref<128xi32, #tpu.memory_space<hbm>>) target(%arg7 : memref<128xi32, #tpu.memory_space<vmem>>) target_semaphore(%arg20 : memref<!tpu.dma_semaphore, #tpu.memory_space<semaphore_mem>>)
    %dma_start3A_2306 = tpu.memref_slice %arg3[%add3A_2303] : memref<65536xi32, #tpu.memory_space<hbm>> -> memref<8xi32, #tpu.memory_space<hbm>>
    %dma_start3A_2307 = tpu.memref_slice %arg3[%add3A_2303] : memref<65536xi32, #tpu.memory_space<hbm>> -> memref<8xi32, #tpu.memory_space<hbm>>
    tpu.enqueue_dma source(%dma_start3A_2307 : memref<8xi32, #tpu.memory_space<hbm>>) target(%arg11 : memref<8xi32, #tpu.memory_space<vmem>>) target_semaphore(%arg20 : memref<!tpu.dma_semaphore, #tpu.memory_space<semaphore_mem>>)
    %dma_start3A_2308 = arith.constant 0 : i32
    %dma_start3A_2309 = tpu.memref_slice %arg2[%add3A_2303, %dma_start3A_2308] : memref<65536x128xf32, #tpu.memory_space<hbm>> -> memref<128x128xf32, #tpu.memory_space<hbm>>
    %dma_start3A_2310 = arith.constant 0 : i32
    %dma_start3A_2311 = tpu.memref_slice %arg2[%add3A_2303, %dma_start3A_2310] : memref<65536x128xf32, #tpu.memory_space<hbm>> -> memref<128x128xf32, #tpu.memory_space<hbm>>
    tpu.enqueue_dma source(%dma_start3A_2311 : memref<128x128xf32, #tpu.memory_space<hbm>>) target(%arg15 : memref<128x128xf32, #tpu.memory_space<vmem>>) target_semaphore(%arg20 : memref<!tpu.dma_semaphore, #tpu.memory_space<semaphore_mem>>)
    %dma_wait3A_2312 = tpu.memref_slice %arg3[%add3A_2203] : memref<65536xi32, #tpu.memory_space<hbm>> -> memref<128xi32, #tpu.memory_space<hbm>>
    %dma_wait3A_2313 = tpu.memref_slice %arg3[%add3A_2203] : memref<65536xi32, #tpu.memory_space<hbm>> -> memref<128xi32, #tpu.memory_space<hbm>>
    tpu.wait_dma2 semaphore(%arg20 : memref<!tpu.dma_semaphore, #tpu.memory_space<semaphore_mem>>) src(%dma_wait3A_2313 : memref<128xi32, #tpu.memory_space<hbm>>) dst(%arg8 : memref<128xi32, #tpu.memory_space<vmem>>)
    %dma_wait3A_2314 = tpu.memref_slice %arg3[%add3A_2203] : memref<65536xi32, #tpu.memory_space<hbm>> -> memref<8xi32, #tpu.memory_space<hbm>>
    %dma_wait3A_2315 = tpu.memref_slice %arg3[%add3A_2203] : memref<65536xi32, #tpu.memory_space<hbm>> -> memref<8xi32, #tpu.memory_space<hbm>>
    tpu.wait_dma2 semaphore(%arg20 : memref<!tpu.dma_semaphore, #tpu.memory_space<semaphore_mem>>) src(%dma_wait3A_2315 : memref<8xi32, #tpu.memory_space<hbm>>) dst(%arg12 : memref<8xi32, #tpu.memory_space<vmem>>)
    %dma_wait3A_2316 = arith.constant 0 : i32
    %dma_wait3A_2317 = tpu.memref_slice %arg2[%add3A_2203, %dma_wait3A_2316] : memref<65536x128xf32, #tpu.memory_space<hbm>> -> memref<128x128xf32, #tpu.memory_space<hbm>>
    %dma_wait3A_2318 = arith.constant 0 : i32
    %dma_wait3A_2319 = tpu.memref_slice %arg2[%add3A_2203, %dma_wait3A_2318] : memref<65536x128xf32, #tpu.memory_space<hbm>> -> memref<128x128xf32, #tpu.memory_space<hbm>>
    tpu.wait_dma2 semaphore(%arg20 : memref<!tpu.dma_semaphore, #tpu.memory_space<semaphore_mem>>) src(%dma_wait3A_2319 : memref<128x128xf32, #tpu.memory_space<hbm>>) dst(%arg16 : memref<128x128xf32, #tpu.memory_space<vmem>>)
    %dma_start3A_2320 = arith.constant 0 : i32
    %dma_start3A_2321 = arith.constant 0 : i32
    %dma_start3A_2322 = tpu.memref_slice %arg16[%dma_start3A_2320, %dma_start3A_2321] : memref<128x128xf32, #tpu.memory_space<vmem>> -> memref<8x128xf32, #tpu.memory_space<vmem>>
    %dma_start3A_2323 = arith.constant 0 : i32
    %dma_start3A_2324 = arith.constant 0 : i32
    %dma_start3A_2325 = tpu.memref_slice %arg19[%dma_start3A_2323, %dma_start3A_2324] : memref<1024x128xf32, #tpu.memory_space<vmem_shared>> -> memref<1024x128xf32, #tpu.memory_space<vmem_shared>>
    tpu.enqueue_indirect_dma source(%dma_start3A_2322 : memref<8x128xf32, #tpu.memory_space<vmem>>) target(%dma_start3A_2325 : memref<1024x128xf32, #tpu.memory_space<vmem_shared>>) offsets(%arg12 : memref<8xi32, #tpu.memory_space<vmem>>) semaphore(%arg21 : memref<!tpu.dma_semaphore, #tpu.memory_space<semaphore_mem>>) {add = true}
    %get3A_2326 = arith.constant 0 : index
    %get3A_2327 = tpu.vector_load %arg8[%get3A_2326] {strides = array<i32>} : memref<128xi32, #tpu.memory_space<vmem>>, vector<16xi32>,
    tpu.vector_store_idx %arg18[%get3A_2327], %broadcast_in_dim3A_5 {add = true} : memref<1024xf32, #tpu.memory_space<vmem>>[vector<16xi32>], vector<16xf32>,
    %get3A_2328 = arith.constant 16 : index
    %get3A_2329 = tpu.vector_load %arg8[%get3A_2328] {strides = array<i32>} : memref<128xi32, #tpu.memory_space<vmem>>, vector<16xi32>,
    tpu.vector_store_idx %arg18[%get3A_2329], %broadcast_in_dim3A_5 {add = true} : memref<1024xf32, #tpu.memory_space<vmem>>[vector<16xi32>], vector<16xf32>,
    %get3A_2330 = arith.constant 32 : index
    %get3A_2331 = tpu.vector_load %arg8[%get3A_2330] {strides = array<i32>} : memref<128xi32, #tpu.memory_space<vmem>>, vector<16xi32>,
    tpu.vector_store_idx %arg18[%get3A_2331], %broadcast_in_dim3A_5 {add = true} : memref<1024xf32, #tpu.memory_space<vmem>>[vector<16xi32>], vector<16xf32>,
    %get3A_2332 = arith.constant 48 : index
    %get3A_2333 = tpu.vector_load %arg8[%get3A_2332] {strides = array<i32>} : memref<128xi32, #tpu.memory_space<vmem>>, vector<16xi32>,
    tpu.vector_store_idx %arg18[%get3A_2333], %broadcast_in_dim3A_5 {add = true} : memref<1024xf32, #tpu.memory_space<vmem>>[vector<16xi32>], vector<16xf32>,
    %get3A_2334 = arith.constant 64 : index
    %get3A_2335 = tpu.vector_load %arg8[%get3A_2334] {strides = array<i32>} : memref<128xi32, #tpu.memory_space<vmem>>, vector<16xi32>,
    tpu.vector_store_idx %arg18[%get3A_2335], %broadcast_in_dim3A_5 {add = true} : memref<1024xf32, #tpu.memory_space<vmem>>[vector<16xi32>], vector<16xf32>,
    %get3A_2336 = arith.constant 80 : index
    %get3A_2337 = tpu.vector_load %arg8[%get3A_2336] {strides = array<i32>} : memref<128xi32, #tpu.memory_space<vmem>>, vector<16xi32>,
    tpu.vector_store_idx %arg18[%get3A_2337], %broadcast_in_dim3A_5 {add = true} : memref<1024xf32, #tpu.memory_space<vmem>>[vector<16xi32>], vector<16xf32>,
    %get3A_2338 = arith.constant 96 : index
    %get3A_2339 = tpu.vector_load %arg8[%get3A_2338] {strides = array<i32>} : memref<128xi32, #tpu.memory_space<vmem>>, vector<16xi32>,
    tpu.vector_store_idx %arg18[%get3A_2339], %broadcast_in_dim3A_5 {add = true} : memref<1024xf32, #tpu.memory_space<vmem>>[vector<16xi32>], vector<16xf32>,
    %get3A_2340 = arith.constant 112 : index
    %get3A_2341 = tpu.vector_load %arg8[%get3A_2340] {strides = array<i32>} : memref<128xi32, #tpu.memory_space<vmem>>, vector<16xi32>,
    tpu.vector_store_idx %arg18[%get3A_2341], %broadcast_in_dim3A_5 {add = true} : memref<1024xf32, #tpu.memory_space<vmem>>[vector<16xi32>], vector<16xf32>,
    %dma_wait3A_2342 = arith.constant 0 : i32
    %dma_wait3A_2343 = arith.constant 0 : i32
    %dma_wait3A_2344 = tpu.memref_slice %arg16[%dma_wait3A_2342, %dma_wait3A_2343] : memref<128x128xf32, #tpu.memory_space<vmem>> -> memref<8x128xf32, #tpu.memory_space<vmem>>
    %dma_wait3A_2345 = arith.constant 0 : i32
    %dma_wait3A_2346 = arith.constant 0 : i32
    %dma_wait3A_2347 = tpu.memref_slice %arg19[%dma_wait3A_2345, %dma_wait3A_2346] : memref<1024x128xf32, #tpu.memory_space<vmem_shared>> -> memref<1024x128xf32, #tpu.memory_space<vmem_shared>>
    tpu.wait_indirect_dma semaphore(%arg21 : memref<!tpu.dma_semaphore, #tpu.memory_space<semaphore_mem>>) src(%dma_wait3A_2344 : memref<8x128xf32, #tpu.memory_space<vmem>>) dst(%dma_wait3A_2347 : memref<1024x128xf32, #tpu.memory_space<vmem_shared>>)
    %add3A_2348 = arith.constant 768 : i32
    %add3A_2349 = arith.addi %mul3A_2, %add3A_2348 : i32
    %dma_start3A_2350 = tpu.memref_slice %arg3[%add3A_2349] : memref<65536xi32, #tpu.memory_space<hbm>> -> memref<128xi32, #tpu.memory_space<hbm>>
    %dma_start3A_2351 = tpu.memref_slice %arg3[%add3A_2349] : memref<65536xi32, #tpu.memory_space<hbm>> -> memref<128xi32, #tpu.memory_space<hbm>>
    tpu.enqueue_dma source(%dma_start3A_2351 : memref<128xi32, #tpu.memory_space<hbm>>) target(%arg8 : memref<128xi32, #tpu.memory_space<vmem>>) target_semaphore(%arg20 : memref<!tpu.dma_semaphore, #tpu.memory_space<semaphore_mem>>)
    %dma_start3A_2352 = tpu.memref_slice %arg3[%add3A_2349] : memref<65536xi32, #tpu.memory_space<hbm>> -> memref<8xi32, #tpu.memory_space<hbm>>
    %dma_start3A_2353 = tpu.memref_slice %arg3[%add3A_2349] : memref<65536xi32, #tpu.memory_space<hbm>> -> memref<8xi32, #tpu.memory_space<hbm>>
    tpu.enqueue_dma source(%dma_start3A_2353 : memref<8xi32, #tpu.memory_space<hbm>>) target(%arg12 : memref<8xi32, #tpu.memory_space<vmem>>) target_semaphore(%arg20 : memref<!tpu.dma_semaphore, #tpu.memory_space<semaphore_mem>>)
    %dma_start3A_2354 = arith.constant 0 : i32
    %dma_start3A_2355 = tpu.memref_slice %arg2[%add3A_2349, %dma_start3A_2354] : memref<65536x128xf32, #tpu.memory_space<hbm>> -> memref<128x128xf32, #tpu.memory_space<hbm>>
    %dma_start3A_2356 = arith.constant 0 : i32
    %dma_start3A_2357 = tpu.memref_slice %arg2[%add3A_2349, %dma_start3A_2356] : memref<65536x128xf32, #tpu.memory_space<hbm>> -> memref<128x128xf32, #tpu.memory_space<hbm>>
    tpu.enqueue_dma source(%dma_start3A_2357 : memref<128x128xf32, #tpu.memory_space<hbm>>) target(%arg16 : memref<128x128xf32, #tpu.memory_space<vmem>>) target_semaphore(%arg20 : memref<!tpu.dma_semaphore, #tpu.memory_space<semaphore_mem>>)
    %dma_wait3A_2358 = tpu.memref_slice %arg3[%add3A_2213] : memref<65536xi32, #tpu.memory_space<hbm>> -> memref<128xi32, #tpu.memory_space<hbm>>
    %dma_wait3A_2359 = tpu.memref_slice %arg3[%add3A_2213] : memref<65536xi32, #tpu.memory_space<hbm>> -> memref<128xi32, #tpu.memory_space<hbm>>
    tpu.wait_dma2 semaphore(%arg20 : memref<!tpu.dma_semaphore, #tpu.memory_space<semaphore_mem>>) src(%dma_wait3A_2359 : memref<128xi32, #tpu.memory_space<hbm>>) dst(%arg9 : memref<128xi32, #tpu.memory_space<vmem>>)
    %dma_wait3A_2360 = tpu.memref_slice %arg3[%add3A_2213] : memref<65536xi32, #tpu.memory_space<hbm>> -> memref<8xi32, #tpu.memory_space<hbm>>
    %dma_wait3A_2361 = tpu.memref_slice %arg3[%add3A_2213] : memref<65536xi32, #tpu.memory_space<hbm>> -> memref<8xi32, #tpu.memory_space<hbm>>
    tpu.wait_dma2 semaphore(%arg20 : memref<!tpu.dma_semaphore, #tpu.memory_space<semaphore_mem>>) src(%dma_wait3A_2361 : memref<8xi32, #tpu.memory_space<hbm>>) dst(%arg13 : memref<8xi32, #tpu.memory_space<vmem>>)
    %dma_wait3A_2362 = arith.constant 0 : i32
    %dma_wait3A_2363 = tpu.memref_slice %arg2[%add3A_2213, %dma_wait3A_2362] : memref<65536x128xf32, #tpu.memory_space<hbm>> -> memref<128x128xf32, #tpu.memory_space<hbm>>
    %dma_wait3A_2364 = arith.constant 0 : i32
    %dma_wait3A_2365 = tpu.memref_slice %arg2[%add3A_2213, %dma_wait3A_2364] : memref<65536x128xf32, #tpu.memory_space<hbm>> -> memref<128x128xf32, #tpu.memory_space<hbm>>
    tpu.wait_dma2 semaphore(%arg20 : memref<!tpu.dma_semaphore, #tpu.memory_space<semaphore_mem>>) src(%dma_wait3A_2365 : memref<128x128xf32, #tpu.memory_space<hbm>>) dst(%arg17 : memref<128x128xf32, #tpu.memory_space<vmem>>)
    %dma_start3A_2366 = arith.constant 0 : i32
    %dma_start3A_2367 = arith.constant 0 : i32
    %dma_start3A_2368 = tpu.memref_slice %arg17[%dma_start3A_2366, %dma_start3A_2367] : memref<128x128xf32, #tpu.memory_space<vmem>> -> memref<8x128xf32, #tpu.memory_space<vmem>>
    %dma_start3A_2369 = arith.constant 0 : i32
    %dma_start3A_2370 = arith.constant 0 : i32
    %dma_start3A_2371 = tpu.memref_slice %arg19[%dma_start3A_2369, %dma_start3A_2370] : memref<1024x128xf32, #tpu.memory_space<vmem_shared>> -> memref<1024x128xf32, #tpu.memory_space<vmem_shared>>
    tpu.enqueue_indirect_dma source(%dma_start3A_2368 : memref<8x128xf32, #tpu.memory_space<vmem>>) target(%dma_start3A_2371 : memref<1024x128xf32, #tpu.memory_space<vmem_shared>>) offsets(%arg13 : memref<8xi32, #tpu.memory_space<vmem>>) semaphore(%arg21 : memref<!tpu.dma_semaphore, #tpu.memory_space<semaphore_mem>>) {add = true}
    %get3A_2372 = arith.constant 0 : index
    %get3A_2373 = tpu.vector_load %arg9[%get3A_2372] {strides = array<i32>} : memref<128xi32, #tpu.memory_space<vmem>>, vector<16xi32>,
    tpu.vector_store_idx %arg18[%get3A_2373], %broadcast_in_dim3A_5 {add = true} : memref<1024xf32, #tpu.memory_space<vmem>>[vector<16xi32>], vector<16xf32>,
    %get3A_2374 = arith.constant 16 : index
    %get3A_2375 = tpu.vector_load %arg9[%get3A_2374] {strides = array<i32>} : memref<128xi32, #tpu.memory_space<vmem>>, vector<16xi32>,
    tpu.vector_store_idx %arg18[%get3A_2375], %broadcast_in_dim3A_5 {add = true} : memref<1024xf32, #tpu.memory_space<vmem>>[vector<16xi32>], vector<16xf32>,
    %get3A_2376 = arith.constant 32 : index
    %get3A_2377 = tpu.vector_load %arg9[%get3A_2376] {strides = array<i32>} : memref<128xi32, #tpu.memory_space<vmem>>, vector<16xi32>,
    tpu.vector_store_idx %arg18[%get3A_2377], %broadcast_in_dim3A_5 {add = true} : memref<1024xf32, #tpu.memory_space<vmem>>[vector<16xi32>], vector<16xf32>,
    %get3A_2378 = arith.constant 48 : index
    %get3A_2379 = tpu.vector_load %arg9[%get3A_2378] {strides = array<i32>} : memref<128xi32, #tpu.memory_space<vmem>>, vector<16xi32>,
    tpu.vector_store_idx %arg18[%get3A_2379], %broadcast_in_dim3A_5 {add = true} : memref<1024xf32, #tpu.memory_space<vmem>>[vector<16xi32>], vector<16xf32>,
    %get3A_2380 = arith.constant 64 : index
    %get3A_2381 = tpu.vector_load %arg9[%get3A_2380] {strides = array<i32>} : memref<128xi32, #tpu.memory_space<vmem>>, vector<16xi32>,
    tpu.vector_store_idx %arg18[%get3A_2381], %broadcast_in_dim3A_5 {add = true} : memref<1024xf32, #tpu.memory_space<vmem>>[vector<16xi32>], vector<16xf32>,
    %get3A_2382 = arith.constant 80 : index
    %get3A_2383 = tpu.vector_load %arg9[%get3A_2382] {strides = array<i32>} : memref<128xi32, #tpu.memory_space<vmem>>, vector<16xi32>,
    tpu.vector_store_idx %arg18[%get3A_2383], %broadcast_in_dim3A_5 {add = true} : memref<1024xf32, #tpu.memory_space<vmem>>[vector<16xi32>], vector<16xf32>,
    %get3A_2384 = arith.constant 96 : index
    %get3A_2385 = tpu.vector_load %arg9[%get3A_2384] {strides = array<i32>} : memref<128xi32, #tpu.memory_space<vmem>>, vector<16xi32>,
    tpu.vector_store_idx %arg18[%get3A_2385], %broadcast_in_dim3A_5 {add = true} : memref<1024xf32, #tpu.memory_space<vmem>>[vector<16xi32>], vector<16xf32>,
    %get3A_2386 = arith.constant 112 : index
    %get3A_2387 = tpu.vector_load %arg9[%get3A_2386] {strides = array<i32>} : memref<128xi32, #tpu.memory_space<vmem>>, vector<16xi32>,
    tpu.vector_store_idx %arg18[%get3A_2387], %broadcast_in_dim3A_5 {add = true} : memref<1024xf32, #tpu.memory_space<vmem>>[vector<16xi32>], vector<16xf32>,
    %dma_wait3A_2388 = arith.constant 0 : i32
    %dma_wait3A_2389 = arith.constant 0 : i32
    %dma_wait3A_2390 = tpu.memref_slice %arg17[%dma_wait3A_2388, %dma_wait3A_2389] : memref<128x128xf32, #tpu.memory_space<vmem>> -> memref<8x128xf32, #tpu.memory_space<vmem>>
    %dma_wait3A_2391 = arith.constant 0 : i32
    %dma_wait3A_2392 = arith.constant 0 : i32
    %dma_wait3A_2393 = tpu.memref_slice %arg19[%dma_wait3A_2391, %dma_wait3A_2392] : memref<1024x128xf32, #tpu.memory_space<vmem_shared>> -> memref<1024x128xf32, #tpu.memory_space<vmem_shared>>
    tpu.wait_indirect_dma semaphore(%arg21 : memref<!tpu.dma_semaphore, #tpu.memory_space<semaphore_mem>>) src(%dma_wait3A_2390 : memref<8x128xf32, #tpu.memory_space<vmem>>) dst(%dma_wait3A_2393 : memref<1024x128xf32, #tpu.memory_space<vmem_shared>>)
    %add3A_2394 = arith.constant 896 : i32
    %add3A_2395 = arith.addi %mul3A_2, %add3A_2394 : i32
    %dma_start3A_2396 = tpu.memref_slice %arg3[%add3A_2395] : memref<65536xi32, #tpu.memory_space<hbm>> -> memref<128xi32, #tpu.memory_space<hbm>>
    %dma_start3A_2397 = tpu.memref_slice %arg3[%add3A_2395] : memref<65536xi32, #tpu.memory_space<hbm>> -> memref<128xi32, #tpu.memory_space<hbm>>
    tpu.enqueue_dma source(%dma_start3A_2397 : memref<128xi32, #tpu.memory_space<hbm>>) target(%arg9 : memref<128xi32, #tpu.memory_space<vmem>>) target_semaphore(%arg20 : memref<!tpu.dma_semaphore, #tpu.memory_space<semaphore_mem>>)
    %dma_start3A_2398 = tpu.memref_slice %arg3[%add3A_2395] : memref<65536xi32, #tpu.memory_space<hbm>> -> memref<8xi32, #tpu.memory_space<hbm>>
    %dma_start3A_2399 = tpu.memref_slice %arg3[%add3A_2395] : memref<65536xi32, #tpu.memory_space<hbm>> -> memref<8xi32, #tpu.memory_space<hbm>>
    tpu.enqueue_dma source(%dma_start3A_2399 : memref<8xi32, #tpu.memory_space<hbm>>) target(%arg13 : memref<8xi32, #tpu.memory_space<vmem>>) target_semaphore(%arg20 : memref<!tpu.dma_semaphore, #tpu.memory_space<semaphore_mem>>)
    %dma_start3A_2400 = arith.constant 0 : i32
    %dma_start3A_2401 = tpu.memref_slice %arg2[%add3A_2395, %dma_start3A_2400] : memref<65536x128xf32, #tpu.memory_space<hbm>> -> memref<128x128xf32, #tpu.memory_space<hbm>>
    %dma_start3A_2402 = arith.constant 0 : i32
    %dma_start3A_2403 = tpu.memref_slice %arg2[%add3A_2395, %dma_start3A_2402] : memref<65536x128xf32, #tpu.memory_space<hbm>> -> memref<128x128xf32, #tpu.memory_space<hbm>>
    tpu.enqueue_dma source(%dma_start3A_2403 : memref<128x128xf32, #tpu.memory_space<hbm>>) target(%arg17 : memref<128x128xf32, #tpu.memory_space<vmem>>) target_semaphore(%arg20 : memref<!tpu.dma_semaphore, #tpu.memory_space<semaphore_mem>>)
    %dma_wait3A_2404 = tpu.memref_slice %arg3[%add3A_2257] : memref<65536xi32, #tpu.memory_space<hbm>> -> memref<128xi32, #tpu.memory_space<hbm>>
    %dma_wait3A_2405 = tpu.memref_slice %arg3[%add3A_2257] : memref<65536xi32, #tpu.memory_space<hbm>> -> memref<128xi32, #tpu.memory_space<hbm>>
    tpu.wait_dma2 semaphore(%arg20 : memref<!tpu.dma_semaphore, #tpu.memory_space<semaphore_mem>>) src(%dma_wait3A_2405 : memref<128xi32, #tpu.memory_space<hbm>>) dst(%arg6 : memref<128xi32, #tpu.memory_space<vmem>>)
    %dma_wait3A_2406 = tpu.memref_slice %arg3[%add3A_2257] : memref<65536xi32, #tpu.memory_space<hbm>> -> memref<8xi32, #tpu.memory_space<hbm>>
    %dma_wait3A_2407 = tpu.memref_slice %arg3[%add3A_2257] : memref<65536xi32, #tpu.memory_space<hbm>> -> memref<8xi32, #tpu.memory_space<hbm>>
    tpu.wait_dma2 semaphore(%arg20 : memref<!tpu.dma_semaphore, #tpu.memory_space<semaphore_mem>>) src(%dma_wait3A_2407 : memref<8xi32, #tpu.memory_space<hbm>>) dst(%arg10 : memref<8xi32, #tpu.memory_space<vmem>>)
    %dma_wait3A_2408 = arith.constant 0 : i32
    %dma_wait3A_2409 = tpu.memref_slice %arg2[%add3A_2257, %dma_wait3A_2408] : memref<65536x128xf32, #tpu.memory_space<hbm>> -> memref<128x128xf32, #tpu.memory_space<hbm>>
    %dma_wait3A_2410 = arith.constant 0 : i32
    %dma_wait3A_2411 = tpu.memref_slice %arg2[%add3A_2257, %dma_wait3A_2410] : memref<65536x128xf32, #tpu.memory_space<hbm>> -> memref<128x128xf32, #tpu.memory_space<hbm>>
    tpu.wait_dma2 semaphore(%arg20 : memref<!tpu.dma_semaphore, #tpu.memory_space<semaphore_mem>>) src(%dma_wait3A_2411 : memref<128x128xf32, #tpu.memory_space<hbm>>) dst(%arg14 : memref<128x128xf32, #tpu.memory_space<vmem>>)
    %dma_start3A_2412 = arith.constant 0 : i32
    %dma_start3A_2413 = arith.constant 0 : i32
    %dma_start3A_2414 = tpu.memref_slice %arg14[%dma_start3A_2412, %dma_start3A_2413] : memref<128x128xf32, #tpu.memory_space<vmem>> -> memref<8x128xf32, #tpu.memory_space<vmem>>
    %dma_start3A_2415 = arith.constant 0 : i32
    %dma_start3A_2416 = arith.constant 0 : i32
    %dma_start3A_2417 = tpu.memref_slice %arg19[%dma_start3A_2415, %dma_start3A_2416] : memref<1024x128xf32, #tpu.memory_space<vmem_shared>> -> memref<1024x128xf32, #tpu.memory_space<vmem_shared>>
    tpu.enqueue_indirect_dma source(%dma_start3A_2414 : memref<8x128xf32, #tpu.memory_space<vmem>>) target(%dma_start3A_2417 : memref<1024x128xf32, #tpu.memory_space<vmem_shared>>) offsets(%arg10 : memref<8xi32, #tpu.memory_space<vmem>>) semaphore(%arg21 : memref<!tpu.dma_semaphore, #tpu.memory_space<semaphore_mem>>) {add = true}
    %get3A_2418 = arith.constant 0 : index
    %get3A_2419 = tpu.vector_load %arg6[%get3A_2418] {strides = array<i32>} : memref<128xi32, #tpu.memory_space<vmem>>, vector<16xi32>,
    tpu.vector_store_idx %arg18[%get3A_2419], %broadcast_in_dim3A_5 {add = true} : memref<1024xf32, #tpu.memory_space<vmem>>[vector<16xi32>], vector<16xf32>,
    %get3A_2420 = arith.constant 16 : index
    %get3A_2421 = tpu.vector_load %arg6[%get3A_2420] {strides = array<i32>} : memref<128xi32, #tpu.memory_space<vmem>>, vector<16xi32>,
    tpu.vector_store_idx %arg18[%get3A_2421], %broadcast_in_dim3A_5 {add = true} : memref<1024xf32, #tpu.memory_space<vmem>>[vector<16xi32>], vector<16xf32>,
    %get3A_2422 = arith.constant 32 : index
    %get3A_2423 = tpu.vector_load %arg6[%get3A_2422] {strides = array<i32>} : memref<128xi32, #tpu.memory_space<vmem>>, vector<16xi32>,
    tpu.vector_store_idx %arg18[%get3A_2423], %broadcast_in_dim3A_5 {add = true} : memref<1024xf32, #tpu.memory_space<vmem>>[vector<16xi32>], vector<16xf32>,
    %get3A_2424 = arith.constant 48 : index
    %get3A_2425 = tpu.vector_load %arg6[%get3A_2424] {strides = array<i32>} : memref<128xi32, #tpu.memory_space<vmem>>, vector<16xi32>,
    tpu.vector_store_idx %arg18[%get3A_2425], %broadcast_in_dim3A_5 {add = true} : memref<1024xf32, #tpu.memory_space<vmem>>[vector<16xi32>], vector<16xf32>,
    %get3A_2426 = arith.constant 64 : index
    %get3A_2427 = tpu.vector_load %arg6[%get3A_2426] {strides = array<i32>} : memref<128xi32, #tpu.memory_space<vmem>>, vector<16xi32>,
    tpu.vector_store_idx %arg18[%get3A_2427], %broadcast_in_dim3A_5 {add = true} : memref<1024xf32, #tpu.memory_space<vmem>>[vector<16xi32>], vector<16xf32>,
    %get3A_2428 = arith.constant 80 : index
    %get3A_2429 = tpu.vector_load %arg6[%get3A_2428] {strides = array<i32>} : memref<128xi32, #tpu.memory_space<vmem>>, vector<16xi32>,
    tpu.vector_store_idx %arg18[%get3A_2429], %broadcast_in_dim3A_5 {add = true} : memref<1024xf32, #tpu.memory_space<vmem>>[vector<16xi32>], vector<16xf32>,
    %get3A_2430 = arith.constant 96 : index
    %get3A_2431 = tpu.vector_load %arg6[%get3A_2430] {strides = array<i32>} : memref<128xi32, #tpu.memory_space<vmem>>, vector<16xi32>,
    tpu.vector_store_idx %arg18[%get3A_2431], %broadcast_in_dim3A_5 {add = true} : memref<1024xf32, #tpu.memory_space<vmem>>[vector<16xi32>], vector<16xf32>,
    %get3A_2432 = arith.constant 112 : index
    %get3A_2433 = tpu.vector_load %arg6[%get3A_2432] {strides = array<i32>} : memref<128xi32, #tpu.memory_space<vmem>>, vector<16xi32>,
    tpu.vector_store_idx %arg18[%get3A_2433], %broadcast_in_dim3A_5 {add = true} : memref<1024xf32, #tpu.memory_space<vmem>>[vector<16xi32>], vector<16xf32>,
    %dma_wait3A_2434 = arith.constant 0 : i32
    %dma_wait3A_2435 = arith.constant 0 : i32
    %dma_wait3A_2436 = tpu.memref_slice %arg14[%dma_wait3A_2434, %dma_wait3A_2435] : memref<128x128xf32, #tpu.memory_space<vmem>> -> memref<8x128xf32, #tpu.memory_space<vmem>>
    %dma_wait3A_2437 = arith.constant 0 : i32
    %dma_wait3A_2438 = arith.constant 0 : i32
    %dma_wait3A_2439 = tpu.memref_slice %arg19[%dma_wait3A_2437, %dma_wait3A_2438] : memref<1024x128xf32, #tpu.memory_space<vmem_shared>> -> memref<1024x128xf32, #tpu.memory_space<vmem_shared>>
    tpu.wait_indirect_dma semaphore(%arg21 : memref<!tpu.dma_semaphore, #tpu.memory_space<semaphore_mem>>) src(%dma_wait3A_2436 : memref<8x128xf32, #tpu.memory_space<vmem>>) dst(%dma_wait3A_2439 : memref<1024x128xf32, #tpu.memory_space<vmem_shared>>)
    %add3A_2440 = arith.constant 1024 : i32
    %add3A_2441 = arith.addi %mul3A_2, %add3A_2440 : i32
    %dma_start3A_2442 = tpu.memref_slice %arg3[%add3A_2441] : memref<65536xi32, #tpu.memory_space<hbm>> -> memref<128xi32, #tpu.memory_space<hbm>>
    %dma_start3A_2443 = tpu.memref_slice %arg3[%add3A_2441] : memref<65536xi32, #tpu.memory_space<hbm>> -> memref<128xi32, #tpu.memory_space<hbm>>
    tpu.enqueue_dma source(%dma_start3A_2443 : memref<128xi32, #tpu.memory_space<hbm>>) target(%arg6 : memref<128xi32, #tpu.memory_space<vmem>>) target_semaphore(%arg20 : memref<!tpu.dma_semaphore, #tpu.memory_space<semaphore_mem>>)
    %dma_start3A_2444 = tpu.memref_slice %arg3[%add3A_2441] : memref<65536xi32, #tpu.memory_space<hbm>> -> memref<8xi32, #tpu.memory_space<hbm>>
    %dma_start3A_2445 = tpu.memref_slice %arg3[%add3A_2441] : memref<65536xi32, #tpu.memory_space<hbm>> -> memref<8xi32, #tpu.memory_space<hbm>>
    tpu.enqueue_dma source(%dma_start3A_2445 : memref<8xi32, #tpu.memory_space<hbm>>) target(%arg10 : memref<8xi32, #tpu.memory_space<vmem>>) target_semaphore(%arg20 : memref<!tpu.dma_semaphore, #tpu.memory_space<semaphore_mem>>)
    %dma_start3A_2446 = arith.constant 0 : i32
    %dma_start3A_2447 = tpu.memref_slice %arg2[%add3A_2441, %dma_start3A_2446] : memref<65536x128xf32, #tpu.memory_space<hbm>> -> memref<128x128xf32, #tpu.memory_space<hbm>>
    %dma_start3A_2448 = arith.constant 0 : i32
    %dma_start3A_2449 = tpu.memref_slice %arg2[%add3A_2441, %dma_start3A_2448] : memref<65536x128xf32, #tpu.memory_space<hbm>> -> memref<128x128xf32, #tpu.memory_space<hbm>>
    tpu.enqueue_dma source(%dma_start3A_2449 : memref<128x128xf32, #tpu.memory_space<hbm>>) target(%arg14 : memref<128x128xf32, #tpu.memory_space<vmem>>) target_semaphore(%arg20 : memref<!tpu.dma_semaphore, #tpu.memory_space<semaphore_mem>>)
    %dma_wait3A_2450 = tpu.memref_slice %arg3[%add3A_2303] : memref<65536xi32, #tpu.memory_space<hbm>> -> memref<128xi32, #tpu.memory_space<hbm>>
    %dma_wait3A_2451 = tpu.memref_slice %arg3[%add3A_2303] : memref<65536xi32, #tpu.memory_space<hbm>> -> memref<128xi32, #tpu.memory_space<hbm>>
    tpu.wait_dma2 semaphore(%arg20 : memref<!tpu.dma_semaphore, #tpu.memory_space<semaphore_mem>>) src(%dma_wait3A_2451 : memref<128xi32, #tpu.memory_space<hbm>>) dst(%arg7 : memref<128xi32, #tpu.memory_space<vmem>>)
    %dma_wait3A_2452 = tpu.memref_slice %arg3[%add3A_2303] : memref<65536xi32, #tpu.memory_space<hbm>> -> memref<8xi32, #tpu.memory_space<hbm>>
    %dma_wait3A_2453 = tpu.memref_slice %arg3[%add3A_2303] : memref<65536xi32, #tpu.memory_space<hbm>> -> memref<8xi32, #tpu.memory_space<hbm>>
    tpu.wait_dma2 semaphore(%arg20 : memref<!tpu.dma_semaphore, #tpu.memory_space<semaphore_mem>>) src(%dma_wait3A_2453 : memref<8xi32, #tpu.memory_space<hbm>>) dst(%arg11 : memref<8xi32, #tpu.memory_space<vmem>>)
    %dma_wait3A_2454 = arith.constant 0 : i32
    %dma_wait3A_2455 = tpu.memref_slice %arg2[%add3A_2303, %dma_wait3A_2454] : memref<65536x128xf32, #tpu.memory_space<hbm>> -> memref<128x128xf32, #tpu.memory_space<hbm>>
    %dma_wait3A_2456 = arith.constant 0 : i32
    %dma_wait3A_2457 = tpu.memref_slice %arg2[%add3A_2303, %dma_wait3A_2456] : memref<65536x128xf32, #tpu.memory_space<hbm>> -> memref<128x128xf32, #tpu.memory_space<hbm>>
    tpu.wait_dma2 semaphore(%arg20 : memref<!tpu.dma_semaphore, #tpu.memory_space<semaphore_mem>>) src(%dma_wait3A_2457 : memref<128x128xf32, #tpu.memory_space<hbm>>) dst(%arg15 : memref<128x128xf32, #tpu.memory_space<vmem>>)
    %dma_start3A_2458 = arith.constant 0 : i32
    %dma_start3A_2459 = arith.constant 0 : i32
    %dma_start3A_2460 = tpu.memref_slice %arg15[%dma_start3A_2458, %dma_start3A_2459] : memref<128x128xf32, #tpu.memory_space<vmem>> -> memref<8x128xf32, #tpu.memory_space<vmem>>
    %dma_start3A_2461 = arith.constant 0 : i32
    %dma_start3A_2462 = arith.constant 0 : i32
    %dma_start3A_2463 = tpu.memref_slice %arg19[%dma_start3A_2461, %dma_start3A_2462] : memref<1024x128xf32, #tpu.memory_space<vmem_shared>> -> memref<1024x128xf32, #tpu.memory_space<vmem_shared>>
    tpu.enqueue_indirect_dma source(%dma_start3A_2460 : memref<8x128xf32, #tpu.memory_space<vmem>>) target(%dma_start3A_2463 : memref<1024x128xf32, #tpu.memory_space<vmem_shared>>) offsets(%arg11 : memref<8xi32, #tpu.memory_space<vmem>>) semaphore(%arg21 : memref<!tpu.dma_semaphore, #tpu.memory_space<semaphore_mem>>) {add = true}
    %get3A_2464 = arith.constant 0 : index
    %get3A_2465 = tpu.vector_load %arg7[%get3A_2464] {strides = array<i32>} : memref<128xi32, #tpu.memory_space<vmem>>, vector<16xi32>,
    tpu.vector_store_idx %arg18[%get3A_2465], %broadcast_in_dim3A_5 {add = true} : memref<1024xf32, #tpu.memory_space<vmem>>[vector<16xi32>], vector<16xf32>,
    %get3A_2466 = arith.constant 16 : index
    %get3A_2467 = tpu.vector_load %arg7[%get3A_2466] {strides = array<i32>} : memref<128xi32, #tpu.memory_space<vmem>>, vector<16xi32>,
    tpu.vector_store_idx %arg18[%get3A_2467], %broadcast_in_dim3A_5 {add = true} : memref<1024xf32, #tpu.memory_space<vmem>>[vector<16xi32>], vector<16xf32>,
    %get3A_2468 = arith.constant 32 : index
    %get3A_2469 = tpu.vector_load %arg7[%get3A_2468] {strides = array<i32>} : memref<128xi32, #tpu.memory_space<vmem>>, vector<16xi32>,
    tpu.vector_store_idx %arg18[%get3A_2469], %broadcast_in_dim3A_5 {add = true} : memref<1024xf32, #tpu.memory_space<vmem>>[vector<16xi32>], vector<16xf32>,
    %get3A_2470 = arith.constant 48 : index
    %get3A_2471 = tpu.vector_load %arg7[%get3A_2470] {strides = array<i32>} : memref<128xi32, #tpu.memory_space<vmem>>, vector<16xi32>,
    tpu.vector_store_idx %arg18[%get3A_2471], %broadcast_in_dim3A_5 {add = true} : memref<1024xf32, #tpu.memory_space<vmem>>[vector<16xi32>], vector<16xf32>,
    %get3A_2472 = arith.constant 64 : index
    %get3A_2473 = tpu.vector_load %arg7[%get3A_2472] {strides = array<i32>} : memref<128xi32, #tpu.memory_space<vmem>>, vector<16xi32>,
    tpu.vector_store_idx %arg18[%get3A_2473], %broadcast_in_dim3A_5 {add = true} : memref<1024xf32, #tpu.memory_space<vmem>>[vector<16xi32>], vector<16xf32>,
    %get3A_2474 = arith.constant 80 : index
    %get3A_2475 = tpu.vector_load %arg7[%get3A_2474] {strides = array<i32>} : memref<128xi32, #tpu.memory_space<vmem>>, vector<16xi32>,
    tpu.vector_store_idx %arg18[%get3A_2475], %broadcast_in_dim3A_5 {add = true} : memref<1024xf32, #tpu.memory_space<vmem>>[vector<16xi32>], vector<16xf32>,
    %get3A_2476 = arith.constant 96 : index
    %get3A_2477 = tpu.vector_load %arg7[%get3A_2476] {strides = array<i32>} : memref<128xi32, #tpu.memory_space<vmem>>, vector<16xi32>,
    tpu.vector_store_idx %arg18[%get3A_2477], %broadcast_in_dim3A_5 {add = true} : memref<1024xf32, #tpu.memory_space<vmem>>[vector<16xi32>], vector<16xf32>,
    %get3A_2478 = arith.constant 112 : index
    %get3A_2479 = tpu.vector_load %arg7[%get3A_2478] {strides = array<i32>} : memref<128xi32, #tpu.memory_space<vmem>>, vector<16xi32>,
    tpu.vector_store_idx %arg18[%get3A_2479], %broadcast_in_dim3A_5 {add = true} : memref<1024xf32, #tpu.memory_space<vmem>>[vector<16xi32>], vector<16xf32>,
    %dma_wait3A_2480 = arith.constant 0 : i32
    %dma_wait3A_2481 = arith.constant 0 : i32
    %dma_wait3A_2482 = tpu.memref_slice %arg15[%dma_wait3A_2480, %dma_wait3A_2481] : memref<128x128xf32, #tpu.memory_space<vmem>> -> memref<8x128xf32, #tpu.memory_space<vmem>>
    %dma_wait3A_2483 = arith.constant 0 : i32
    %dma_wait3A_2484 = arith.constant 0 : i32
    %dma_wait3A_2485 = tpu.memref_slice %arg19[%dma_wait3A_2483, %dma_wait3A_2484] : memref<1024x128xf32, #tpu.memory_space<vmem_shared>> -> memref<1024x128xf32, #tpu.memory_space<vmem_shared>>
    tpu.wait_indirect_dma semaphore(%arg21 : memref<!tpu.dma_semaphore, #tpu.memory_space<semaphore_mem>>) src(%dma_wait3A_2482 : memref<8x128xf32, #tpu.memory_space<vmem>>) dst(%dma_wait3A_2485 : memref<1024x128xf32, #tpu.memory_space<vmem_shared>>)
    %add3A_2486 = arith.constant 1152 : i32
    %add3A_2487 = arith.addi %mul3A_2, %add3A_2486 : i32
    %dma_start3A_2488 = tpu.memref_slice %arg3[%add3A_2487] : memref<65536xi32, #tpu.memory_space<hbm>> -> memref<128xi32, #tpu.memory_space<hbm>>
    %dma_start3A_2489 = tpu.memref_slice %arg3[%add3A_2487] : memref<65536xi32, #tpu.memory_space<hbm>> -> memref<128xi32, #tpu.memory_space<hbm>>
    tpu.enqueue_dma source(%dma_start3A_2489 : memref<128xi32, #tpu.memory_space<hbm>>) target(%arg7 : memref<128xi32, #tpu.memory_space<vmem>>) target_semaphore(%arg20 : memref<!tpu.dma_semaphore, #tpu.memory_space<semaphore_mem>>)
    %dma_start3A_2490 = tpu.memref_slice %arg3[%add3A_2487] : memref<65536xi32, #tpu.memory_space<hbm>> -> memref<8xi32, #tpu.memory_space<hbm>>
    %dma_start3A_2491 = tpu.memref_slice %arg3[%add3A_2487] : memref<65536xi32, #tpu.memory_space<hbm>> -> memref<8xi32, #tpu.memory_space<hbm>>
    tpu.enqueue_dma source(%dma_start3A_2491 : memref<8xi32, #tpu.memory_space<hbm>>) target(%arg11 : memref<8xi32, #tpu.memory_space<vmem>>) target_semaphore(%arg20 : memref<!tpu.dma_semaphore, #tpu.memory_space<semaphore_mem>>)
    %dma_start3A_2492 = arith.constant 0 : i32
    %dma_start3A_2493 = tpu.memref_slice %arg2[%add3A_2487, %dma_start3A_2492] : memref<65536x128xf32, #tpu.memory_space<hbm>> -> memref<128x128xf32, #tpu.memory_space<hbm>>
    %dma_start3A_2494 = arith.constant 0 : i32
    %dma_start3A_2495 = tpu.memref_slice %arg2[%add3A_2487, %dma_start3A_2494] : memref<65536x128xf32, #tpu.memory_space<hbm>> -> memref<128x128xf32, #tpu.memory_space<hbm>>
    tpu.enqueue_dma source(%dma_start3A_2495 : memref<128x128xf32, #tpu.memory_space<hbm>>) target(%arg15 : memref<128x128xf32, #tpu.memory_space<vmem>>) target_semaphore(%arg20 : memref<!tpu.dma_semaphore, #tpu.memory_space<semaphore_mem>>)
    %dma_wait3A_2496 = tpu.memref_slice %arg3[%add3A_2349] : memref<65536xi32, #tpu.memory_space<hbm>> -> memref<128xi32, #tpu.memory_space<hbm>>
    %dma_wait3A_2497 = tpu.memref_slice %arg3[%add3A_2349] : memref<65536xi32, #tpu.memory_space<hbm>> -> memref<128xi32, #tpu.memory_space<hbm>>
    tpu.wait_dma2 semaphore(%arg20 : memref<!tpu.dma_semaphore, #tpu.memory_space<semaphore_mem>>) src(%dma_wait3A_2497 : memref<128xi32, #tpu.memory_space<hbm>>) dst(%arg8 : memref<128xi32, #tpu.memory_space<vmem>>)
    %dma_wait3A_2498 = tpu.memref_slice %arg3[%add3A_2349] : memref<65536xi32, #tpu.memory_space<hbm>> -> memref<8xi32, #tpu.memory_space<hbm>>
    %dma_wait3A_2499 = tpu.memref_slice %arg3[%add3A_2349] : memref<65536xi32, #tpu.memory_space<hbm>> -> memref<8xi32, #tpu.memory_space<hbm>>
    tpu.wait_dma2 semaphore(%arg20 : memref<!tpu.dma_semaphore, #tpu.memory_space<semaphore_mem>>) src(%dma_wait3A_2499 : memref<8xi32, #tpu.memory_space<hbm>>) dst(%arg12 : memref<8xi32, #tpu.memory_space<vmem>>)
    %dma_wait3A_2500 = arith.constant 0 : i32
    %dma_wait3A_2501 = tpu.memref_slice %arg2[%add3A_2349, %dma_wait3A_2500] : memref<65536x128xf32, #tpu.memory_space<hbm>> -> memref<128x128xf32, #tpu.memory_space<hbm>>
    %dma_wait3A_2502 = arith.constant 0 : i32
    %dma_wait3A_2503 = tpu.memref_slice %arg2[%add3A_2349, %dma_wait3A_2502] : memref<65536x128xf32, #tpu.memory_space<hbm>> -> memref<128x128xf32, #tpu.memory_space<hbm>>
    tpu.wait_dma2 semaphore(%arg20 : memref<!tpu.dma_semaphore, #tpu.memory_space<semaphore_mem>>) src(%dma_wait3A_2503 : memref<128x128xf32, #tpu.memory_space<hbm>>) dst(%arg16 : memref<128x128xf32, #tpu.memory_space<vmem>>)
    %dma_start3A_2504 = arith.constant 0 : i32
    %dma_start3A_2505 = arith.constant 0 : i32
    %dma_start3A_2506 = tpu.memref_slice %arg16[%dma_start3A_2504, %dma_start3A_2505] : memref<128x128xf32, #tpu.memory_space<vmem>> -> memref<8x128xf32, #tpu.memory_space<vmem>>
    %dma_start3A_2507 = arith.constant 0 : i32
    %dma_start3A_2508 = arith.constant 0 : i32
    %dma_start3A_2509 = tpu.memref_slice %arg19[%dma_start3A_2507, %dma_start3A_2508] : memref<1024x128xf32, #tpu.memory_space<vmem_shared>> -> memref<1024x128xf32, #tpu.memory_space<vmem_shared>>
    tpu.enqueue_indirect_dma source(%dma_start3A_2506 : memref<8x128xf32, #tpu.memory_space<vmem>>) target(%dma_start3A_2509 : memref<1024x128xf32, #tpu.memory_space<vmem_shared>>) offsets(%arg12 : memref<8xi32, #tpu.memory_space<vmem>>) semaphore(%arg21 : memref<!tpu.dma_semaphore, #tpu.memory_space<semaphore_mem>>) {add = true}
    %get3A_2510 = arith.constant 0 : index
    %get3A_2511 = tpu.vector_load %arg8[%get3A_2510] {strides = array<i32>} : memref<128xi32, #tpu.memory_space<vmem>>, vector<16xi32>,
    tpu.vector_store_idx %arg18[%get3A_2511], %broadcast_in_dim3A_5 {add = true} : memref<1024xf32, #tpu.memory_space<vmem>>[vector<16xi32>], vector<16xf32>,
    %get3A_2512 = arith.constant 16 : index
    %get3A_2513 = tpu.vector_load %arg8[%get3A_2512] {strides = array<i32>} : memref<128xi32, #tpu.memory_space<vmem>>, vector<16xi32>,
    tpu.vector_store_idx %arg18[%get3A_2513], %broadcast_in_dim3A_5 {add = true} : memref<1024xf32, #tpu.memory_space<vmem>>[vector<16xi32>], vector<16xf32>,
    %get3A_2514 = arith.constant 32 : index
    %get3A_2515 = tpu.vector_load %arg8[%get3A_2514] {strides = array<i32>} : memref<128xi32, #tpu.memory_space<vmem>>, vector<16xi32>,
    tpu.vector_store_idx %arg18[%get3A_2515], %broadcast_in_dim3A_5 {add = true} : memref<1024xf32, #tpu.memory_space<vmem>>[vector<16xi32>], vector<16xf32>,
    %get3A_2516 = arith.constant 48 : index
    %get3A_2517 = tpu.vector_load %arg8[%get3A_2516] {strides = array<i32>} : memref<128xi32, #tpu.memory_space<vmem>>, vector<16xi32>,
    tpu.vector_store_idx %arg18[%get3A_2517], %broadcast_in_dim3A_5 {add = true} : memref<1024xf32, #tpu.memory_space<vmem>>[vector<16xi32>], vector<16xf32>,
    %get3A_2518 = arith.constant 64 : index
    %get3A_2519 = tpu.vector_load %arg8[%get3A_2518] {strides = array<i32>} : memref<128xi32, #tpu.memory_space<vmem>>, vector<16xi32>,
    tpu.vector_store_idx %arg18[%get3A_2519], %broadcast_in_dim3A_5 {add = true} : memref<1024xf32, #tpu.memory_space<vmem>>[vector<16xi32>], vector<16xf32>,
    %get3A_2520 = arith.constant 80 : index
    %get3A_2521 = tpu.vector_load %arg8[%get3A_2520] {strides = array<i32>} : memref<128xi32, #tpu.memory_space<vmem>>, vector<16xi32>,
    tpu.vector_store_idx %arg18[%get3A_2521], %broadcast_in_dim3A_5 {add = true} : memref<1024xf32, #tpu.memory_space<vmem>>[vector<16xi32>], vector<16xf32>,
    %get3A_2522 = arith.constant 96 : index
    %get3A_2523 = tpu.vector_load %arg8[%get3A_2522] {strides = array<i32>} : memref<128xi32, #tpu.memory_space<vmem>>, vector<16xi32>,
    tpu.vector_store_idx %arg18[%get3A_2523], %broadcast_in_dim3A_5 {add = true} : memref<1024xf32, #tpu.memory_space<vmem>>[vector<16xi32>], vector<16xf32>,
    %get3A_2524 = arith.constant 112 : index
    %get3A_2525 = tpu.vector_load %arg8[%get3A_2524] {strides = array<i32>} : memref<128xi32, #tpu.memory_space<vmem>>, vector<16xi32>,
    tpu.vector_store_idx %arg18[%get3A_2525], %broadcast_in_dim3A_5 {add = true} : memref<1024xf32, #tpu.memory_space<vmem>>[vector<16xi32>], vector<16xf32>,
    %dma_wait3A_2526 = arith.constant 0 : i32
    %dma_wait3A_2527 = arith.constant 0 : i32
    %dma_wait3A_2528 = tpu.memref_slice %arg16[%dma_wait3A_2526, %dma_wait3A_2527] : memref<128x128xf32, #tpu.memory_space<vmem>> -> memref<8x128xf32, #tpu.memory_space<vmem>>
    %dma_wait3A_2529 = arith.constant 0 : i32
    %dma_wait3A_2530 = arith.constant 0 : i32
    %dma_wait3A_2531 = tpu.memref_slice %arg19[%dma_wait3A_2529, %dma_wait3A_2530] : memref<1024x128xf32, #tpu.memory_space<vmem_shared>> -> memref<1024x128xf32, #tpu.memory_space<vmem_shared>>
    tpu.wait_indirect_dma semaphore(%arg21 : memref<!tpu.dma_semaphore, #tpu.memory_space<semaphore_mem>>) src(%dma_wait3A_2528 : memref<8x128xf32, #tpu.memory_space<vmem>>) dst(%dma_wait3A_2531 : memref<1024x128xf32, #tpu.memory_space<vmem_shared>>)
    %add3A_2532 = arith.constant 1280 : i32
    %add3A_2533 = arith.addi %mul3A_2, %add3A_2532 : i32
    %dma_start3A_2534 = tpu.memref_slice %arg3[%add3A_2533] : memref<65536xi32, #tpu.memory_space<hbm>> -> memref<128xi32, #tpu.memory_space<hbm>>
    %dma_start3A_2535 = tpu.memref_slice %arg3[%add3A_2533] : memref<65536xi32, #tpu.memory_space<hbm>> -> memref<128xi32, #tpu.memory_space<hbm>>
    tpu.enqueue_dma source(%dma_start3A_2535 : memref<128xi32, #tpu.memory_space<hbm>>) target(%arg8 : memref<128xi32, #tpu.memory_space<vmem>>) target_semaphore(%arg20 : memref<!tpu.dma_semaphore, #tpu.memory_space<semaphore_mem>>)
    %dma_start3A_2536 = tpu.memref_slice %arg3[%add3A_2533] : memref<65536xi32, #tpu.memory_space<hbm>> -> memref<8xi32, #tpu.memory_space<hbm>>
    %dma_start3A_2537 = tpu.memref_slice %arg3[%add3A_2533] : memref<65536xi32, #tpu.memory_space<hbm>> -> memref<8xi32, #tpu.memory_space<hbm>>
    tpu.enqueue_dma source(%dma_start3A_2537 : memref<8xi32, #tpu.memory_space<hbm>>) target(%arg12 : memref<8xi32, #tpu.memory_space<vmem>>) target_semaphore(%arg20 : memref<!tpu.dma_semaphore, #tpu.memory_space<semaphore_mem>>)
    %dma_start3A_2538 = arith.constant 0 : i32
    %dma_start3A_2539 = tpu.memref_slice %arg2[%add3A_2533, %dma_start3A_2538] : memref<65536x128xf32, #tpu.memory_space<hbm>> -> memref<128x128xf32, #tpu.memory_space<hbm>>
    %dma_start3A_2540 = arith.constant 0 : i32
    %dma_start3A_2541 = tpu.memref_slice %arg2[%add3A_2533, %dma_start3A_2540] : memref<65536x128xf32, #tpu.memory_space<hbm>> -> memref<128x128xf32, #tpu.memory_space<hbm>>
    tpu.enqueue_dma source(%dma_start3A_2541 : memref<128x128xf32, #tpu.memory_space<hbm>>) target(%arg16 : memref<128x128xf32, #tpu.memory_space<vmem>>) target_semaphore(%arg20 : memref<!tpu.dma_semaphore, #tpu.memory_space<semaphore_mem>>)
    %dma_wait3A_2542 = tpu.memref_slice %arg3[%add3A_2395] : memref<65536xi32, #tpu.memory_space<hbm>> -> memref<128xi32, #tpu.memory_space<hbm>>
    %dma_wait3A_2543 = tpu.memref_slice %arg3[%add3A_2395] : memref<65536xi32, #tpu.memory_space<hbm>> -> memref<128xi32, #tpu.memory_space<hbm>>
    tpu.wait_dma2 semaphore(%arg20 : memref<!tpu.dma_semaphore, #tpu.memory_space<semaphore_mem>>) src(%dma_wait3A_2543 : memref<128xi32, #tpu.memory_space<hbm>>) dst(%arg9 : memref<128xi32, #tpu.memory_space<vmem>>)
    %dma_wait3A_2544 = tpu.memref_slice %arg3[%add3A_2395] : memref<65536xi32, #tpu.memory_space<hbm>> -> memref<8xi32, #tpu.memory_space<hbm>>
    %dma_wait3A_2545 = tpu.memref_slice %arg3[%add3A_2395] : memref<65536xi32, #tpu.memory_space<hbm>> -> memref<8xi32, #tpu.memory_space<hbm>>
    tpu.wait_dma2 semaphore(%arg20 : memref<!tpu.dma_semaphore, #tpu.memory_space<semaphore_mem>>) src(%dma_wait3A_2545 : memref<8xi32, #tpu.memory_space<hbm>>) dst(%arg13 : memref<8xi32, #tpu.memory_space<vmem>>)
    %dma_wait3A_2546 = arith.constant 0 : i32
    %dma_wait3A_2547 = tpu.memref_slice %arg2[%add3A_2395, %dma_wait3A_2546] : memref<65536x128xf32, #tpu.memory_space<hbm>> -> memref<128x128xf32, #tpu.memory_space<hbm>>
    %dma_wait3A_2548 = arith.constant 0 : i32
    %dma_wait3A_2549 = tpu.memref_slice %arg2[%add3A_2395, %dma_wait3A_2548] : memref<65536x128xf32, #tpu.memory_space<hbm>> -> memref<128x128xf32, #tpu.memory_space<hbm>>
    tpu.wait_dma2 semaphore(%arg20 : memref<!tpu.dma_semaphore, #tpu.memory_space<semaphore_mem>>) src(%dma_wait3A_2549 : memref<128x128xf32, #tpu.memory_space<hbm>>) dst(%arg17 : memref<128x128xf32, #tpu.memory_space<vmem>>)
    %dma_start3A_2550 = arith.constant 0 : i32
    %dma_start3A_2551 = arith.constant 0 : i32
    %dma_start3A_2552 = tpu.memref_slice %arg17[%dma_start3A_2550, %dma_start3A_2551] : memref<128x128xf32, #tpu.memory_space<vmem>> -> memref<8x128xf32, #tpu.memory_space<vmem>>
    %dma_start3A_2553 = arith.constant 0 : i32
    %dma_start3A_2554 = arith.constant 0 : i32
    %dma_start3A_2555 = tpu.memref_slice %arg19[%dma_start3A_2553, %dma_start3A_2554] : memref<1024x128xf32, #tpu.memory_space<vmem_shared>> -> memref<1024x128xf32, #tpu.memory_space<vmem_shared>>
    tpu.enqueue_indirect_dma source(%dma_start3A_2552 : memref<8x128xf32, #tpu.memory_space<vmem>>) target(%dma_start3A_2555 : memref<1024x128xf32, #tpu.memory_space<vmem_shared>>) offsets(%arg13 : memref<8xi32, #tpu.memory_space<vmem>>) semaphore(%arg21 : memref<!tpu.dma_semaphore, #tpu.memory_space<semaphore_mem>>) {add = true}
    %get3A_2556 = arith.constant 0 : index
    %get3A_2557 = tpu.vector_load %arg9[%get3A_2556] {strides = array<i32>} : memref<128xi32, #tpu.memory_space<vmem>>, vector<16xi32>,
    tpu.vector_store_idx %arg18[%get3A_2557], %broadcast_in_dim3A_5 {add = true} : memref<1024xf32, #tpu.memory_space<vmem>>[vector<16xi32>], vector<16xf32>,
    %get3A_2558 = arith.constant 16 : index
    %get3A_2559 = tpu.vector_load %arg9[%get3A_2558] {strides = array<i32>} : memref<128xi32, #tpu.memory_space<vmem>>, vector<16xi32>,
    tpu.vector_store_idx %arg18[%get3A_2559], %broadcast_in_dim3A_5 {add = true} : memref<1024xf32, #tpu.memory_space<vmem>>[vector<16xi32>], vector<16xf32>,
    %get3A_2560 = arith.constant 32 : index
    %get3A_2561 = tpu.vector_load %arg9[%get3A_2560] {strides = array<i32>} : memref<128xi32, #tpu.memory_space<vmem>>, vector<16xi32>,
    tpu.vector_store_idx %arg18[%get3A_2561], %broadcast_in_dim3A_5 {add = true} : memref<1024xf32, #tpu.memory_space<vmem>>[vector<16xi32>], vector<16xf32>,
    %get3A_2562 = arith.constant 48 : index
    %get3A_2563 = tpu.vector_load %arg9[%get3A_2562] {strides = array<i32>} : memref<128xi32, #tpu.memory_space<vmem>>, vector<16xi32>,
    tpu.vector_store_idx %arg18[%get3A_2563], %broadcast_in_dim3A_5 {add = true} : memref<1024xf32, #tpu.memory_space<vmem>>[vector<16xi32>], vector<16xf32>,
    %get3A_2564 = arith.constant 64 : index
    %get3A_2565 = tpu.vector_load %arg9[%get3A_2564] {strides = array<i32>} : memref<128xi32, #tpu.memory_space<vmem>>, vector<16xi32>,
    tpu.vector_store_idx %arg18[%get3A_2565], %broadcast_in_dim3A_5 {add = true} : memref<1024xf32, #tpu.memory_space<vmem>>[vector<16xi32>], vector<16xf32>,
    %get3A_2566 = arith.constant 80 : index
    %get3A_2567 = tpu.vector_load %arg9[%get3A_2566] {strides = array<i32>} : memref<128xi32, #tpu.memory_space<vmem>>, vector<16xi32>,
    tpu.vector_store_idx %arg18[%get3A_2567], %broadcast_in_dim3A_5 {add = true} : memref<1024xf32, #tpu.memory_space<vmem>>[vector<16xi32>], vector<16xf32>,
    %get3A_2568 = arith.constant 96 : index
    %get3A_2569 = tpu.vector_load %arg9[%get3A_2568] {strides = array<i32>} : memref<128xi32, #tpu.memory_space<vmem>>, vector<16xi32>,
    tpu.vector_store_idx %arg18[%get3A_2569], %broadcast_in_dim3A_5 {add = true} : memref<1024xf32, #tpu.memory_space<vmem>>[vector<16xi32>], vector<16xf32>,
    %get3A_2570 = arith.constant 112 : index
    %get3A_2571 = tpu.vector_load %arg9[%get3A_2570] {strides = array<i32>} : memref<128xi32, #tpu.memory_space<vmem>>, vector<16xi32>,
    tpu.vector_store_idx %arg18[%get3A_2571], %broadcast_in_dim3A_5 {add = true} : memref<1024xf32, #tpu.memory_space<vmem>>[vector<16xi32>], vector<16xf32>,
    %dma_wait3A_2572 = arith.constant 0 : i32
    %dma_wait3A_2573 = arith.constant 0 : i32
    %dma_wait3A_2574 = tpu.memref_slice %arg17[%dma_wait3A_2572, %dma_wait3A_2573] : memref<128x128xf32, #tpu.memory_space<vmem>> -> memref<8x128xf32, #tpu.memory_space<vmem>>
    %dma_wait3A_2575 = arith.constant 0 : i32
    %dma_wait3A_2576 = arith.constant 0 : i32
    %dma_wait3A_2577 = tpu.memref_slice %arg19[%dma_wait3A_2575, %dma_wait3A_2576] : memref<1024x128xf32, #tpu.memory_space<vmem_shared>> -> memref<1024x128xf32, #tpu.memory_space<vmem_shared>>
    tpu.wait_indirect_dma semaphore(%arg21 : memref<!tpu.dma_semaphore, #tpu.memory_space<semaphore_mem>>) src(%dma_wait3A_2574 : memref<8x128xf32, #tpu.memory_space<vmem>>) dst(%dma_wait3A_2577 : memref<1024x128xf32, #tpu.memory_space<vmem_shared>>)
    %add3A_2578 = arith.constant 1408 : i32
    %add3A_2579 = arith.addi %mul3A_2, %add3A_2578 : i32
    %dma_start3A_2580 = tpu.memref_slice %arg3[%add3A_2579] : memref<65536xi32, #tpu.memory_space<hbm>> -> memref<128xi32, #tpu.memory_space<hbm>>
    %dma_start3A_2581 = tpu.memref_slice %arg3[%add3A_2579] : memref<65536xi32, #tpu.memory_space<hbm>> -> memref<128xi32, #tpu.memory_space<hbm>>
    tpu.enqueue_dma source(%dma_start3A_2581 : memref<128xi32, #tpu.memory_space<hbm>>) target(%arg9 : memref<128xi32, #tpu.memory_space<vmem>>) target_semaphore(%arg20 : memref<!tpu.dma_semaphore, #tpu.memory_space<semaphore_mem>>)
    %dma_start3A_2582 = tpu.memref_slice %arg3[%add3A_2579] : memref<65536xi32, #tpu.memory_space<hbm>> -> memref<8xi32, #tpu.memory_space<hbm>>
    %dma_start3A_2583 = tpu.memref_slice %arg3[%add3A_2579] : memref<65536xi32, #tpu.memory_space<hbm>> -> memref<8xi32, #tpu.memory_space<hbm>>
    tpu.enqueue_dma source(%dma_start3A_2583 : memref<8xi32, #tpu.memory_space<hbm>>) target(%arg13 : memref<8xi32, #tpu.memory_space<vmem>>) target_semaphore(%arg20 : memref<!tpu.dma_semaphore, #tpu.memory_space<semaphore_mem>>)
    %dma_start3A_2584 = arith.constant 0 : i32
    %dma_start3A_2585 = tpu.memref_slice %arg2[%add3A_2579, %dma_start3A_2584] : memref<65536x128xf32, #tpu.memory_space<hbm>> -> memref<128x128xf32, #tpu.memory_space<hbm>>
    %dma_start3A_2586 = arith.constant 0 : i32
    %dma_start3A_2587 = tpu.memref_slice %arg2[%add3A_2579, %dma_start3A_2586] : memref<65536x128xf32, #tpu.memory_space<hbm>> -> memref<128x128xf32, #tpu.memory_space<hbm>>
    tpu.enqueue_dma source(%dma_start3A_2587 : memref<128x128xf32, #tpu.memory_space<hbm>>) target(%arg17 : memref<128x128xf32, #tpu.memory_space<vmem>>) target_semaphore(%arg20 : memref<!tpu.dma_semaphore, #tpu.memory_space<semaphore_mem>>)
    %dma_wait3A_2588 = tpu.memref_slice %arg3[%add3A_2441] : memref<65536xi32, #tpu.memory_space<hbm>> -> memref<128xi32, #tpu.memory_space<hbm>>
    %dma_wait3A_2589 = tpu.memref_slice %arg3[%add3A_2441] : memref<65536xi32, #tpu.memory_space<hbm>> -> memref<128xi32, #tpu.memory_space<hbm>>
    tpu.wait_dma2 semaphore(%arg20 : memref<!tpu.dma_semaphore, #tpu.memory_space<semaphore_mem>>) src(%dma_wait3A_2589 : memref<128xi32, #tpu.memory_space<hbm>>) dst(%arg6 : memref<128xi32, #tpu.memory_space<vmem>>)
    %dma_wait3A_2590 = tpu.memref_slice %arg3[%add3A_2441] : memref<65536xi32, #tpu.memory_space<hbm>> -> memref<8xi32, #tpu.memory_space<hbm>>
    %dma_wait3A_2591 = tpu.memref_slice %arg3[%add3A_2441] : memref<65536xi32, #tpu.memory_space<hbm>> -> memref<8xi32, #tpu.memory_space<hbm>>
    tpu.wait_dma2 semaphore(%arg20 : memref<!tpu.dma_semaphore, #tpu.memory_space<semaphore_mem>>) src(%dma_wait3A_2591 : memref<8xi32, #tpu.memory_space<hbm>>) dst(%arg10 : memref<8xi32, #tpu.memory_space<vmem>>)
    %dma_wait3A_2592 = arith.constant 0 : i32
    %dma_wait3A_2593 = tpu.memref_slice %arg2[%add3A_2441, %dma_wait3A_2592] : memref<65536x128xf32, #tpu.memory_space<hbm>> -> memref<128x128xf32, #tpu.memory_space<hbm>>
    %dma_wait3A_2594 = arith.constant 0 : i32
    %dma_wait3A_2595 = tpu.memref_slice %arg2[%add3A_2441, %dma_wait3A_2594] : memref<65536x128xf32, #tpu.memory_space<hbm>> -> memref<128x128xf32, #tpu.memory_space<hbm>>
    tpu.wait_dma2 semaphore(%arg20 : memref<!tpu.dma_semaphore, #tpu.memory_space<semaphore_mem>>) src(%dma_wait3A_2595 : memref<128x128xf32, #tpu.memory_space<hbm>>) dst(%arg14 : memref<128x128xf32, #tpu.memory_space<vmem>>)
    %dma_start3A_2596 = arith.constant 0 : i32
    %dma_start3A_2597 = arith.constant 0 : i32
    %dma_start3A_2598 = tpu.memref_slice %arg14[%dma_start3A_2596, %dma_start3A_2597] : memref<128x128xf32, #tpu.memory_space<vmem>> -> memref<8x128xf32, #tpu.memory_space<vmem>>
    %dma_start3A_2599 = arith.constant 0 : i32
    %dma_start3A_2600 = arith.constant 0 : i32
    %dma_start3A_2601 = tpu.memref_slice %arg19[%dma_start3A_2599, %dma_start3A_2600] : memref<1024x128xf32, #tpu.memory_space<vmem_shared>> -> memref<1024x128xf32, #tpu.memory_space<vmem_shared>>
    tpu.enqueue_indirect_dma source(%dma_start3A_2598 : memref<8x128xf32, #tpu.memory_space<vmem>>) target(%dma_start3A_2601 : memref<1024x128xf32, #tpu.memory_space<vmem_shared>>) offsets(%arg10 : memref<8xi32, #tpu.memory_space<vmem>>) semaphore(%arg21 : memref<!tpu.dma_semaphore, #tpu.memory_space<semaphore_mem>>) {add = true}
    %get3A_2602 = arith.constant 0 : index
    %get3A_2603 = tpu.vector_load %arg6[%get3A_2602] {strides = array<i32>} : memref<128xi32, #tpu.memory_space<vmem>>, vector<16xi32>,
    tpu.vector_store_idx %arg18[%get3A_2603], %broadcast_in_dim3A_5 {add = true} : memref<1024xf32, #tpu.memory_space<vmem>>[vector<16xi32>], vector<16xf32>,
    %get3A_2604 = arith.constant 16 : index
    %get3A_2605 = tpu.vector_load %arg6[%get3A_2604] {strides = array<i32>} : memref<128xi32, #tpu.memory_space<vmem>>, vector<16xi32>,
    tpu.vector_store_idx %arg18[%get3A_2605], %broadcast_in_dim3A_5 {add = true} : memref<1024xf32, #tpu.memory_space<vmem>>[vector<16xi32>], vector<16xf32>,
    %get3A_2606 = arith.constant 32 : index
    %get3A_2607 = tpu.vector_load %arg6[%get3A_2606] {strides = array<i32>} : memref<128xi32, #tpu.memory_space<vmem>>, vector<16xi32>,
    tpu.vector_store_idx %arg18[%get3A_2607], %broadcast_in_dim3A_5 {add = true} : memref<1024xf32, #tpu.memory_space<vmem>>[vector<16xi32>], vector<16xf32>,
    %get3A_2608 = arith.constant 48 : index
    %get3A_2609 = tpu.vector_load %arg6[%get3A_2608] {strides = array<i32>} : memref<128xi32, #tpu.memory_space<vmem>>, vector<16xi32>,
    tpu.vector_store_idx %arg18[%get3A_2609], %broadcast_in_dim3A_5 {add = true} : memref<1024xf32, #tpu.memory_space<vmem>>[vector<16xi32>], vector<16xf32>,
    %get3A_2610 = arith.constant 64 : index
    %get3A_2611 = tpu.vector_load %arg6[%get3A_2610] {strides = array<i32>} : memref<128xi32, #tpu.memory_space<vmem>>, vector<16xi32>,
    tpu.vector_store_idx %arg18[%get3A_2611], %broadcast_in_dim3A_5 {add = true} : memref<1024xf32, #tpu.memory_space<vmem>>[vector<16xi32>], vector<16xf32>,
    %get3A_2612 = arith.constant 80 : index
    %get3A_2613 = tpu.vector_load %arg6[%get3A_2612] {strides = array<i32>} : memref<128xi32, #tpu.memory_space<vmem>>, vector<16xi32>,
    tpu.vector_store_idx %arg18[%get3A_2613], %broadcast_in_dim3A_5 {add = true} : memref<1024xf32, #tpu.memory_space<vmem>>[vector<16xi32>], vector<16xf32>,
    %get3A_2614 = arith.constant 96 : index
    %get3A_2615 = tpu.vector_load %arg6[%get3A_2614] {strides = array<i32>} : memref<128xi32, #tpu.memory_space<vmem>>, vector<16xi32>,
    tpu.vector_store_idx %arg18[%get3A_2615], %broadcast_in_dim3A_5 {add = true} : memref<1024xf32, #tpu.memory_space<vmem>>[vector<16xi32>], vector<16xf32>,
    %get3A_2616 = arith.constant 112 : index
    %get3A_2617 = tpu.vector_load %arg6[%get3A_2616] {strides = array<i32>} : memref<128xi32, #tpu.memory_space<vmem>>, vector<16xi32>,
    tpu.vector_store_idx %arg18[%get3A_2617], %broadcast_in_dim3A_5 {add = true} : memref<1024xf32, #tpu.memory_space<vmem>>[vector<16xi32>], vector<16xf32>,
    %dma_wait3A_2618 = arith.constant 0 : i32
    %dma_wait3A_2619 = arith.constant 0 : i32
    %dma_wait3A_2620 = tpu.memref_slice %arg14[%dma_wait3A_2618, %dma_wait3A_2619] : memref<128x128xf32, #tpu.memory_space<vmem>> -> memref<8x128xf32, #tpu.memory_space<vmem>>
    %dma_wait3A_2621 = arith.constant 0 : i32
    %dma_wait3A_2622 = arith.constant 0 : i32
    %dma_wait3A_2623 = tpu.memref_slice %arg19[%dma_wait3A_2621, %dma_wait3A_2622] : memref<1024x128xf32, #tpu.memory_space<vmem_shared>> -> memref<1024x128xf32, #tpu.memory_space<vmem_shared>>
    tpu.wait_indirect_dma semaphore(%arg21 : memref<!tpu.dma_semaphore, #tpu.memory_space<semaphore_mem>>) src(%dma_wait3A_2620 : memref<8x128xf32, #tpu.memory_space<vmem>>) dst(%dma_wait3A_2623 : memref<1024x128xf32, #tpu.memory_space<vmem_shared>>)
    %add3A_2624 = arith.constant 1536 : i32
    %add3A_2625 = arith.addi %mul3A_2, %add3A_2624 : i32
    %dma_start3A_2626 = tpu.memref_slice %arg3[%add3A_2625] : memref<65536xi32, #tpu.memory_space<hbm>> -> memref<128xi32, #tpu.memory_space<hbm>>
    %dma_start3A_2627 = tpu.memref_slice %arg3[%add3A_2625] : memref<65536xi32, #tpu.memory_space<hbm>> -> memref<128xi32, #tpu.memory_space<hbm>>
    tpu.enqueue_dma source(%dma_start3A_2627 : memref<128xi32, #tpu.memory_space<hbm>>) target(%arg6 : memref<128xi32, #tpu.memory_space<vmem>>) target_semaphore(%arg20 : memref<!tpu.dma_semaphore, #tpu.memory_space<semaphore_mem>>)
    %dma_start3A_2628 = tpu.memref_slice %arg3[%add3A_2625] : memref<65536xi32, #tpu.memory_space<hbm>> -> memref<8xi32, #tpu.memory_space<hbm>>
    %dma_start3A_2629 = tpu.memref_slice %arg3[%add3A_2625] : memref<65536xi32, #tpu.memory_space<hbm>> -> memref<8xi32, #tpu.memory_space<hbm>>
    tpu.enqueue_dma source(%dma_start3A_2629 : memref<8xi32, #tpu.memory_space<hbm>>) target(%arg10 : memref<8xi32, #tpu.memory_space<vmem>>) target_semaphore(%arg20 : memref<!tpu.dma_semaphore, #tpu.memory_space<semaphore_mem>>)
    %dma_start3A_2630 = arith.constant 0 : i32
    %dma_start3A_2631 = tpu.memref_slice %arg2[%add3A_2625, %dma_start3A_2630] : memref<65536x128xf32, #tpu.memory_space<hbm>> -> memref<128x128xf32, #tpu.memory_space<hbm>>
    %dma_start3A_2632 = arith.constant 0 : i32
    %dma_start3A_2633 = tpu.memref_slice %arg2[%add3A_2625, %dma_start3A_2632] : memref<65536x128xf32, #tpu.memory_space<hbm>> -> memref<128x128xf32, #tpu.memory_space<hbm>>
    tpu.enqueue_dma source(%dma_start3A_2633 : memref<128x128xf32, #tpu.memory_space<hbm>>) target(%arg14 : memref<128x128xf32, #tpu.memory_space<vmem>>) target_semaphore(%arg20 : memref<!tpu.dma_semaphore, #tpu.memory_space<semaphore_mem>>)
    %dma_wait3A_2634 = tpu.memref_slice %arg3[%add3A_2487] : memref<65536xi32, #tpu.memory_space<hbm>> -> memref<128xi32, #tpu.memory_space<hbm>>
    %dma_wait3A_2635 = tpu.memref_slice %arg3[%add3A_2487] : memref<65536xi32, #tpu.memory_space<hbm>> -> memref<128xi32, #tpu.memory_space<hbm>>
    tpu.wait_dma2 semaphore(%arg20 : memref<!tpu.dma_semaphore, #tpu.memory_space<semaphore_mem>>) src(%dma_wait3A_2635 : memref<128xi32, #tpu.memory_space<hbm>>) dst(%arg7 : memref<128xi32, #tpu.memory_space<vmem>>)
    %dma_wait3A_2636 = tpu.memref_slice %arg3[%add3A_2487] : memref<65536xi32, #tpu.memory_space<hbm>> -> memref<8xi32, #tpu.memory_space<hbm>>
    %dma_wait3A_2637 = tpu.memref_slice %arg3[%add3A_2487] : memref<65536xi32, #tpu.memory_space<hbm>> -> memref<8xi32, #tpu.memory_space<hbm>>
    tpu.wait_dma2 semaphore(%arg20 : memref<!tpu.dma_semaphore, #tpu.memory_space<semaphore_mem>>) src(%dma_wait3A_2637 : memref<8xi32, #tpu.memory_space<hbm>>) dst(%arg11 : memref<8xi32, #tpu.memory_space<vmem>>)
    %dma_wait3A_2638 = arith.constant 0 : i32
    %dma_wait3A_2639 = tpu.memref_slice %arg2[%add3A_2487, %dma_wait3A_2638] : memref<65536x128xf32, #tpu.memory_space<hbm>> -> memref<128x128xf32, #tpu.memory_space<hbm>>
    %dma_wait3A_2640 = arith.constant 0 : i32
    %dma_wait3A_2641 = tpu.memref_slice %arg2[%add3A_2487, %dma_wait3A_2640] : memref<65536x128xf32, #tpu.memory_space<hbm>> -> memref<128x128xf32, #tpu.memory_space<hbm>>
    tpu.wait_dma2 semaphore(%arg20 : memref<!tpu.dma_semaphore, #tpu.memory_space<semaphore_mem>>) src(%dma_wait3A_2641 : memref<128x128xf32, #tpu.memory_space<hbm>>) dst(%arg15 : memref<128x128xf32, #tpu.memory_space<vmem>>)
    %dma_start3A_2642 = arith.constant 0 : i32
    %dma_start3A_2643 = arith.constant 0 : i32
    %dma_start3A_2644 = tpu.memref_slice %arg15[%dma_start3A_2642, %dma_start3A_2643] : memref<128x128xf32, #tpu.memory_space<vmem>> -> memref<8x128xf32, #tpu.memory_space<vmem>>
    %dma_start3A_2645 = arith.constant 0 : i32
    %dma_start3A_2646 = arith.constant 0 : i32
    %dma_start3A_2647 = tpu.memref_slice %arg19[%dma_start3A_2645, %dma_start3A_2646] : memref<1024x128xf32, #tpu.memory_space<vmem_shared>> -> memref<1024x128xf32, #tpu.memory_space<vmem_shared>>
    tpu.enqueue_indirect_dma source(%dma_start3A_2644 : memref<8x128xf32, #tpu.memory_space<vmem>>) target(%dma_start3A_2647 : memref<1024x128xf32, #tpu.memory_space<vmem_shared>>) offsets(%arg11 : memref<8xi32, #tpu.memory_space<vmem>>) semaphore(%arg21 : memref<!tpu.dma_semaphore, #tpu.memory_space<semaphore_mem>>) {add = true}
    %get3A_2648 = arith.constant 0 : index
    %get3A_2649 = tpu.vector_load %arg7[%get3A_2648] {strides = array<i32>} : memref<128xi32, #tpu.memory_space<vmem>>, vector<16xi32>,
    tpu.vector_store_idx %arg18[%get3A_2649], %broadcast_in_dim3A_5 {add = true} : memref<1024xf32, #tpu.memory_space<vmem>>[vector<16xi32>], vector<16xf32>,
    %get3A_2650 = arith.constant 16 : index
    %get3A_2651 = tpu.vector_load %arg7[%get3A_2650] {strides = array<i32>} : memref<128xi32, #tpu.memory_space<vmem>>, vector<16xi32>,
    tpu.vector_store_idx %arg18[%get3A_2651], %broadcast_in_dim3A_5 {add = true} : memref<1024xf32, #tpu.memory_space<vmem>>[vector<16xi32>], vector<16xf32>,
    %get3A_2652 = arith.constant 32 : index
    %get3A_2653 = tpu.vector_load %arg7[%get3A_2652] {strides = array<i32>} : memref<128xi32, #tpu.memory_space<vmem>>, vector<16xi32>,
    tpu.vector_store_idx %arg18[%get3A_2653], %broadcast_in_dim3A_5 {add = true} : memref<1024xf32, #tpu.memory_space<vmem>>[vector<16xi32>], vector<16xf32>,
    %get3A_2654 = arith.constant 48 : index
    %get3A_2655 = tpu.vector_load %arg7[%get3A_2654] {strides = array<i32>} : memref<128xi32, #tpu.memory_space<vmem>>, vector<16xi32>,
    tpu.vector_store_idx %arg18[%get3A_2655], %broadcast_in_dim3A_5 {add = true} : memref<1024xf32, #tpu.memory_space<vmem>>[vector<16xi32>], vector<16xf32>,
    %get3A_2656 = arith.constant 64 : index
    %get3A_2657 = tpu.vector_load %arg7[%get3A_2656] {strides = array<i32>} : memref<128xi32, #tpu.memory_space<vmem>>, vector<16xi32>,
    tpu.vector_store_idx %arg18[%get3A_2657], %broadcast_in_dim3A_5 {add = true} : memref<1024xf32, #tpu.memory_space<vmem>>[vector<16xi32>], vector<16xf32>,
    %get3A_2658 = arith.constant 80 : index
    %get3A_2659 = tpu.vector_load %arg7[%get3A_2658] {strides = array<i32>} : memref<128xi32, #tpu.memory_space<vmem>>, vector<16xi32>,
    tpu.vector_store_idx %arg18[%get3A_2659], %broadcast_in_dim3A_5 {add = true} : memref<1024xf32, #tpu.memory_space<vmem>>[vector<16xi32>], vector<16xf32>,
    %get3A_2660 = arith.constant 96 : index
    %get3A_2661 = tpu.vector_load %arg7[%get3A_2660] {strides = array<i32>} : memref<128xi32, #tpu.memory_space<vmem>>, vector<16xi32>,
    tpu.vector_store_idx %arg18[%get3A_2661], %broadcast_in_dim3A_5 {add = true} : memref<1024xf32, #tpu.memory_space<vmem>>[vector<16xi32>], vector<16xf32>,
    %get3A_2662 = arith.constant 112 : index
    %get3A_2663 = tpu.vector_load %arg7[%get3A_2662] {strides = array<i32>} : memref<128xi32, #tpu.memory_space<vmem>>, vector<16xi32>,
    tpu.vector_store_idx %arg18[%get3A_2663], %broadcast_in_dim3A_5 {add = true} : memref<1024xf32, #tpu.memory_space<vmem>>[vector<16xi32>], vector<16xf32>,
    %dma_wait3A_2664 = arith.constant 0 : i32
    %dma_wait3A_2665 = arith.constant 0 : i32
    %dma_wait3A_2666 = tpu.memref_slice %arg15[%dma_wait3A_2664, %dma_wait3A_2665] : memref<128x128xf32, #tpu.memory_space<vmem>> -> memref<8x128xf32, #tpu.memory_space<vmem>>
    %dma_wait3A_2667 = arith.constant 0 : i32
    %dma_wait3A_2668 = arith.constant 0 : i32
    %dma_wait3A_2669 = tpu.memref_slice %arg19[%dma_wait3A_2667, %dma_wait3A_2668] : memref<1024x128xf32, #tpu.memory_space<vmem_shared>> -> memref<1024x128xf32, #tpu.memory_space<vmem_shared>>
    tpu.wait_indirect_dma semaphore(%arg21 : memref<!tpu.dma_semaphore, #tpu.memory_space<semaphore_mem>>) src(%dma_wait3A_2666 : memref<8x128xf32, #tpu.memory_space<vmem>>) dst(%dma_wait3A_2669 : memref<1024x128xf32, #tpu.memory_space<vmem_shared>>)
    %add3A_2670 = arith.constant 1664 : i32
    %add3A_2671 = arith.addi %mul3A_2, %add3A_2670 : i32
    %dma_start3A_2672 = tpu.memref_slice %arg3[%add3A_2671] : memref<65536xi32, #tpu.memory_space<hbm>> -> memref<128xi32, #tpu.memory_space<hbm>>
    %dma_start3A_2673 = tpu.memref_slice %arg3[%add3A_2671] : memref<65536xi32, #tpu.memory_space<hbm>> -> memref<128xi32, #tpu.memory_space<hbm>>
    tpu.enqueue_dma source(%dma_start3A_2673 : memref<128xi32, #tpu.memory_space<hbm>>) target(%arg7 : memref<128xi32, #tpu.memory_space<vmem>>) target_semaphore(%arg20 : memref<!tpu.dma_semaphore, #tpu.memory_space<semaphore_mem>>)
    %dma_start3A_2674 = tpu.memref_slice %arg3[%add3A_2671] : memref<65536xi32, #tpu.memory_space<hbm>> -> memref<8xi32, #tpu.memory_space<hbm>>
    %dma_start3A_2675 = tpu.memref_slice %arg3[%add3A_2671] : memref<65536xi32, #tpu.memory_space<hbm>> -> memref<8xi32, #tpu.memory_space<hbm>>
    tpu.enqueue_dma source(%dma_start3A_2675 : memref<8xi32, #tpu.memory_space<hbm>>) target(%arg11 : memref<8xi32, #tpu.memory_space<vmem>>) target_semaphore(%arg20 : memref<!tpu.dma_semaphore, #tpu.memory_space<semaphore_mem>>)
    %dma_start3A_2676 = arith.constant 0 : i32
    %dma_start3A_2677 = tpu.memref_slice %arg2[%add3A_2671, %dma_start3A_2676] : memref<65536x128xf32, #tpu.memory_space<hbm>> -> memref<128x128xf32, #tpu.memory_space<hbm>>
    %dma_start3A_2678 = arith.constant 0 : i32
    %dma_start3A_2679 = tpu.memref_slice %arg2[%add3A_2671, %dma_start3A_2678] : memref<65536x128xf32, #tpu.memory_space<hbm>> -> memref<128x128xf32, #tpu.memory_space<hbm>>
    tpu.enqueue_dma source(%dma_start3A_2679 : memref<128x128xf32, #tpu.memory_space<hbm>>) target(%arg15 : memref<128x128xf32, #tpu.memory_space<vmem>>) target_semaphore(%arg20 : memref<!tpu.dma_semaphore, #tpu.memory_space<semaphore_mem>>)
    %dma_wait3A_2680 = tpu.memref_slice %arg3[%add3A_2533] : memref<65536xi32, #tpu.memory_space<hbm>> -> memref<128xi32, #tpu.memory_space<hbm>>
    %dma_wait3A_2681 = tpu.memref_slice %arg3[%add3A_2533] : memref<65536xi32, #tpu.memory_space<hbm>> -> memref<128xi32, #tpu.memory_space<hbm>>
    tpu.wait_dma2 semaphore(%arg20 : memref<!tpu.dma_semaphore, #tpu.memory_space<semaphore_mem>>) src(%dma_wait3A_2681 : memref<128xi32, #tpu.memory_space<hbm>>) dst(%arg8 : memref<128xi32, #tpu.memory_space<vmem>>)
    %dma_wait3A_2682 = tpu.memref_slice %arg3[%add3A_2533] : memref<65536xi32, #tpu.memory_space<hbm>> -> memref<8xi32, #tpu.memory_space<hbm>>
    %dma_wait3A_2683 = tpu.memref_slice %arg3[%add3A_2533] : memref<65536xi32, #tpu.memory_space<hbm>> -> memref<8xi32, #tpu.memory_space<hbm>>
    tpu.wait_dma2 semaphore(%arg20 : memref<!tpu.dma_semaphore, #tpu.memory_space<semaphore_mem>>) src(%dma_wait3A_2683 : memref<8xi32, #tpu.memory_space<hbm>>) dst(%arg12 : memref<8xi32, #tpu.memory_space<vmem>>)
    %dma_wait3A_2684 = arith.constant 0 : i32
    %dma_wait3A_2685 = tpu.memref_slice %arg2[%add3A_2533, %dma_wait3A_2684] : memref<65536x128xf32, #tpu.memory_space<hbm>> -> memref<128x128xf32, #tpu.memory_space<hbm>>
    %dma_wait3A_2686 = arith.constant 0 : i32
    %dma_wait3A_2687 = tpu.memref_slice %arg2[%add3A_2533, %dma_wait3A_2686] : memref<65536x128xf32, #tpu.memory_space<hbm>> -> memref<128x128xf32, #tpu.memory_space<hbm>>
    tpu.wait_dma2 semaphore(%arg20 : memref<!tpu.dma_semaphore, #tpu.memory_space<semaphore_mem>>) src(%dma_wait3A_2687 : memref<128x128xf32, #tpu.memory_space<hbm>>) dst(%arg16 : memref<128x128xf32, #tpu.memory_space<vmem>>)
    %dma_start3A_2688 = arith.constant 0 : i32
    %dma_start3A_2689 = arith.constant 0 : i32
    %dma_start3A_2690 = tpu.memref_slice %arg16[%dma_start3A_2688, %dma_start3A_2689] : memref<128x128xf32, #tpu.memory_space<vmem>> -> memref<8x128xf32, #tpu.memory_space<vmem>>
    %dma_start3A_2691 = arith.constant 0 : i32
    %dma_start3A_2692 = arith.constant 0 : i32
    %dma_start3A_2693 = tpu.memref_slice %arg19[%dma_start3A_2691, %dma_start3A_2692] : memref<1024x128xf32, #tpu.memory_space<vmem_shared>> -> memref<1024x128xf32, #tpu.memory_space<vmem_shared>>
    tpu.enqueue_indirect_dma source(%dma_start3A_2690 : memref<8x128xf32, #tpu.memory_space<vmem>>) target(%dma_start3A_2693 : memref<1024x128xf32, #tpu.memory_space<vmem_shared>>) offsets(%arg12 : memref<8xi32, #tpu.memory_space<vmem>>) semaphore(%arg21 : memref<!tpu.dma_semaphore, #tpu.memory_space<semaphore_mem>>) {add = true}
    %get3A_2694 = arith.constant 0 : index
    %get3A_2695 = tpu.vector_load %arg8[%get3A_2694] {strides = array<i32>} : memref<128xi32, #tpu.memory_space<vmem>>, vector<16xi32>,
    tpu.vector_store_idx %arg18[%get3A_2695], %broadcast_in_dim3A_5 {add = true} : memref<1024xf32, #tpu.memory_space<vmem>>[vector<16xi32>], vector<16xf32>,
    %get3A_2696 = arith.constant 16 : index
    %get3A_2697 = tpu.vector_load %arg8[%get3A_2696] {strides = array<i32>} : memref<128xi32, #tpu.memory_space<vmem>>, vector<16xi32>,
    tpu.vector_store_idx %arg18[%get3A_2697], %broadcast_in_dim3A_5 {add = true} : memref<1024xf32, #tpu.memory_space<vmem>>[vector<16xi32>], vector<16xf32>,
    %get3A_2698 = arith.constant 32 : index
    %get3A_2699 = tpu.vector_load %arg8[%get3A_2698] {strides = array<i32>} : memref<128xi32, #tpu.memory_space<vmem>>, vector<16xi32>,
    tpu.vector_store_idx %arg18[%get3A_2699], %broadcast_in_dim3A_5 {add = true} : memref<1024xf32, #tpu.memory_space<vmem>>[vector<16xi32>], vector<16xf32>,
    %get3A_2700 = arith.constant 48 : index
    %get3A_2701 = tpu.vector_load %arg8[%get3A_2700] {strides = array<i32>} : memref<128xi32, #tpu.memory_space<vmem>>, vector<16xi32>,
    tpu.vector_store_idx %arg18[%get3A_2701], %broadcast_in_dim3A_5 {add = true} : memref<1024xf32, #tpu.memory_space<vmem>>[vector<16xi32>], vector<16xf32>,
    %get3A_2702 = arith.constant 64 : index
    %get3A_2703 = tpu.vector_load %arg8[%get3A_2702] {strides = array<i32>} : memref<128xi32, #tpu.memory_space<vmem>>, vector<16xi32>,
    tpu.vector_store_idx %arg18[%get3A_2703], %broadcast_in_dim3A_5 {add = true} : memref<1024xf32, #tpu.memory_space<vmem>>[vector<16xi32>], vector<16xf32>,
    %get3A_2704 = arith.constant 80 : index
    %get3A_2705 = tpu.vector_load %arg8[%get3A_2704] {strides = array<i32>} : memref<128xi32, #tpu.memory_space<vmem>>, vector<16xi32>,
    tpu.vector_store_idx %arg18[%get3A_2705], %broadcast_in_dim3A_5 {add = true} : memref<1024xf32, #tpu.memory_space<vmem>>[vector<16xi32>], vector<16xf32>,
    %get3A_2706 = arith.constant 96 : index
    %get3A_2707 = tpu.vector_load %arg8[%get3A_2706] {strides = array<i32>} : memref<128xi32, #tpu.memory_space<vmem>>, vector<16xi32>,
    tpu.vector_store_idx %arg18[%get3A_2707], %broadcast_in_dim3A_5 {add = true} : memref<1024xf32, #tpu.memory_space<vmem>>[vector<16xi32>], vector<16xf32>,
    %get3A_2708 = arith.constant 112 : index
    %get3A_2709 = tpu.vector_load %arg8[%get3A_2708] {strides = array<i32>} : memref<128xi32, #tpu.memory_space<vmem>>, vector<16xi32>,
    tpu.vector_store_idx %arg18[%get3A_2709], %broadcast_in_dim3A_5 {add = true} : memref<1024xf32, #tpu.memory_space<vmem>>[vector<16xi32>], vector<16xf32>,
    %dma_wait3A_2710 = arith.constant 0 : i32
    %dma_wait3A_2711 = arith.constant 0 : i32
    %dma_wait3A_2712 = tpu.memref_slice %arg16[%dma_wait3A_2710, %dma_wait3A_2711] : memref<128x128xf32, #tpu.memory_space<vmem>> -> memref<8x128xf32, #tpu.memory_space<vmem>>
    %dma_wait3A_2713 = arith.constant 0 : i32
    %dma_wait3A_2714 = arith.constant 0 : i32
    %dma_wait3A_2715 = tpu.memref_slice %arg19[%dma_wait3A_2713, %dma_wait3A_2714] : memref<1024x128xf32, #tpu.memory_space<vmem_shared>> -> memref<1024x128xf32, #tpu.memory_space<vmem_shared>>
    tpu.wait_indirect_dma semaphore(%arg21 : memref<!tpu.dma_semaphore, #tpu.memory_space<semaphore_mem>>) src(%dma_wait3A_2712 : memref<8x128xf32, #tpu.memory_space<vmem>>) dst(%dma_wait3A_2715 : memref<1024x128xf32, #tpu.memory_space<vmem_shared>>)
    %add3A_2716 = arith.constant 1792 : i32
    %add3A_2717 = arith.addi %mul3A_2, %add3A_2716 : i32
    %dma_start3A_2718 = tpu.memref_slice %arg3[%add3A_2717] : memref<65536xi32, #tpu.memory_space<hbm>> -> memref<128xi32, #tpu.memory_space<hbm>>
    %dma_start3A_2719 = tpu.memref_slice %arg3[%add3A_2717] : memref<65536xi32, #tpu.memory_space<hbm>> -> memref<128xi32, #tpu.memory_space<hbm>>
    tpu.enqueue_dma source(%dma_start3A_2719 : memref<128xi32, #tpu.memory_space<hbm>>) target(%arg8 : memref<128xi32, #tpu.memory_space<vmem>>) target_semaphore(%arg20 : memref<!tpu.dma_semaphore, #tpu.memory_space<semaphore_mem>>)
    %dma_start3A_2720 = tpu.memref_slice %arg3[%add3A_2717] : memref<65536xi32, #tpu.memory_space<hbm>> -> memref<8xi32, #tpu.memory_space<hbm>>
    %dma_start3A_2721 = tpu.memref_slice %arg3[%add3A_2717] : memref<65536xi32, #tpu.memory_space<hbm>> -> memref<8xi32, #tpu.memory_space<hbm>>
    tpu.enqueue_dma source(%dma_start3A_2721 : memref<8xi32, #tpu.memory_space<hbm>>) target(%arg12 : memref<8xi32, #tpu.memory_space<vmem>>) target_semaphore(%arg20 : memref<!tpu.dma_semaphore, #tpu.memory_space<semaphore_mem>>)
    %dma_start3A_2722 = arith.constant 0 : i32
    %dma_start3A_2723 = tpu.memref_slice %arg2[%add3A_2717, %dma_start3A_2722] : memref<65536x128xf32, #tpu.memory_space<hbm>> -> memref<128x128xf32, #tpu.memory_space<hbm>>
    %dma_start3A_2724 = arith.constant 0 : i32
    %dma_start3A_2725 = tpu.memref_slice %arg2[%add3A_2717, %dma_start3A_2724] : memref<65536x128xf32, #tpu.memory_space<hbm>> -> memref<128x128xf32, #tpu.memory_space<hbm>>
    tpu.enqueue_dma source(%dma_start3A_2725 : memref<128x128xf32, #tpu.memory_space<hbm>>) target(%arg16 : memref<128x128xf32, #tpu.memory_space<vmem>>) target_semaphore(%arg20 : memref<!tpu.dma_semaphore, #tpu.memory_space<semaphore_mem>>)
    %dma_wait3A_2726 = tpu.memref_slice %arg3[%add3A_2579] : memref<65536xi32, #tpu.memory_space<hbm>> -> memref<128xi32, #tpu.memory_space<hbm>>
    %dma_wait3A_2727 = tpu.memref_slice %arg3[%add3A_2579] : memref<65536xi32, #tpu.memory_space<hbm>> -> memref<128xi32, #tpu.memory_space<hbm>>
    tpu.wait_dma2 semaphore(%arg20 : memref<!tpu.dma_semaphore, #tpu.memory_space<semaphore_mem>>) src(%dma_wait3A_2727 : memref<128xi32, #tpu.memory_space<hbm>>) dst(%arg9 : memref<128xi32, #tpu.memory_space<vmem>>)
    %dma_wait3A_2728 = tpu.memref_slice %arg3[%add3A_2579] : memref<65536xi32, #tpu.memory_space<hbm>> -> memref<8xi32, #tpu.memory_space<hbm>>
    %dma_wait3A_2729 = tpu.memref_slice %arg3[%add3A_2579] : memref<65536xi32, #tpu.memory_space<hbm>> -> memref<8xi32, #tpu.memory_space<hbm>>
    tpu.wait_dma2 semaphore(%arg20 : memref<!tpu.dma_semaphore, #tpu.memory_space<semaphore_mem>>) src(%dma_wait3A_2729 : memref<8xi32, #tpu.memory_space<hbm>>) dst(%arg13 : memref<8xi32, #tpu.memory_space<vmem>>)
    %dma_wait3A_2730 = arith.constant 0 : i32
    %dma_wait3A_2731 = tpu.memref_slice %arg2[%add3A_2579, %dma_wait3A_2730] : memref<65536x128xf32, #tpu.memory_space<hbm>> -> memref<128x128xf32, #tpu.memory_space<hbm>>
    %dma_wait3A_2732 = arith.constant 0 : i32
    %dma_wait3A_2733 = tpu.memref_slice %arg2[%add3A_2579, %dma_wait3A_2732] : memref<65536x128xf32, #tpu.memory_space<hbm>> -> memref<128x128xf32, #tpu.memory_space<hbm>>
    tpu.wait_dma2 semaphore(%arg20 : memref<!tpu.dma_semaphore, #tpu.memory_space<semaphore_mem>>) src(%dma_wait3A_2733 : memref<128x128xf32, #tpu.memory_space<hbm>>) dst(%arg17 : memref<128x128xf32, #tpu.memory_space<vmem>>)
    %dma_start3A_2734 = arith.constant 0 : i32
    %dma_start3A_2735 = arith.constant 0 : i32
    %dma_start3A_2736 = tpu.memref_slice %arg17[%dma_start3A_2734, %dma_start3A_2735] : memref<128x128xf32, #tpu.memory_space<vmem>> -> memref<8x128xf32, #tpu.memory_space<vmem>>
    %dma_start3A_2737 = arith.constant 0 : i32
    %dma_start3A_2738 = arith.constant 0 : i32
    %dma_start3A_2739 = tpu.memref_slice %arg19[%dma_start3A_2737, %dma_start3A_2738] : memref<1024x128xf32, #tpu.memory_space<vmem_shared>> -> memref<1024x128xf32, #tpu.memory_space<vmem_shared>>
    tpu.enqueue_indirect_dma source(%dma_start3A_2736 : memref<8x128xf32, #tpu.memory_space<vmem>>) target(%dma_start3A_2739 : memref<1024x128xf32, #tpu.memory_space<vmem_shared>>) offsets(%arg13 : memref<8xi32, #tpu.memory_space<vmem>>) semaphore(%arg21 : memref<!tpu.dma_semaphore, #tpu.memory_space<semaphore_mem>>) {add = true}
    %get3A_2740 = arith.constant 0 : index
    %get3A_2741 = tpu.vector_load %arg9[%get3A_2740] {strides = array<i32>} : memref<128xi32, #tpu.memory_space<vmem>>, vector<16xi32>,
    tpu.vector_store_idx %arg18[%get3A_2741], %broadcast_in_dim3A_5 {add = true} : memref<1024xf32, #tpu.memory_space<vmem>>[vector<16xi32>], vector<16xf32>,
    %get3A_2742 = arith.constant 16 : index
    %get3A_2743 = tpu.vector_load %arg9[%get3A_2742] {strides = array<i32>} : memref<128xi32, #tpu.memory_space<vmem>>, vector<16xi32>,
    tpu.vector_store_idx %arg18[%get3A_2743], %broadcast_in_dim3A_5 {add = true} : memref<1024xf32, #tpu.memory_space<vmem>>[vector<16xi32>], vector<16xf32>,
    %get3A_2744 = arith.constant 32 : index
    %get3A_2745 = tpu.vector_load %arg9[%get3A_2744] {strides = array<i32>} : memref<128xi32, #tpu.memory_space<vmem>>, vector<16xi32>,
    tpu.vector_store_idx %arg18[%get3A_2745], %broadcast_in_dim3A_5 {add = true} : memref<1024xf32, #tpu.memory_space<vmem>>[vector<16xi32>], vector<16xf32>,
    %get3A_2746 = arith.constant 48 : index
    %get3A_2747 = tpu.vector_load %arg9[%get3A_2746] {strides = array<i32>} : memref<128xi32, #tpu.memory_space<vmem>>, vector<16xi32>,
    tpu.vector_store_idx %arg18[%get3A_2747], %broadcast_in_dim3A_5 {add = true} : memref<1024xf32, #tpu.memory_space<vmem>>[vector<16xi32>], vector<16xf32>,
    %get3A_2748 = arith.constant 64 : index
    %get3A_2749 = tpu.vector_load %arg9[%get3A_2748] {strides = array<i32>} : memref<128xi32, #tpu.memory_space<vmem>>, vector<16xi32>,
    tpu.vector_store_idx %arg18[%get3A_2749], %broadcast_in_dim3A_5 {add = true} : memref<1024xf32, #tpu.memory_space<vmem>>[vector<16xi32>], vector<16xf32>,
    %get3A_2750 = arith.constant 80 : index
    %get3A_2751 = tpu.vector_load %arg9[%get3A_2750] {strides = array<i32>} : memref<128xi32, #tpu.memory_space<vmem>>, vector<16xi32>,
    tpu.vector_store_idx %arg18[%get3A_2751], %broadcast_in_dim3A_5 {add = true} : memref<1024xf32, #tpu.memory_space<vmem>>[vector<16xi32>], vector<16xf32>,
    %get3A_2752 = arith.constant 96 : index
    %get3A_2753 = tpu.vector_load %arg9[%get3A_2752] {strides = array<i32>} : memref<128xi32, #tpu.memory_space<vmem>>, vector<16xi32>,
    tpu.vector_store_idx %arg18[%get3A_2753], %broadcast_in_dim3A_5 {add = true} : memref<1024xf32, #tpu.memory_space<vmem>>[vector<16xi32>], vector<16xf32>,
    %get3A_2754 = arith.constant 112 : index
    %get3A_2755 = tpu.vector_load %arg9[%get3A_2754] {strides = array<i32>} : memref<128xi32, #tpu.memory_space<vmem>>, vector<16xi32>,
    tpu.vector_store_idx %arg18[%get3A_2755], %broadcast_in_dim3A_5 {add = true} : memref<1024xf32, #tpu.memory_space<vmem>>[vector<16xi32>], vector<16xf32>,
    %dma_wait3A_2756 = arith.constant 0 : i32
    %dma_wait3A_2757 = arith.constant 0 : i32
    %dma_wait3A_2758 = tpu.memref_slice %arg17[%dma_wait3A_2756, %dma_wait3A_2757] : memref<128x128xf32, #tpu.memory_space<vmem>> -> memref<8x128xf32, #tpu.memory_space<vmem>>
    %dma_wait3A_2759 = arith.constant 0 : i32
    %dma_wait3A_2760 = arith.constant 0 : i32
    %dma_wait3A_2761 = tpu.memref_slice %arg19[%dma_wait3A_2759, %dma_wait3A_2760] : memref<1024x128xf32, #tpu.memory_space<vmem_shared>> -> memref<1024x128xf32, #tpu.memory_space<vmem_shared>>
    tpu.wait_indirect_dma semaphore(%arg21 : memref<!tpu.dma_semaphore, #tpu.memory_space<semaphore_mem>>) src(%dma_wait3A_2758 : memref<8x128xf32, #tpu.memory_space<vmem>>) dst(%dma_wait3A_2761 : memref<1024x128xf32, #tpu.memory_space<vmem_shared>>)
    %add3A_2762 = arith.constant 1920 : i32
    %add3A_2763 = arith.addi %mul3A_2, %add3A_2762 : i32
    %dma_start3A_2764 = tpu.memref_slice %arg3[%add3A_2763] : memref<65536xi32, #tpu.memory_space<hbm>> -> memref<128xi32, #tpu.memory_space<hbm>>
    %dma_start3A_2765 = tpu.memref_slice %arg3[%add3A_2763] : memref<65536xi32, #tpu.memory_space<hbm>> -> memref<128xi32, #tpu.memory_space<hbm>>
    tpu.enqueue_dma source(%dma_start3A_2765 : memref<128xi32, #tpu.memory_space<hbm>>) target(%arg9 : memref<128xi32, #tpu.memory_space<vmem>>) target_semaphore(%arg20 : memref<!tpu.dma_semaphore, #tpu.memory_space<semaphore_mem>>)
    %dma_start3A_2766 = tpu.memref_slice %arg3[%add3A_2763] : memref<65536xi32, #tpu.memory_space<hbm>> -> memref<8xi32, #tpu.memory_space<hbm>>
    %dma_start3A_2767 = tpu.memref_slice %arg3[%add3A_2763] : memref<65536xi32, #tpu.memory_space<hbm>> -> memref<8xi32, #tpu.memory_space<hbm>>
    tpu.enqueue_dma source(%dma_start3A_2767 : memref<8xi32, #tpu.memory_space<hbm>>) target(%arg13 : memref<8xi32, #tpu.memory_space<vmem>>) target_semaphore(%arg20 : memref<!tpu.dma_semaphore, #tpu.memory_space<semaphore_mem>>)
    %dma_start3A_2768 = arith.constant 0 : i32
    %dma_start3A_2769 = tpu.memref_slice %arg2[%add3A_2763, %dma_start3A_2768] : memref<65536x128xf32, #tpu.memory_space<hbm>> -> memref<128x128xf32, #tpu.memory_space<hbm>>
    %dma_start3A_2770 = arith.constant 0 : i32
    %dma_start3A_2771 = tpu.memref_slice %arg2[%add3A_2763, %dma_start3A_2770] : memref<65536x128xf32, #tpu.memory_space<hbm>> -> memref<128x128xf32, #tpu.memory_space<hbm>>
    tpu.enqueue_dma source(%dma_start3A_2771 : memref<128x128xf32, #tpu.memory_space<hbm>>) target(%arg17 : memref<128x128xf32, #tpu.memory_space<vmem>>) target_semaphore(%arg20 : memref<!tpu.dma_semaphore, #tpu.memory_space<semaphore_mem>>)
    %dma_wait3A_2772 = tpu.memref_slice %arg3[%add3A_2625] : memref<65536xi32, #tpu.memory_space<hbm>> -> memref<128xi32, #tpu.memory_space<hbm>>
    %dma_wait3A_2773 = tpu.memref_slice %arg3[%add3A_2625] : memref<65536xi32, #tpu.memory_space<hbm>> -> memref<128xi32, #tpu.memory_space<hbm>>
    tpu.wait_dma2 semaphore(%arg20 : memref<!tpu.dma_semaphore, #tpu.memory_space<semaphore_mem>>) src(%dma_wait3A_2773 : memref<128xi32, #tpu.memory_space<hbm>>) dst(%arg6 : memref<128xi32, #tpu.memory_space<vmem>>)
    %dma_wait3A_2774 = tpu.memref_slice %arg3[%add3A_2625] : memref<65536xi32, #tpu.memory_space<hbm>> -> memref<8xi32, #tpu.memory_space<hbm>>
    %dma_wait3A_2775 = tpu.memref_slice %arg3[%add3A_2625] : memref<65536xi32, #tpu.memory_space<hbm>> -> memref<8xi32, #tpu.memory_space<hbm>>
    tpu.wait_dma2 semaphore(%arg20 : memref<!tpu.dma_semaphore, #tpu.memory_space<semaphore_mem>>) src(%dma_wait3A_2775 : memref<8xi32, #tpu.memory_space<hbm>>) dst(%arg10 : memref<8xi32, #tpu.memory_space<vmem>>)
    %dma_wait3A_2776 = arith.constant 0 : i32
    %dma_wait3A_2777 = tpu.memref_slice %arg2[%add3A_2625, %dma_wait3A_2776] : memref<65536x128xf32, #tpu.memory_space<hbm>> -> memref<128x128xf32, #tpu.memory_space<hbm>>
    %dma_wait3A_2778 = arith.constant 0 : i32
    %dma_wait3A_2779 = tpu.memref_slice %arg2[%add3A_2625, %dma_wait3A_2778] : memref<65536x128xf32, #tpu.memory_space<hbm>> -> memref<128x128xf32, #tpu.memory_space<hbm>>
    tpu.wait_dma2 semaphore(%arg20 : memref<!tpu.dma_semaphore, #tpu.memory_space<semaphore_mem>>) src(%dma_wait3A_2779 : memref<128x128xf32, #tpu.memory_space<hbm>>) dst(%arg14 : memref<128x128xf32, #tpu.memory_space<vmem>>)
    %dma_start3A_2780 = arith.constant 0 : i32
    %dma_start3A_2781 = arith.constant 0 : i32
    %dma_start3A_2782 = tpu.memref_slice %arg14[%dma_start3A_2780, %dma_start3A_2781] : memref<128x128xf32, #tpu.memory_space<vmem>> -> memref<8x128xf32, #tpu.memory_space<vmem>>
    %dma_start3A_2783 = arith.constant 0 : i32
    %dma_start3A_2784 = arith.constant 0 : i32
    %dma_start3A_2785 = tpu.memref_slice %arg19[%dma_start3A_2783, %dma_start3A_2784] : memref<1024x128xf32, #tpu.memory_space<vmem_shared>> -> memref<1024x128xf32, #tpu.memory_space<vmem_shared>>
    tpu.enqueue_indirect_dma source(%dma_start3A_2782 : memref<8x128xf32, #tpu.memory_space<vmem>>) target(%dma_start3A_2785 : memref<1024x128xf32, #tpu.memory_space<vmem_shared>>) offsets(%arg10 : memref<8xi32, #tpu.memory_space<vmem>>) semaphore(%arg21 : memref<!tpu.dma_semaphore, #tpu.memory_space<semaphore_mem>>) {add = true}
    %get3A_2786 = arith.constant 0 : index
    %get3A_2787 = tpu.vector_load %arg6[%get3A_2786] {strides = array<i32>} : memref<128xi32, #tpu.memory_space<vmem>>, vector<16xi32>,
    tpu.vector_store_idx %arg18[%get3A_2787], %broadcast_in_dim3A_5 {add = true} : memref<1024xf32, #tpu.memory_space<vmem>>[vector<16xi32>], vector<16xf32>,
    %get3A_2788 = arith.constant 16 : index
    %get3A_2789 = tpu.vector_load %arg6[%get3A_2788] {strides = array<i32>} : memref<128xi32, #tpu.memory_space<vmem>>, vector<16xi32>,
    tpu.vector_store_idx %arg18[%get3A_2789], %broadcast_in_dim3A_5 {add = true} : memref<1024xf32, #tpu.memory_space<vmem>>[vector<16xi32>], vector<16xf32>,
    %get3A_2790 = arith.constant 32 : index
    %get3A_2791 = tpu.vector_load %arg6[%get3A_2790] {strides = array<i32>} : memref<128xi32, #tpu.memory_space<vmem>>, vector<16xi32>,
    tpu.vector_store_idx %arg18[%get3A_2791], %broadcast_in_dim3A_5 {add = true} : memref<1024xf32, #tpu.memory_space<vmem>>[vector<16xi32>], vector<16xf32>,
    %get3A_2792 = arith.constant 48 : index
    %get3A_2793 = tpu.vector_load %arg6[%get3A_2792] {strides = array<i32>} : memref<128xi32, #tpu.memory_space<vmem>>, vector<16xi32>,
    tpu.vector_store_idx %arg18[%get3A_2793], %broadcast_in_dim3A_5 {add = true} : memref<1024xf32, #tpu.memory_space<vmem>>[vector<16xi32>], vector<16xf32>,
    %get3A_2794 = arith.constant 64 : index
    %get3A_2795 = tpu.vector_load %arg6[%get3A_2794] {strides = array<i32>} : memref<128xi32, #tpu.memory_space<vmem>>, vector<16xi32>,
    tpu.vector_store_idx %arg18[%get3A_2795], %broadcast_in_dim3A_5 {add = true} : memref<1024xf32, #tpu.memory_space<vmem>>[vector<16xi32>], vector<16xf32>,
    %get3A_2796 = arith.constant 80 : index
    %get3A_2797 = tpu.vector_load %arg6[%get3A_2796] {strides = array<i32>} : memref<128xi32, #tpu.memory_space<vmem>>, vector<16xi32>,
    tpu.vector_store_idx %arg18[%get3A_2797], %broadcast_in_dim3A_5 {add = true} : memref<1024xf32, #tpu.memory_space<vmem>>[vector<16xi32>], vector<16xf32>,
    %get3A_2798 = arith.constant 96 : index
    %get3A_2799 = tpu.vector_load %arg6[%get3A_2798] {strides = array<i32>} : memref<128xi32, #tpu.memory_space<vmem>>, vector<16xi32>,
    tpu.vector_store_idx %arg18[%get3A_2799], %broadcast_in_dim3A_5 {add = true} : memref<1024xf32, #tpu.memory_space<vmem>>[vector<16xi32>], vector<16xf32>,
    %get3A_2800 = arith.constant 112 : index
    %get3A_2801 = tpu.vector_load %arg6[%get3A_2800] {strides = array<i32>} : memref<128xi32, #tpu.memory_space<vmem>>, vector<16xi32>,
    tpu.vector_store_idx %arg18[%get3A_2801], %broadcast_in_dim3A_5 {add = true} : memref<1024xf32, #tpu.memory_space<vmem>>[vector<16xi32>], vector<16xf32>,
    %dma_wait3A_2802 = tpu.memref_slice %arg3[%add3A_2671] : memref<65536xi32, #tpu.memory_space<hbm>> -> memref<128xi32, #tpu.memory_space<hbm>>
    %dma_wait3A_2803 = tpu.memref_slice %arg3[%add3A_2671] : memref<65536xi32, #tpu.memory_space<hbm>> -> memref<128xi32, #tpu.memory_space<hbm>>
    tpu.wait_dma2 semaphore(%arg20 : memref<!tpu.dma_semaphore, #tpu.memory_space<semaphore_mem>>) src(%dma_wait3A_2803 : memref<128xi32, #tpu.memory_space<hbm>>) dst(%arg7 : memref<128xi32, #tpu.memory_space<vmem>>)
    %dma_wait3A_2804 = tpu.memref_slice %arg3[%add3A_2671] : memref<65536xi32, #tpu.memory_space<hbm>> -> memref<8xi32, #tpu.memory_space<hbm>>
    %dma_wait3A_2805 = tpu.memref_slice %arg3[%add3A_2671] : memref<65536xi32, #tpu.memory_space<hbm>> -> memref<8xi32, #tpu.memory_space<hbm>>
    tpu.wait_dma2 semaphore(%arg20 : memref<!tpu.dma_semaphore, #tpu.memory_space<semaphore_mem>>) src(%dma_wait3A_2805 : memref<8xi32, #tpu.memory_space<hbm>>) dst(%arg11 : memref<8xi32, #tpu.memory_space<vmem>>)
    %dma_wait3A_2806 = arith.constant 0 : i32
    %dma_wait3A_2807 = tpu.memref_slice %arg2[%add3A_2671, %dma_wait3A_2806] : memref<65536x128xf32, #tpu.memory_space<hbm>> -> memref<128x128xf32, #tpu.memory_space<hbm>>
    %dma_wait3A_2808 = arith.constant 0 : i32
    %dma_wait3A_2809 = tpu.memref_slice %arg2[%add3A_2671, %dma_wait3A_2808] : memref<65536x128xf32, #tpu.memory_space<hbm>> -> memref<128x128xf32, #tpu.memory_space<hbm>>
    tpu.wait_dma2 semaphore(%arg20 : memref<!tpu.dma_semaphore, #tpu.memory_space<semaphore_mem>>) src(%dma_wait3A_2809 : memref<128x128xf32, #tpu.memory_space<hbm>>) dst(%arg15 : memref<128x128xf32, #tpu.memory_space<vmem>>)
    %dma_start3A_2810 = arith.constant 0 : i32
    %dma_start3A_2811 = arith.constant 0 : i32
    %dma_start3A_2812 = tpu.memref_slice %arg15[%dma_start3A_2810, %dma_start3A_2811] : memref<128x128xf32, #tpu.memory_space<vmem>> -> memref<8x128xf32, #tpu.memory_space<vmem>>
    %dma_start3A_2813 = arith.constant 0 : i32
    %dma_start3A_2814 = arith.constant 0 : i32
    %dma_start3A_2815 = tpu.memref_slice %arg19[%dma_start3A_2813, %dma_start3A_2814] : memref<1024x128xf32, #tpu.memory_space<vmem_shared>> -> memref<1024x128xf32, #tpu.memory_space<vmem_shared>>
    tpu.enqueue_indirect_dma source(%dma_start3A_2812 : memref<8x128xf32, #tpu.memory_space<vmem>>) target(%dma_start3A_2815 : memref<1024x128xf32, #tpu.memory_space<vmem_shared>>) offsets(%arg11 : memref<8xi32, #tpu.memory_space<vmem>>) semaphore(%arg21 : memref<!tpu.dma_semaphore, #tpu.memory_space<semaphore_mem>>) {add = true}
    %get3A_2816 = arith.constant 0 : index
    %get3A_2817 = tpu.vector_load %arg7[%get3A_2816] {strides = array<i32>} : memref<128xi32, #tpu.memory_space<vmem>>, vector<16xi32>,
    tpu.vector_store_idx %arg18[%get3A_2817], %broadcast_in_dim3A_5 {add = true} : memref<1024xf32, #tpu.memory_space<vmem>>[vector<16xi32>], vector<16xf32>,
    %get3A_2818 = arith.constant 16 : index
    %get3A_2819 = tpu.vector_load %arg7[%get3A_2818] {strides = array<i32>} : memref<128xi32, #tpu.memory_space<vmem>>, vector<16xi32>,
    tpu.vector_store_idx %arg18[%get3A_2819], %broadcast_in_dim3A_5 {add = true} : memref<1024xf32, #tpu.memory_space<vmem>>[vector<16xi32>], vector<16xf32>,
    %get3A_2820 = arith.constant 32 : index
    %get3A_2821 = tpu.vector_load %arg7[%get3A_2820] {strides = array<i32>} : memref<128xi32, #tpu.memory_space<vmem>>, vector<16xi32>,
    tpu.vector_store_idx %arg18[%get3A_2821], %broadcast_in_dim3A_5 {add = true} : memref<1024xf32, #tpu.memory_space<vmem>>[vector<16xi32>], vector<16xf32>,
    %get3A_2822 = arith.constant 48 : index
    %get3A_2823 = tpu.vector_load %arg7[%get3A_2822] {strides = array<i32>} : memref<128xi32, #tpu.memory_space<vmem>>, vector<16xi32>,
    tpu.vector_store_idx %arg18[%get3A_2823], %broadcast_in_dim3A_5 {add = true} : memref<1024xf32, #tpu.memory_space<vmem>>[vector<16xi32>], vector<16xf32>,
    %get3A_2824 = arith.constant 64 : index
    %get3A_2825 = tpu.vector_load %arg7[%get3A_2824] {strides = array<i32>} : memref<128xi32, #tpu.memory_space<vmem>>, vector<16xi32>,
    tpu.vector_store_idx %arg18[%get3A_2825], %broadcast_in_dim3A_5 {add = true} : memref<1024xf32, #tpu.memory_space<vmem>>[vector<16xi32>], vector<16xf32>,
    %get3A_2826 = arith.constant 80 : index
    %get3A_2827 = tpu.vector_load %arg7[%get3A_2826] {strides = array<i32>} : memref<128xi32, #tpu.memory_space<vmem>>, vector<16xi32>,
    tpu.vector_store_idx %arg18[%get3A_2827], %broadcast_in_dim3A_5 {add = true} : memref<1024xf32, #tpu.memory_space<vmem>>[vector<16xi32>], vector<16xf32>,
    %get3A_2828 = arith.constant 96 : index
    %get3A_2829 = tpu.vector_load %arg7[%get3A_2828] {strides = array<i32>} : memref<128xi32, #tpu.memory_space<vmem>>, vector<16xi32>,
    tpu.vector_store_idx %arg18[%get3A_2829], %broadcast_in_dim3A_5 {add = true} : memref<1024xf32, #tpu.memory_space<vmem>>[vector<16xi32>], vector<16xf32>,
    %get3A_2830 = arith.constant 112 : index
    %get3A_2831 = tpu.vector_load %arg7[%get3A_2830] {strides = array<i32>} : memref<128xi32, #tpu.memory_space<vmem>>, vector<16xi32>,
    tpu.vector_store_idx %arg18[%get3A_2831], %broadcast_in_dim3A_5 {add = true} : memref<1024xf32, #tpu.memory_space<vmem>>[vector<16xi32>], vector<16xf32>,
    %dma_wait3A_2832 = tpu.memref_slice %arg3[%add3A_2717] : memref<65536xi32, #tpu.memory_space<hbm>> -> memref<128xi32, #tpu.memory_space<hbm>>
    %dma_wait3A_2833 = tpu.memref_slice %arg3[%add3A_2717] : memref<65536xi32, #tpu.memory_space<hbm>> -> memref<128xi32, #tpu.memory_space<hbm>>
    tpu.wait_dma2 semaphore(%arg20 : memref<!tpu.dma_semaphore, #tpu.memory_space<semaphore_mem>>) src(%dma_wait3A_2833 : memref<128xi32, #tpu.memory_space<hbm>>) dst(%arg8 : memref<128xi32, #tpu.memory_space<vmem>>)
    %dma_wait3A_2834 = tpu.memref_slice %arg3[%add3A_2717] : memref<65536xi32, #tpu.memory_space<hbm>> -> memref<8xi32, #tpu.memory_space<hbm>>
    %dma_wait3A_2835 = tpu.memref_slice %arg3[%add3A_2717] : memref<65536xi32, #tpu.memory_space<hbm>> -> memref<8xi32, #tpu.memory_space<hbm>>
    tpu.wait_dma2 semaphore(%arg20 : memref<!tpu.dma_semaphore, #tpu.memory_space<semaphore_mem>>) src(%dma_wait3A_2835 : memref<8xi32, #tpu.memory_space<hbm>>) dst(%arg12 : memref<8xi32, #tpu.memory_space<vmem>>)
    %dma_wait3A_2836 = arith.constant 0 : i32
    %dma_wait3A_2837 = tpu.memref_slice %arg2[%add3A_2717, %dma_wait3A_2836] : memref<65536x128xf32, #tpu.memory_space<hbm>> -> memref<128x128xf32, #tpu.memory_space<hbm>>
    %dma_wait3A_2838 = arith.constant 0 : i32
    %dma_wait3A_2839 = tpu.memref_slice %arg2[%add3A_2717, %dma_wait3A_2838] : memref<65536x128xf32, #tpu.memory_space<hbm>> -> memref<128x128xf32, #tpu.memory_space<hbm>>
    tpu.wait_dma2 semaphore(%arg20 : memref<!tpu.dma_semaphore, #tpu.memory_space<semaphore_mem>>) src(%dma_wait3A_2839 : memref<128x128xf32, #tpu.memory_space<hbm>>) dst(%arg16 : memref<128x128xf32, #tpu.memory_space<vmem>>)
    %dma_start3A_2840 = arith.constant 0 : i32
    %dma_start3A_2841 = arith.constant 0 : i32
    %dma_start3A_2842 = tpu.memref_slice %arg16[%dma_start3A_2840, %dma_start3A_2841] : memref<128x128xf32, #tpu.memory_space<vmem>> -> memref<8x128xf32, #tpu.memory_space<vmem>>
    %dma_start3A_2843 = arith.constant 0 : i32
    %dma_start3A_2844 = arith.constant 0 : i32
    %dma_start3A_2845 = tpu.memref_slice %arg19[%dma_start3A_2843, %dma_start3A_2844] : memref<1024x128xf32, #tpu.memory_space<vmem_shared>> -> memref<1024x128xf32, #tpu.memory_space<vmem_shared>>
    tpu.enqueue_indirect_dma source(%dma_start3A_2842 : memref<8x128xf32, #tpu.memory_space<vmem>>) target(%dma_start3A_2845 : memref<1024x128xf32, #tpu.memory_space<vmem_shared>>) offsets(%arg12 : memref<8xi32, #tpu.memory_space<vmem>>) semaphore(%arg21 : memref<!tpu.dma_semaphore, #tpu.memory_space<semaphore_mem>>) {add = true}
    %get3A_2846 = arith.constant 0 : index
    %get3A_2847 = tpu.vector_load %arg8[%get3A_2846] {strides = array<i32>} : memref<128xi32, #tpu.memory_space<vmem>>, vector<16xi32>,
    tpu.vector_store_idx %arg18[%get3A_2847], %broadcast_in_dim3A_5 {add = true} : memref<1024xf32, #tpu.memory_space<vmem>>[vector<16xi32>], vector<16xf32>,
    %get3A_2848 = arith.constant 16 : index
    %get3A_2849 = tpu.vector_load %arg8[%get3A_2848] {strides = array<i32>} : memref<128xi32, #tpu.memory_space<vmem>>, vector<16xi32>,
    tpu.vector_store_idx %arg18[%get3A_2849], %broadcast_in_dim3A_5 {add = true} : memref<1024xf32, #tpu.memory_space<vmem>>[vector<16xi32>], vector<16xf32>,
    %get3A_2850 = arith.constant 32 : index
    %get3A_2851 = tpu.vector_load %arg8[%get3A_2850] {strides = array<i32>} : memref<128xi32, #tpu.memory_space<vmem>>, vector<16xi32>,
    tpu.vector_store_idx %arg18[%get3A_2851], %broadcast_in_dim3A_5 {add = true} : memref<1024xf32, #tpu.memory_space<vmem>>[vector<16xi32>], vector<16xf32>,
    %get3A_2852 = arith.constant 48 : index
    %get3A_2853 = tpu.vector_load %arg8[%get3A_2852] {strides = array<i32>} : memref<128xi32, #tpu.memory_space<vmem>>, vector<16xi32>,
    tpu.vector_store_idx %arg18[%get3A_2853], %broadcast_in_dim3A_5 {add = true} : memref<1024xf32, #tpu.memory_space<vmem>>[vector<16xi32>], vector<16xf32>,
    %get3A_2854 = arith.constant 64 : index
    %get3A_2855 = tpu.vector_load %arg8[%get3A_2854] {strides = array<i32>} : memref<128xi32, #tpu.memory_space<vmem>>, vector<16xi32>,
    tpu.vector_store_idx %arg18[%get3A_2855], %broadcast_in_dim3A_5 {add = true} : memref<1024xf32, #tpu.memory_space<vmem>>[vector<16xi32>], vector<16xf32>,
    %get3A_2856 = arith.constant 80 : index
    %get3A_2857 = tpu.vector_load %arg8[%get3A_2856] {strides = array<i32>} : memref<128xi32, #tpu.memory_space<vmem>>, vector<16xi32>,
    tpu.vector_store_idx %arg18[%get3A_2857], %broadcast_in_dim3A_5 {add = true} : memref<1024xf32, #tpu.memory_space<vmem>>[vector<16xi32>], vector<16xf32>,
    %get3A_2858 = arith.constant 96 : index
    %get3A_2859 = tpu.vector_load %arg8[%get3A_2858] {strides = array<i32>} : memref<128xi32, #tpu.memory_space<vmem>>, vector<16xi32>,
    tpu.vector_store_idx %arg18[%get3A_2859], %broadcast_in_dim3A_5 {add = true} : memref<1024xf32, #tpu.memory_space<vmem>>[vector<16xi32>], vector<16xf32>,
    %get3A_2860 = arith.constant 112 : index
    %get3A_2861 = tpu.vector_load %arg8[%get3A_2860] {strides = array<i32>} : memref<128xi32, #tpu.memory_space<vmem>>, vector<16xi32>,
    tpu.vector_store_idx %arg18[%get3A_2861], %broadcast_in_dim3A_5 {add = true} : memref<1024xf32, #tpu.memory_space<vmem>>[vector<16xi32>], vector<16xf32>,
    %dma_wait3A_2862 = tpu.memref_slice %arg3[%add3A_2763] : memref<65536xi32, #tpu.memory_space<hbm>> -> memref<128xi32, #tpu.memory_space<hbm>>
    %dma_wait3A_2863 = tpu.memref_slice %arg3[%add3A_2763] : memref<65536xi32, #tpu.memory_space<hbm>> -> memref<128xi32, #tpu.memory_space<hbm>>
    tpu.wait_dma2 semaphore(%arg20 : memref<!tpu.dma_semaphore, #tpu.memory_space<semaphore_mem>>) src(%dma_wait3A_2863 : memref<128xi32, #tpu.memory_space<hbm>>) dst(%arg9 : memref<128xi32, #tpu.memory_space<vmem>>)
    %dma_wait3A_2864 = tpu.memref_slice %arg3[%add3A_2763] : memref<65536xi32, #tpu.memory_space<hbm>> -> memref<8xi32, #tpu.memory_space<hbm>>
    %dma_wait3A_2865 = tpu.memref_slice %arg3[%add3A_2763] : memref<65536xi32, #tpu.memory_space<hbm>> -> memref<8xi32, #tpu.memory_space<hbm>>
    tpu.wait_dma2 semaphore(%arg20 : memref<!tpu.dma_semaphore, #tpu.memory_space<semaphore_mem>>) src(%dma_wait3A_2865 : memref<8xi32, #tpu.memory_space<hbm>>) dst(%arg13 : memref<8xi32, #tpu.memory_space<vmem>>)
    %dma_wait3A_2866 = arith.constant 0 : i32
    %dma_wait3A_2867 = tpu.memref_slice %arg2[%add3A_2763, %dma_wait3A_2866] : memref<65536x128xf32, #tpu.memory_space<hbm>> -> memref<128x128xf32, #tpu.memory_space<hbm>>
    %dma_wait3A_2868 = arith.constant 0 : i32
    %dma_wait3A_2869 = tpu.memref_slice %arg2[%add3A_2763, %dma_wait3A_2868] : memref<65536x128xf32, #tpu.memory_space<hbm>> -> memref<128x128xf32, #tpu.memory_space<hbm>>
    tpu.wait_dma2 semaphore(%arg20 : memref<!tpu.dma_semaphore, #tpu.memory_space<semaphore_mem>>) src(%dma_wait3A_2869 : memref<128x128xf32, #tpu.memory_space<hbm>>) dst(%arg17 : memref<128x128xf32, #tpu.memory_space<vmem>>)
    %dma_start3A_2870 = arith.constant 0 : i32
    %dma_start3A_2871 = arith.constant 0 : i32
    %dma_start3A_2872 = tpu.memref_slice %arg17[%dma_start3A_2870, %dma_start3A_2871] : memref<128x128xf32, #tpu.memory_space<vmem>> -> memref<8x128xf32, #tpu.memory_space<vmem>>
    %dma_start3A_2873 = arith.constant 0 : i32
    %dma_start3A_2874 = arith.constant 0 : i32
    %dma_start3A_2875 = tpu.memref_slice %arg19[%dma_start3A_2873, %dma_start3A_2874] : memref<1024x128xf32, #tpu.memory_space<vmem_shared>> -> memref<1024x128xf32, #tpu.memory_space<vmem_shared>>
    tpu.enqueue_indirect_dma source(%dma_start3A_2872 : memref<8x128xf32, #tpu.memory_space<vmem>>) target(%dma_start3A_2875 : memref<1024x128xf32, #tpu.memory_space<vmem_shared>>) offsets(%arg13 : memref<8xi32, #tpu.memory_space<vmem>>) semaphore(%arg21 : memref<!tpu.dma_semaphore, #tpu.memory_space<semaphore_mem>>) {add = true}
    %get3A_2876 = arith.constant 0 : index
    %get3A_2877 = tpu.vector_load %arg9[%get3A_2876] {strides = array<i32>} : memref<128xi32, #tpu.memory_space<vmem>>, vector<16xi32>,
    tpu.vector_store_idx %arg18[%get3A_2877], %broadcast_in_dim3A_5 {add = true} : memref<1024xf32, #tpu.memory_space<vmem>>[vector<16xi32>], vector<16xf32>,
    %get3A_2878 = arith.constant 16 : index
    %get3A_2879 = tpu.vector_load %arg9[%get3A_2878] {strides = array<i32>} : memref<128xi32, #tpu.memory_space<vmem>>, vector<16xi32>,
    tpu.vector_store_idx %arg18[%get3A_2879], %broadcast_in_dim3A_5 {add = true} : memref<1024xf32, #tpu.memory_space<vmem>>[vector<16xi32>], vector<16xf32>,
    %get3A_2880 = arith.constant 32 : index
    %get3A_2881 = tpu.vector_load %arg9[%get3A_2880] {strides = array<i32>} : memref<128xi32, #tpu.memory_space<vmem>>, vector<16xi32>,
    tpu.vector_store_idx %arg18[%get3A_2881], %broadcast_in_dim3A_5 {add = true} : memref<1024xf32, #tpu.memory_space<vmem>>[vector<16xi32>], vector<16xf32>,
    %get3A_2882 = arith.constant 48 : index
    %get3A_2883 = tpu.vector_load %arg9[%get3A_2882] {strides = array<i32>} : memref<128xi32, #tpu.memory_space<vmem>>, vector<16xi32>,
    tpu.vector_store_idx %arg18[%get3A_2883], %broadcast_in_dim3A_5 {add = true} : memref<1024xf32, #tpu.memory_space<vmem>>[vector<16xi32>], vector<16xf32>,
    %get3A_2884 = arith.constant 64 : index
    %get3A_2885 = tpu.vector_load %arg9[%get3A_2884] {strides = array<i32>} : memref<128xi32, #tpu.memory_space<vmem>>, vector<16xi32>,
    tpu.vector_store_idx %arg18[%get3A_2885], %broadcast_in_dim3A_5 {add = true} : memref<1024xf32, #tpu.memory_space<vmem>>[vector<16xi32>], vector<16xf32>,
    %get3A_2886 = arith.constant 80 : index
    %get3A_2887 = tpu.vector_load %arg9[%get3A_2886] {strides = array<i32>} : memref<128xi32, #tpu.memory_space<vmem>>, vector<16xi32>,
    tpu.vector_store_idx %arg18[%get3A_2887], %broadcast_in_dim3A_5 {add = true} : memref<1024xf32, #tpu.memory_space<vmem>>[vector<16xi32>], vector<16xf32>,
    %get3A_2888 = arith.constant 96 : index
    %get3A_2889 = tpu.vector_load %arg9[%get3A_2888] {strides = array<i32>} : memref<128xi32, #tpu.memory_space<vmem>>, vector<16xi32>,
    tpu.vector_store_idx %arg18[%get3A_2889], %broadcast_in_dim3A_5 {add = true} : memref<1024xf32, #tpu.memory_space<vmem>>[vector<16xi32>], vector<16xf32>,
    %get3A_2890 = arith.constant 112 : index
    %get3A_2891 = tpu.vector_load %arg9[%get3A_2890] {strides = array<i32>} : memref<128xi32, #tpu.memory_space<vmem>>, vector<16xi32>,
    tpu.vector_store_idx %arg18[%get3A_2891], %broadcast_in_dim3A_5 {add = true} : memref<1024xf32, #tpu.memory_space<vmem>>[vector<16xi32>], vector<16xf32>,
    %dma_wait3A_2892 = arith.constant 0 : i32
    %dma_wait3A_2893 = arith.constant 0 : i32
    %dma_wait3A_2894 = tpu.memref_slice %arg14[%dma_wait3A_2892, %dma_wait3A_2893] : memref<128x128xf32, #tpu.memory_space<vmem>> -> memref<8x128xf32, #tpu.memory_space<vmem>>
    %dma_wait3A_2895 = arith.constant 0 : i32
    %dma_wait3A_2896 = arith.constant 0 : i32
    %dma_wait3A_2897 = tpu.memref_slice %arg19[%dma_wait3A_2895, %dma_wait3A_2896] : memref<1024x128xf32, #tpu.memory_space<vmem_shared>> -> memref<1024x128xf32, #tpu.memory_space<vmem_shared>>
    tpu.wait_indirect_dma semaphore(%arg21 : memref<!tpu.dma_semaphore, #tpu.memory_space<semaphore_mem>>) src(%dma_wait3A_2894 : memref<8x128xf32, #tpu.memory_space<vmem>>) dst(%dma_wait3A_2897 : memref<1024x128xf32, #tpu.memory_space<vmem_shared>>)
    %dma_wait3A_2898 = arith.constant 0 : i32
    %dma_wait3A_2899 = arith.constant 0 : i32
    %dma_wait3A_2900 = tpu.memref_slice %arg15[%dma_wait3A_2898, %dma_wait3A_2899] : memref<128x128xf32, #tpu.memory_space<vmem>> -> memref<8x128xf32, #tpu.memory_space<vmem>>
    %dma_wait3A_2901 = arith.constant 0 : i32
    %dma_wait3A_2902 = arith.constant 0 : i32
    %dma_wait3A_2903 = tpu.memref_slice %arg19[%dma_wait3A_2901, %dma_wait3A_2902] : memref<1024x128xf32, #tpu.memory_space<vmem_shared>> -> memref<1024x128xf32, #tpu.memory_space<vmem_shared>>
    tpu.wait_indirect_dma semaphore(%arg21 : memref<!tpu.dma_semaphore, #tpu.memory_space<semaphore_mem>>) src(%dma_wait3A_2900 : memref<8x128xf32, #tpu.memory_space<vmem>>) dst(%dma_wait3A_2903 : memref<1024x128xf32, #tpu.memory_space<vmem_shared>>)
    %dma_wait3A_2904 = arith.constant 0 : i32
    %dma_wait3A_2905 = arith.constant 0 : i32
    %dma_wait3A_2906 = tpu.memref_slice %arg16[%dma_wait3A_2904, %dma_wait3A_2905] : memref<128x128xf32, #tpu.memory_space<vmem>> -> memref<8x128xf32, #tpu.memory_space<vmem>>
    %dma_wait3A_2907 = arith.constant 0 : i32
    %dma_wait3A_2908 = arith.constant 0 : i32
    %dma_wait3A_2909 = tpu.memref_slice %arg19[%dma_wait3A_2907, %dma_wait3A_2908] : memref<1024x128xf32, #tpu.memory_space<vmem_shared>> -> memref<1024x128xf32, #tpu.memory_space<vmem_shared>>
    tpu.wait_indirect_dma semaphore(%arg21 : memref<!tpu.dma_semaphore, #tpu.memory_space<semaphore_mem>>) src(%dma_wait3A_2906 : memref<8x128xf32, #tpu.memory_space<vmem>>) dst(%dma_wait3A_2909 : memref<1024x128xf32, #tpu.memory_space<vmem_shared>>)
    %dma_wait3A_2910 = arith.constant 0 : i32
    %dma_wait3A_2911 = arith.constant 0 : i32
    %dma_wait3A_2912 = tpu.memref_slice %arg17[%dma_wait3A_2910, %dma_wait3A_2911] : memref<128x128xf32, #tpu.memory_space<vmem>> -> memref<8x128xf32, #tpu.memory_space<vmem>>
    %dma_wait3A_2913 = arith.constant 0 : i32
    %dma_wait3A_2914 = arith.constant 0 : i32
    %dma_wait3A_2915 = tpu.memref_slice %arg19[%dma_wait3A_2913, %dma_wait3A_2914] : memref<1024x128xf32, #tpu.memory_space<vmem_shared>> -> memref<1024x128xf32, #tpu.memory_space<vmem_shared>>
    tpu.wait_indirect_dma semaphore(%arg21 : memref<!tpu.dma_semaphore, #tpu.memory_space<semaphore_mem>>) src(%dma_wait3A_2912 : memref<8x128xf32, #tpu.memory_space<vmem>>) dst(%dma_wait3A_2915 : memref<1024x128xf32, #tpu.memory_space<vmem_shared>>)
    %barrier3A_2916 = arith.constant 0 : index
    tpu.barrier barrier_id(%barrier3A_2916)
    %mul3A_2917 = arith.constant 1024 : i32
    %mul3A_2918 = arith.muli %arg0, %mul3A_2917 : i32
    %mul3A_2919 = arith.constant 64 : i32
    %mul3A_2920 = arith.muli %arg1, %mul3A_2919 : i32
    %add3A_2921 = arith.addi %mul3A_2918, %mul3A_2920 : i32
    %mul3A_2922 = arith.constant 64 : i32
    %mul3A_2923 = arith.muli %arg1, %mul3A_2922 : i32
    "tpu.region"() ({
      %run_scoped3A = tpu.sem_alloc : memref<!tpu.dma_semaphore, #tpu.memory_space<semaphore_mem>>
      %dma_start3A_2924 = arith.constant 0 : i32
      %dma_start3A_2925 = tpu.memref_slice %arg4[%add3A_2921, %dma_start3A_2924] : memref<2048x128xf32, #tpu.memory_space<hbm>> -> memref<64x128xf32, #tpu.memory_space<hbm>>
      %dma_start3A_2926 = arith.constant 0 : i32
      %dma_start3A_2927 = tpu.memref_slice %arg19[%mul3A_2923, %dma_start3A_2926] : memref<1024x128xf32, #tpu.memory_space<vmem_shared>> -> memref<64x128xf32, #tpu.memory_space<vmem_shared>>
      tpu.enqueue_dma source(%dma_start3A_2927 : memref<64x128xf32, #tpu.memory_space<vmem_shared>>) target(%dma_start3A_2925 : memref<64x128xf32, #tpu.memory_space<hbm>>) target_semaphore(%run_scoped3A : memref<!tpu.dma_semaphore, #tpu.memory_space<semaphore_mem>>)
      %dma_wait3A_2928 = arith.constant 0 : i32
      %dma_wait3A_2929 = tpu.memref_slice %arg4[%add3A_2921, %dma_wait3A_2928] : memref<2048x128xf32, #tpu.memory_space<hbm>> -> memref<64x128xf32, #tpu.memory_space<hbm>>
      %dma_wait3A_2930 = arith.constant 0 : i32
      %dma_wait3A_2931 = tpu.memref_slice %arg19[%mul3A_2923, %dma_wait3A_2930] : memref<1024x128xf32, #tpu.memory_space<vmem_shared>> -> memref<64x128xf32, #tpu.memory_space<vmem_shared>>
      tpu.wait_dma2 semaphore(%run_scoped3A : memref<!tpu.dma_semaphore, #tpu.memory_space<semaphore_mem>>) src(%dma_wait3A_2931 : memref<64x128xf32, #tpu.memory_space<vmem_shared>>) dst(%dma_wait3A_2929 : memref<64x128xf32, #tpu.memory_space<hbm>>)
      tpu.yield
    }) : () -> ()
    "tpu.region"() ({
      %run_scoped3A = tpu.sem_alloc : memref<!tpu.dma_semaphore, #tpu.memory_space<semaphore_mem>>
      %dma_start3A_2924 = arith.constant 0 : i32
      %dma_start3A_2925 = tpu.memref_slice %arg5[%add3A, %dma_start3A_2924] : memref<32x1024xf32, #tpu.memory_space<hbm>> -> memref<1x1024xf32, #tpu.memory_space<hbm>>
      %dma_start3A_2926 = tpu.memref_squeeze %dma_start3A_2925 : memref<1x1024xf32, #tpu.memory_space<hbm>> -> memref<1024xf32, #tpu.memory_space<hbm>>
      %dma_start3A_2927 = arith.constant 0 : i32
      %dma_start3A_2928 = tpu.memref_slice %arg5[%add3A, %dma_start3A_2927] : memref<32x1024xf32, #tpu.memory_space<hbm>> -> memref<1x1024xf32, #tpu.memory_space<hbm>>
      %dma_start3A_2929 = tpu.memref_squeeze %dma_start3A_2928 : memref<1x1024xf32, #tpu.memory_space<hbm>> -> memref<1024xf32, #tpu.memory_space<hbm>>
      tpu.enqueue_dma source(%arg18 : memref<1024xf32, #tpu.memory_space<vmem>>) target(%dma_start3A_2929 : memref<1024xf32, #tpu.memory_space<hbm>>) target_semaphore(%run_scoped3A : memref<!tpu.dma_semaphore, #tpu.memory_space<semaphore_mem>>)
      %dma_wait3A_2930 = arith.constant 0 : i32
      %dma_wait3A_2931 = tpu.memref_slice %arg5[%add3A, %dma_wait3A_2930] : memref<32x1024xf32, #tpu.memory_space<hbm>> -> memref<1x1024xf32, #tpu.memory_space<hbm>>
      %dma_wait3A_2932 = tpu.memref_squeeze %dma_wait3A_2931 : memref<1x1024xf32, #tpu.memory_space<hbm>> -> memref<1024xf32, #tpu.memory_space<hbm>>
      %dma_wait3A_2933 = arith.constant 0 : i32
      %dma_wait3A_2934 = tpu.memref_slice %arg5[%add3A, %dma_wait3A_2933] : memref<32x1024xf32, #tpu.memory_space<hbm>> -> memref<1x1024xf32, #tpu.memory_space<hbm>>
      %dma_wait3A_2935 = tpu.memref_squeeze %dma_wait3A_2934 : memref<1x1024xf32, #tpu.memory_space<hbm>> -> memref<1024xf32, #tpu.memory_space<hbm>>
      tpu.wait_dma2 semaphore(%run_scoped3A : memref<!tpu.dma_semaphore, #tpu.memory_space<semaphore_mem>>) src(%arg18 : memref<1024xf32, #tpu.memory_space<vmem>>) dst(%dma_wait3A_2935 : memref<1024xf32, #tpu.memory_space<hbm>>)
      tpu.yield
    }) : () -> ()
    return
  }
}

module attributes {stable_mosaic.version = 14 : i64} {
  func.func @_tc_body(%arg0: memref<2048x128xf32, #tpu.memory_space<vmem>>, %arg1: memref<32x1024xf32, #tpu.memory_space<vmem>>, %arg2: memref<1x1xf32, #tpu.memory_space<vmem>>) attributes {dimension_semantics = [], scalar_prefetch = 0 : i64, scratch_operands = 0 : i64, tpu.core_type = #tpu.core_type<tc>} {
    %get3A = arith.constant 0 : index
    %get3A_0 = arith.constant 0 : index
    %get3A_1 = vector.load %arg0[%get3A, %get3A_0] : memref<2048x128xf32, #tpu.memory_space<vmem>>, vector<2048x128xf32>
    %slice3A = vector.extract_strided_slice %get3A_1 {offsets = [0, 0], sizes = [1024, 128], strides = [1, 1]} : vector<2048x128xf32> to vector<1024x128xf32>
    %slice3A_2 = vector.extract_strided_slice %get3A_1 {offsets = [1024, 0], sizes = [1024, 128], strides = [1, 1]} : vector<2048x128xf32> to vector<1024x128xf32>
    %add3A = arith.addf %slice3A, %slice3A_2 : vector<1024x128xf32>
    %get3A_3 = arith.constant 0 : index
    %get3A_4 = arith.constant 0 : index
    %get3A_5 = vector.load %arg1[%get3A_3, %get3A_4] : memref<32x1024xf32, #tpu.memory_space<vmem>>, vector<32x1024xf32>
    %reduce_sum3A = arith.constant dense<0.000000e+00> : vector<1024xf32>
    %reduce_sum3A_6 = vector.multi_reduction <add>, %get3A_5, %reduce_sum3A [0] : vector<32x1024xf32> to vector<1024xf32>
    %broadcast_in_dim3A = vector.shape_cast %reduce_sum3A_6 : vector<1024xf32> to vector<1024x1xf32>
    %reduce_sum3A_7 = arith.constant dense<0.000000e+00> : vector<128xf32>
    %reduce_sum3A_8 = vector.multi_reduction <add>, %add3A, %reduce_sum3A_7 [0] : vector<1024x128xf32> to vector<128xf32>
    %broadcast_in_dim3A_9 = vector.shape_cast %reduce_sum3A_8 : vector<128xf32> to vector<1x128xf32>
    %gt3A = arith.constant 0.000000e+00 : f32
    %gt3A_10 = vector.broadcast %gt3A : f32 to vector<1024x1xf32>
    %gt3A_11 = arith.cmpf ogt, %broadcast_in_dim3A, %gt3A_10 : vector<1024x1xf32>
    %jit3A = arith.constant 1.000000e+00 : f32
    %broadcast_in_dim3A_12 = vector.broadcast %jit3A : f32 to vector<1024x1xf32>
    %select_n3A = arith.select %gt3A_11, %broadcast_in_dim3A, %broadcast_in_dim3A_12 : vector<1024x1xi1>, vector<1024x1xf32>
    %div3A = vector.broadcast %select_n3A : vector<1024x1xf32> to vector<1024x128xf32>
    %div3A_13 = arith.divf %add3A, %div3A : vector<1024x128xf32>
    %sub3A = vector.broadcast %broadcast_in_dim3A_9 : vector<1x128xf32> to vector<1024x128xf32>
    %sub3A_14 = arith.subf %sub3A, %add3A : vector<1024x128xf32>
    %sub3A_15 = arith.constant 6.553600e+04 : f32
    %sub3A_16 = vector.broadcast %sub3A_15 : f32 to vector<1024x1xf32>
    %sub3A_17 = arith.subf %sub3A_16, %select_n3A : vector<1024x1xf32>
    %div3A_18 = vector.broadcast %sub3A_17 : vector<1024x1xf32> to vector<1024x128xf32>
    %div3A_19 = arith.divf %sub3A_14, %div3A_18 : vector<1024x128xf32>
    %sub3A_20 = arith.subf %div3A_13, %div3A_19 : vector<1024x128xf32>
    %add3A_21 = arith.constant 9.99999997E-7 : f32
    %add3A_22 = vector.broadcast %add3A_21 : f32 to vector<1024x128xf32>
    %add3A_23 = arith.addf %sub3A_20, %add3A_22 : vector<1024x128xf32>
    %mul3A = arith.mulf %add3A_23, %add3A_23 : vector<1024x128xf32>
    %reduce_sum3A_24 = arith.constant dense<0.000000e+00> : vector<1024xf32>
    %reduce_sum3A_25 = vector.multi_reduction <add>, %mul3A, %reduce_sum3A_24 [1] : vector<1024x128xf32> to vector<1024xf32>
    %broadcast_in_dim3A_26 = vector.shape_cast %reduce_sum3A_25 : vector<1024xf32> to vector<1024x1xf32>
    %sqrt3A = math.sqrt %broadcast_in_dim3A_26 : vector<1024x1xf32>
    %sub3A_27 = arith.constant 1.000000e+00 : f32
    %sub3A_28 = vector.broadcast %sub3A_27 : f32 to vector<1024x1xf32>
    %sub3A_29 = arith.subf %sub3A_28, %sqrt3A : vector<1024x1xf32>
    %max3A = arith.constant 0.000000e+00 : f32
    %max3A_30 = vector.broadcast %max3A : f32 to vector<1024x1xf32>
    %max3A_31 = arith.maximumf %sub3A_29, %max3A_30 : vector<1024x1xf32>
    %square3A = arith.mulf %max3A_31, %max3A_31 : vector<1024x1xf32>
    %gt3A_32 = arith.constant 0.000000e+00 : f32
    %gt3A_33 = vector.broadcast %gt3A_32 : f32 to vector<1024x1xf32>
    %gt3A_34 = arith.cmpf ogt, %broadcast_in_dim3A, %gt3A_33 : vector<1024x1xf32>
    %mul3A_35 = arith.mulf %broadcast_in_dim3A, %square3A : vector<1024x1xf32>
    %jit3A_36 = arith.constant 0.000000e+00 : f32
    %broadcast_in_dim3A_37 = vector.broadcast %jit3A_36 : f32 to vector<1024x1xf32>
    %select_n3A_38 = arith.select %gt3A_34, %mul3A_35, %broadcast_in_dim3A_37 : vector<1024x1xi1>, vector<1024x1xf32>
    %reduce_sum3A_39 = vector.shape_cast %select_n3A_38 : vector<1024x1xf32> to vector<1x1024x1xf32>
    %reduce_sum3A_40 = arith.constant dense<0.000000e+00> : vector<1xf32>
    %reduce_sum3A_41 = vector.multi_reduction <add>, %reduce_sum3A_39, %reduce_sum3A_40 [1, 2] : vector<1x1024x1xf32> to vector<1xf32>
    %reduce_sum3A_42 = vector.shape_cast %reduce_sum3A_41 : vector<1xf32> to vector<1x1x1xf32>
    %reduce_sum3A_43 = vector.extract %reduce_sum3A_42[0, 0, 0] : f32 from vector<1x1x1xf32>
    %div3A_44 = arith.constant 6.553600e+04 : f32
    %div3A_45 = arith.divf %reduce_sum3A_43, %div3A_44 : f32
    %reshape3A = vector.broadcast %div3A_45 : f32 to vector<1x1xf32>
    %swap3A = arith.constant 0 : index
    %swap3A_46 = arith.constant 0 : index
    %swap3A_47 = vector.load %arg2[%swap3A, %swap3A_46] : memref<1x1xf32, #tpu.memory_space<vmem>>, vector<1x1xf32>
    tpu.vector_store %arg2[%swap3A, %swap3A_46], %reshape3A {strides = array<i32>} : memref<1x1xf32, #tpu.memory_space<vmem>>, vector<1x1xf32>,
    return
  }
}

</mosaic_0001>

<sc_bundles>
// kernel: kernel.4.cloned.1.call-start
scs
__scs_entry_jumppad:
0x0: {  	(pc) =	sbr.rel $0x88, $3  }
0x1: {  	(tag) =	ssettag $0x0;
	lr =	simm.s32 $0x1  }
0x2: {  	[smem:$0x3F9F] =	sst lr;
	_ =	strace $0xD0000000  }
0x3: {  	_ = 	snop  }
0x4: {  	_ = 	snop  }
0x5: {  	_ = 	snop  }
0x6: {  	_ = 	snop  }
0x7: {  	_ = 	snop  }
__scs_overlays_trampoline_lowered:
0x8: {  	[smem:$0x3FAE] =	sst s0  }
0x9: {  	[smem:$0x3FAF] =	sst s1  }
0xa: {  	[smem:$0x3FB0] =	sst s2  }
0xb: {  	[smem:$0x3FB1] =	sst s3  }
0xc: {  	[smem:$0x3FB2] =	sst s4  }
0xd: {  	[smem:$0x3FB3] =	sst s5  }
0xe: {  	[smem:$0x3FB4] =	sst s6  }
0xf: {  	[smem:$0x3FB5] =	sst s7  }
0x10: {  	[smem:$0x3FB6] =	sst s8  }
0x11: {  	[smem:$0x3FB7] =	sst s9;
	s0 =	simm.s32 @!p0 $0x0  }
0x12: {  	s1 =	sld [smem:$0x3F9D];
	s0 =	simm.s32 @p0 $0x1  }
0x13: {  	[smem:$0x3FB8] =	sst s0;
	s0 =	simm.s32 @!p1 $0x0  }
0x14: {  	s2 =	sld [smem:$0x3F9C];
	s0 =	simm.s32 @p1 $0x1  }
0x15: {  	[smem:$0x3FB9] =	sst s0;
	s0 =	simm.s32 @!p2 $0x0  }
0x16: {  	s3 =	sld [smem:$0x3FDB];
	s0 =	simm.s32 @p2 $0x1  }
0x17: {  	s4 =	simm.s32 $0x1BF5;
	[smem:$0x3FBB] =	sst s0  }
0x18: {  	s0 =	sld [smem:$0x3F9E];
	_ =	swait.ge [sflag:s4], $0x0  }
0x19: {  	s7 =	sld [smem:$0x3F9F]  }
0x1a: {  	s8 =	sadd.s32 $0xFFFFE003, lr  }
0x1b: {  	s9 =	sadd.s32 $0xFFFFFEF7, lr;
	s5 =	simm.s32 $0xFFFFFFFF;
	p2 =	slt.u32 s8, $0xFFFFF086  }
0x1c: {  	p1 =	slt.u32 s9, $0xF7A;
	s5 =	simm.s32 @!p2 $0x0  }
0x1d: {  	s5 =	simm.s32 @p1 $0x1;
	p0 =	seq.s32 s7, s2  }
0x1e: {  	s7 =	smul.u32 @!p0 $0xF7A, s2;
	p2 =	seq.s32 @!p0 s5, $0x0  }
0x1f: {  	s9 =	smul.u32 $0xF7A, s1;
	s8 =	simm.s32 @!p0 $0x1BF5;
	p2 =	por !p2, p0  }
0x20: {  	[sflag:s8] =	ssyncset.s32 @!p0 $0xFFFFF086;
	s6 =	sadd.s32 @!p0 s3, s7;
	s7 =	simm.s32 @!p0 $0x108  }
0x21: {  	s3 =	sadd.s32 s3, s9;
	s6 =	sadd.s32 @!p0 $0x88, s6;
	s7 =	simm.s32 @p2 $0x1082  }
0x22: {  	[simem:s7], [sflag:s8] =	dma.local @!p0 [hbm:s6], $0xF7A  }
0x23: {  	s9 =	sor.u32 $0xD0000000, s2;
	s6 =	simm.s32 $0x108;
	_ =	swait.ge @!p0 [sflag:s8], $0x0  }
0x24: {  	s3 =	sadd.s32 $0x88, s3;
	s6 =	simm.s32 @!p1 $0x1082;
	[sflag:s4] =	ssyncset.s32 $0xFFFFF086  }
0x25: {  	[simem:s6], [sflag:s4] =	dma.local [hbm:s3], $0xF7A  }
0x26: {  	[smem:$0x3F9F] =	sst s1;
	(tag) =	ssettag s2;
	_ =	strace s9  }
0x27: {  	s1 =	sld [smem:$0x3FAF]  }
0x28: {  	s2 =	sld [smem:$0x3FB0]  }
0x29: {  	s4 =	sld [smem:$0x3FB2]  }
0x2a: {  	p0 =	seq.s32 s5, $0x0;
	s5 =	sld [smem:$0x3FB3]  }
0x2b: {  	s6 =	sld [smem:$0x3FB4]  }
0x2c: {  	s7 =	sld [smem:$0x3FB5]  }
0x2d: {  	s3 =	simm.s32 $0x108;
	s8 =	sld [smem:$0x3FB6]  }
0x2e: {  	s3 =	simm.s32 @!p0 $0x1082;
	s9 =	sld [smem:$0x3FB7]  }
0x2f: {  	lr =	sadd.s32 s0, s3;
	s0 =	sld [smem:$0x3FAE]  }
0x30: {  	s3 =	sld [smem:$0x3FB1]  }
0x31: {  	[smem:$0x3FBA] =	sst s10  }
0x32: {  	s10 =	sld [smem:$0x3FB8];
	_ =	sdelay $0x3  }
0x33: {  	p0 =	seq.s32 s10, $0x1;
	s10 =	sld [smem:$0x3FBA];
	_ =	sdelay $0x3  }
0x34: {  	[smem:$0x3FBA] =	sst s10  }
0x35: {  	s10 =	sld [smem:$0x3FB9];
	_ =	sdelay $0x3  }
0x36: {  	p1 =	seq.s32 s10, $0x1;
	s10 =	sld [smem:$0x3FBA];
	_ =	sdelay $0x3  }
0x37: {  	[smem:$0x3FBA] =	sst s10  }
0x38: {  	s10 =	sld [smem:$0x3FBB]  }
0x39: {  	_ = 	snop;
	(pc) =	sbr.ind lr, $3  }
0x3a: {  	_ = 	snop  }
0x3b: {  	_ = 	snop  }
0x3c: {  	p2 =	seq.s32 s10, $0x1;
	s10 =	sld [smem:$0x3FBA]  }
0x3d: {  	_ =	shalt  }
0x3e: {  	_ =	shalt  }
0x3f: {  	_ =	shalt  }
0x40: {  	_ =	shalt  }
0x41: {  	_ =	shalt  }
0x42: {  	_ =	shalt  }
0x43: {  	_ =	shalt  }
0x44: {  	_ =	shalt  }
0x45: {  	_ =	shalt  }
0x46: {  	_ =	shalt  }
0x47: {  	_ =	shalt  }
0x48: {  	_ =	shalt  }
0x49: {  	_ =	shalt  }
0x4a: {  	_ =	shalt  }
0x4b: {  	_ =	shalt  }
0x4c: {  	_ =	shalt  }
0x4d: {  	_ =	shalt  }
0x4e: {  	_ =	shalt  }
0x4f: {  	_ =	shalt  }
0x50: {  	_ =	shalt  }
0x51: {  	_ =	shalt  }
0x52: {  	_ =	shalt  }
0x53: {  	_ =	shalt  }
0x54: {  	_ =	shalt  }
0x55: {  	_ =	shalt  }
0x56: {  	_ =	shalt  }
0x57: {  	_ =	shalt  }
0x58: {  	_ =	shalt  }
0x59: {  	_ =	shalt  }
0x5a: {  	_ =	shalt  }
0x5b: {  	_ =	shalt  }
0x5c: {  	_ =	shalt  }
0x5d: {  	_ =	shalt  }
0x5e: {  	_ =	shalt  }
0x5f: {  	_ =	shalt  }
0x60: {  	_ =	shalt  }
0x61: {  	_ =	shalt  }
0x62: {  	_ =	shalt  }
0x63: {  	_ =	shalt  }
0x64: {  	_ =	shalt  }
0x65: {  	_ =	shalt  }
0x66: {  	_ =	shalt  }
0x67: {  	_ =	shalt  }
0x68: {  	_ =	shalt  }
0x69: {  	_ =	shalt  }
0x6a: {  	_ =	shalt  }
0x6b: {  	_ =	shalt  }
0x6c: {  	_ =	shalt  }
0x6d: {  	_ =	shalt  }
0x6e: {  	_ =	shalt  }
0x6f: {  	_ =	shalt  }
0x70: {  	_ =	shalt  }
0x71: {  	_ =	shalt  }
0x72: {  	_ =	shalt  }
0x73: {  	_ =	shalt  }
0x74: {  	_ =	shalt  }
0x75: {  	_ =	shalt  }
0x76: {  	_ =	shalt  }
0x77: {  	_ =	shalt  }
0x78: {  	_ =	shalt  }
0x79: {  	_ =	shalt  }
0x7a: {  	_ =	shalt  }
0x7b: {  	_ =	shalt  }
0x7c: {  	_ =	shalt  }
0x7d: {  	_ =	shalt  }
0x7e: {  	_ =	shalt  }
0x7f: {  	_ =	shalt  }
0x80: {  	_ =	shalt  }
0x81: {  	_ =	shalt  }
0x82: {  	_ =	shalt  }
0x83: {  	_ =	shalt  }
0x84: {  	_ =	shalt  }
0x85: {  	_ =	shalt  }
0x86: {  	_ =	shalt  }
0x87: {  	_ =	shalt  }
.Lfunc_end0:
.L_simem_size_0:
called_computation_lowered:
.L_overlay_start_0:
0x88: {  	s2 =	sld [smem:$0x3FD9]  }
0x89: {  	s3 =	sld [smem:$0x3FFE];
	_ =	sdelay $0x1  }
0x8a: {  	s1 =	srdreg.scid  }
0x8b: {  	s0 =	sand.u32 $0x1, s1  }
0x8c: {  	s17 =	sshll.u32 s0, $0xA;
	s2 =	sadd.s32 s3, s2  }
0x8d: {  	s2 =	sadd.s32 s2, s17  }
0x8e: {  	[smem:$0x3FC6] =	sst s2  }
0x8f: {  	_ = 	snop  }
0x90: {  	s2 =	sld [smem:$0x3FC9]  }
0x91: {  	s18 =	sld [smem:$0x3FC8];
	(tm) =	ssettm $0x1  }
0x92: {  	s4 =	sld [smem:$0x3FFB];
	_ =	sdelay $0x3  }
0x93: {  	_ =	strace s4  }
0x94: {  	s4 =	sld [smem:$0x3FFC];
	_ =	sdelay $0x3  }
0x95: {  	_ =	strace s4  }
0x96: {  	s4 =	sld [smem:$0x3FFD];
	_ =	sdelay $0x3  }
0x97: {  	_ =	strace s4  }
0x98: {  	_ =	strace $0x8FFFFFFF  }
0x99: {  	s19 =	sld [smem:$0x3FDB];
	_ =	sdelay $0x1  }
0x9a: {  	s5 =	simm.s32 $_scs_section_size  }
0x9b: {  	s6 =	simm.s32 $_size__tile_overlayer_lowered;
	s7 =	simm.s32 $_tile_overlayer_lowered  }
0x9c: {  	s22 =	simm.s32 $0x1BFF;
	s21 =	sshll.u32 s7, $0x1;
	s4 =	sadd.s32 s5, s19  }
0x9d: {  	s8 =	simm.s32 $0x0;
	s20 =	sshll.u32 s6, $0x1;
	s6 =	sadd.s32 s21, s4  }
0x9e: {  	[timem:s8], [sflag:s22] =	dma.local [hbm:s6], s20  }
0x9f: {  	_ =	swait.ge [sflag:s22], s20  }
0xa0: {  	s5 =	ssub.s32 $0x0, s20;
	[sflag:s22] =	ssyncset.done $0x0  }
0xa1: {  	[sflag:s22] =	ssyncadd.s32 s5;
	_ =	sdelay $0x1  }
0xa2: {  	s23 =	simm.s32 $0x1B8B  }
0xa3: {  	_ =	swait.ge [sflag:s23], $0x1  }
0xa4: {  	[sflag:s23] =	ssyncset.done $0x0  }
0xa5: {  	s25 =	simm.s32 $0x1B8E;
	s24 =	sld [smem:$0x3FFE];
	[sflag:s23] =	ssyncadd.s32 $0xFFFFFFFF  }
0xa6: {  	s26 =	simm.s32 $execute0_lowered;
	[smem:$0x3FD2] =	sst s25  }
0xa7: {  	s6 =	sshll.u32 s26, $0x1;
	_ =	strace $0x80000046;
	[dreg:$0x1] =	wrdreg $0xFFFFFFFF  }
0xa8: {  	s28 =	simm.s32 $_size_execute0_lowered;
	s4 =	sadd.s32 s4, s6;
	[dreg:$0x0] =	wrdreg $0x0  }
0xa9: {  	s6 =	sshll.u32 s28, $0x1;
	[dreg:$0x2] =	wrdreg s4  }
0xaa: {  	[dreg:$0x3] =	wrdreg s6  }
0xab: {  	[dreg:$0x4] =	wrdreg $0xC0  }
0xac: {  	_ =	task [dreg:s8], $0x5FFFF  }
0xad: {  	[dreg:$0x1] =	wrdreg $0xFFFFFFFF  }
0xae: {  	[dreg:$0x0] =	wrdreg $0x60  }
0xaf: {  	[dreg:$0x2] =	wrdreg s2  }
0xb0: {  	[dreg:$0x3] =	wrdreg s18  }
0xb1: {  	[dreg:$0x4] =	wrdreg s24  }
0xb2: {  	[dreg:$0x5] =	wrdreg $0x108000  }
0xb3: {  	[dreg:$0x6] =	wrdreg $0x9  }
0xb4: {  	_ =	task.clear_ibuf [dreg:s8], $0x7FFFF;
	_ =	strace $0x90000046  }
0xb5: {  	s29 =	simm.s32 $0x9;
	_ =	strace $0x80000048  }
0xb6: {  	_ =	swait.ge [sflag:s29], $0x1  }
0xb7: {  	[sflag:s29] =	ssyncadd.s32 $0xFFFFFFFF  }
0xb8: {  	_ =	strace $0x90000048  }
0xb9: {  	_ =	sfence  }
0xba: {  	s30 =	sld [smem:$0x0];
	_ =	sdelay $0x2  }
0xbb: {  	s31 =	sshll.u32 s1, $0xD;
	s1 =	sshrl.u32 s1, $0x2  }
0xbc: {  	s3 =	sand.u32 $0x4000, s31;
	s1 =	sadd.s32 s1, s30  }
0xbd: {  	s0 =	sor.u32 s3, s0;
	s1 =	sshll.u32 s1, $0x11  }
0xbe: {  	s0 =	sor.u32 s1, s0  }
0xbf: {  	s0 =	sadd.s32 $0x8F2B, s0  }
0xc0: {  	[sflag:s0] =	ssyncadd.remote.s32 $0x1  }
0xc1: {  	_ =	sfence.sel $0xFFFF  }
0xc2: {  	[dreg:$0x0] =	wrdreg $0xFFFFFFFF;
	(pc) =	sbr.abs _section_cstart, $3  }
0xc3: {  	[dreg:$0x1] =	wrdreg $0xFFFFFFFF  }
0xc4: {  	_ =	task.clear_ibuf [dreg:s8], $0x2FFFF;
	_ =	strace $0x9FFFFFFF  }
0xc5: {  	(tm) =	ssettm $0x7FFFFFFF  }
tec
execute0_lowered:
.L_overlay_start_1:
0x0: {  	(tag) =	ssettag $0x1  }
0x1: {  	s6 =	rddreg [dreg:$0x0]  }
0x2: {  	s0 =	rddreg [dreg:$0x1]  }
0x3: {  	s5 =	rddreg [dreg:$0x2]  }
0x4: {  	s1 =	srdreg.scid;
	s2 =	rddreg [dreg:$0x3]  }
0x5: {  	s26 =	stileid.u32;
	s3 =	simm.s32 $0x0;
	s4 =	sand.u32 $0x1, s1  }
0x6: {  	s28 =	simm.s32 $0x4400;
	s29 =	simm.s32 $0x100;
	s1 =	sshll.u32 s4, $0x4  }
0x7: {  	s30 =	simm.s32 $0x300;
	s31 =	simm.s32 $0x8400;
	s1 =	sor.u32 s26, s1  }
0x8: {  	[smem:$0x7FF] =	sst s3;
	s14 =	sshll.u32 s1, $0xB;
	s8 =	sshll.u32 s1, $0xF  }
0x9: {  	_ =	strace $0x80000047;
	s7 =	sor.u32 $0x80, s14;
	s9 =	sadd.s32 s6, s8  }
0xa: {  	s8 =	sor.u32 $0x100, s14;
	s10 =	sshll.u32 s7, $0x4;
	[dreg:$0x5] =	wrdreg s9  }
0xb: {  	s12 =	sshll.u32 s8, $0x4;
	s9 =	sor.u32 $0x200, s14;
	s11 =	sadd.s32 s6, s10  }
0xc: {  	s13 =	sadd.s32 s6, s12;
	s10 =	sor.u32 $0x180, s14;
	[dreg:$0x6] =	wrdreg s11  }
0xd: {  	[dreg:$0x7] =	wrdreg s13;
	s11 =	sshll.u32 s10, $0x4;
	s13 =	sshll.u32 s9, $0x4  }
0xe: {  	s12 =	sadd.s32 s6, s11;
	s11 =	sor.u32 $0x280, s14;
	s15 =	sadd.s32 s6, s13  }
0xf: {  	s13 =	sor.u32 $0x300, s14;
	[dreg:$0x8] =	wrdreg s12;
	s16 =	sshll.u32 s11, $0x4  }
0x10: {  	[dreg:$0x9] =	wrdreg s15;
	s15 =	sshll.u32 s13, $0x4;
	s17 =	sadd.s32 s6, s16  }
0x11: {  	s12 =	sor.u32 $0x380, s14;
	s15 =	sadd.s32 s6, s15;
	[dreg:$0xa] =	wrdreg s17  }
0x12: {  	s16 =	sshll.u32 s12, $0x4;
	s17 =	sor.u32 $0x400, s14;
	[dreg:$0xb] =	wrdreg s15  }
0x13: {  	s18 =	sadd.s32 s6, s16;
	s16 =	sor.u32 $0x480, s14;
	s19 =	sshll.u32 s17, $0x4  }
0x14: {  	[dreg:$0xc] =	wrdreg s18;
	s21 =	sshll.u32 s16, $0x4;
	s18 =	sor.u32 $0x500, s14  }
0x15: {  	s16 =	sshrl.u32 s16, $0x3;
	s20 =	sadd.s32 s6, s19;
	s15 =	sadd.s32 s6, s21  }
0x16: {  	s19 =	sshll.u32 s18, $0x4;
	s21 =	sor.u32 $0x680, s14;
	[dreg:$0xd] =	wrdreg s20  }
0x17: {  	s20 =	sor.u32 $0x580, s14;
	[dreg:$0xe] =	wrdreg s15;
	s22 =	sadd.s32 s6, s19  }
0x18: {  	s19 =	sor.u32 $0x600, s14;
	s23 =	sshll.u32 s20, $0x4;
	[dreg:$0xf] =	wrdreg s22  }
0x19: {  	s25 =	sshll.u32 s19, $0x4;
	s22 =	sshll.u32 s21, $0x4;
	s24 =	sadd.s32 s6, s23  }
0x1a: {  	s21 =	sshrl.u32 s21, $0x3;
	s15 =	sadd.s32 s6, s25;
	[dreg:$0x10] =	wrdreg s24  }
0x1b: {  	s23 =	sor.u32 $0x700, s14;
	s22 =	sadd.s32 s6, s22;
	[dreg:$0x11] =	wrdreg s15  }
0x1c: {  	s24 =	sshll.u32 s23, $0x4;
	[dreg:$0x12] =	wrdreg s22;
	s22 =	sor.u32 $0x780, s14  }
0x1d: {  	s14 =	sshll.u32 s26, $0xA;
	s23 =	sshrl.u32 s23, $0x3;
	s25 =	sadd.s32 s6, s24  }
0x1e: {  	s24 =	sshll.u32 s22, $0x4;
	s14 =	sadd.s32 s14, s5;
	[dreg:$0x13] =	wrdreg s25  }
0x1f: {  	s6 =	sadd.s32 s6, s24;
	s25 =	sshll.u32 s26, $0x4;
	s24 =	ssub.s32 $0x2, s4  }
0x20: {  	s4 =	sshll.u32 s4, $0xE;
	s15 =	sand.u32 $0x70, s25;
	s25 =	sshrl.u32 s24, $0x1  }
0x21: {  	[dreg:$0x14] =	wrdreg s6;
	s4 =	sadd.s32 s4, s14;
	s14 =	sshrl.u32 s7, $0x3  }
0x22: {  	s5 =	sadd.s32 s15, s5;
	s24 =	ssub.s32 s24, s25;
	s15 =	sshll.u32 s26, $0xD  }
0x23: {  	s25 =	sshll.u32 s1, $0x8;
	s1 =	sshll.u32 s1, $0x7;
	s4 =	sadd.s32 $0xC00, s4  }
0x24: {  	s6 =	sadd.s32 s15, s2;
	s26 =	sadd.s32 s0, s25;
	s15 =	sshrl.u32 s8, $0x3  }
0x25: {  	s25 =	sshrl.u32 s10, $0x3;
	s8 =	sshrl.u32 s9, $0x3;
	[dreg:$0x15] =	wrdreg s4  }
0x26: {  	s9 =	sshrl.u32 s11, $0x3;
	s10 =	sshrl.u32 s13, $0x3;
	[dreg:$0x17] =	wrdreg s6  }
0x27: {  	s1 =	sand.u32 $0xC00, s1;
	s4 =	simm.s32 $0xC400;
	[dreg:$0x18] =	wrdreg s26  }
0x28: {  	s6 =	sadd.s32 s0, s14;
	s26 =	sadd.s32 s0, s15;
	s7 =	sadd.s32 s0, s25  }
0x29: {  	s11 =	sadd.s32 s0, s9;
	s13 =	sadd.s32 s0, s10;
	s14 =	sshrl.u32 s12, $0x3  }
0x2a: {  	s15 =	sshrl.u32 s17, $0x3;
	s17 =	sshrl.u32 s18, $0x3;
	s18 =	sshrl.u32 s20, $0x3  }
0x2b: {  	s20 =	sshrl.u32 s19, $0x3;
	s19 =	sadd.s32 s0, s23;
	[dreg:$0x19] =	wrdreg s6  }
0x2c: {  	s25 =	sshrl.u32 s22, $0x3;
	s1 =	sadd.s32 s1, s5;
	[dreg:$0x1a] =	wrdreg s26  }
0x2d: {  	s22 =	simm.s32 $0x400;
	s23 =	simm.s32 $0x3;
	[dreg:$0x1b] =	wrdreg s7  }
0x2e: {  	s5 =	simm.s32 $0x1;
	s6 =	sadd.s32 s0, s8;
	[dreg:$0x1d] =	wrdreg s11  }
0x2f: {  	[dreg:$0x1e] =	wrdreg s13;
	s12 =	sadd.s32 s0, s14;
	s13 =	sadd.s32 s0, s15  }
0x30: {  	s14 =	sadd.s32 s0, s16;
	s15 =	sadd.s32 s0, s17;
	s16 =	sadd.s32 s0, s18  }
0x31: {  	s17 =	sadd.s32 s0, s20;
	s18 =	sadd.s32 s0, s21;
	s20 =	sadd.s32 s0, s25  }
0x32: {  	s26 =	sadd.s32 $0x8C00, s1;
	s21 =	smax.u32 s24, $0x1;
	s24 =	simm.s32 $0x200  }
0x33: {  	s25 =	simm.s32 $0x80;
	s0 =	simm.s32 $0x180;
	s1 =	simm.s32 $0x380  }
0x34: {  	s7 =	simm.s32 $0x10400;
	s8 =	simm.s32 $0x2;
	[dreg:$0x1c] =	wrdreg s6  }
0x35: {  	v0 =	vimm.f32 $0.0e+00;
	v1 =	vimm.f32 $1.000000000e+00;
	[dreg:$0x16] =	wrdreg s26;
	s26 =	simm.s32 $0x280;
	s6 =	simm.s32 $0x8  }
.LBB2_1:
0x36: {  	[tilespmem:$0x10400] =	vst v0  }
0x37: {  	[tilespmem:$0x10410] =	vst v0  }
0x38: {  	[tilespmem:$0x10420] =	vst v0  }
0x39: {  	[tilespmem:$0x10430] =	vst v0  }
0x3a: {  	[tilespmem:$0x10440] =	vst v0  }
0x3b: {  	[tilespmem:$0x10450] =	vst v0  }
0x3c: {  	[tilespmem:$0x10460] =	vst v0  }
0x3d: {  	[tilespmem:$0x10470] =	vst v0  }
0x3e: {  	[tilespmem:$0x10480] =	vst v0  }
0x3f: {  	[tilespmem:$0x10490] =	vst v0  }
0x40: {  	[tilespmem:$0x104A0] =	vst v0  }
0x41: {  	[tilespmem:$0x104B0] =	vst v0  }
0x42: {  	[tilespmem:$0x104C0] =	vst v0  }
0x43: {  	[tilespmem:$0x104D0] =	vst v0  }
0x44: {  	[tilespmem:$0x104E0] =	vst v0  }
0x45: {  	[tilespmem:$0x104F0] =	vst v0  }
0x46: {  	[tilespmem:$0x10500] =	vst v0  }
0x47: {  	[tilespmem:$0x10510] =	vst v0  }
0x48: {  	[tilespmem:$0x10520] =	vst v0  }
0x49: {  	[tilespmem:$0x10530] =	vst v0  }
0x4a: {  	[tilespmem:$0x10540] =	vst v0  }
0x4b: {  	[tilespmem:$0x10550] =	vst v0  }
0x4c: {  	[tilespmem:$0x10560] =	vst v0  }
0x4d: {  	[tilespmem:$0x10570] =	vst v0  }
0x4e: {  	[tilespmem:$0x10580] =	vst v0  }
0x4f: {  	[tilespmem:$0x10590] =	vst v0  }
0x50: {  	[tilespmem:$0x105A0] =	vst v0  }
0x51: {  	[tilespmem:$0x105B0] =	vst v0  }
0x52: {  	[tilespmem:$0x105C0] =	vst v0  }
0x53: {  	[tilespmem:$0x105D0] =	vst v0  }
0x54: {  	[tilespmem:$0x105E0] =	vst v0  }
0x55: {  	[tilespmem:$0x105F0] =	vst v0  }
0x56: {  	[tilespmem:$0x10600] =	vst v0  }
0x57: {  	[tilespmem:$0x10610] =	vst v0  }
0x58: {  	[tilespmem:$0x10620] =	vst v0  }
0x59: {  	[tilespmem:$0x10630] =	vst v0  }
0x5a: {  	[tilespmem:$0x10640] =	vst v0  }
0x5b: {  	[tilespmem:$0x10650] =	vst v0  }
0x5c: {  	[tilespmem:$0x10660] =	vst v0  }
0x5d: {  	[tilespmem:$0x10670] =	vst v0  }
0x5e: {  	[tilespmem:$0x10680] =	vst v0  }
0x5f: {  	[tilespmem:$0x10690] =	vst v0  }
0x60: {  	[tilespmem:$0x106A0] =	vst v0  }
0x61: {  	[tilespmem:$0x106B0] =	vst v0  }
0x62: {  	[tilespmem:$0x106C0] =	vst v0  }
0x63: {  	[tilespmem:$0x106D0] =	vst v0  }
0x64: {  	[tilespmem:$0x106E0] =	vst v0  }
0x65: {  	[tilespmem:$0x106F0] =	vst v0  }
0x66: {  	[tilespmem:$0x10700] =	vst v0  }
0x67: {  	[tilespmem:$0x10710] =	vst v0  }
0x68: {  	[tilespmem:$0x10720] =	vst v0  }
0x69: {  	[tilespmem:$0x10730] =	vst v0  }
0x6a: {  	[tilespmem:$0x10740] =	vst v0  }
0x6b: {  	[tilespmem:$0x10750] =	vst v0  }
0x6c: {  	[tilespmem:$0x10760] =	vst v0  }
0x6d: {  	[tilespmem:$0x10770] =	vst v0  }
0x6e: {  	[tilespmem:$0x10780] =	vst v0  }
0x6f: {  	[tilespmem:$0x10790] =	vst v0  }
0x70: {  	[tilespmem:$0x107A0] =	vst v0  }
0x71: {  	[tilespmem:$0x107B0] =	vst v0  }
0x72: {  	[tilespmem:$0x107C0] =	vst v0  }
0x73: {  	[tilespmem:$0x107D0] =	vst v0  }
0x74: {  	[tilespmem:$0x107E0] =	vst v0  }
0x75: {  	[tilespmem:$0x107F0] =	vst v0  }
0x76: {  	[tilespmem:$0x400] =	vst v0  }
0x77: {  	[tilespmem:$0x410] =	vst v0  }
0x78: {  	[tilespmem:$0x420] =	vst v0  }
0x79: {  	[tilespmem:$0x430] =	vst v0  }
0x7a: {  	[tilespmem:$0x440] =	vst v0  }
0x7b: {  	[tilespmem:$0x450] =	vst v0  }
0x7c: {  	[tilespmem:$0x460] =	vst v0  }
0x7d: {  	[tilespmem:$0x470] =	vst v0  }
0x7e: {  	[tilespmem:$0x480] =	vst v0  }
0x7f: {  	[tilespmem:$0x490] =	vst v0  }
0x80: {  	[tilespmem:$0x4A0] =	vst v0  }
0x81: {  	[tilespmem:$0x4B0] =	vst v0  }
0x82: {  	[tilespmem:$0x4C0] =	vst v0  }
0x83: {  	[tilespmem:$0x4D0] =	vst v0  }
0x84: {  	[tilespmem:$0x4E0] =	vst v0  }
0x85: {  	[tilespmem:$0x4F0] =	vst v0  }
0x86: {  	[tilespmem:$0x500] =	vst v0  }
0x87: {  	[tilespmem:$0x510] =	vst v0  }
0x88: {  	[tilespmem:$0x520] =	vst v0  }
0x89: {  	[tilespmem:$0x530] =	vst v0  }
0x8a: {  	[tilespmem:$0x540] =	vst v0  }
0x8b: {  	[tilespmem:$0x550] =	vst v0  }
0x8c: {  	[tilespmem:$0x560] =	vst v0  }
0x8d: {  	[tilespmem:$0x570] =	vst v0  }
0x8e: {  	[tilespmem:$0x580] =	vst v0  }
0x8f: {  	[tilespmem:$0x590] =	vst v0  }
0x90: {  	[tilespmem:$0x5A0] =	vst v0  }
0x91: {  	[tilespmem:$0x5B0] =	vst v0  }
0x92: {  	[tilespmem:$0x5C0] =	vst v0  }
0x93: {  	[tilespmem:$0x5D0] =	vst v0  }
0x94: {  	[tilespmem:$0x5E0] =	vst v0  }
0x95: {  	[tilespmem:$0x5F0] =	vst v0  }
0x96: {  	[tilespmem:$0x600] =	vst v0  }
0x97: {  	[tilespmem:$0x610] =	vst v0  }
0x98: {  	[tilespmem:$0x620] =	vst v0  }
0x99: {  	[tilespmem:$0x630] =	vst v0  }
0x9a: {  	[tilespmem:$0x640] =	vst v0  }
0x9b: {  	[tilespmem:$0x650] =	vst v0  }
0x9c: {  	[tilespmem:$0x660] =	vst v0  }
0x9d: {  	[tilespmem:$0x670] =	vst v0  }
0x9e: {  	[tilespmem:$0x680] =	vst v0  }
0x9f: {  	[tilespmem:$0x690] =	vst v0  }
0xa0: {  	[tilespmem:$0x6A0] =	vst v0  }
0xa1: {  	[tilespmem:$0x6B0] =	vst v0  }
0xa2: {  	[tilespmem:$0x6C0] =	vst v0  }
0xa3: {  	[tilespmem:$0x6D0] =	vst v0  }
0xa4: {  	[tilespmem:$0x6E0] =	vst v0  }
0xa5: {  	[tilespmem:$0x6F0] =	vst v0  }
0xa6: {  	[tilespmem:$0x700] =	vst v0  }
0xa7: {  	[tilespmem:$0x710] =	vst v0  }
0xa8: {  	[tilespmem:$0x720] =	vst v0  }
0xa9: {  	[tilespmem:$0x730] =	vst v0  }
0xaa: {  	[tilespmem:$0x740] =	vst v0  }
0xab: {  	[tilespmem:$0x750] =	vst v0  }
0xac: {  	[tilespmem:$0x760] =	vst v0  }
0xad: {  	[tilespmem:$0x770] =	vst v0  }
0xae: {  	[tilespmem:$0x780] =	vst v0  }
0xaf: {  	[tilespmem:$0x790] =	vst v0  }
0xb0: {  	[tilespmem:$0x7A0] =	vst v0  }
0xb1: {  	[tilespmem:$0x7B0] =	vst v0  }
0xb2: {  	[tilespmem:$0x7C0] =	vst v0  }
0xb3: {  	[tilespmem:$0x7D0] =	vst v0  }
0xb4: {  	[tilespmem:$0x7E0] =	vst v0  }
0xb5: {  	[tilespmem:$0x7F0] =	vst v0  }
0xb6: {  	[tilespmem:$0x800] =	vst v0  }
0xb7: {  	[tilespmem:$0x810] =	vst v0  }
0xb8: {  	[tilespmem:$0x820] =	vst v0  }
0xb9: {  	[tilespmem:$0x830] =	vst v0  }
0xba: {  	[tilespmem:$0x840] =	vst v0  }
0xbb: {  	[tilespmem:$0x850] =	vst v0  }
0xbc: {  	[tilespmem:$0x860] =	vst v0  }
0xbd: {  	[tilespmem:$0x870] =	vst v0  }
0xbe: {  	[tilespmem:$0x880] =	vst v0  }
0xbf: {  	[tilespmem:$0x890] =	vst v0  }
0xc0: {  	[tilespmem:$0x8A0] =	vst v0  }
0xc1: {  	[tilespmem:$0x8B0] =	vst v0  }
0xc2: {  	[tilespmem:$0x8C0] =	vst v0  }
0xc3: {  	[tilespmem:$0x8D0] =	vst v0  }
0xc4: {  	[tilespmem:$0x8E0] =	vst v0  }
0xc5: {  	[tilespmem:$0x8F0] =	vst v0  }
0xc6: {  	[tilespmem:$0x900] =	vst v0  }
0xc7: {  	[tilespmem:$0x910] =	vst v0  }
0xc8: {  	[tilespmem:$0x920] =	vst v0  }
0xc9: {  	[tilespmem:$0x930] =	vst v0  }
0xca: {  	[tilespmem:$0x940] =	vst v0  }
0xcb: {  	[tilespmem:$0x950] =	vst v0  }
0xcc: {  	[tilespmem:$0x960] =	vst v0  }
0xcd: {  	[tilespmem:$0x970] =	vst v0  }
0xce: {  	[tilespmem:$0x980] =	vst v0  }
0xcf: {  	[tilespmem:$0x990] =	vst v0  }
0xd0: {  	[tilespmem:$0x9A0] =	vst v0  }
0xd1: {  	[tilespmem:$0x9B0] =	vst v0  }
0xd2: {  	[tilespmem:$0x9C0] =	vst v0  }
0xd3: {  	[tilespmem:$0x9D0] =	vst v0  }
0xd4: {  	[tilespmem:$0x9E0] =	vst v0  }
0xd5: {  	[tilespmem:$0x9F0] =	vst v0  }
0xd6: {  	[tilespmem:$0xA00] =	vst v0  }
0xd7: {  	[tilespmem:$0xA10] =	vst v0  }
0xd8: {  	[tilespmem:$0xA20] =	vst v0  }
0xd9: {  	[tilespmem:$0xA30] =	vst v0  }
0xda: {  	[tilespmem:$0xA40] =	vst v0  }
0xdb: {  	[tilespmem:$0xA50] =	vst v0  }
0xdc: {  	[tilespmem:$0xA60] =	vst v0  }
0xdd: {  	[tilespmem:$0xA70] =	vst v0  }
0xde: {  	[tilespmem:$0xA80] =	vst v0  }
0xdf: {  	[tilespmem:$0xA90] =	vst v0  }
0xe0: {  	[tilespmem:$0xAA0] =	vst v0  }
0xe1: {  	[tilespmem:$0xAB0] =	vst v0  }
0xe2: {  	[tilespmem:$0xAC0] =	vst v0  }
0xe3: {  	[tilespmem:$0xAD0] =	vst v0  }
0xe4: {  	[tilespmem:$0xAE0] =	vst v0  }
0xe5: {  	[tilespmem:$0xAF0] =	vst v0  }
0xe6: {  	[tilespmem:$0xB00] =	vst v0  }
0xe7: {  	[tilespmem:$0xB10] =	vst v0  }
0xe8: {  	[tilespmem:$0xB20] =	vst v0  }
0xe9: {  	[tilespmem:$0xB30] =	vst v0  }
0xea: {  	[tilespmem:$0xB40] =	vst v0  }
0xeb: {  	[tilespmem:$0xB50] =	vst v0  }
0xec: {  	[tilespmem:$0xB60] =	vst v0  }
0xed: {  	[tilespmem:$0xB70] =	vst v0  }
0xee: {  	[tilespmem:$0xB80] =	vst v0  }
0xef: {  	[tilespmem:$0xB90] =	vst v0  }
0xf0: {  	[tilespmem:$0xBA0] =	vst v0  }
0xf1: {  	[tilespmem:$0xBB0] =	vst v0  }
0xf2: {  	[tilespmem:$0xBC0] =	vst v0  }
0xf3: {  	[tilespmem:$0xBD0] =	vst v0  }
0xf4: {  	[tilespmem:$0xBE0] =	vst v0  }
0xf5: {  	[tilespmem:$0xBF0] =	vst v0  }
0xf6: {  	[tilespmem:$0xC00] =	vst v0  }
0xf7: {  	[tilespmem:$0xC10] =	vst v0  }
0xf8: {  	[tilespmem:$0xC20] =	vst v0  }
0xf9: {  	[tilespmem:$0xC30] =	vst v0  }
0xfa: {  	[tilespmem:$0xC40] =	vst v0  }
0xfb: {  	[tilespmem:$0xC50] =	vst v0  }
0xfc: {  	[tilespmem:$0xC60] =	vst v0  }
0xfd: {  	[tilespmem:$0xC70] =	vst v0  }
0xfe: {  	[tilespmem:$0xC80] =	vst v0  }
0xff: {  	[tilespmem:$0xC90] =	vst v0  }
0x100: {  	[tilespmem:$0xCA0] =	vst v0  }
0x101: {  	[tilespmem:$0xCB0] =	vst v0  }
0x102: {  	[tilespmem:$0xCC0] =	vst v0  }
0x103: {  	[tilespmem:$0xCD0] =	vst v0  }
0x104: {  	[tilespmem:$0xCE0] =	vst v0  }
0x105: {  	[tilespmem:$0xCF0] =	vst v0  }
0x106: {  	[tilespmem:$0xD00] =	vst v0  }
0x107: {  	[tilespmem:$0xD10] =	vst v0  }
0x108: {  	[tilespmem:$0xD20] =	vst v0  }
0x109: {  	[tilespmem:$0xD30] =	vst v0  }
0x10a: {  	[tilespmem:$0xD40] =	vst v0  }
0x10b: {  	[tilespmem:$0xD50] =	vst v0  }
0x10c: {  	[tilespmem:$0xD60] =	vst v0  }
0x10d: {  	[tilespmem:$0xD70] =	vst v0  }
0x10e: {  	[tilespmem:$0xD80] =	vst v0  }
0x10f: {  	[tilespmem:$0xD90] =	vst v0  }
0x110: {  	[tilespmem:$0xDA0] =	vst v0  }
0x111: {  	[tilespmem:$0xDB0] =	vst v0  }
0x112: {  	[tilespmem:$0xDC0] =	vst v0  }
0x113: {  	[tilespmem:$0xDD0] =	vst v0  }
0x114: {  	[tilespmem:$0xDE0] =	vst v0  }
0x115: {  	[tilespmem:$0xDF0] =	vst v0  }
0x116: {  	[tilespmem:$0xE00] =	vst v0  }
0x117: {  	[tilespmem:$0xE10] =	vst v0  }
0x118: {  	[tilespmem:$0xE20] =	vst v0  }
0x119: {  	[tilespmem:$0xE30] =	vst v0  }
0x11a: {  	[tilespmem:$0xE40] =	vst v0  }
0x11b: {  	[tilespmem:$0xE50] =	vst v0  }
0x11c: {  	[tilespmem:$0xE60] =	vst v0  }
0x11d: {  	[tilespmem:$0xE70] =	vst v0  }
0x11e: {  	[tilespmem:$0xE80] =	vst v0  }
0x11f: {  	[tilespmem:$0xE90] =	vst v0  }
0x120: {  	[tilespmem:$0xEA0] =	vst v0  }
0x121: {  	[tilespmem:$0xEB0] =	vst v0  }
0x122: {  	[tilespmem:$0xEC0] =	vst v0  }
0x123: {  	[tilespmem:$0xED0] =	vst v0  }
0x124: {  	[tilespmem:$0xEE0] =	vst v0  }
0x125: {  	[tilespmem:$0xEF0] =	vst v0  }
0x126: {  	[tilespmem:$0xF00] =	vst v0  }
0x127: {  	[tilespmem:$0xF10] =	vst v0  }
0x128: {  	[tilespmem:$0xF20] =	vst v0  }
0x129: {  	[tilespmem:$0xF30] =	vst v0  }
0x12a: {  	[tilespmem:$0xF40] =	vst v0  }
0x12b: {  	[tilespmem:$0xF50] =	vst v0  }
0x12c: {  	[tilespmem:$0xF60] =	vst v0  }
0x12d: {  	[tilespmem:$0xF70] =	vst v0  }
0x12e: {  	[tilespmem:$0xF80] =	vst v0  }
0x12f: {  	[tilespmem:$0xF90] =	vst v0  }
0x130: {  	[tilespmem:$0xFA0] =	vst v0  }
0x131: {  	[tilespmem:$0xFB0] =	vst v0  }
0x132: {  	[tilespmem:$0xFC0] =	vst v0  }
0x133: {  	[tilespmem:$0xFD0] =	vst v0  }
0x134: {  	[tilespmem:$0xFE0] =	vst v0  }
0x135: {  	[tilespmem:$0xFF0] =	vst v0  }
0x136: {  	[tilespmem:$0x1000] =	vst v0  }
0x137: {  	[tilespmem:$0x1010] =	vst v0  }
0x138: {  	[tilespmem:$0x1020] =	vst v0  }
0x139: {  	[tilespmem:$0x1030] =	vst v0  }
0x13a: {  	[tilespmem:$0x1040] =	vst v0  }
0x13b: {  	[tilespmem:$0x1050] =	vst v0  }
0x13c: {  	[tilespmem:$0x1060] =	vst v0  }
0x13d: {  	[tilespmem:$0x1070] =	vst v0  }
0x13e: {  	[tilespmem:$0x1080] =	vst v0  }
0x13f: {  	[tilespmem:$0x1090] =	vst v0  }
0x140: {  	[tilespmem:$0x10A0] =	vst v0  }
0x141: {  	[tilespmem:$0x10B0] =	vst v0  }
0x142: {  	[tilespmem:$0x10C0] =	vst v0  }
0x143: {  	[tilespmem:$0x10D0] =	vst v0  }
0x144: {  	[tilespmem:$0x10E0] =	vst v0  }
0x145: {  	[tilespmem:$0x10F0] =	vst v0  }
0x146: {  	[tilespmem:$0x1100] =	vst v0  }
0x147: {  	[tilespmem:$0x1110] =	vst v0  }
0x148: {  	[tilespmem:$0x1120] =	vst v0  }
0x149: {  	[tilespmem:$0x1130] =	vst v0  }
0x14a: {  	[tilespmem:$0x1140] =	vst v0  }
0x14b: {  	[tilespmem:$0x1150] =	vst v0  }
0x14c: {  	[tilespmem:$0x1160] =	vst v0  }
0x14d: {  	[tilespmem:$0x1170] =	vst v0  }
0x14e: {  	[tilespmem:$0x1180] =	vst v0  }
0x14f: {  	[tilespmem:$0x1190] =	vst v0  }
0x150: {  	[tilespmem:$0x11A0] =	vst v0  }
0x151: {  	[tilespmem:$0x11B0] =	vst v0  }
0x152: {  	[tilespmem:$0x11C0] =	vst v0  }
0x153: {  	[tilespmem:$0x11D0] =	vst v0  }
0x154: {  	[tilespmem:$0x11E0] =	vst v0  }
0x155: {  	[tilespmem:$0x11F0] =	vst v0  }
0x156: {  	[tilespmem:$0x1200] =	vst v0  }
0x157: {  	[tilespmem:$0x1210] =	vst v0  }
0x158: {  	[tilespmem:$0x1220] =	vst v0  }
0x159: {  	[tilespmem:$0x1230] =	vst v0  }
0x15a: {  	[tilespmem:$0x1240] =	vst v0  }
0x15b: {  	[tilespmem:$0x1250] =	vst v0  }
0x15c: {  	[tilespmem:$0x1260] =	vst v0  }
0x15d: {  	[tilespmem:$0x1270] =	vst v0  }
0x15e: {  	[tilespmem:$0x1280] =	vst v0  }
0x15f: {  	[tilespmem:$0x1290] =	vst v0  }
0x160: {  	[tilespmem:$0x12A0] =	vst v0  }
0x161: {  	[tilespmem:$0x12B0] =	vst v0  }
0x162: {  	[tilespmem:$0x12C0] =	vst v0  }
0x163: {  	[tilespmem:$0x12D0] =	vst v0  }
0x164: {  	[tilespmem:$0x12E0] =	vst v0  }
0x165: {  	[tilespmem:$0x12F0] =	vst v0  }
0x166: {  	[tilespmem:$0x1300] =	vst v0  }
0x167: {  	[tilespmem:$0x1310] =	vst v0  }
0x168: {  	[tilespmem:$0x2240] =	vst v0  }
0x169: {  	[tilespmem:$0x2230] =	vst v0  }
0x16a: {  	[tilespmem:$0x2220] =	vst v0  }
0x16b: {  	[tilespmem:$0x2210] =	vst v0  }
0x16c: {  	[tilespmem:$0x2200] =	vst v0  }
0x16d: {  	[tilespmem:$0x21F0] =	vst v0  }
0x16e: {  	[tilespmem:$0x21E0] =	vst v0  }
0x16f: {  	[tilespmem:$0x21D0] =	vst v0  }
0x170: {  	[tilespmem:$0x22C0] =	vst v0  }
0x171: {  	[tilespmem:$0x22B0] =	vst v0  }
0x172: {  	[tilespmem:$0x22A0] =	vst v0  }
0x173: {  	[tilespmem:$0x2290] =	vst v0  }
0x174: {  	[tilespmem:$0x2280] =	vst v0  }
0x175: {  	[tilespmem:$0x2270] =	vst v0  }
0x176: {  	[tilespmem:$0x2260] =	vst v0  }
0x177: {  	[tilespmem:$0x2250] =	vst v0  }
0x178: {  	[tilespmem:$0x1320] =	vst v0  }
0x179: {  	[tilespmem:$0x1330] =	vst v0  }
0x17a: {  	[tilespmem:$0x1340] =	vst v0  }
0x17b: {  	[tilespmem:$0x1350] =	vst v0  }
0x17c: {  	[tilespmem:$0x1360] =	vst v0  }
0x17d: {  	[tilespmem:$0x1370] =	vst v0  }
0x17e: {  	[tilespmem:$0x1380] =	vst v0  }
0x17f: {  	[tilespmem:$0x1390] =	vst v0  }
0x180: {  	[tilespmem:$0x13A0] =	vst v0  }
0x181: {  	[tilespmem:$0x13B0] =	vst v0  }
0x182: {  	[tilespmem:$0x13C0] =	vst v0  }
0x183: {  	[tilespmem:$0x13D0] =	vst v0  }
0x184: {  	[tilespmem:$0x13E0] =	vst v0  }
0x185: {  	[tilespmem:$0x13F0] =	vst v0  }
0x186: {  	[tilespmem:$0x1400] =	vst v0  }
0x187: {  	[tilespmem:$0x1410] =	vst v0  }
0x188: {  	[tilespmem:$0x1420] =	vst v0  }
0x189: {  	[tilespmem:$0x1430] =	vst v0  }
0x18a: {  	[tilespmem:$0x1440] =	vst v0  }
0x18b: {  	[tilespmem:$0x1450] =	vst v0  }
0x18c: {  	[tilespmem:$0x1460] =	vst v0  }
0x18d: {  	[tilespmem:$0x1470] =	vst v0  }
0x18e: {  	[tilespmem:$0x1480] =	vst v0  }
0x18f: {  	[tilespmem:$0x1490] =	vst v0  }
0x190: {  	[tilespmem:$0x14A0] =	vst v0  }
0x191: {  	[tilespmem:$0x14B0] =	vst v0  }
0x192: {  	[tilespmem:$0x14C0] =	vst v0  }
0x193: {  	[tilespmem:$0x14D0] =	vst v0  }
0x194: {  	[tilespmem:$0x14E0] =	vst v0  }
0x195: {  	[tilespmem:$0x14F0] =	vst v0  }
0x196: {  	[tilespmem:$0x1500] =	vst v0  }
0x197: {  	[tilespmem:$0x1510] =	vst v0  }
0x198: {  	[tilespmem:$0x1520] =	vst v0  }
0x199: {  	[tilespmem:$0x1530] =	vst v0  }
0x19a: {  	[tilespmem:$0x1540] =	vst v0  }
0x19b: {  	[tilespmem:$0x1550] =	vst v0  }
0x19c: {  	[tilespmem:$0x1560] =	vst v0  }
0x19d: {  	[tilespmem:$0x1570] =	vst v0  }
0x19e: {  	[tilespmem:$0x1580] =	vst v0  }
0x19f: {  	[tilespmem:$0x1590] =	vst v0  }
0x1a0: {  	[tilespmem:$0x15A0] =	vst v0  }
0x1a1: {  	[tilespmem:$0x15B0] =	vst v0  }
0x1a2: {  	[tilespmem:$0x15C0] =	vst v0  }
0x1a3: {  	[tilespmem:$0x15D0] =	vst v0  }
0x1a4: {  	[tilespmem:$0x15E0] =	vst v0  }
0x1a5: {  	[tilespmem:$0x15F0] =	vst v0  }
0x1a6: {  	[tilespmem:$0x1600] =	vst v0  }
0x1a7: {  	[tilespmem:$0x1610] =	vst v0  }
0x1a8: {  	[tilespmem:$0x1620] =	vst v0  }
0x1a9: {  	[tilespmem:$0x1630] =	vst v0  }
0x1aa: {  	[tilespmem:$0x1640] =	vst v0  }
0x1ab: {  	[tilespmem:$0x1650] =	vst v0  }
0x1ac: {  	[tilespmem:$0x1660] =	vst v0  }
0x1ad: {  	[tilespmem:$0x1670] =	vst v0  }
0x1ae: {  	[tilespmem:$0x1680] =	vst v0  }
0x1af: {  	[tilespmem:$0x1690] =	vst v0  }
0x1b0: {  	[tilespmem:$0x16A0] =	vst v0  }
0x1b1: {  	[tilespmem:$0x16B0] =	vst v0  }
0x1b2: {  	[tilespmem:$0x16C0] =	vst v0  }
0x1b3: {  	[tilespmem:$0x16D0] =	vst v0  }
0x1b4: {  	[tilespmem:$0x16E0] =	vst v0  }
0x1b5: {  	[tilespmem:$0x16F0] =	vst v0  }
0x1b6: {  	[tilespmem:$0x1700] =	vst v0  }
0x1b7: {  	[tilespmem:$0x1710] =	vst v0  }
0x1b8: {  	[tilespmem:$0x1720] =	vst v0  }
0x1b9: {  	[tilespmem:$0x1730] =	vst v0  }
0x1ba: {  	[tilespmem:$0x1740] =	vst v0  }
0x1bb: {  	[tilespmem:$0x1750] =	vst v0  }
0x1bc: {  	[tilespmem:$0x1760] =	vst v0  }
0x1bd: {  	[tilespmem:$0x1770] =	vst v0  }
0x1be: {  	[tilespmem:$0x1780] =	vst v0  }
0x1bf: {  	[tilespmem:$0x1790] =	vst v0  }
0x1c0: {  	[tilespmem:$0x17A0] =	vst v0  }
0x1c1: {  	[tilespmem:$0x17B0] =	vst v0  }
0x1c2: {  	[tilespmem:$0x17C0] =	vst v0  }
0x1c3: {  	[tilespmem:$0x17D0] =	vst v0  }
0x1c4: {  	[tilespmem:$0x17E0] =	vst v0  }
0x1c5: {  	[tilespmem:$0x17F0] =	vst v0  }
0x1c6: {  	[tilespmem:$0x1800] =	vst v0  }
0x1c7: {  	[tilespmem:$0x1810] =	vst v0  }
0x1c8: {  	[tilespmem:$0x1820] =	vst v0  }
0x1c9: {  	[tilespmem:$0x1830] =	vst v0  }
0x1ca: {  	[tilespmem:$0x1840] =	vst v0  }
0x1cb: {  	[tilespmem:$0x1850] =	vst v0  }
0x1cc: {  	[tilespmem:$0x1860] =	vst v0  }
0x1cd: {  	[tilespmem:$0x1870] =	vst v0  }
0x1ce: {  	[tilespmem:$0x1880] =	vst v0  }
0x1cf: {  	[tilespmem:$0x1890] =	vst v0  }
0x1d0: {  	[tilespmem:$0x18A0] =	vst v0  }
0x1d1: {  	[tilespmem:$0x18B0] =	vst v0  }
0x1d2: {  	[tilespmem:$0x18C0] =	vst v0  }
0x1d3: {  	[tilespmem:$0x18D0] =	vst v0  }
0x1d4: {  	[tilespmem:$0x18E0] =	vst v0  }
0x1d5: {  	[tilespmem:$0x18F0] =	vst v0  }
0x1d6: {  	[tilespmem:$0x1900] =	vst v0  }
0x1d7: {  	[tilespmem:$0x1910] =	vst v0  }
0x1d8: {  	[tilespmem:$0x1920] =	vst v0  }
0x1d9: {  	[tilespmem:$0x1930] =	vst v0  }
0x1da: {  	[tilespmem:$0x1940] =	vst v0  }
0x1db: {  	[tilespmem:$0x1950] =	vst v0  }
0x1dc: {  	[tilespmem:$0x1960] =	vst v0  }
0x1dd: {  	[tilespmem:$0x1970] =	vst v0  }
0x1de: {  	[tilespmem:$0x1980] =	vst v0  }
0x1df: {  	[tilespmem:$0x1990] =	vst v0  }
0x1e0: {  	[tilespmem:$0x19A0] =	vst v0  }
0x1e1: {  	[tilespmem:$0x19B0] =	vst v0  }
0x1e2: {  	[tilespmem:$0x19C0] =	vst v0  }
0x1e3: {  	[tilespmem:$0x19D0] =	vst v0  }
0x1e4: {  	[tilespmem:$0x19E0] =	vst v0  }
0x1e5: {  	[tilespmem:$0x19F0] =	vst v0  }
0x1e6: {  	[tilespmem:$0x1A00] =	vst v0  }
0x1e7: {  	[tilespmem:$0x1A10] =	vst v0  }
0x1e8: {  	[tilespmem:$0x1A20] =	vst v0  }
0x1e9: {  	[tilespmem:$0x1A30] =	vst v0  }
0x1ea: {  	[tilespmem:$0x1A40] =	vst v0  }
0x1eb: {  	[tilespmem:$0x1A50] =	vst v0  }
0x1ec: {  	[tilespmem:$0x1A60] =	vst v0  }
0x1ed: {  	[tilespmem:$0x1A70] =	vst v0  }
0x1ee: {  	[tilespmem:$0x1A80] =	vst v0  }
0x1ef: {  	[tilespmem:$0x1A90] =	vst v0  }
0x1f0: {  	[tilespmem:$0x1AA0] =	vst v0  }
0x1f1: {  	[tilespmem:$0x1AB0] =	vst v0  }
0x1f2: {  	[tilespmem:$0x1AC0] =	vst v0  }
0x1f3: {  	[tilespmem:$0x1AD0] =	vst v0  }
0x1f4: {  	[tilespmem:$0x1AE0] =	vst v0  }
0x1f5: {  	[tilespmem:$0x1AF0] =	vst v0  }
0x1f6: {  	[tilespmem:$0x1B00] =	vst v0  }
0x1f7: {  	[tilespmem:$0x1B10] =	vst v0  }
0x1f8: {  	[tilespmem:$0x1B20] =	vst v0  }
0x1f9: {  	[tilespmem:$0x1B30] =	vst v0  }
0x1fa: {  	[tilespmem:$0x1B40] =	vst v0  }
0x1fb: {  	[tilespmem:$0x1B50] =	vst v0  }
0x1fc: {  	[tilespmem:$0x1B60] =	vst v0  }
0x1fd: {  	[tilespmem:$0x1B70] =	vst v0  }
0x1fe: {  	[tilespmem:$0x1B80] =	vst v0  }
0x1ff: {  	[tilespmem:$0x1B90] =	vst v0  }
0x200: {  	[tilespmem:$0x1BA0] =	vst v0  }
0x201: {  	[tilespmem:$0x1BB0] =	vst v0  }
0x202: {  	[tilespmem:$0x1BC0] =	vst v0  }
0x203: {  	[tilespmem:$0x1BD0] =	vst v0  }
0x204: {  	[tilespmem:$0x1BE0] =	vst v0  }
0x205: {  	[tilespmem:$0x1BF0] =	vst v0  }
0x206: {  	[tilespmem:$0x1C00] =	vst v0  }
0x207: {  	[tilespmem:$0x1C10] =	vst v0  }
0x208: {  	[tilespmem:$0x1C20] =	vst v0  }
0x209: {  	[tilespmem:$0x1C30] =	vst v0  }
0x20a: {  	[tilespmem:$0x1C40] =	vst v0  }
0x20b: {  	[tilespmem:$0x1C50] =	vst v0  }
0x20c: {  	[tilespmem:$0x1C60] =	vst v0  }
0x20d: {  	[tilespmem:$0x1C70] =	vst v0  }
0x20e: {  	[tilespmem:$0x1C80] =	vst v0  }
0x20f: {  	[tilespmem:$0x1C90] =	vst v0  }
0x210: {  	[tilespmem:$0x1CA0] =	vst v0  }
0x211: {  	[tilespmem:$0x1CB0] =	vst v0  }
0x212: {  	[tilespmem:$0x1CC0] =	vst v0  }
0x213: {  	[tilespmem:$0x1CD0] =	vst v0  }
0x214: {  	[tilespmem:$0x1CE0] =	vst v0  }
0x215: {  	[tilespmem:$0x1CF0] =	vst v0  }
0x216: {  	[tilespmem:$0x1D00] =	vst v0  }
0x217: {  	[tilespmem:$0x1D10] =	vst v0  }
0x218: {  	[tilespmem:$0x1D20] =	vst v0  }
0x219: {  	[tilespmem:$0x1D30] =	vst v0  }
0x21a: {  	[tilespmem:$0x1D40] =	vst v0  }
0x21b: {  	[tilespmem:$0x1D50] =	vst v0  }
0x21c: {  	[tilespmem:$0x1D60] =	vst v0  }
0x21d: {  	[tilespmem:$0x1D70] =	vst v0  }
0x21e: {  	[tilespmem:$0x1D80] =	vst v0  }
0x21f: {  	[tilespmem:$0x1D90] =	vst v0  }
0x220: {  	[tilespmem:$0x1DA0] =	vst v0  }
0x221: {  	[tilespmem:$0x1DB0] =	vst v0  }
0x222: {  	[tilespmem:$0x1DC0] =	vst v0  }
0x223: {  	[tilespmem:$0x1DD0] =	vst v0  }
0x224: {  	[tilespmem:$0x1DE0] =	vst v0  }
0x225: {  	[tilespmem:$0x1DF0] =	vst v0  }
0x226: {  	[tilespmem:$0x1E00] =	vst v0  }
0x227: {  	[tilespmem:$0x1E10] =	vst v0  }
0x228: {  	[tilespmem:$0x1E20] =	vst v0  }
0x229: {  	[tilespmem:$0x1E30] =	vst v0  }
0x22a: {  	[tilespmem:$0x1E40] =	vst v0  }
0x22b: {  	[tilespmem:$0x1E50] =	vst v0  }
0x22c: {  	[tilespmem:$0x1E60] =	vst v0  }
0x22d: {  	[tilespmem:$0x1E70] =	vst v0  }
0x22e: {  	[tilespmem:$0x1E80] =	vst v0  }
0x22f: {  	[tilespmem:$0x1E90] =	vst v0  }
0x230: {  	[tilespmem:$0x1EA0] =	vst v0  }
0x231: {  	[tilespmem:$0x1EB0] =	vst v0  }
0x232: {  	[tilespmem:$0x1EC0] =	vst v0  }
0x233: {  	[tilespmem:$0x1ED0] =	vst v0  }
0x234: {  	[tilespmem:$0x1EE0] =	vst v0  }
0x235: {  	[tilespmem:$0x1EF0] =	vst v0  }
0x236: {  	[tilespmem:$0x1F00] =	vst v0  }
0x237: {  	[tilespmem:$0x1F10] =	vst v0  }
0x238: {  	[tilespmem:$0x1F20] =	vst v0  }
0x239: {  	[tilespmem:$0x1F30] =	vst v0  }
0x23a: {  	[tilespmem:$0x1F40] =	vst v0  }
0x23b: {  	[tilespmem:$0x1F50] =	vst v0  }
0x23c: {  	[tilespmem:$0x1F60] =	vst v0  }
0x23d: {  	[tilespmem:$0x1F70] =	vst v0  }
0x23e: {  	[tilespmem:$0x1F80] =	vst v0  }
0x23f: {  	[tilespmem:$0x1F90] =	vst v0  }
0x240: {  	[tilespmem:$0x1FA0] =	vst v0  }
0x241: {  	[tilespmem:$0x1FB0] =	vst v0  }
0x242: {  	[tilespmem:$0x1FC0] =	vst v0  }
0x243: {  	[tilespmem:$0x1FD0] =	vst v0  }
0x244: {  	[tilespmem:$0x1FE0] =	vst v0  }
0x245: {  	[tilespmem:$0x1FF0] =	vst v0  }
0x246: {  	[tilespmem:$0x2000] =	vst v0  }
0x247: {  	[tilespmem:$0x2010] =	vst v0  }
0x248: {  	[tilespmem:$0x2020] =	vst v0  }
0x249: {  	[tilespmem:$0x2030] =	vst v0  }
0x24a: {  	[tilespmem:$0x2040] =	vst v0  }
0x24b: {  	[tilespmem:$0x2050] =	vst v0  }
0x24c: {  	[tilespmem:$0x2060] =	vst v0  }
0x24d: {  	[tilespmem:$0x2070] =	vst v0  }
0x24e: {  	[tilespmem:$0x2080] =	vst v0  }
0x24f: {  	[tilespmem:$0x2090] =	vst v0  }
0x250: {  	[tilespmem:$0x20A0] =	vst v0  }
0x251: {  	[tilespmem:$0x20B0] =	vst v0  }
0x252: {  	[tilespmem:$0x20C0] =	vst v0  }
0x253: {  	[tilespmem:$0x20D0] =	vst v0  }
0x254: {  	[tilespmem:$0x20E0] =	vst v0  }
0x255: {  	[tilespmem:$0x20F0] =	vst v0  }
0x256: {  	[tilespmem:$0x2100] =	vst v0  }
0x257: {  	[tilespmem:$0x2110] =	vst v0  }
0x258: {  	[tilespmem:$0x2120] =	vst v0  }
0x259: {  	[tilespmem:$0x2130] =	vst v0  }
0x25a: {  	[tilespmem:$0x2140] =	vst v0  }
0x25b: {  	[tilespmem:$0x2150] =	vst v0  }
0x25c: {  	[tilespmem:$0x2160] =	vst v0  }
0x25d: {  	[tilespmem:$0x2170] =	vst v0  }
0x25e: {  	[tilespmem:$0x2180] =	vst v0  }
0x25f: {  	[tilespmem:$0x2190] =	vst v0  }
0x260: {  	[tilespmem:$0x21A0] =	vst v0  }
0x261: {  	[tilespmem:$0x21B0] =	vst v0  }
0x262: {  	[tilespmem:$0x21C0] =	vst v0  }
0x263: {  	[tilespmem:$0x22D0] =	vst v0  }
0x264: {  	[tilespmem:$0x22E0] =	vst v0  }
0x265: {  	[tilespmem:$0x22F0] =	vst v0  }
0x266: {  	[tilespmem:$0x2300] =	vst v0  }
0x267: {  	[tilespmem:$0x2310] =	vst v0  }
0x268: {  	[tilespmem:$0x2320] =	vst v0  }
0x269: {  	[tilespmem:$0x2330] =	vst v0  }
0x26a: {  	[tilespmem:$0x2340] =	vst v0  }
0x26b: {  	[tilespmem:$0x2350] =	vst v0  }
0x26c: {  	[tilespmem:$0x2360] =	vst v0  }
0x26d: {  	[tilespmem:$0x2370] =	vst v0  }
0x26e: {  	[tilespmem:$0x2380] =	vst v0  }
0x26f: {  	[tilespmem:$0x2390] =	vst v0  }
0x270: {  	[tilespmem:$0x23A0] =	vst v0  }
0x271: {  	[tilespmem:$0x23B0] =	vst v0  }
0x272: {  	[tilespmem:$0x23C0] =	vst v0  }
0x273: {  	[tilespmem:$0x23D0] =	vst v0  }
0x274: {  	[tilespmem:$0x23E0] =	vst v0  }
0x275: {  	[tilespmem:$0x23F0] =	vst v0;
	s11 =	rddreg [dreg:$0x17]  }
0x276: {  	[spmem:s11] =	stream.linear.scatter [tilespmem:s22], [sflag:$0x3], $0x2000, $0x38;
	[tilespmem:$0x12800] =	vst v63  }
0x277: {  	_ =	swait.ge [sflag:s23], $0x2000  }
0x278: {  	[sflag:s23] =	ssyncset.done $0x0  }
0x279: {  	[sflag:s23] =	ssyncadd.s32 $0xFFFFE000  }
0x27a: {  	[bflag:$0x0] =	sbarrier.arrive $0xFFFF  }
0x27b: {  	s10 =	rddreg [dreg:$0x18]  }
0x27c: {  	[tilespmem:s3], [sflag:$0x1] =	stream.linear.gather [hbm4b:s10+s3], $0x80, $0x38;
	[tilespmem:$0x12800] =	vst v63  }
0x27d: {  	_ = 	snop  }
0x27e: {  	[tilespmem:s24], [sflag:$0x1] =	stream.linear.gather [hbm4b:s10+s3], $0x8, $0x38;
	[tilespmem:$0x12800] =	vst v63  }
0x27f: {  	s9 =	rddreg [dreg:$0x5]  }
0x280: {  	[tilespmem:s22], [sflag:$0x1] =	stream.linear.gather [hbm4b:s9+s3], $0x4000, $0x38;
	[tilespmem:$0x12800] =	vst v63  }
0x281: {  	s10 =	rddreg [dreg:$0x19]  }
0x282: {  	[tilespmem:s25], [sflag:$0x1] =	stream.linear.gather [hbm4b:s10+s3], $0x80, $0x38;
	[tilespmem:$0x12800] =	vst v63  }
0x283: {  	_ = 	snop  }
0x284: {  	[tilespmem:s26], [sflag:$0x1] =	stream.linear.gather [hbm4b:s10+s3], $0x8, $0x38;
	[tilespmem:$0x12800] =	vst v63  }
0x285: {  	s9 =	rddreg [dreg:$0x6]  }
0x286: {  	[tilespmem:s28], [sflag:$0x1] =	stream.linear.gather [hbm4b:s9+s3], $0x4000, $0x38;
	[tilespmem:$0x12800] =	vst v63  }
0x287: {  	s10 =	rddreg [dreg:$0x1a]  }
0x288: {  	[tilespmem:s29], [sflag:$0x1] =	stream.linear.gather [hbm4b:s10+s3], $0x80, $0x38;
	[tilespmem:$0x12800] =	vst v63  }
0x289: {  	_ = 	snop  }
0x28a: {  	[tilespmem:s30], [sflag:$0x1] =	stream.linear.gather [hbm4b:s10+s3], $0x8, $0x38;
	[tilespmem:$0x12800] =	vst v63  }
0x28b: {  	s9 =	rddreg [dreg:$0x7]  }
0x28c: {  	[tilespmem:s31], [sflag:$0x1] =	stream.linear.gather [hbm4b:s9+s3], $0x4000, $0x38;
	[tilespmem:$0x12800] =	vst v63  }
0x28d: {  	s10 =	rddreg [dreg:$0x1b]  }
0x28e: {  	[tilespmem:s0], [sflag:$0x1] =	stream.linear.gather [hbm4b:s10+s3], $0x80, $0x38;
	[tilespmem:$0x12800] =	vst v63  }
0x28f: {  	_ = 	snop  }
0x290: {  	[tilespmem:s1], [sflag:$0x1] =	stream.linear.gather [hbm4b:s10+s3], $0x8, $0x38;
	[tilespmem:$0x12800] =	vst v63  }
0x291: {  	s9 =	rddreg [dreg:$0x8]  }
0x292: {  	[tilespmem:s4], [sflag:$0x1] =	stream.linear.gather [hbm4b:s9+s3], $0x4000, $0x38;
	[tilespmem:$0x12800] =	vst v63  }
0x293: {  	_ =	swait.ge [sflag:s5], $0x80  }
0x294: {  	[sflag:s5] =	ssyncset.done $0x0  }
0x295: {  	[sflag:s5] =	ssyncadd.s32 $0xFFFFFF80  }
0x296: {  	_ =	swait.ge [sflag:s5], $0x8  }
0x297: {  	[sflag:s5] =	ssyncset.done $0x0  }
0x298: {  	[sflag:s5] =	ssyncadd.s32 $0xFFFFFFF8  }
0x299: {  	_ =	swait.ge [sflag:s5], $0x4000  }
0x29a: {  	[sflag:s5] =	ssyncset.done $0x0  }
0x29b: {  	[sflag:s5] =	ssyncadd.s32 $0xFFFFC000  }
0x29c: {  	[spmem:s2] =	stream.indirect.scatter.add.f32 [tilespmem:s22], [sflag:$0x2], $0x80, s24, s6, $0xb8;
	[tilespmem:$0x12800] =	vst v63  }
0x29d: {  	v2 =	vld [tilespmem:$0x0];
	_ =	sdelay $0x7  }
0x29e: {  	[tilespmem:v2+s7+$0x0] =	vst.idx.add.f32.msk $0xffff, v1  }
0x29f: {  	v2 =	vld [tilespmem:$0x10];
	_ =	sdelay $0x7  }
0x2a0: {  	[tilespmem:v2+s7+$0x0] =	vst.idx.add.f32.msk $0xffff, v1  }
0x2a1: {  	v2 =	vld [tilespmem:$0x20];
	_ =	sdelay $0x7  }
0x2a2: {  	[tilespmem:v2+s7+$0x0] =	vst.idx.add.f32.msk $0xffff, v1  }
0x2a3: {  	v2 =	vld [tilespmem:$0x30];
	_ =	sdelay $0x7  }
0x2a4: {  	[tilespmem:v2+s7+$0x0] =	vst.idx.add.f32.msk $0xffff, v1  }
0x2a5: {  	v2 =	vld [tilespmem:$0x40];
	_ =	sdelay $0x7  }
0x2a6: {  	[tilespmem:v2+s7+$0x0] =	vst.idx.add.f32.msk $0xffff, v1  }
0x2a7: {  	v2 =	vld [tilespmem:$0x50];
	_ =	sdelay $0x7  }
0x2a8: {  	[tilespmem:v2+s7+$0x0] =	vst.idx.add.f32.msk $0xffff, v1  }
0x2a9: {  	v2 =	vld [tilespmem:$0x60];
	_ =	sdelay $0x7  }
0x2aa: {  	[tilespmem:v2+s7+$0x0] =	vst.idx.add.f32.msk $0xffff, v1  }
0x2ab: {  	v2 =	vld [tilespmem:$0x70];
	_ =	sdelay $0x7  }
0x2ac: {  	[tilespmem:v2+s7+$0x0] =	vst.idx.add.f32.msk $0xffff, v1  }
0x2ad: {  	_ =	swait.ge [sflag:s8], $0x400  }
0x2ae: {  	[sflag:s8] =	ssyncset.done $0x0  }
0x2af: {  	s10 =	rddreg [dreg:$0x1c];
	[sflag:s8] =	ssyncadd.s32 $0xFFFFFC00  }
0x2b0: {  	[tilespmem:s3], [sflag:$0x1] =	stream.linear.gather [hbm4b:s10+s3], $0x80, $0x38;
	[tilespmem:$0x12800] =	vst v63  }
0x2b1: {  	_ = 	snop  }
0x2b2: {  	[tilespmem:s24], [sflag:$0x1] =	stream.linear.gather [hbm4b:s10+s3], $0x8, $0x38;
	[tilespmem:$0x12800] =	vst v63  }
0x2b3: {  	s9 =	rddreg [dreg:$0x9]  }
0x2b4: {  	[tilespmem:s22], [sflag:$0x1] =	stream.linear.gather [hbm4b:s9+s3], $0x4000, $0x38;
	[tilespmem:$0x12800] =	vst v63  }
0x2b5: {  	_ =	swait.ge [sflag:s5], $0x80  }
0x2b6: {  	[sflag:s5] =	ssyncset.done $0x0  }
0x2b7: {  	[sflag:s5] =	ssyncadd.s32 $0xFFFFFF80  }
0x2b8: {  	_ =	swait.ge [sflag:s5], $0x8  }
0x2b9: {  	[sflag:s5] =	ssyncset.done $0x0  }
0x2ba: {  	[sflag:s5] =	ssyncadd.s32 $0xFFFFFFF8  }
0x2bb: {  	_ =	swait.ge [sflag:s5], $0x4000  }
0x2bc: {  	[sflag:s5] =	ssyncset.done $0x0  }
0x2bd: {  	[sflag:s5] =	ssyncadd.s32 $0xFFFFC000  }
0x2be: {  	[spmem:s2] =	stream.indirect.scatter.add.f32 [tilespmem:s28], [sflag:$0x2], $0x80, s26, s6, $0xb8;
	[tilespmem:$0x12800] =	vst v63  }
0x2bf: {  	v2 =	vld [tilespmem:$0x80];
	_ =	sdelay $0x7  }
0x2c0: {  	[tilespmem:v2+s7+$0x0] =	vst.idx.add.f32.msk $0xffff, v1  }
0x2c1: {  	v2 =	vld [tilespmem:$0x90];
	_ =	sdelay $0x7  }
0x2c2: {  	[tilespmem:v2+s7+$0x0] =	vst.idx.add.f32.msk $0xffff, v1  }
0x2c3: {  	v2 =	vld [tilespmem:$0xA0];
	_ =	sdelay $0x7  }
0x2c4: {  	[tilespmem:v2+s7+$0x0] =	vst.idx.add.f32.msk $0xffff, v1  }
0x2c5: {  	v2 =	vld [tilespmem:$0xB0];
	_ =	sdelay $0x7  }
0x2c6: {  	[tilespmem:v2+s7+$0x0] =	vst.idx.add.f32.msk $0xffff, v1  }
0x2c7: {  	v2 =	vld [tilespmem:$0xC0];
	_ =	sdelay $0x7  }
0x2c8: {  	[tilespmem:v2+s7+$0x0] =	vst.idx.add.f32.msk $0xffff, v1  }
0x2c9: {  	v2 =	vld [tilespmem:$0xD0];
	_ =	sdelay $0x7  }
0x2ca: {  	[tilespmem:v2+s7+$0x0] =	vst.idx.add.f32.msk $0xffff, v1  }
0x2cb: {  	v2 =	vld [tilespmem:$0xE0];
	_ =	sdelay $0x7  }
0x2cc: {  	[tilespmem:v2+s7+$0x0] =	vst.idx.add.f32.msk $0xffff, v1  }
0x2cd: {  	v2 =	vld [tilespmem:$0xF0];
	_ =	sdelay $0x7  }
0x2ce: {  	[tilespmem:v2+s7+$0x0] =	vst.idx.add.f32.msk $0xffff, v1  }
0x2cf: {  	_ =	swait.ge [sflag:s8], $0x400  }
0x2d0: {  	[sflag:s8] =	ssyncset.done $0x0  }
0x2d1: {  	s10 =	rddreg [dreg:$0x1d];
	[sflag:s8] =	ssyncadd.s32 $0xFFFFFC00  }
0x2d2: {  	[tilespmem:s25], [sflag:$0x1] =	stream.linear.gather [hbm4b:s10+s3], $0x80, $0x38;
	[tilespmem:$0x12800] =	vst v63  }
0x2d3: {  	_ = 	snop  }
0x2d4: {  	[tilespmem:s26], [sflag:$0x1] =	stream.linear.gather [hbm4b:s10+s3], $0x8, $0x38;
	[tilespmem:$0x12800] =	vst v63  }
0x2d5: {  	s9 =	rddreg [dreg:$0xa]  }
0x2d6: {  	[tilespmem:s28], [sflag:$0x1] =	stream.linear.gather [hbm4b:s9+s3], $0x4000, $0x38;
	[tilespmem:$0x12800] =	vst v63  }
0x2d7: {  	_ =	swait.ge [sflag:s5], $0x80  }
0x2d8: {  	[sflag:s5] =	ssyncset.done $0x0  }
0x2d9: {  	[sflag:s5] =	ssyncadd.s32 $0xFFFFFF80  }
0x2da: {  	_ =	swait.ge [sflag:s5], $0x8  }
0x2db: {  	[sflag:s5] =	ssyncset.done $0x0  }
0x2dc: {  	[sflag:s5] =	ssyncadd.s32 $0xFFFFFFF8  }
0x2dd: {  	_ =	swait.ge [sflag:s5], $0x4000  }
0x2de: {  	[sflag:s5] =	ssyncset.done $0x0  }
0x2df: {  	[sflag:s5] =	ssyncadd.s32 $0xFFFFC000  }
0x2e0: {  	[spmem:s2] =	stream.indirect.scatter.add.f32 [tilespmem:s31], [sflag:$0x2], $0x80, s30, s6, $0xb8;
	[tilespmem:$0x12800] =	vst v63  }
0x2e1: {  	v2 =	vld [tilespmem:$0x100];
	_ =	sdelay $0x7  }
0x2e2: {  	[tilespmem:v2+s7+$0x0] =	vst.idx.add.f32.msk $0xffff, v1  }
0x2e3: {  	v2 =	vld [tilespmem:$0x110];
	_ =	sdelay $0x7  }
0x2e4: {  	[tilespmem:v2+s7+$0x0] =	vst.idx.add.f32.msk $0xffff, v1  }
0x2e5: {  	v2 =	vld [tilespmem:$0x120];
	_ =	sdelay $0x7  }
0x2e6: {  	[tilespmem:v2+s7+$0x0] =	vst.idx.add.f32.msk $0xffff, v1  }
0x2e7: {  	v2 =	vld [tilespmem:$0x130];
	_ =	sdelay $0x7  }
0x2e8: {  	[tilespmem:v2+s7+$0x0] =	vst.idx.add.f32.msk $0xffff, v1  }
0x2e9: {  	v2 =	vld [tilespmem:$0x140];
	_ =	sdelay $0x7  }
0x2ea: {  	[tilespmem:v2+s7+$0x0] =	vst.idx.add.f32.msk $0xffff, v1  }
0x2eb: {  	v2 =	vld [tilespmem:$0x150];
	_ =	sdelay $0x7  }
0x2ec: {  	[tilespmem:v2+s7+$0x0] =	vst.idx.add.f32.msk $0xffff, v1  }
0x2ed: {  	v2 =	vld [tilespmem:$0x160];
	_ =	sdelay $0x7  }
0x2ee: {  	[tilespmem:v2+s7+$0x0] =	vst.idx.add.f32.msk $0xffff, v1  }
0x2ef: {  	v2 =	vld [tilespmem:$0x170];
	_ =	sdelay $0x7  }
0x2f0: {  	[tilespmem:v2+s7+$0x0] =	vst.idx.add.f32.msk $0xffff, v1  }
0x2f1: {  	_ =	swait.ge [sflag:s8], $0x400  }
0x2f2: {  	[sflag:s8] =	ssyncset.done $0x0  }
0x2f3: {  	s10 =	rddreg [dreg:$0x1e];
	[sflag:s8] =	ssyncadd.s32 $0xFFFFFC00  }
0x2f4: {  	[tilespmem:s29], [sflag:$0x1] =	stream.linear.gather [hbm4b:s10+s3], $0x80, $0x38;
	[tilespmem:$0x12800] =	vst v63  }
0x2f5: {  	_ = 	snop  }
0x2f6: {  	[tilespmem:s30], [sflag:$0x1] =	stream.linear.gather [hbm4b:s10+s3], $0x8, $0x38;
	[tilespmem:$0x12800] =	vst v63  }
0x2f7: {  	s9 =	rddreg [dreg:$0xb]  }
0x2f8: {  	[tilespmem:s31], [sflag:$0x1] =	stream.linear.gather [hbm4b:s9+s3], $0x4000, $0x38;
	[tilespmem:$0x12800] =	vst v63  }
0x2f9: {  	_ =	swait.ge [sflag:s5], $0x80  }
0x2fa: {  	[sflag:s5] =	ssyncset.done $0x0  }
0x2fb: {  	[sflag:s5] =	ssyncadd.s32 $0xFFFFFF80  }
0x2fc: {  	_ =	swait.ge [sflag:s5], $0x8  }
0x2fd: {  	[sflag:s5] =	ssyncset.done $0x0  }
0x2fe: {  	[sflag:s5] =	ssyncadd.s32 $0xFFFFFFF8  }
0x2ff: {  	_ =	swait.ge [sflag:s5], $0x4000  }
0x300: {  	[sflag:s5] =	ssyncset.done $0x0  }
0x301: {  	[sflag:s5] =	ssyncadd.s32 $0xFFFFC000  }
0x302: {  	[spmem:s2] =	stream.indirect.scatter.add.f32 [tilespmem:s4], [sflag:$0x2], $0x80, s1, s6, $0xb8;
	[tilespmem:$0x12800] =	vst v63  }
0x303: {  	v2 =	vld [tilespmem:$0x180];
	_ =	sdelay $0x7  }
0x304: {  	[tilespmem:v2+s7+$0x0] =	vst.idx.add.f32.msk $0xffff, v1  }
0x305: {  	v2 =	vld [tilespmem:$0x190];
	_ =	sdelay $0x7  }
0x306: {  	[tilespmem:v2+s7+$0x0] =	vst.idx.add.f32.msk $0xffff, v1  }
0x307: {  	v2 =	vld [tilespmem:$0x1A0];
	_ =	sdelay $0x7  }
0x308: {  	[tilespmem:v2+s7+$0x0] =	vst.idx.add.f32.msk $0xffff, v1  }
0x309: {  	v2 =	vld [tilespmem:$0x1B0];
	_ =	sdelay $0x7  }
0x30a: {  	[tilespmem:v2+s7+$0x0] =	vst.idx.add.f32.msk $0xffff, v1  }
0x30b: {  	v2 =	vld [tilespmem:$0x1C0];
	_ =	sdelay $0x7  }
0x30c: {  	[tilespmem:v2+s7+$0x0] =	vst.idx.add.f32.msk $0xffff, v1  }
0x30d: {  	v2 =	vld [tilespmem:$0x1D0];
	_ =	sdelay $0x7  }
0x30e: {  	[tilespmem:v2+s7+$0x0] =	vst.idx.add.f32.msk $0xffff, v1  }
0x30f: {  	v2 =	vld [tilespmem:$0x1E0];
	_ =	sdelay $0x7  }
0x310: {  	[tilespmem:v2+s7+$0x0] =	vst.idx.add.f32.msk $0xffff, v1  }
0x311: {  	v2 =	vld [tilespmem:$0x1F0];
	_ =	sdelay $0x7  }
0x312: {  	[tilespmem:v2+s7+$0x0] =	vst.idx.add.f32.msk $0xffff, v1  }
0x313: {  	_ =	swait.ge [sflag:s8], $0x400  }
0x314: {  	[sflag:s8] =	ssyncset.done $0x0  }
0x315: {  	[sflag:s8] =	ssyncadd.s32 $0xFFFFFC00  }
0x316: {  	[tilespmem:s0], [sflag:$0x1] =	stream.linear.gather [hbm4b:s12+s3], $0x80, $0x38;
	[tilespmem:$0x12800] =	vst v63  }
0x317: {  	_ = 	snop  }
0x318: {  	[tilespmem:s1], [sflag:$0x1] =	stream.linear.gather [hbm4b:s12+s3], $0x8, $0x38;
	[tilespmem:$0x12800] =	vst v63  }
0x319: {  	s10 =	rddreg [dreg:$0xc]  }
0x31a: {  	[tilespmem:s4], [sflag:$0x1] =	stream.linear.gather [hbm4b:s10+s3], $0x4000, $0x38;
	[tilespmem:$0x12800] =	vst v63  }
0x31b: {  	_ =	swait.ge [sflag:s5], $0x80  }
0x31c: {  	[sflag:s5] =	ssyncset.done $0x0  }
0x31d: {  	[sflag:s5] =	ssyncadd.s32 $0xFFFFFF80  }
0x31e: {  	_ =	swait.ge [sflag:s5], $0x8  }
0x31f: {  	[sflag:s5] =	ssyncset.done $0x0  }
0x320: {  	[sflag:s5] =	ssyncadd.s32 $0xFFFFFFF8  }
0x321: {  	_ =	swait.ge [sflag:s5], $0x4000  }
0x322: {  	[sflag:s5] =	ssyncset.done $0x0  }
0x323: {  	[sflag:s5] =	ssyncadd.s32 $0xFFFFC000  }
0x324: {  	[spmem:s2] =	stream.indirect.scatter.add.f32 [tilespmem:s22], [sflag:$0x2], $0x80, s24, s6, $0xb8;
	[tilespmem:$0x12800] =	vst v63  }
0x325: {  	v2 =	vld [tilespmem:$0x0];
	_ =	sdelay $0x7  }
0x326: {  	[tilespmem:v2+s7+$0x0] =	vst.idx.add.f32.msk $0xffff, v1  }
0x327: {  	v2 =	vld [tilespmem:$0x10];
	_ =	sdelay $0x7  }
0x328: {  	[tilespmem:v2+s7+$0x0] =	vst.idx.add.f32.msk $0xffff, v1  }
0x329: {  	v2 =	vld [tilespmem:$0x20];
	_ =	sdelay $0x7  }
0x32a: {  	[tilespmem:v2+s7+$0x0] =	vst.idx.add.f32.msk $0xffff, v1  }
0x32b: {  	v2 =	vld [tilespmem:$0x30];
	_ =	sdelay $0x7  }
0x32c: {  	[tilespmem:v2+s7+$0x0] =	vst.idx.add.f32.msk $0xffff, v1  }
0x32d: {  	v2 =	vld [tilespmem:$0x40];
	_ =	sdelay $0x7  }
0x32e: {  	[tilespmem:v2+s7+$0x0] =	vst.idx.add.f32.msk $0xffff, v1  }
0x32f: {  	v2 =	vld [tilespmem:$0x50];
	_ =	sdelay $0x7  }
0x330: {  	[tilespmem:v2+s7+$0x0] =	vst.idx.add.f32.msk $0xffff, v1  }
0x331: {  	v2 =	vld [tilespmem:$0x60];
	_ =	sdelay $0x7  }
0x332: {  	[tilespmem:v2+s7+$0x0] =	vst.idx.add.f32.msk $0xffff, v1  }
0x333: {  	v2 =	vld [tilespmem:$0x70];
	_ =	sdelay $0x7  }
0x334: {  	[tilespmem:v2+s7+$0x0] =	vst.idx.add.f32.msk $0xffff, v1  }
0x335: {  	_ =	swait.ge [sflag:s8], $0x400  }
0x336: {  	[sflag:s8] =	ssyncset.done $0x0  }
0x337: {  	[sflag:s8] =	ssyncadd.s32 $0xFFFFFC00  }
0x338: {  	[tilespmem:s3], [sflag:$0x1] =	stream.linear.gather [hbm4b:s13+s3], $0x80, $0x38;
	[tilespmem:$0x12800] =	vst v63  }
0x339: {  	_ = 	snop  }
0x33a: {  	[tilespmem:s24], [sflag:$0x1] =	stream.linear.gather [hbm4b:s13+s3], $0x8, $0x38;
	[tilespmem:$0x12800] =	vst v63  }
0x33b: {  	s10 =	rddreg [dreg:$0xd]  }
0x33c: {  	[tilespmem:s22], [sflag:$0x1] =	stream.linear.gather [hbm4b:s10+s3], $0x4000, $0x38;
	[tilespmem:$0x12800] =	vst v63  }
0x33d: {  	_ =	swait.ge [sflag:s5], $0x80  }
0x33e: {  	[sflag:s5] =	ssyncset.done $0x0  }
0x33f: {  	[sflag:s5] =	ssyncadd.s32 $0xFFFFFF80  }
0x340: {  	_ =	swait.ge [sflag:s5], $0x8  }
0x341: {  	[sflag:s5] =	ssyncset.done $0x0  }
0x342: {  	[sflag:s5] =	ssyncadd.s32 $0xFFFFFFF8  }
0x343: {  	_ =	swait.ge [sflag:s5], $0x4000  }
0x344: {  	[sflag:s5] =	ssyncset.done $0x0  }
0x345: {  	[sflag:s5] =	ssyncadd.s32 $0xFFFFC000  }
0x346: {  	[spmem:s2] =	stream.indirect.scatter.add.f32 [tilespmem:s28], [sflag:$0x2], $0x80, s26, s6, $0xb8;
	[tilespmem:$0x12800] =	vst v63  }
0x347: {  	v2 =	vld [tilespmem:$0x80];
	_ =	sdelay $0x7  }
0x348: {  	[tilespmem:v2+s7+$0x0] =	vst.idx.add.f32.msk $0xffff, v1  }
0x349: {  	v2 =	vld [tilespmem:$0x90];
	_ =	sdelay $0x7  }
0x34a: {  	[tilespmem:v2+s7+$0x0] =	vst.idx.add.f32.msk $0xffff, v1  }
0x34b: {  	v2 =	vld [tilespmem:$0xA0];
	_ =	sdelay $0x7  }
0x34c: {  	[tilespmem:v2+s7+$0x0] =	vst.idx.add.f32.msk $0xffff, v1  }
0x34d: {  	v2 =	vld [tilespmem:$0xB0];
	_ =	sdelay $0x7  }
0x34e: {  	[tilespmem:v2+s7+$0x0] =	vst.idx.add.f32.msk $0xffff, v1  }
0x34f: {  	v2 =	vld [tilespmem:$0xC0];
	_ =	sdelay $0x7  }
0x350: {  	[tilespmem:v2+s7+$0x0] =	vst.idx.add.f32.msk $0xffff, v1  }
0x351: {  	v2 =	vld [tilespmem:$0xD0];
	_ =	sdelay $0x7  }
0x352: {  	[tilespmem:v2+s7+$0x0] =	vst.idx.add.f32.msk $0xffff, v1  }
0x353: {  	v2 =	vld [tilespmem:$0xE0];
	_ =	sdelay $0x7  }
0x354: {  	[tilespmem:v2+s7+$0x0] =	vst.idx.add.f32.msk $0xffff, v1  }
0x355: {  	v2 =	vld [tilespmem:$0xF0];
	_ =	sdelay $0x7  }
0x356: {  	[tilespmem:v2+s7+$0x0] =	vst.idx.add.f32.msk $0xffff, v1  }
0x357: {  	_ =	swait.ge [sflag:s8], $0x400  }
0x358: {  	[sflag:s8] =	ssyncset.done $0x0  }
0x359: {  	[sflag:s8] =	ssyncadd.s32 $0xFFFFFC00  }
0x35a: {  	[tilespmem:s25], [sflag:$0x1] =	stream.linear.gather [hbm4b:s14+s3], $0x80, $0x38;
	[tilespmem:$0x12800] =	vst v63  }
0x35b: {  	_ = 	snop  }
0x35c: {  	[tilespmem:s26], [sflag:$0x1] =	stream.linear.gather [hbm4b:s14+s3], $0x8, $0x38;
	[tilespmem:$0x12800] =	vst v63  }
0x35d: {  	s10 =	rddreg [dreg:$0xe]  }
0x35e: {  	[tilespmem:s28], [sflag:$0x1] =	stream.linear.gather [hbm4b:s10+s3], $0x4000, $0x38;
	[tilespmem:$0x12800] =	vst v63  }
0x35f: {  	_ =	swait.ge [sflag:s5], $0x80  }
0x360: {  	[sflag:s5] =	ssyncset.done $0x0  }
0x361: {  	[sflag:s5] =	ssyncadd.s32 $0xFFFFFF80  }
0x362: {  	_ =	swait.ge [sflag:s5], $0x8  }
0x363: {  	[sflag:s5] =	ssyncset.done $0x0  }
0x364: {  	[sflag:s5] =	ssyncadd.s32 $0xFFFFFFF8  }
0x365: {  	_ =	swait.ge [sflag:s5], $0x4000  }
0x366: {  	[sflag:s5] =	ssyncset.done $0x0  }
0x367: {  	[sflag:s5] =	ssyncadd.s32 $0xFFFFC000  }
0x368: {  	[spmem:s2] =	stream.indirect.scatter.add.f32 [tilespmem:s31], [sflag:$0x2], $0x80, s30, s6, $0xb8;
	[tilespmem:$0x12800] =	vst v63  }
0x369: {  	v2 =	vld [tilespmem:$0x100];
	_ =	sdelay $0x7  }
0x36a: {  	[tilespmem:v2+s7+$0x0] =	vst.idx.add.f32.msk $0xffff, v1  }
0x36b: {  	v2 =	vld [tilespmem:$0x110];
	_ =	sdelay $0x7  }
0x36c: {  	[tilespmem:v2+s7+$0x0] =	vst.idx.add.f32.msk $0xffff, v1  }
0x36d: {  	v2 =	vld [tilespmem:$0x120];
	_ =	sdelay $0x7  }
0x36e: {  	[tilespmem:v2+s7+$0x0] =	vst.idx.add.f32.msk $0xffff, v1  }
0x36f: {  	v2 =	vld [tilespmem:$0x130];
	_ =	sdelay $0x7  }
0x370: {  	[tilespmem:v2+s7+$0x0] =	vst.idx.add.f32.msk $0xffff, v1  }
0x371: {  	v2 =	vld [tilespmem:$0x140];
	_ =	sdelay $0x7  }
0x372: {  	[tilespmem:v2+s7+$0x0] =	vst.idx.add.f32.msk $0xffff, v1  }
0x373: {  	v2 =	vld [tilespmem:$0x150];
	_ =	sdelay $0x7  }
0x374: {  	[tilespmem:v2+s7+$0x0] =	vst.idx.add.f32.msk $0xffff, v1  }
0x375: {  	v2 =	vld [tilespmem:$0x160];
	_ =	sdelay $0x7  }
0x376: {  	[tilespmem:v2+s7+$0x0] =	vst.idx.add.f32.msk $0xffff, v1  }
0x377: {  	v2 =	vld [tilespmem:$0x170];
	_ =	sdelay $0x7  }
0x378: {  	[tilespmem:v2+s7+$0x0] =	vst.idx.add.f32.msk $0xffff, v1  }
0x379: {  	_ =	swait.ge [sflag:s8], $0x400  }
0x37a: {  	[sflag:s8] =	ssyncset.done $0x0  }
0x37b: {  	[sflag:s8] =	ssyncadd.s32 $0xFFFFFC00  }
0x37c: {  	[tilespmem:s29], [sflag:$0x1] =	stream.linear.gather [hbm4b:s15+s3], $0x80, $0x38;
	[tilespmem:$0x12800] =	vst v63  }
0x37d: {  	_ = 	snop  }
0x37e: {  	[tilespmem:s30], [sflag:$0x1] =	stream.linear.gather [hbm4b:s15+s3], $0x8, $0x38;
	[tilespmem:$0x12800] =	vst v63  }
0x37f: {  	s10 =	rddreg [dreg:$0xf]  }
0x380: {  	[tilespmem:s31], [sflag:$0x1] =	stream.linear.gather [hbm4b:s10+s3], $0x4000, $0x38;
	[tilespmem:$0x12800] =	vst v63  }
0x381: {  	_ =	swait.ge [sflag:s5], $0x80  }
0x382: {  	[sflag:s5] =	ssyncset.done $0x0  }
0x383: {  	[sflag:s5] =	ssyncadd.s32 $0xFFFFFF80  }
0x384: {  	_ =	swait.ge [sflag:s5], $0x8  }
0x385: {  	[sflag:s5] =	ssyncset.done $0x0  }
0x386: {  	[sflag:s5] =	ssyncadd.s32 $0xFFFFFFF8  }
0x387: {  	_ =	swait.ge [sflag:s5], $0x4000  }
0x388: {  	[sflag:s5] =	ssyncset.done $0x0  }
0x389: {  	[sflag:s5] =	ssyncadd.s32 $0xFFFFC000  }
0x38a: {  	[spmem:s2] =	stream.indirect.scatter.add.f32 [tilespmem:s4], [sflag:$0x2], $0x80, s1, s6, $0xb8;
	[tilespmem:$0x12800] =	vst v63  }
0x38b: {  	v2 =	vld [tilespmem:$0x180];
	_ =	sdelay $0x7  }
0x38c: {  	[tilespmem:v2+s7+$0x0] =	vst.idx.add.f32.msk $0xffff, v1  }
0x38d: {  	v2 =	vld [tilespmem:$0x190];
	_ =	sdelay $0x7  }
0x38e: {  	[tilespmem:v2+s7+$0x0] =	vst.idx.add.f32.msk $0xffff, v1  }
0x38f: {  	v2 =	vld [tilespmem:$0x1A0];
	_ =	sdelay $0x7  }
0x390: {  	[tilespmem:v2+s7+$0x0] =	vst.idx.add.f32.msk $0xffff, v1  }
0x391: {  	v2 =	vld [tilespmem:$0x1B0];
	_ =	sdelay $0x7  }
0x392: {  	[tilespmem:v2+s7+$0x0] =	vst.idx.add.f32.msk $0xffff, v1  }
0x393: {  	v2 =	vld [tilespmem:$0x1C0];
	_ =	sdelay $0x7  }
0x394: {  	[tilespmem:v2+s7+$0x0] =	vst.idx.add.f32.msk $0xffff, v1  }
0x395: {  	v2 =	vld [tilespmem:$0x1D0];
	_ =	sdelay $0x7  }
0x396: {  	[tilespmem:v2+s7+$0x0] =	vst.idx.add.f32.msk $0xffff, v1  }
0x397: {  	v2 =	vld [tilespmem:$0x1E0];
	_ =	sdelay $0x7  }
0x398: {  	[tilespmem:v2+s7+$0x0] =	vst.idx.add.f32.msk $0xffff, v1  }
0x399: {  	v2 =	vld [tilespmem:$0x1F0];
	_ =	sdelay $0x7  }
0x39a: {  	[tilespmem:v2+s7+$0x0] =	vst.idx.add.f32.msk $0xffff, v1  }
0x39b: {  	_ =	swait.ge [sflag:s8], $0x400  }
0x39c: {  	[sflag:s8] =	ssyncset.done $0x0  }
0x39d: {  	[sflag:s8] =	ssyncadd.s32 $0xFFFFFC00  }
0x39e: {  	[tilespmem:s0], [sflag:$0x1] =	stream.linear.gather [hbm4b:s16+s3], $0x80, $0x38;
	[tilespmem:$0x12800] =	vst v63  }
0x39f: {  	_ = 	snop  }
0x3a0: {  	[tilespmem:s1], [sflag:$0x1] =	stream.linear.gather [hbm4b:s16+s3], $0x8, $0x38;
	[tilespmem:$0x12800] =	vst v63  }
0x3a1: {  	s10 =	rddreg [dreg:$0x10]  }
0x3a2: {  	[tilespmem:s4], [sflag:$0x1] =	stream.linear.gather [hbm4b:s10+s3], $0x4000, $0x38;
	[tilespmem:$0x12800] =	vst v63  }
0x3a3: {  	_ =	swait.ge [sflag:s5], $0x80  }
0x3a4: {  	[sflag:s5] =	ssyncset.done $0x0  }
0x3a5: {  	[sflag:s5] =	ssyncadd.s32 $0xFFFFFF80  }
0x3a6: {  	_ =	swait.ge [sflag:s5], $0x8  }
0x3a7: {  	[sflag:s5] =	ssyncset.done $0x0  }
0x3a8: {  	[sflag:s5] =	ssyncadd.s32 $0xFFFFFFF8  }
0x3a9: {  	_ =	swait.ge [sflag:s5], $0x4000  }
0x3aa: {  	[sflag:s5] =	ssyncset.done $0x0  }
0x3ab: {  	[sflag:s5] =	ssyncadd.s32 $0xFFFFC000  }
0x3ac: {  	[spmem:s2] =	stream.indirect.scatter.add.f32 [tilespmem:s22], [sflag:$0x2], $0x80, s24, s6, $0xb8;
	[tilespmem:$0x12800] =	vst v63  }
0x3ad: {  	v2 =	vld [tilespmem:$0x0];
	_ =	sdelay $0x7  }
0x3ae: {  	[tilespmem:v2+s7+$0x0] =	vst.idx.add.f32.msk $0xffff, v1  }
0x3af: {  	v2 =	vld [tilespmem:$0x10];
	_ =	sdelay $0x7  }
0x3b0: {  	[tilespmem:v2+s7+$0x0] =	vst.idx.add.f32.msk $0xffff, v1  }
0x3b1: {  	v2 =	vld [tilespmem:$0x20];
	_ =	sdelay $0x7  }
0x3b2: {  	[tilespmem:v2+s7+$0x0] =	vst.idx.add.f32.msk $0xffff, v1  }
0x3b3: {  	v2 =	vld [tilespmem:$0x30];
	_ =	sdelay $0x7  }
0x3b4: {  	[tilespmem:v2+s7+$0x0] =	vst.idx.add.f32.msk $0xffff, v1  }
0x3b5: {  	v2 =	vld [tilespmem:$0x40];
	_ =	sdelay $0x7  }
0x3b6: {  	[tilespmem:v2+s7+$0x0] =	vst.idx.add.f32.msk $0xffff, v1  }
0x3b7: {  	v2 =	vld [tilespmem:$0x50];
	_ =	sdelay $0x7  }
0x3b8: {  	[tilespmem:v2+s7+$0x0] =	vst.idx.add.f32.msk $0xffff, v1  }
0x3b9: {  	v2 =	vld [tilespmem:$0x60];
	_ =	sdelay $0x7  }
0x3ba: {  	[tilespmem:v2+s7+$0x0] =	vst.idx.add.f32.msk $0xffff, v1  }
0x3bb: {  	v2 =	vld [tilespmem:$0x70];
	_ =	sdelay $0x7  }
0x3bc: {  	[tilespmem:v2+s7+$0x0] =	vst.idx.add.f32.msk $0xffff, v1  }
0x3bd: {  	_ =	swait.ge [sflag:s8], $0x400  }
0x3be: {  	[sflag:s8] =	ssyncset.done $0x0  }
0x3bf: {  	[sflag:s8] =	ssyncadd.s32 $0xFFFFFC00  }
0x3c0: {  	[tilespmem:s3], [sflag:$0x1] =	stream.linear.gather [hbm4b:s17+s3], $0x80, $0x38;
	[tilespmem:$0x12800] =	vst v63  }
0x3c1: {  	_ = 	snop  }
0x3c2: {  	[tilespmem:s24], [sflag:$0x1] =	stream.linear.gather [hbm4b:s17+s3], $0x8, $0x38;
	[tilespmem:$0x12800] =	vst v63  }
0x3c3: {  	s10 =	rddreg [dreg:$0x11]  }
0x3c4: {  	[tilespmem:s22], [sflag:$0x1] =	stream.linear.gather [hbm4b:s10+s3], $0x4000, $0x38;
	[tilespmem:$0x12800] =	vst v63  }
0x3c5: {  	_ =	swait.ge [sflag:s5], $0x80  }
0x3c6: {  	[sflag:s5] =	ssyncset.done $0x0  }
0x3c7: {  	[sflag:s5] =	ssyncadd.s32 $0xFFFFFF80  }
0x3c8: {  	_ =	swait.ge [sflag:s5], $0x8  }
0x3c9: {  	[sflag:s5] =	ssyncset.done $0x0  }
0x3ca: {  	[sflag:s5] =	ssyncadd.s32 $0xFFFFFFF8  }
0x3cb: {  	_ =	swait.ge [sflag:s5], $0x4000  }
0x3cc: {  	[sflag:s5] =	ssyncset.done $0x0  }
0x3cd: {  	[sflag:s5] =	ssyncadd.s32 $0xFFFFC000  }
0x3ce: {  	[spmem:s2] =	stream.indirect.scatter.add.f32 [tilespmem:s28], [sflag:$0x2], $0x80, s26, s6, $0xb8;
	[tilespmem:$0x12800] =	vst v63  }
0x3cf: {  	v2 =	vld [tilespmem:$0x80];
	_ =	sdelay $0x7  }
0x3d0: {  	[tilespmem:v2+s7+$0x0] =	vst.idx.add.f32.msk $0xffff, v1  }
0x3d1: {  	v2 =	vld [tilespmem:$0x90];
	_ =	sdelay $0x7  }
0x3d2: {  	[tilespmem:v2+s7+$0x0] =	vst.idx.add.f32.msk $0xffff, v1  }
0x3d3: {  	v2 =	vld [tilespmem:$0xA0];
	_ =	sdelay $0x7  }
0x3d4: {  	[tilespmem:v2+s7+$0x0] =	vst.idx.add.f32.msk $0xffff, v1  }
0x3d5: {  	v2 =	vld [tilespmem:$0xB0];
	_ =	sdelay $0x7  }
0x3d6: {  	[tilespmem:v2+s7+$0x0] =	vst.idx.add.f32.msk $0xffff, v1  }
0x3d7: {  	v2 =	vld [tilespmem:$0xC0];
	_ =	sdelay $0x7  }
0x3d8: {  	[tilespmem:v2+s7+$0x0] =	vst.idx.add.f32.msk $0xffff, v1  }
0x3d9: {  	v2 =	vld [tilespmem:$0xD0];
	_ =	sdelay $0x7  }
0x3da: {  	[tilespmem:v2+s7+$0x0] =	vst.idx.add.f32.msk $0xffff, v1  }
0x3db: {  	v2 =	vld [tilespmem:$0xE0];
	_ =	sdelay $0x7  }
0x3dc: {  	[tilespmem:v2+s7+$0x0] =	vst.idx.add.f32.msk $0xffff, v1  }
0x3dd: {  	v2 =	vld [tilespmem:$0xF0];
	_ =	sdelay $0x7  }
0x3de: {  	[tilespmem:v2+s7+$0x0] =	vst.idx.add.f32.msk $0xffff, v1  }
0x3df: {  	_ =	swait.ge [sflag:s8], $0x400  }
0x3e0: {  	[sflag:s8] =	ssyncset.done $0x0  }
0x3e1: {  	[sflag:s8] =	ssyncadd.s32 $0xFFFFFC00  }
0x3e2: {  	[tilespmem:s25], [sflag:$0x1] =	stream.linear.gather [hbm4b:s18+s3], $0x80, $0x38;
	[tilespmem:$0x12800] =	vst v63  }
0x3e3: {  	_ = 	snop  }
0x3e4: {  	[tilespmem:s26], [sflag:$0x1] =	stream.linear.gather [hbm4b:s18+s3], $0x8, $0x38;
	[tilespmem:$0x12800] =	vst v63  }
0x3e5: {  	s10 =	rddreg [dreg:$0x12]  }
0x3e6: {  	[tilespmem:s28], [sflag:$0x1] =	stream.linear.gather [hbm4b:s10+s3], $0x4000, $0x38;
	[tilespmem:$0x12800] =	vst v63  }
0x3e7: {  	_ =	swait.ge [sflag:s5], $0x80  }
0x3e8: {  	[sflag:s5] =	ssyncset.done $0x0  }
0x3e9: {  	[sflag:s5] =	ssyncadd.s32 $0xFFFFFF80  }
0x3ea: {  	_ =	swait.ge [sflag:s5], $0x8  }
0x3eb: {  	[sflag:s5] =	ssyncset.done $0x0  }
0x3ec: {  	[sflag:s5] =	ssyncadd.s32 $0xFFFFFFF8  }
0x3ed: {  	_ =	swait.ge [sflag:s5], $0x4000  }
0x3ee: {  	[sflag:s5] =	ssyncset.done $0x0  }
0x3ef: {  	[sflag:s5] =	ssyncadd.s32 $0xFFFFC000  }
0x3f0: {  	[spmem:s2] =	stream.indirect.scatter.add.f32 [tilespmem:s31], [sflag:$0x2], $0x80, s30, s6, $0xb8;
	[tilespmem:$0x12800] =	vst v63  }
0x3f1: {  	v2 =	vld [tilespmem:$0x100];
	_ =	sdelay $0x7  }
0x3f2: {  	[tilespmem:v2+s7+$0x0] =	vst.idx.add.f32.msk $0xffff, v1  }
0x3f3: {  	v2 =	vld [tilespmem:$0x110];
	_ =	sdelay $0x7  }
0x3f4: {  	[tilespmem:v2+s7+$0x0] =	vst.idx.add.f32.msk $0xffff, v1  }
0x3f5: {  	v2 =	vld [tilespmem:$0x120];
	_ =	sdelay $0x7  }
0x3f6: {  	[tilespmem:v2+s7+$0x0] =	vst.idx.add.f32.msk $0xffff, v1  }
0x3f7: {  	v2 =	vld [tilespmem:$0x130];
	_ =	sdelay $0x7  }
0x3f8: {  	[tilespmem:v2+s7+$0x0] =	vst.idx.add.f32.msk $0xffff, v1  }
0x3f9: {  	v2 =	vld [tilespmem:$0x140];
	_ =	sdelay $0x7  }
0x3fa: {  	[tilespmem:v2+s7+$0x0] =	vst.idx.add.f32.msk $0xffff, v1  }
0x3fb: {  	v2 =	vld [tilespmem:$0x150];
	_ =	sdelay $0x7  }
0x3fc: {  	[tilespmem:v2+s7+$0x0] =	vst.idx.add.f32.msk $0xffff, v1  }
0x3fd: {  	v2 =	vld [tilespmem:$0x160];
	_ =	sdelay $0x7  }
0x3fe: {  	[tilespmem:v2+s7+$0x0] =	vst.idx.add.f32.msk $0xffff, v1  }
0x3ff: {  	v2 =	vld [tilespmem:$0x170];
	_ =	sdelay $0x7  }
0x400: {  	[tilespmem:v2+s7+$0x0] =	vst.idx.add.f32.msk $0xffff, v1  }
0x401: {  	_ =	swait.ge [sflag:s8], $0x400  }
0x402: {  	[sflag:s8] =	ssyncset.done $0x0  }
0x403: {  	[sflag:s8] =	ssyncadd.s32 $0xFFFFFC00  }
0x404: {  	[tilespmem:s29], [sflag:$0x1] =	stream.linear.gather [hbm4b:s19+s3], $0x80, $0x38;
	[tilespmem:$0x12800] =	vst v63  }
0x405: {  	_ = 	snop  }
0x406: {  	[tilespmem:s30], [sflag:$0x1] =	stream.linear.gather [hbm4b:s19+s3], $0x8, $0x38;
	[tilespmem:$0x12800] =	vst v63  }
0x407: {  	s10 =	rddreg [dreg:$0x13]  }
0x408: {  	[tilespmem:s31], [sflag:$0x1] =	stream.linear.gather [hbm4b:s10+s3], $0x4000, $0x38;
	[tilespmem:$0x12800] =	vst v63  }
0x409: {  	_ =	swait.ge [sflag:s5], $0x80  }
0x40a: {  	[sflag:s5] =	ssyncset.done $0x0  }
0x40b: {  	[sflag:s5] =	ssyncadd.s32 $0xFFFFFF80  }
0x40c: {  	_ =	swait.ge [sflag:s5], $0x8  }
0x40d: {  	[sflag:s5] =	ssyncset.done $0x0  }
0x40e: {  	[sflag:s5] =	ssyncadd.s32 $0xFFFFFFF8  }
0x40f: {  	_ =	swait.ge [sflag:s5], $0x4000  }
0x410: {  	[sflag:s5] =	ssyncset.done $0x0  }
0x411: {  	[sflag:s5] =	ssyncadd.s32 $0xFFFFC000  }
0x412: {  	[spmem:s2] =	stream.indirect.scatter.add.f32 [tilespmem:s4], [sflag:$0x2], $0x80, s1, s6, $0xb8;
	[tilespmem:$0x12800] =	vst v63  }
0x413: {  	v2 =	vld [tilespmem:$0x180];
	_ =	sdelay $0x7  }
0x414: {  	[tilespmem:v2+s7+$0x0] =	vst.idx.add.f32.msk $0xffff, v1  }
0x415: {  	v2 =	vld [tilespmem:$0x190];
	_ =	sdelay $0x7  }
0x416: {  	[tilespmem:v2+s7+$0x0] =	vst.idx.add.f32.msk $0xffff, v1  }
0x417: {  	v2 =	vld [tilespmem:$0x1A0];
	_ =	sdelay $0x7  }
0x418: {  	[tilespmem:v2+s7+$0x0] =	vst.idx.add.f32.msk $0xffff, v1  }
0x419: {  	v2 =	vld [tilespmem:$0x1B0];
	_ =	sdelay $0x7  }
0x41a: {  	[tilespmem:v2+s7+$0x0] =	vst.idx.add.f32.msk $0xffff, v1  }
0x41b: {  	v2 =	vld [tilespmem:$0x1C0];
	_ =	sdelay $0x7  }
0x41c: {  	[tilespmem:v2+s7+$0x0] =	vst.idx.add.f32.msk $0xffff, v1  }
0x41d: {  	v2 =	vld [tilespmem:$0x1D0];
	_ =	sdelay $0x7  }
0x41e: {  	[tilespmem:v2+s7+$0x0] =	vst.idx.add.f32.msk $0xffff, v1  }
0x41f: {  	v2 =	vld [tilespmem:$0x1E0];
	_ =	sdelay $0x7  }
0x420: {  	[tilespmem:v2+s7+$0x0] =	vst.idx.add.f32.msk $0xffff, v1  }
0x421: {  	v2 =	vld [tilespmem:$0x1F0];
	_ =	sdelay $0x7  }
0x422: {  	[tilespmem:v2+s7+$0x0] =	vst.idx.add.f32.msk $0xffff, v1  }
0x423: {  	_ =	swait.ge [sflag:s8], $0x400  }
0x424: {  	[sflag:s8] =	ssyncset.done $0x0  }
0x425: {  	[sflag:s8] =	ssyncadd.s32 $0xFFFFFC00  }
0x426: {  	[tilespmem:s0], [sflag:$0x1] =	stream.linear.gather [hbm4b:s20+s3], $0x80, $0x38;
	[tilespmem:$0x12800] =	vst v63  }
0x427: {  	_ = 	snop  }
0x428: {  	[tilespmem:s1], [sflag:$0x1] =	stream.linear.gather [hbm4b:s20+s3], $0x8, $0x38;
	[tilespmem:$0x12800] =	vst v63  }
0x429: {  	s10 =	rddreg [dreg:$0x14]  }
0x42a: {  	[tilespmem:s4], [sflag:$0x1] =	stream.linear.gather [hbm4b:s10+s3], $0x4000, $0x38;
	[tilespmem:$0x12800] =	vst v63  }
0x42b: {  	_ =	swait.ge [sflag:s5], $0x80  }
0x42c: {  	[sflag:s5] =	ssyncset.done $0x0  }
0x42d: {  	[sflag:s5] =	ssyncadd.s32 $0xFFFFFF80  }
0x42e: {  	_ =	swait.ge [sflag:s5], $0x8  }
0x42f: {  	[sflag:s5] =	ssyncset.done $0x0  }
0x430: {  	[sflag:s5] =	ssyncadd.s32 $0xFFFFFFF8  }
0x431: {  	_ =	swait.ge [sflag:s5], $0x4000  }
0x432: {  	[sflag:s5] =	ssyncset.done $0x0  }
0x433: {  	[sflag:s5] =	ssyncadd.s32 $0xFFFFC000  }
0x434: {  	[spmem:s2] =	stream.indirect.scatter.add.f32 [tilespmem:s22], [sflag:$0x2], $0x80, s24, s6, $0xb8;
	[tilespmem:$0x12800] =	vst v63  }
0x435: {  	v2 =	vld [tilespmem:$0x0];
	_ =	sdelay $0x7  }
0x436: {  	[tilespmem:v2+s7+$0x0] =	vst.idx.add.f32.msk $0xffff, v1  }
0x437: {  	v2 =	vld [tilespmem:$0x10];
	_ =	sdelay $0x7  }
0x438: {  	[tilespmem:v2+s7+$0x0] =	vst.idx.add.f32.msk $0xffff, v1  }
0x439: {  	v2 =	vld [tilespmem:$0x20];
	_ =	sdelay $0x7  }
0x43a: {  	[tilespmem:v2+s7+$0x0] =	vst.idx.add.f32.msk $0xffff, v1  }
0x43b: {  	v2 =	vld [tilespmem:$0x30];
	_ =	sdelay $0x7  }
0x43c: {  	[tilespmem:v2+s7+$0x0] =	vst.idx.add.f32.msk $0xffff, v1  }
0x43d: {  	v2 =	vld [tilespmem:$0x40];
	_ =	sdelay $0x7  }
0x43e: {  	[tilespmem:v2+s7+$0x0] =	vst.idx.add.f32.msk $0xffff, v1  }
0x43f: {  	v2 =	vld [tilespmem:$0x50];
	_ =	sdelay $0x7  }
0x440: {  	[tilespmem:v2+s7+$0x0] =	vst.idx.add.f32.msk $0xffff, v1  }
0x441: {  	v2 =	vld [tilespmem:$0x60];
	_ =	sdelay $0x7  }
0x442: {  	[tilespmem:v2+s7+$0x0] =	vst.idx.add.f32.msk $0xffff, v1  }
0x443: {  	v2 =	vld [tilespmem:$0x70];
	_ =	sdelay $0x7  }
0x444: {  	[tilespmem:v2+s7+$0x0] =	vst.idx.add.f32.msk $0xffff, v1  }
0x445: {  	_ =	swait.ge [sflag:s5], $0x80  }
0x446: {  	[sflag:s5] =	ssyncset.done $0x0  }
0x447: {  	[sflag:s5] =	ssyncadd.s32 $0xFFFFFF80  }
0x448: {  	_ =	swait.ge [sflag:s5], $0x8  }
0x449: {  	[sflag:s5] =	ssyncset.done $0x0  }
0x44a: {  	[sflag:s5] =	ssyncadd.s32 $0xFFFFFFF8  }
0x44b: {  	_ =	swait.ge [sflag:s5], $0x4000  }
0x44c: {  	[sflag:s5] =	ssyncset.done $0x0  }
0x44d: {  	[sflag:s5] =	ssyncadd.s32 $0xFFFFC000  }
0x44e: {  	[spmem:s2] =	stream.indirect.scatter.add.f32 [tilespmem:s28], [sflag:$0x2], $0x80, s26, s6, $0xb8;
	[tilespmem:$0x12800] =	vst v63  }
0x44f: {  	v2 =	vld [tilespmem:$0x80];
	_ =	sdelay $0x7  }
0x450: {  	[tilespmem:v2+s7+$0x0] =	vst.idx.add.f32.msk $0xffff, v1  }
0x451: {  	v2 =	vld [tilespmem:$0x90];
	_ =	sdelay $0x7  }
0x452: {  	[tilespmem:v2+s7+$0x0] =	vst.idx.add.f32.msk $0xffff, v1  }
0x453: {  	v2 =	vld [tilespmem:$0xA0];
	_ =	sdelay $0x7  }
0x454: {  	[tilespmem:v2+s7+$0x0] =	vst.idx.add.f32.msk $0xffff, v1  }
0x455: {  	v2 =	vld [tilespmem:$0xB0];
	_ =	sdelay $0x7  }
0x456: {  	[tilespmem:v2+s7+$0x0] =	vst.idx.add.f32.msk $0xffff, v1  }
0x457: {  	v2 =	vld [tilespmem:$0xC0];
	_ =	sdelay $0x7  }
0x458: {  	[tilespmem:v2+s7+$0x0] =	vst.idx.add.f32.msk $0xffff, v1  }
0x459: {  	v2 =	vld [tilespmem:$0xD0];
	_ =	sdelay $0x7  }
0x45a: {  	[tilespmem:v2+s7+$0x0] =	vst.idx.add.f32.msk $0xffff, v1  }
0x45b: {  	v2 =	vld [tilespmem:$0xE0];
	_ =	sdelay $0x7  }
0x45c: {  	[tilespmem:v2+s7+$0x0] =	vst.idx.add.f32.msk $0xffff, v1  }
0x45d: {  	v2 =	vld [tilespmem:$0xF0];
	_ =	sdelay $0x7  }
0x45e: {  	[tilespmem:v2+s7+$0x0] =	vst.idx.add.f32.msk $0xffff, v1  }
0x45f: {  	_ =	swait.ge [sflag:s5], $0x80  }
0x460: {  	[sflag:s5] =	ssyncset.done $0x0  }
0x461: {  	[sflag:s5] =	ssyncadd.s32 $0xFFFFFF80  }
0x462: {  	_ =	swait.ge [sflag:s5], $0x8  }
0x463: {  	[sflag:s5] =	ssyncset.done $0x0  }
0x464: {  	[sflag:s5] =	ssyncadd.s32 $0xFFFFFFF8  }
0x465: {  	_ =	swait.ge [sflag:s5], $0x4000  }
0x466: {  	[sflag:s5] =	ssyncset.done $0x0  }
0x467: {  	[sflag:s5] =	ssyncadd.s32 $0xFFFFC000  }
0x468: {  	[spmem:s2] =	stream.indirect.scatter.add.f32 [tilespmem:s31], [sflag:$0x2], $0x80, s30, s6, $0xb8;
	[tilespmem:$0x12800] =	vst v63  }
0x469: {  	v2 =	vld [tilespmem:$0x100];
	_ =	sdelay $0x7  }
0x46a: {  	[tilespmem:v2+s7+$0x0] =	vst.idx.add.f32.msk $0xffff, v1  }
0x46b: {  	v2 =	vld [tilespmem:$0x110];
	_ =	sdelay $0x7  }
0x46c: {  	[tilespmem:v2+s7+$0x0] =	vst.idx.add.f32.msk $0xffff, v1  }
0x46d: {  	v2 =	vld [tilespmem:$0x120];
	_ =	sdelay $0x7  }
0x46e: {  	[tilespmem:v2+s7+$0x0] =	vst.idx.add.f32.msk $0xffff, v1  }
0x46f: {  	v2 =	vld [tilespmem:$0x130];
	_ =	sdelay $0x7  }
0x470: {  	[tilespmem:v2+s7+$0x0] =	vst.idx.add.f32.msk $0xffff, v1  }
0x471: {  	v2 =	vld [tilespmem:$0x140];
	_ =	sdelay $0x7  }
0x472: {  	[tilespmem:v2+s7+$0x0] =	vst.idx.add.f32.msk $0xffff, v1  }
0x473: {  	v2 =	vld [tilespmem:$0x150];
	_ =	sdelay $0x7  }
0x474: {  	[tilespmem:v2+s7+$0x0] =	vst.idx.add.f32.msk $0xffff, v1  }
0x475: {  	v2 =	vld [tilespmem:$0x160];
	_ =	sdelay $0x7  }
0x476: {  	[tilespmem:v2+s7+$0x0] =	vst.idx.add.f32.msk $0xffff, v1  }
0x477: {  	v2 =	vld [tilespmem:$0x170];
	_ =	sdelay $0x7  }
0x478: {  	[tilespmem:v2+s7+$0x0] =	vst.idx.add.f32.msk $0xffff, v1  }
0x479: {  	_ =	swait.ge [sflag:s5], $0x80  }
0x47a: {  	[sflag:s5] =	ssyncset.done $0x0  }
0x47b: {  	[sflag:s5] =	ssyncadd.s32 $0xFFFFFF80  }
0x47c: {  	_ =	swait.ge [sflag:s5], $0x8  }
0x47d: {  	[sflag:s5] =	ssyncset.done $0x0  }
0x47e: {  	[sflag:s5] =	ssyncadd.s32 $0xFFFFFFF8  }
0x47f: {  	_ =	swait.ge [sflag:s5], $0x4000  }
0x480: {  	[sflag:s5] =	ssyncset.done $0x0  }
0x481: {  	[sflag:s5] =	ssyncadd.s32 $0xFFFFC000  }
0x482: {  	[spmem:s2] =	stream.indirect.scatter.add.f32 [tilespmem:s4], [sflag:$0x2], $0x80, s1, s6, $0xb8;
	[tilespmem:$0x12800] =	vst v63  }
0x483: {  	v2 =	vld [tilespmem:$0x180];
	_ =	sdelay $0x7  }
0x484: {  	[tilespmem:v2+s7+$0x0] =	vst.idx.add.f32.msk $0xffff, v1  }
0x485: {  	v2 =	vld [tilespmem:$0x190];
	_ =	sdelay $0x7  }
0x486: {  	[tilespmem:v2+s7+$0x0] =	vst.idx.add.f32.msk $0xffff, v1  }
0x487: {  	v2 =	vld [tilespmem:$0x1A0];
	_ =	sdelay $0x7  }
0x488: {  	[tilespmem:v2+s7+$0x0] =	vst.idx.add.f32.msk $0xffff, v1  }
0x489: {  	v2 =	vld [tilespmem:$0x1B0];
	_ =	sdelay $0x7  }
0x48a: {  	[tilespmem:v2+s7+$0x0] =	vst.idx.add.f32.msk $0xffff, v1  }
0x48b: {  	v2 =	vld [tilespmem:$0x1C0];
	_ =	sdelay $0x7  }
0x48c: {  	[tilespmem:v2+s7+$0x0] =	vst.idx.add.f32.msk $0xffff, v1  }
0x48d: {  	v2 =	vld [tilespmem:$0x1D0];
	_ =	sdelay $0x7  }
0x48e: {  	[tilespmem:v2+s7+$0x0] =	vst.idx.add.f32.msk $0xffff, v1  }
0x48f: {  	v2 =	vld [tilespmem:$0x1E0];
	_ =	sdelay $0x7  }
0x490: {  	[tilespmem:v2+s7+$0x0] =	vst.idx.add.f32.msk $0xffff, v1  }
0x491: {  	v2 =	vld [tilespmem:$0x1F0];
	_ =	sdelay $0x7  }
0x492: {  	[tilespmem:v2+s7+$0x0] =	vst.idx.add.f32.msk $0xffff, v1  }
0x493: {  	_ =	swait.ge [sflag:s8], $0x400  }
0x494: {  	[sflag:s8] =	ssyncset.done $0x0  }
0x495: {  	[sflag:s8] =	ssyncadd.s32 $0xFFFFFC00  }
0x496: {  	_ =	swait.ge [sflag:s8], $0x400  }
0x497: {  	[sflag:s8] =	ssyncset.done $0x0  }
0x498: {  	[sflag:s8] =	ssyncadd.s32 $0xFFFFFC00  }
0x499: {  	_ =	swait.ge [sflag:s8], $0x400  }
0x49a: {  	[sflag:s8] =	ssyncset.done $0x0  }
0x49b: {  	[sflag:s8] =	ssyncadd.s32 $0xFFFFFC00  }
0x49c: {  	_ =	swait.ge [sflag:s8], $0x400  }
0x49d: {  	[sflag:s8] =	ssyncset.done $0x0  }
0x49e: {  	s10 =	stileid.u32;
	[sflag:s8] =	ssyncadd.s32 $0xFFFFFC00  }
0x49f: {  	s10 =	sshll.u32 s10, $0x6;
	[bflag:$0x0] =	sbarrier.arrive $0xFFFF  }
0x4a0: {  	s11 =	sshrl.u32 s11, $0x3;
	s10 =	sor.u32 $0x1C03, s10;
	s9 =	rddreg [dreg:$0x15]  }
0x4a1: {  	[hbm:s9], [sflag:s10] =	dma.local [spmem:s11], $0x400  }
0x4a2: {  	_ =	swait.ge [sflag:s23], $0x400  }
0x4a3: {  	p0 =	sne.s32 s21, $0x1;
	[sflag:s23] =	ssyncset.done $0x0  }
.Ltmp0:
0x4a4: {  	s11 =	rddreg [dreg:$0x16];
	[sflag:s23] =	ssyncadd.s32 $0xFFFFFC00;
	(pc) =	sbr.rel @p0 .LBB2_1-.Ltmp0, $4  }
0x4a5: {  	[hbm4b:s11+s25] =	stream.strided.scatter [tilespmem:s7], [sflag:$0x3], $0x400, s22, s25, $0x38;
	[tilespmem:$0x12800] =	vst v63  }
0x4a6: {  	_ =	swait.ge [sflag:s23], $0x400  }
0x4a7: {  	[sflag:s23] =	ssyncset.done $0x0  }
0x4a8: {  	s21 =	sadd.s32 $0xFFFFFFFF, s21;
	[sflag:s23] =	ssyncadd.s32 $0xFFFFFC00  }
0x4a9: {  	_ =	sfence.sel $0x180000  }
0x4aa: {  	[bflag:$0x0] =	sbarrier.arrive $0xFFFF  }
0x4ab: {  	_ =	strace $0x90000047  }
0x4ac: {  	s0 =	stileid.u32;
	[bflag:$0x2] =	sbarrier.arrive $0xFFFF  }
0x4ad: {  	p0 =	sne.s32 s0, $0x0;
	s0 =	rddreg [dreg:$0x4]  }
0x4ae: {  	s0 =	sadd.s32 @!p0 $0x100000, s0  }
0x4af: {  	[sflag:s0] =	ssyncadd.tile.s32 @!p0 $0x1;
	_ =	shalt  }
.Lfunc_end2:
_tile_overlayer_lowered:
.L_overlay_start_2:
0x4b0: {  	(tag) =	ssettag $0x2  }
0x4b1: {  	s0 =	rddreg [dreg:$0x0];
	s2 =	stileid.u32  }
0x4b2: {  	s1 =	rddreg [dreg:$0x1];
	p0 =	sne.s32 s2, $0x0  }
0x4b3: {  	s3 =	rddreg [dreg:$0x2];
	[bflag:$0x3] =	sbarrier.arrive $0xFFFF;
	s2 =	simm.s32 @!p0 $0x1C03  }
0x4b4: {  	[timem:s3], [sflag:s2] =	dma.local @!p0 [hbm:s0], s1  }
0x4b5: {  	s0 =	simm.s32 @!p0 $0x3  }
0x4b6: {  	_ =	swait.ge @!p0 [sflag:s0], s1  }
0x4b7: {  	s1 =	ssub.s32 @!p0 $0x0, s1;
	[sflag:s0] =	ssyncset.done @!p0 $0x0  }
0x4b8: {  	[sflag:s0] =	ssyncadd.s32 @!p0 s1  }
0x4b9: {  	[bflag:$0x3] =	sbarrier.arrive $0xFFFF  }
0x4ba: {  	_ =	shalt  }

</sc_bundles>
